<compile_context>
chip_gen: v7x
topology: tpu7x:2x2x1
jax: 0.10.2.dev20260603
libtpu: 0.0.44.dev20260713+nightly
codegen_flags: <defaults>
</compile_context>

<pallas_src>
import functools

import jax
import jax.numpy as jnp
from jax import lax
from jax.experimental import pallas as pl
from jax.experimental.pallas import tpu as pltpu
from jax.experimental.pallas import tpu_sc as plsc

_NUM_WORKERS = 32
_GROUP = 8
_TILE_W = 128
_BANK_ROWS = 64
_NBANK = 3


def _gather_body(b_per_w, emb_dim, uidx_hbm, upos_hbm, iidx_hbm, ipos_hbm,
                 uemb_hbm, iemb_hbm, out_u, out_i,
                 idx_v, pos_v, ring_v, rows_v, sems, sem_s):
  wid = lax.axis_index("s") * 2 + lax.axis_index("c")
  base = wid * b_per_w
  iota16 = lax.iota(jnp.int32, 16)
  half = emb_dim // 2
  n_groups = b_per_w // _GROUP
  groups_per_bank = _BANK_ROWS // _GROUP
  n_chunks = b_per_w // _BANK_ROWS

  def gather_one(table, sidx_hbm, pos_hbm, out_hbm):
    pltpu.sync_copy(sidx_hbm.at[pl.ds(base, b_per_w)],
                    idx_v.at[pl.ds(0, b_per_w)])
    pltpu.sync_copy(pos_hbm.at[wid], pos_v)

    def group_data(g):
      v = idx_v[pl.ds(g * _GROUP, 16)]
      offs = [pl.multiple_of((v[l] // _TILE_W) * _TILE_W, _TILE_W)
              for l in range(_GROUP)]
      preds = [None] * _GROUP
      slots = [None] * _GROUP
      for l in range(_GROUP):
        if l == 0:
          slots[0] = jnp.int32(0)
        else:
          preds[l] = offs[l] != offs[l - 1]
          slots[l] = jnp.where(preds[l], jnp.int32(l), slots[l - 1])
      return v, offs, preds, slots

    def fire(g, sbank):
      _, offs, preds, _ = group_data(g)

      def one(l):
        pltpu.async_copy(table.at[:, pl.ds(offs[l], _TILE_W)],
                         ring_v.at[sbank * _GROUP + l],
                         sems.at[sbank * _GROUP + l])

      one(0)
      for l in range(1, _GROUP):
        @pl.when(preds[l])
        def _(l=l):
          one(l)

    fire(0, 0)
    fire(1, 1)

    @pl.loop(0, n_groups)
    def _(g):
      sbank = lax.rem(g, _NBANK)
      @pl.when(g < n_groups - 2)
      def _():
        fire(g + 2, lax.rem(g + 2, _NBANK))

      c = g // groups_per_bank
      rbank = lax.rem(c, 2)
      @pl.when(jnp.logical_and(lax.rem(g, groups_per_bank) == 0,
                               g >= 2 * groups_per_bank))
      def _():
        pltpu.make_async_copy(rows_v.at[rbank],
                              out_hbm.at[pl.ds(0, _BANK_ROWS)], sem_s).wait()

      v, offs, preds, slots = group_data(g)

      def wait(l):
        pltpu.make_async_copy(table.at[:, pl.ds(0, _TILE_W)],
                              ring_v.at[sbank * _GROUP + l],
                              sems.at[sbank * _GROUP + l]).wait()

      wait(0)
      for l in range(1, _GROUP):
        @pl.when(preds[l])
        def _(l=l):
          wait(l)

      row_base = lax.rem(g, groups_per_bank) * _GROUP
      for l in range(_GROUP):
        colv = lax.broadcast(lax.rem(v[l], _TILE_W), (16,))
        rowv = lax.broadcast(row_base + l, (16,))
        src = ring_v.at[sbank * _GROUP + slots[l]]
        lo = plsc.load_gather(src, [iota16, colv])
        hi = plsc.load_gather(src, [iota16 + half, colv])
        plsc.store_scatter(rows_v.at[rbank], [rowv, iota16], lo)
        plsc.store_scatter(rows_v.at[rbank], [rowv, iota16 + half], hi)

      @pl.when(lax.rem(g, groups_per_bank) == groups_per_bank - 1)
      def _():
        pltpu.async_copy(rows_v.at[rbank], out_hbm.at[pos_v.at[c]], sem_s)

    for _ in range(2):
      pltpu.make_async_copy(rows_v.at[0],
                            out_hbm.at[pl.ds(0, _BANK_ROWS)], sem_s).wait()

  gather_one(uemb_hbm, uidx_hbm, upos_hbm, out_u)
  gather_one(iemb_hbm, iidx_hbm, ipos_hbm, out_i)


def _mlp_body(u_ref, i_ref, w1_ref, b1_ref, w2_ref, b2_ref, w3_ref, b3_ref,
              w4_ref, b4_ref, o_ref):
  nt = (((1,), (1,)), ((), ()))
  u = u_ref[...][:, :32]
  i = i_ref[...][:, :32]
  w1 = w1_ref[...]
  h = lax.dot_general(u, w1[:, :32], nt) + lax.dot_general(i, w1[:, 32:], nt)
  h = jnp.maximum(h + b1_ref[...], 0.0)
  h = jnp.maximum(lax.dot_general(h, w2_ref[...], nt) + b2_ref[...], 0.0)
  h = jnp.maximum(lax.dot_general(h, w3_ref[...], nt) + b3_ref[...], 0.0)
  z = jnp.sum(h * w4_ref[...], axis=1, keepdims=True) + b4_ref[...]
  o_ref[...] = jax.nn.sigmoid(z)


def kernel(user_indices, item_indices, user_emb, item_emb,
           W1, b1, W2, b2, W3, b3, W4, b4):
  batch = user_indices.shape[0]
  emb_dim = user_emb.shape[1]
  b_per_w = batch // _NUM_WORKERS
  n_chunks = b_per_w // _BANK_ROWS

  u_ord = jnp.argsort(user_indices).astype(jnp.int32)
  i_ord = jnp.argsort(item_indices).astype(jnp.int32)
  su = user_indices[u_ord]
  si = item_indices[i_ord]
  upos = u_ord.reshape(_NUM_WORKERS, n_chunks, _BANK_ROWS)
  ipos = i_ord.reshape(_NUM_WORKERS, n_chunks, _BANK_ROWS)

  mesh = plsc.VectorSubcoreMesh(core_axis_name="c", subcore_axis_name="s")
  gather = functools.partial(
      pl.kernel,
      out_type=[jax.ShapeDtypeStruct((batch, _TILE_W), jnp.float32),
                jax.ShapeDtypeStruct((batch, _TILE_W), jnp.float32)],
      mesh=mesh,
      scratch_types=[
          pltpu.VMEM((b_per_w + 16,), jnp.int32),
          pltpu.VMEM((n_chunks, _BANK_ROWS), jnp.int32),
          pltpu.VMEM((_NBANK * _GROUP, emb_dim, _TILE_W), jnp.float32),
          pltpu.VMEM((2, _BANK_ROWS, _TILE_W), jnp.float32),
          pltpu.SemaphoreType.DMA((_NBANK * _GROUP,)),
          pltpu.SemaphoreType.DMA,
      ],
      compiler_params=pltpu.CompilerParams(
          use_tc_tiling_on_sc=True, needs_layout_passes=False),
  )(functools.partial(_gather_body, b_per_w, emb_dim))

  u_rows, i_rows = gather(su, upos, si, ipos, user_emb.T, item_emb.T)

  blk = 2048
  grid = (batch // blk,)
  full = lambda shape: pl.BlockSpec(shape, lambda j: (0, 0))
  predict = pl.pallas_call(
      _mlp_body,
      grid=grid,
      in_specs=[
          pl.BlockSpec((blk, _TILE_W), lambda j: (j, 0)),
          pl.BlockSpec((blk, _TILE_W), lambda j: (j, 0)),
          full(W1.shape),
          full((1, b1.shape[0])),
          full(W2.shape),
          full((1, b2.shape[0])),
          full(W3.shape),
          full((1, b3.shape[0])),
          full(W4.shape),
          full((1, 1)),
      ],
      out_specs=pl.BlockSpec((blk, 1), lambda j: (j, 0)),
      out_shape=jax.ShapeDtypeStruct((batch, 1), jnp.float32),
  )(u_rows, i_rows, W1, b1.reshape(1, -1), W2, b2.reshape(1, -1),
    W3, b3.reshape(1, -1), W4, b4.reshape(1, 1))
  return predict

# --- scband reference (transcript-rebuilt; emitter-appended) ---
"""Pipeline reference for scband-ncf-63952063037493 (READ-ONLY COPY).

The authoritative reference and input builder live on the scoring server;
editing this copy changes nothing except your own understanding.
"""

import jax, jax.numpy as jnp
import numpy as np

NUM_USERS = 1000000
NUM_ITEMS = 1000000
EMB_DIM = 32
BATCH = 16384


def setup_inputs(seed: int = 0) -> dict:
    key = jax.random.key(seed)
    ks = jax.random.split(key, 12)
    user_indices = jax.random.randint(ks[0], (BATCH,), 0, NUM_USERS, dtype=jnp.int64 if jax.config.jax_enable_x64 else jnp.int32).astype(jnp.int32)
    item_indices = jax.random.randint(ks[1], (BATCH,), 0, NUM_ITEMS, dtype=jnp.int32)
    user_emb = jax.random.normal(ks[2], (NUM_USERS, EMB_DIM), dtype=jnp.float32) * 0.05
    item_emb = jax.random.normal(ks[3], (NUM_ITEMS, EMB_DIM), dtype=jnp.float32) * 0.05
    # MLP: Linear(64,128) -> ReLU -> Linear(128,64) -> ReLU -> Linear(64,32) -> ReLU -> Linear(32,1) -> Sigmoid
    def lin_init(k, out_f, in_f):
        bound = 1.0 / np.sqrt(in_f)
        kw, kb = jax.random.split(k)
        W = jax.random.uniform(kw, (out_f, in_f), minval=-bound, maxval=bound, dtype=jnp.float32)
        b = jax.random.uniform(kb, (out_f,), minval=-bound, maxval=bound, dtype=jnp.float32)
        return W, b
    W1, b1 = lin_init(ks[4], 128, EMB_DIM * 2)
    W2, b2 = lin_init(ks[5], 64, 128)
    W3, b3 = lin_init(ks[6], 32, 64)
    W4, b4 = lin_init(ks[7], 1, 32)
    return {"user_indices": user_indices, "item_indices": item_indices,
            "user_emb": user_emb, "item_emb": item_emb,
            "W1": W1, "b1": b1, "W2": W2, "b2": b2,
            "W3": W3, "b3": b3, "W4": W4, "b4": b4}


def reference(user_indices, item_indices, user_emb, item_emb, W1, b1, W2, b2, W3, b3, W4, b4):
    # embedding lookups (gather)
    user_vector = jnp.take(user_emb, user_indices, axis=0)
    item_vector = jnp.take(item_emb, item_indices, axis=0)
    vector = jnp.concatenate([user_vector, item_vector], axis=-1)
    # mlp_layers (dropout is identity in eval)
    h = jax.nn.relu(vector @ W1.T + b1)
    h = jax.nn.relu(h @ W2.T + b2)
    h = jax.nn.relu(h @ W3.T + b3)
    # output_layers
    predict = jax.nn.sigmoid(h @ W4.T + b4)
    return predict

if __name__ == "__main__":
    import jax
    _d = setup_inputs()
    print(jax.jit(kernel)(*tuple(_d.values())))

</pallas_src>

<mosaic_0001>
#map = affine_map<(d0, d1) -> (0)>
#map1 = affine_map<(d0, d1) -> (0, 0, 0)>
#map2 = affine_map<(d0, d1) -> (0, 0)>
module attributes {stable_mosaic.version = 14 : i64} {
  func.func @_gather_body(%arg0: i32, %arg1: i32, %arg2: memref<16384xi32, #tpu.memory_space<hbm>>, %arg3: memref<32x8x64xi32, #tpu.memory_space<hbm>>, %arg4: memref<16384xi32, #tpu.memory_space<hbm>>, %arg5: memref<32x8x64xi32, #tpu.memory_space<hbm>>, %arg6: memref<32x1000000xf32, #tpu.memory_space<hbm>>, %arg7: memref<32x1000000xf32, #tpu.memory_space<hbm>>, %arg8: memref<16384x128xf32, #tpu.memory_space<hbm>>, %arg9: memref<16384x128xf32, #tpu.memory_space<hbm>>, %arg10: memref<528xi32, #tpu.memory_space<vmem>>, %arg11: memref<8x64xi32, #tpu.memory_space<vmem>>, %arg12: memref<24x32x128xf32, #tpu.memory_space<vmem>>, %arg13: memref<2x64x128xf32, #tpu.memory_space<vmem>>, %arg14: memref<24x!tpu.dma_semaphore, #tpu.memory_space<semaphore_mem>>, %arg15: memref<!tpu.dma_semaphore, #tpu.memory_space<semaphore_mem>>) attributes {dimension_semantics = [#tpu.dimension_semantics<core_parallel>, #tpu.dimension_semantics<subcore_parallel>], iteration_bounds = array<i64: 2, 16>, scalar_prefetch = 0 : i64, scratch_operands = 6 : i64, tpu.core_type = #tpu.core_type<sc_vector_subcore>, window_params = [{transform_indices = #map}, {transform_indices = #map1}, {transform_indices = #map}, {transform_indices = #map1}, {transform_indices = #map2}, {transform_indices = #map2}, {transform_indices = #map2}, {transform_indices = #map2}]} {
    %mul3A = arith.constant 2 : i32
    %mul3A_0 = arith.muli %arg1, %mul3A : i32
    %add3A = arith.addi %mul3A_0, %arg0 : i32
    %mul3A_1 = arith.constant 512 : i32
    %mul3A_2 = arith.muli %add3A, %mul3A_1 : i32
    %iota3A = tpu.iota {dimensions = array<i32: 0>} : vector<16xi32>
    "tpu.region"() ({
      %run_scoped3A = tpu.sem_alloc : memref<!tpu.dma_semaphore, #tpu.memory_space<semaphore_mem>>
      %dma_start3A_1228 = arith.constant 0 : i32
      %dma_start3A_1229 = tpu.memref_slice %arg10[%dma_start3A_1228] : memref<528xi32, #tpu.memory_space<vmem>> -> memref<512xi32, #tpu.memory_space<vmem>>
      %dma_start3A_1230 = tpu.memref_slice %arg2[%mul3A_2] : memref<16384xi32, #tpu.memory_space<hbm>> -> memref<512xi32, #tpu.memory_space<hbm>>
      %dma_start3A_1231 = arith.constant 0 : i32
      %dma_start3A_1232 = tpu.memref_slice %arg10[%dma_start3A_1231] : memref<528xi32, #tpu.memory_space<vmem>> -> memref<512xi32, #tpu.memory_space<vmem>>
      %dma_start3A_1233 = tpu.memref_slice %arg2[%mul3A_2] : memref<16384xi32, #tpu.memory_space<hbm>> -> memref<512xi32, #tpu.memory_space<hbm>>
      tpu.enqueue_dma source(%dma_start3A_1233 : memref<512xi32, #tpu.memory_space<hbm>>) target(%dma_start3A_1232 : memref<512xi32, #tpu.memory_space<vmem>>) target_semaphore(%run_scoped3A : memref<!tpu.dma_semaphore, #tpu.memory_space<semaphore_mem>>)
      %dma_wait3A_1234 = arith.constant 0 : i32
      %dma_wait3A_1235 = tpu.memref_slice %arg10[%dma_wait3A_1234] : memref<528xi32, #tpu.memory_space<vmem>> -> memref<512xi32, #tpu.memory_space<vmem>>
      %dma_wait3A_1236 = tpu.memref_slice %arg2[%mul3A_2] : memref<16384xi32, #tpu.memory_space<hbm>> -> memref<512xi32, #tpu.memory_space<hbm>>
      %dma_wait3A_1237 = arith.constant 0 : i32
      %dma_wait3A_1238 = tpu.memref_slice %arg10[%dma_wait3A_1237] : memref<528xi32, #tpu.memory_space<vmem>> -> memref<512xi32, #tpu.memory_space<vmem>>
      %dma_wait3A_1239 = tpu.memref_slice %arg2[%mul3A_2] : memref<16384xi32, #tpu.memory_space<hbm>> -> memref<512xi32, #tpu.memory_space<hbm>>
      tpu.wait_dma2 semaphore(%run_scoped3A : memref<!tpu.dma_semaphore, #tpu.memory_space<semaphore_mem>>) src(%dma_wait3A_1239 : memref<512xi32, #tpu.memory_space<hbm>>) dst(%dma_wait3A_1238 : memref<512xi32, #tpu.memory_space<vmem>>)
      tpu.yield
    }) : () -> ()
    "tpu.region"() ({
      %run_scoped3A = tpu.sem_alloc : memref<!tpu.dma_semaphore, #tpu.memory_space<semaphore_mem>>
      %dma_start3A_1228 = arith.constant 0 : i32
      %dma_start3A_1229 = arith.constant 0 : i32
      %dma_start3A_1230 = tpu.memref_slice %arg3[%add3A, %dma_start3A_1228, %dma_start3A_1229] : memref<32x8x64xi32, #tpu.memory_space<hbm>> -> memref<1x8x64xi32, #tpu.memory_space<hbm>>
      %dma_start3A_1231 = tpu.memref_squeeze %dma_start3A_1230 : memref<1x8x64xi32, #tpu.memory_space<hbm>> -> memref<8x64xi32, #tpu.memory_space<hbm>>
      %dma_start3A_1232 = arith.constant 0 : i32
      %dma_start3A_1233 = arith.constant 0 : i32
      %dma_start3A_1234 = tpu.memref_slice %arg3[%add3A, %dma_start3A_1232, %dma_start3A_1233] : memref<32x8x64xi32, #tpu.memory_space<hbm>> -> memref<1x8x64xi32, #tpu.memory_space<hbm>>
      %dma_start3A_1235 = tpu.memref_squeeze %dma_start3A_1234 : memref<1x8x64xi32, #tpu.memory_space<hbm>> -> memref<8x64xi32, #tpu.memory_space<hbm>>
      tpu.enqueue_dma source(%dma_start3A_1235 : memref<8x64xi32, #tpu.memory_space<hbm>>) target(%arg11 : memref<8x64xi32, #tpu.memory_space<vmem>>) target_semaphore(%run_scoped3A : memref<!tpu.dma_semaphore, #tpu.memory_space<semaphore_mem>>)
      %dma_wait3A_1236 = arith.constant 0 : i32
      %dma_wait3A_1237 = arith.constant 0 : i32
      %dma_wait3A_1238 = tpu.memref_slice %arg3[%add3A, %dma_wait3A_1236, %dma_wait3A_1237] : memref<32x8x64xi32, #tpu.memory_space<hbm>> -> memref<1x8x64xi32, #tpu.memory_space<hbm>>
      %dma_wait3A_1239 = tpu.memref_squeeze %dma_wait3A_1238 : memref<1x8x64xi32, #tpu.memory_space<hbm>> -> memref<8x64xi32, #tpu.memory_space<hbm>>
      %dma_wait3A_1240 = arith.constant 0 : i32
      %dma_wait3A_1241 = arith.constant 0 : i32
      %dma_wait3A_1242 = tpu.memref_slice %arg3[%add3A, %dma_wait3A_1240, %dma_wait3A_1241] : memref<32x8x64xi32, #tpu.memory_space<hbm>> -> memref<1x8x64xi32, #tpu.memory_space<hbm>>
      %dma_wait3A_1243 = tpu.memref_squeeze %dma_wait3A_1242 : memref<1x8x64xi32, #tpu.memory_space<hbm>> -> memref<8x64xi32, #tpu.memory_space<hbm>>
      tpu.wait_dma2 semaphore(%run_scoped3A : memref<!tpu.dma_semaphore, #tpu.memory_space<semaphore_mem>>) src(%dma_wait3A_1243 : memref<8x64xi32, #tpu.memory_space<hbm>>) dst(%arg11 : memref<8x64xi32, #tpu.memory_space<vmem>>)
      tpu.yield
    }) : () -> ()
    %get3A = arith.constant 0 : index
    %get3A_3 = tpu.vector_load %arg10[%get3A] {strides = array<i32>} : memref<528xi32, #tpu.memory_space<vmem>>, vector<16xi32>,
    %slice3A = vector.extract_strided_slice %get3A_3 {offsets = [0], sizes = [1], strides = [1]} : vector<16xi32> to vector<1xi32>
    %squeeze3A = vector.extract %slice3A[0] : i32 from vector<1xi32>
    %jit3A = arith.constant 128 : i32
    %div3A = arith.divsi %squeeze3A, %jit3A : i32
    %sign3A = arith.constant 0 : i32
    %sign3A_4 = arith.cmpi sgt, %squeeze3A, %sign3A : i32
    %sign3A_5 = arith.extui %sign3A_4 : i1 to i32
    %sign3A_6 = arith.constant 0 : i32
    %sign3A_7 = arith.cmpi slt, %squeeze3A, %sign3A_6 : i32
    %sign3A_8 = arith.extui %sign3A_7 : i1 to i32
    %sign3A_9 = arith.subi %sign3A_5, %sign3A_8 : i32
    %sign3A_10 = arith.constant 0 : i32
    %sign3A_11 = arith.cmpi sgt, %jit3A, %sign3A_10 : i32
    %sign3A_12 = arith.extui %sign3A_11 : i1 to i32
    %sign3A_13 = arith.constant 0 : i32
    %sign3A_14 = arith.cmpi slt, %jit3A, %sign3A_13 : i32
    %sign3A_15 = arith.extui %sign3A_14 : i1 to i32
    %sign3A_16 = arith.subi %sign3A_12, %sign3A_15 : i32
    %ne3A = arith.cmpi ne, %sign3A_9, %sign3A_16 : i32
    %rem3A = arith.remsi %squeeze3A, %jit3A : i32
    %ne3A_17 = arith.constant 0 : i32
    %ne3A_18 = arith.cmpi ne, %rem3A, %ne3A_17 : i32
    %and3A = arith.andi %ne3A, %ne3A_18 : i1
    %sub3A = arith.constant 1 : i32
    %sub3A_19 = arith.subi %div3A, %sub3A : i32
    %select_n3A = arith.select %and3A, %sub3A_19, %div3A : i32
    %mul3A_20 = arith.constant 128 : i32
    %mul3A_21 = arith.muli %select_n3A, %mul3A_20 : i32
    %multiple_of3A = tpu.assume_multiple %mul3A_21, 128 : i32
    %slice3A_22 = vector.extract_strided_slice %get3A_3 {offsets = [1], sizes = [1], strides = [1]} : vector<16xi32> to vector<1xi32>
    %squeeze3A_23 = vector.extract %slice3A_22[0] : i32 from vector<1xi32>
    %jit3A_24 = arith.constant 128 : i32
    %div3A_25 = arith.divsi %squeeze3A_23, %jit3A_24 : i32
    %sign3A_26 = arith.constant 0 : i32
    %sign3A_27 = arith.cmpi sgt, %squeeze3A_23, %sign3A_26 : i32
    %sign3A_28 = arith.extui %sign3A_27 : i1 to i32
    %sign3A_29 = arith.constant 0 : i32
    %sign3A_30 = arith.cmpi slt, %squeeze3A_23, %sign3A_29 : i32
    %sign3A_31 = arith.extui %sign3A_30 : i1 to i32
    %sign3A_32 = arith.subi %sign3A_28, %sign3A_31 : i32
    %sign3A_33 = arith.constant 0 : i32
    %sign3A_34 = arith.cmpi sgt, %jit3A_24, %sign3A_33 : i32
    %sign3A_35 = arith.extui %sign3A_34 : i1 to i32
    %sign3A_36 = arith.constant 0 : i32
    %sign3A_37 = arith.cmpi slt, %jit3A_24, %sign3A_36 : i32
    %sign3A_38 = arith.extui %sign3A_37 : i1 to i32
    %sign3A_39 = arith.subi %sign3A_35, %sign3A_38 : i32
    %ne3A_40 = arith.cmpi ne, %sign3A_32, %sign3A_39 : i32
    %rem3A_41 = arith.remsi %squeeze3A_23, %jit3A_24 : i32
    %ne3A_42 = arith.constant 0 : i32
    %ne3A_43 = arith.cmpi ne, %rem3A_41, %ne3A_42 : i32
    %and3A_44 = arith.andi %ne3A_40, %ne3A_43 : i1
    %sub3A_45 = arith.constant 1 : i32
    %sub3A_46 = arith.subi %div3A_25, %sub3A_45 : i32
    %select_n3A_47 = arith.select %and3A_44, %sub3A_46, %div3A_25 : i32
    %mul3A_48 = arith.constant 128 : i32
    %mul3A_49 = arith.muli %select_n3A_47, %mul3A_48 : i32
    %multiple_of3A_50 = tpu.assume_multiple %mul3A_49, 128 : i32
    %slice3A_51 = vector.extract_strided_slice %get3A_3 {offsets = [2], sizes = [1], strides = [1]} : vector<16xi32> to vector<1xi32>
    %squeeze3A_52 = vector.extract %slice3A_51[0] : i32 from vector<1xi32>
    %jit3A_53 = arith.constant 128 : i32
    %div3A_54 = arith.divsi %squeeze3A_52, %jit3A_53 : i32
    %sign3A_55 = arith.constant 0 : i32
    %sign3A_56 = arith.cmpi sgt, %squeeze3A_52, %sign3A_55 : i32
    %sign3A_57 = arith.extui %sign3A_56 : i1 to i32
    %sign3A_58 = arith.constant 0 : i32
    %sign3A_59 = arith.cmpi slt, %squeeze3A_52, %sign3A_58 : i32
    %sign3A_60 = arith.extui %sign3A_59 : i1 to i32
    %sign3A_61 = arith.subi %sign3A_57, %sign3A_60 : i32
    %sign3A_62 = arith.constant 0 : i32
    %sign3A_63 = arith.cmpi sgt, %jit3A_53, %sign3A_62 : i32
    %sign3A_64 = arith.extui %sign3A_63 : i1 to i32
    %sign3A_65 = arith.constant 0 : i32
    %sign3A_66 = arith.cmpi slt, %jit3A_53, %sign3A_65 : i32
    %sign3A_67 = arith.extui %sign3A_66 : i1 to i32
    %sign3A_68 = arith.subi %sign3A_64, %sign3A_67 : i32
    %ne3A_69 = arith.cmpi ne, %sign3A_61, %sign3A_68 : i32
    %rem3A_70 = arith.remsi %squeeze3A_52, %jit3A_53 : i32
    %ne3A_71 = arith.constant 0 : i32
    %ne3A_72 = arith.cmpi ne, %rem3A_70, %ne3A_71 : i32
    %and3A_73 = arith.andi %ne3A_69, %ne3A_72 : i1
    %sub3A_74 = arith.constant 1 : i32
    %sub3A_75 = arith.subi %div3A_54, %sub3A_74 : i32
    %select_n3A_76 = arith.select %and3A_73, %sub3A_75, %div3A_54 : i32
    %mul3A_77 = arith.constant 128 : i32
    %mul3A_78 = arith.muli %select_n3A_76, %mul3A_77 : i32
    %multiple_of3A_79 = tpu.assume_multiple %mul3A_78, 128 : i32
    %slice3A_80 = vector.extract_strided_slice %get3A_3 {offsets = [3], sizes = [1], strides = [1]} : vector<16xi32> to vector<1xi32>
    %squeeze3A_81 = vector.extract %slice3A_80[0] : i32 from vector<1xi32>
    %jit3A_82 = arith.constant 128 : i32
    %div3A_83 = arith.divsi %squeeze3A_81, %jit3A_82 : i32
    %sign3A_84 = arith.constant 0 : i32
    %sign3A_85 = arith.cmpi sgt, %squeeze3A_81, %sign3A_84 : i32
    %sign3A_86 = arith.extui %sign3A_85 : i1 to i32
    %sign3A_87 = arith.constant 0 : i32
    %sign3A_88 = arith.cmpi slt, %squeeze3A_81, %sign3A_87 : i32
    %sign3A_89 = arith.extui %sign3A_88 : i1 to i32
    %sign3A_90 = arith.subi %sign3A_86, %sign3A_89 : i32
    %sign3A_91 = arith.constant 0 : i32
    %sign3A_92 = arith.cmpi sgt, %jit3A_82, %sign3A_91 : i32
    %sign3A_93 = arith.extui %sign3A_92 : i1 to i32
    %sign3A_94 = arith.constant 0 : i32
    %sign3A_95 = arith.cmpi slt, %jit3A_82, %sign3A_94 : i32
    %sign3A_96 = arith.extui %sign3A_95 : i1 to i32
    %sign3A_97 = arith.subi %sign3A_93, %sign3A_96 : i32
    %ne3A_98 = arith.cmpi ne, %sign3A_90, %sign3A_97 : i32
    %rem3A_99 = arith.remsi %squeeze3A_81, %jit3A_82 : i32
    %ne3A_100 = arith.constant 0 : i32
    %ne3A_101 = arith.cmpi ne, %rem3A_99, %ne3A_100 : i32
    %and3A_102 = arith.andi %ne3A_98, %ne3A_101 : i1
    %sub3A_103 = arith.constant 1 : i32
    %sub3A_104 = arith.subi %div3A_83, %sub3A_103 : i32
    %select_n3A_105 = arith.select %and3A_102, %sub3A_104, %div3A_83 : i32
    %mul3A_106 = arith.constant 128 : i32
    %mul3A_107 = arith.muli %select_n3A_105, %mul3A_106 : i32
    %multiple_of3A_108 = tpu.assume_multiple %mul3A_107, 128 : i32
    %slice3A_109 = vector.extract_strided_slice %get3A_3 {offsets = [4], sizes = [1], strides = [1]} : vector<16xi32> to vector<1xi32>
    %squeeze3A_110 = vector.extract %slice3A_109[0] : i32 from vector<1xi32>
    %jit3A_111 = arith.constant 128 : i32
    %div3A_112 = arith.divsi %squeeze3A_110, %jit3A_111 : i32
    %sign3A_113 = arith.constant 0 : i32
    %sign3A_114 = arith.cmpi sgt, %squeeze3A_110, %sign3A_113 : i32
    %sign3A_115 = arith.extui %sign3A_114 : i1 to i32
    %sign3A_116 = arith.constant 0 : i32
    %sign3A_117 = arith.cmpi slt, %squeeze3A_110, %sign3A_116 : i32
    %sign3A_118 = arith.extui %sign3A_117 : i1 to i32
    %sign3A_119 = arith.subi %sign3A_115, %sign3A_118 : i32
    %sign3A_120 = arith.constant 0 : i32
    %sign3A_121 = arith.cmpi sgt, %jit3A_111, %sign3A_120 : i32
    %sign3A_122 = arith.extui %sign3A_121 : i1 to i32
    %sign3A_123 = arith.constant 0 : i32
    %sign3A_124 = arith.cmpi slt, %jit3A_111, %sign3A_123 : i32
    %sign3A_125 = arith.extui %sign3A_124 : i1 to i32
    %sign3A_126 = arith.subi %sign3A_122, %sign3A_125 : i32
    %ne3A_127 = arith.cmpi ne, %sign3A_119, %sign3A_126 : i32
    %rem3A_128 = arith.remsi %squeeze3A_110, %jit3A_111 : i32
    %ne3A_129 = arith.constant 0 : i32
    %ne3A_130 = arith.cmpi ne, %rem3A_128, %ne3A_129 : i32
    %and3A_131 = arith.andi %ne3A_127, %ne3A_130 : i1
    %sub3A_132 = arith.constant 1 : i32
    %sub3A_133 = arith.subi %div3A_112, %sub3A_132 : i32
    %select_n3A_134 = arith.select %and3A_131, %sub3A_133, %div3A_112 : i32
    %mul3A_135 = arith.constant 128 : i32
    %mul3A_136 = arith.muli %select_n3A_134, %mul3A_135 : i32
    %multiple_of3A_137 = tpu.assume_multiple %mul3A_136, 128 : i32
    %slice3A_138 = vector.extract_strided_slice %get3A_3 {offsets = [5], sizes = [1], strides = [1]} : vector<16xi32> to vector<1xi32>
    %squeeze3A_139 = vector.extract %slice3A_138[0] : i32 from vector<1xi32>
    %jit3A_140 = arith.constant 128 : i32
    %div3A_141 = arith.divsi %squeeze3A_139, %jit3A_140 : i32
    %sign3A_142 = arith.constant 0 : i32
    %sign3A_143 = arith.cmpi sgt, %squeeze3A_139, %sign3A_142 : i32
    %sign3A_144 = arith.extui %sign3A_143 : i1 to i32
    %sign3A_145 = arith.constant 0 : i32
    %sign3A_146 = arith.cmpi slt, %squeeze3A_139, %sign3A_145 : i32
    %sign3A_147 = arith.extui %sign3A_146 : i1 to i32
    %sign3A_148 = arith.subi %sign3A_144, %sign3A_147 : i32
    %sign3A_149 = arith.constant 0 : i32
    %sign3A_150 = arith.cmpi sgt, %jit3A_140, %sign3A_149 : i32
    %sign3A_151 = arith.extui %sign3A_150 : i1 to i32
    %sign3A_152 = arith.constant 0 : i32
    %sign3A_153 = arith.cmpi slt, %jit3A_140, %sign3A_152 : i32
    %sign3A_154 = arith.extui %sign3A_153 : i1 to i32
    %sign3A_155 = arith.subi %sign3A_151, %sign3A_154 : i32
    %ne3A_156 = arith.cmpi ne, %sign3A_148, %sign3A_155 : i32
    %rem3A_157 = arith.remsi %squeeze3A_139, %jit3A_140 : i32
    %ne3A_158 = arith.constant 0 : i32
    %ne3A_159 = arith.cmpi ne, %rem3A_157, %ne3A_158 : i32
    %and3A_160 = arith.andi %ne3A_156, %ne3A_159 : i1
    %sub3A_161 = arith.constant 1 : i32
    %sub3A_162 = arith.subi %div3A_141, %sub3A_161 : i32
    %select_n3A_163 = arith.select %and3A_160, %sub3A_162, %div3A_141 : i32
    %mul3A_164 = arith.constant 128 : i32
    %mul3A_165 = arith.muli %select_n3A_163, %mul3A_164 : i32
    %multiple_of3A_166 = tpu.assume_multiple %mul3A_165, 128 : i32
    %slice3A_167 = vector.extract_strided_slice %get3A_3 {offsets = [6], sizes = [1], strides = [1]} : vector<16xi32> to vector<1xi32>
    %squeeze3A_168 = vector.extract %slice3A_167[0] : i32 from vector<1xi32>
    %jit3A_169 = arith.constant 128 : i32
    %div3A_170 = arith.divsi %squeeze3A_168, %jit3A_169 : i32
    %sign3A_171 = arith.constant 0 : i32
    %sign3A_172 = arith.cmpi sgt, %squeeze3A_168, %sign3A_171 : i32
    %sign3A_173 = arith.extui %sign3A_172 : i1 to i32
    %sign3A_174 = arith.constant 0 : i32
    %sign3A_175 = arith.cmpi slt, %squeeze3A_168, %sign3A_174 : i32
    %sign3A_176 = arith.extui %sign3A_175 : i1 to i32
    %sign3A_177 = arith.subi %sign3A_173, %sign3A_176 : i32
    %sign3A_178 = arith.constant 0 : i32
    %sign3A_179 = arith.cmpi sgt, %jit3A_169, %sign3A_178 : i32
    %sign3A_180 = arith.extui %sign3A_179 : i1 to i32
    %sign3A_181 = arith.constant 0 : i32
    %sign3A_182 = arith.cmpi slt, %jit3A_169, %sign3A_181 : i32
    %sign3A_183 = arith.extui %sign3A_182 : i1 to i32
    %sign3A_184 = arith.subi %sign3A_180, %sign3A_183 : i32
    %ne3A_185 = arith.cmpi ne, %sign3A_177, %sign3A_184 : i32
    %rem3A_186 = arith.remsi %squeeze3A_168, %jit3A_169 : i32
    %ne3A_187 = arith.constant 0 : i32
    %ne3A_188 = arith.cmpi ne, %rem3A_186, %ne3A_187 : i32
    %and3A_189 = arith.andi %ne3A_185, %ne3A_188 : i1
    %sub3A_190 = arith.constant 1 : i32
    %sub3A_191 = arith.subi %div3A_170, %sub3A_190 : i32
    %select_n3A_192 = arith.select %and3A_189, %sub3A_191, %div3A_170 : i32
    %mul3A_193 = arith.constant 128 : i32
    %mul3A_194 = arith.muli %select_n3A_192, %mul3A_193 : i32
    %multiple_of3A_195 = tpu.assume_multiple %mul3A_194, 128 : i32
    %slice3A_196 = vector.extract_strided_slice %get3A_3 {offsets = [7], sizes = [1], strides = [1]} : vector<16xi32> to vector<1xi32>
    %squeeze3A_197 = vector.extract %slice3A_196[0] : i32 from vector<1xi32>
    %jit3A_198 = arith.constant 128 : i32
    %div3A_199 = arith.divsi %squeeze3A_197, %jit3A_198 : i32
    %sign3A_200 = arith.constant 0 : i32
    %sign3A_201 = arith.cmpi sgt, %squeeze3A_197, %sign3A_200 : i32
    %sign3A_202 = arith.extui %sign3A_201 : i1 to i32
    %sign3A_203 = arith.constant 0 : i32
    %sign3A_204 = arith.cmpi slt, %squeeze3A_197, %sign3A_203 : i32
    %sign3A_205 = arith.extui %sign3A_204 : i1 to i32
    %sign3A_206 = arith.subi %sign3A_202, %sign3A_205 : i32
    %sign3A_207 = arith.constant 0 : i32
    %sign3A_208 = arith.cmpi sgt, %jit3A_198, %sign3A_207 : i32
    %sign3A_209 = arith.extui %sign3A_208 : i1 to i32
    %sign3A_210 = arith.constant 0 : i32
    %sign3A_211 = arith.cmpi slt, %jit3A_198, %sign3A_210 : i32
    %sign3A_212 = arith.extui %sign3A_211 : i1 to i32
    %sign3A_213 = arith.subi %sign3A_209, %sign3A_212 : i32
    %ne3A_214 = arith.cmpi ne, %sign3A_206, %sign3A_213 : i32
    %rem3A_215 = arith.remsi %squeeze3A_197, %jit3A_198 : i32
    %ne3A_216 = arith.constant 0 : i32
    %ne3A_217 = arith.cmpi ne, %rem3A_215, %ne3A_216 : i32
    %and3A_218 = arith.andi %ne3A_214, %ne3A_217 : i1
    %sub3A_219 = arith.constant 1 : i32
    %sub3A_220 = arith.subi %div3A_199, %sub3A_219 : i32
    %select_n3A_221 = arith.select %and3A_218, %sub3A_220, %div3A_199 : i32
    %mul3A_222 = arith.constant 128 : i32
    %mul3A_223 = arith.muli %select_n3A_221, %mul3A_222 : i32
    %multiple_of3A_224 = tpu.assume_multiple %mul3A_223, 128 : i32
    %ne3A_225 = arith.cmpi ne, %multiple_of3A_50, %multiple_of3A : i32
    %jit3A_226 = arith.constant 1 : i32
    %jit3A_227 = arith.constant 0 : i32
    %select_n3A_228 = arith.select %ne3A_225, %jit3A_226, %jit3A_227 : i32
    %ne3A_229 = arith.cmpi ne, %multiple_of3A_79, %multiple_of3A_50 : i32
    %jit3A_230 = arith.constant 2 : i32
    %select_n3A_231 = arith.select %ne3A_229, %jit3A_230, %select_n3A_228 : i32
    %ne3A_232 = arith.cmpi ne, %multiple_of3A_108, %multiple_of3A_79 : i32
    %jit3A_233 = arith.constant 3 : i32
    %select_n3A_234 = arith.select %ne3A_232, %jit3A_233, %select_n3A_231 : i32
    %ne3A_235 = arith.cmpi ne, %multiple_of3A_137, %multiple_of3A_108 : i32
    %jit3A_236 = arith.constant 4 : i32
    %select_n3A_237 = arith.select %ne3A_235, %jit3A_236, %select_n3A_234 : i32
    %ne3A_238 = arith.cmpi ne, %multiple_of3A_166, %multiple_of3A_137 : i32
    %jit3A_239 = arith.constant 5 : i32
    %select_n3A_240 = arith.select %ne3A_238, %jit3A_239, %select_n3A_237 : i32
    %ne3A_241 = arith.cmpi ne, %multiple_of3A_195, %multiple_of3A_166 : i32
    %jit3A_242 = arith.constant 6 : i32
    %select_n3A_243 = arith.select %ne3A_241, %jit3A_242, %select_n3A_240 : i32
    %ne3A_244 = arith.cmpi ne, %multiple_of3A_224, %multiple_of3A_195 : i32
    %jit3A_245 = arith.constant 7 : i32
    %select_n3A_246 = arith.select %ne3A_244, %jit3A_245, %select_n3A_243 : i32
    %dma_start3A = arith.constant 0 : i32
    %dma_start3A_247 = arith.constant 0 : i32
    %dma_start3A_248 = arith.constant 0 : i32
    %dma_start3A_249 = arith.constant 0 : i32
    %dma_start3A_250 = tpu.memref_slice %arg12[%dma_start3A, %dma_start3A_248, %dma_start3A_249] : memref<24x32x128xf32, #tpu.memory_space<vmem>> -> memref<1x32x128xf32, #tpu.memory_space<vmem>>
    %dma_start3A_251 = tpu.memref_squeeze %dma_start3A_250 : memref<1x32x128xf32, #tpu.memory_space<vmem>> -> memref<32x128xf32, #tpu.memory_space<vmem>>
    %dma_start3A_252 = arith.constant 0 : i32
    %dma_start3A_253 = tpu.memref_slice %arg6[%dma_start3A_252, %multiple_of3A] : memref<32x1000000xf32, #tpu.memory_space<hbm>> -> memref<32x128xf32, #tpu.memory_space<hbm>>
    %dma_start3A_254 = tpu.memref_slice %arg14[%dma_start3A_247] : memref<24x!tpu.dma_semaphore, #tpu.memory_space<semaphore_mem>> -> memref<1x!tpu.dma_semaphore, #tpu.memory_space<semaphore_mem>>
    %dma_start3A_255 = tpu.memref_squeeze %dma_start3A_254 : memref<1x!tpu.dma_semaphore, #tpu.memory_space<semaphore_mem>> -> memref<!tpu.dma_semaphore, #tpu.memory_space<semaphore_mem>>
    %dma_start3A_256 = arith.constant 0 : i32
    %dma_start3A_257 = arith.constant 0 : i32
    %dma_start3A_258 = tpu.memref_slice %arg12[%dma_start3A, %dma_start3A_256, %dma_start3A_257] : memref<24x32x128xf32, #tpu.memory_space<vmem>> -> memref<1x32x128xf32, #tpu.memory_space<vmem>>
    %dma_start3A_259 = tpu.memref_squeeze %dma_start3A_258 : memref<1x32x128xf32, #tpu.memory_space<vmem>> -> memref<32x128xf32, #tpu.memory_space<vmem>>
    %dma_start3A_260 = arith.constant 0 : i32
    %dma_start3A_261 = tpu.memref_slice %arg6[%dma_start3A_260, %multiple_of3A] : memref<32x1000000xf32, #tpu.memory_space<hbm>> -> memref<32x128xf32, #tpu.memory_space<hbm>>
    tpu.enqueue_dma source(%dma_start3A_261 : memref<32x128xf32, #tpu.memory_space<hbm>>) target(%dma_start3A_259 : memref<32x128xf32, #tpu.memory_space<vmem>>) target_semaphore(%dma_start3A_255 : memref<!tpu.dma_semaphore, #tpu.memory_space<semaphore_mem>>)
    %convert_element_type3A = arith.extui %ne3A_225 : i1 to i32
    %cond3A = arith.constant 0 : i32
    %cond3A_262 = arith.cmpi ne, %convert_element_type3A, %cond3A : i32
    scf.if %cond3A_262 {
      %dma_start3A_1228 = arith.constant 1 : i32
      %dma_start3A_1229 = arith.constant 1 : i32
      %dma_start3A_1230 = arith.constant 0 : i32
      %dma_start3A_1231 = arith.constant 0 : i32
      %dma_start3A_1232 = tpu.memref_slice %arg12[%dma_start3A_1228, %dma_start3A_1230, %dma_start3A_1231] : memref<24x32x128xf32, #tpu.memory_space<vmem>> -> memref<1x32x128xf32, #tpu.memory_space<vmem>>
      %dma_start3A_1233 = tpu.memref_squeeze %dma_start3A_1232 : memref<1x32x128xf32, #tpu.memory_space<vmem>> -> memref<32x128xf32, #tpu.memory_space<vmem>>
      %dma_start3A_1234 = arith.constant 0 : i32
      %dma_start3A_1235 = tpu.memref_slice %arg6[%dma_start3A_1234, %multiple_of3A_50] : memref<32x1000000xf32, #tpu.memory_space<hbm>> -> memref<32x128xf32, #tpu.memory_space<hbm>>
      %dma_start3A_1236 = tpu.memref_slice %arg14[%dma_start3A_1229] : memref<24x!tpu.dma_semaphore, #tpu.memory_space<semaphore_mem>> -> memref<1x!tpu.dma_semaphore, #tpu.memory_space<semaphore_mem>>
      %dma_start3A_1237 = tpu.memref_squeeze %dma_start3A_1236 : memref<1x!tpu.dma_semaphore, #tpu.memory_space<semaphore_mem>> -> memref<!tpu.dma_semaphore, #tpu.memory_space<semaphore_mem>>
      %dma_start3A_1238 = arith.constant 0 : i32
      %dma_start3A_1239 = arith.constant 0 : i32
      %dma_start3A_1240 = tpu.memref_slice %arg12[%dma_start3A_1228, %dma_start3A_1238, %dma_start3A_1239] : memref<24x32x128xf32, #tpu.memory_space<vmem>> -> memref<1x32x128xf32, #tpu.memory_space<vmem>>
      %dma_start3A_1241 = tpu.memref_squeeze %dma_start3A_1240 : memref<1x32x128xf32, #tpu.memory_space<vmem>> -> memref<32x128xf32, #tpu.memory_space<vmem>>
      %dma_start3A_1242 = arith.constant 0 : i32
      %dma_start3A_1243 = tpu.memref_slice %arg6[%dma_start3A_1242, %multiple_of3A_50] : memref<32x1000000xf32, #tpu.memory_space<hbm>> -> memref<32x128xf32, #tpu.memory_space<hbm>>
      tpu.enqueue_dma source(%dma_start3A_1243 : memref<32x128xf32, #tpu.memory_space<hbm>>) target(%dma_start3A_1241 : memref<32x128xf32, #tpu.memory_space<vmem>>) target_semaphore(%dma_start3A_1237 : memref<!tpu.dma_semaphore, #tpu.memory_space<semaphore_mem>>)
    } else {
    }
    %convert_element_type3A_263 = arith.extui %ne3A_229 : i1 to i32
    %cond3A_264 = arith.constant 0 : i32
    %cond3A_265 = arith.cmpi ne, %convert_element_type3A_263, %cond3A_264 : i32
    scf.if %cond3A_265 {
      %dma_start3A_1228 = arith.constant 2 : i32
      %dma_start3A_1229 = arith.constant 2 : i32
      %dma_start3A_1230 = arith.constant 0 : i32
      %dma_start3A_1231 = arith.constant 0 : i32
      %dma_start3A_1232 = tpu.memref_slice %arg12[%dma_start3A_1228, %dma_start3A_1230, %dma_start3A_1231] : memref<24x32x128xf32, #tpu.memory_space<vmem>> -> memref<1x32x128xf32, #tpu.memory_space<vmem>>
      %dma_start3A_1233 = tpu.memref_squeeze %dma_start3A_1232 : memref<1x32x128xf32, #tpu.memory_space<vmem>> -> memref<32x128xf32, #tpu.memory_space<vmem>>
      %dma_start3A_1234 = arith.constant 0 : i32
      %dma_start3A_1235 = tpu.memref_slice %arg6[%dma_start3A_1234, %multiple_of3A_79] : memref<32x1000000xf32, #tpu.memory_space<hbm>> -> memref<32x128xf32, #tpu.memory_space<hbm>>
      %dma_start3A_1236 = tpu.memref_slice %arg14[%dma_start3A_1229] : memref<24x!tpu.dma_semaphore, #tpu.memory_space<semaphore_mem>> -> memref<1x!tpu.dma_semaphore, #tpu.memory_space<semaphore_mem>>
      %dma_start3A_1237 = tpu.memref_squeeze %dma_start3A_1236 : memref<1x!tpu.dma_semaphore, #tpu.memory_space<semaphore_mem>> -> memref<!tpu.dma_semaphore, #tpu.memory_space<semaphore_mem>>
      %dma_start3A_1238 = arith.constant 0 : i32
      %dma_start3A_1239 = arith.constant 0 : i32
      %dma_start3A_1240 = tpu.memref_slice %arg12[%dma_start3A_1228, %dma_start3A_1238, %dma_start3A_1239] : memref<24x32x128xf32, #tpu.memory_space<vmem>> -> memref<1x32x128xf32, #tpu.memory_space<vmem>>
      %dma_start3A_1241 = tpu.memref_squeeze %dma_start3A_1240 : memref<1x32x128xf32, #tpu.memory_space<vmem>> -> memref<32x128xf32, #tpu.memory_space<vmem>>
      %dma_start3A_1242 = arith.constant 0 : i32
      %dma_start3A_1243 = tpu.memref_slice %arg6[%dma_start3A_1242, %multiple_of3A_79] : memref<32x1000000xf32, #tpu.memory_space<hbm>> -> memref<32x128xf32, #tpu.memory_space<hbm>>
      tpu.enqueue_dma source(%dma_start3A_1243 : memref<32x128xf32, #tpu.memory_space<hbm>>) target(%dma_start3A_1241 : memref<32x128xf32, #tpu.memory_space<vmem>>) target_semaphore(%dma_start3A_1237 : memref<!tpu.dma_semaphore, #tpu.memory_space<semaphore_mem>>)
    } else {
    }
    %convert_element_type3A_266 = arith.extui %ne3A_232 : i1 to i32
    %cond3A_267 = arith.constant 0 : i32
    %cond3A_268 = arith.cmpi ne, %convert_element_type3A_266, %cond3A_267 : i32
    scf.if %cond3A_268 {
      %dma_start3A_1228 = arith.constant 3 : i32
      %dma_start3A_1229 = arith.constant 3 : i32
      %dma_start3A_1230 = arith.constant 0 : i32
      %dma_start3A_1231 = arith.constant 0 : i32
      %dma_start3A_1232 = tpu.memref_slice %arg12[%dma_start3A_1228, %dma_start3A_1230, %dma_start3A_1231] : memref<24x32x128xf32, #tpu.memory_space<vmem>> -> memref<1x32x128xf32, #tpu.memory_space<vmem>>
      %dma_start3A_1233 = tpu.memref_squeeze %dma_start3A_1232 : memref<1x32x128xf32, #tpu.memory_space<vmem>> -> memref<32x128xf32, #tpu.memory_space<vmem>>
      %dma_start3A_1234 = arith.constant 0 : i32
      %dma_start3A_1235 = tpu.memref_slice %arg6[%dma_start3A_1234, %multiple_of3A_108] : memref<32x1000000xf32, #tpu.memory_space<hbm>> -> memref<32x128xf32, #tpu.memory_space<hbm>>
      %dma_start3A_1236 = tpu.memref_slice %arg14[%dma_start3A_1229] : memref<24x!tpu.dma_semaphore, #tpu.memory_space<semaphore_mem>> -> memref<1x!tpu.dma_semaphore, #tpu.memory_space<semaphore_mem>>
      %dma_start3A_1237 = tpu.memref_squeeze %dma_start3A_1236 : memref<1x!tpu.dma_semaphore, #tpu.memory_space<semaphore_mem>> -> memref<!tpu.dma_semaphore, #tpu.memory_space<semaphore_mem>>
      %dma_start3A_1238 = arith.constant 0 : i32
      %dma_start3A_1239 = arith.constant 0 : i32
      %dma_start3A_1240 = tpu.memref_slice %arg12[%dma_start3A_1228, %dma_start3A_1238, %dma_start3A_1239] : memref<24x32x128xf32, #tpu.memory_space<vmem>> -> memref<1x32x128xf32, #tpu.memory_space<vmem>>
      %dma_start3A_1241 = tpu.memref_squeeze %dma_start3A_1240 : memref<1x32x128xf32, #tpu.memory_space<vmem>> -> memref<32x128xf32, #tpu.memory_space<vmem>>
      %dma_start3A_1242 = arith.constant 0 : i32
      %dma_start3A_1243 = tpu.memref_slice %arg6[%dma_start3A_1242, %multiple_of3A_108] : memref<32x1000000xf32, #tpu.memory_space<hbm>> -> memref<32x128xf32, #tpu.memory_space<hbm>>
      tpu.enqueue_dma source(%dma_start3A_1243 : memref<32x128xf32, #tpu.memory_space<hbm>>) target(%dma_start3A_1241 : memref<32x128xf32, #tpu.memory_space<vmem>>) target_semaphore(%dma_start3A_1237 : memref<!tpu.dma_semaphore, #tpu.memory_space<semaphore_mem>>)
    } else {
    }
    %convert_element_type3A_269 = arith.extui %ne3A_235 : i1 to i32
    %cond3A_270 = arith.constant 0 : i32
    %cond3A_271 = arith.cmpi ne, %convert_element_type3A_269, %cond3A_270 : i32
    scf.if %cond3A_271 {
      %dma_start3A_1228 = arith.constant 4 : i32
      %dma_start3A_1229 = arith.constant 4 : i32
      %dma_start3A_1230 = arith.constant 0 : i32
      %dma_start3A_1231 = arith.constant 0 : i32
      %dma_start3A_1232 = tpu.memref_slice %arg12[%dma_start3A_1228, %dma_start3A_1230, %dma_start3A_1231] : memref<24x32x128xf32, #tpu.memory_space<vmem>> -> memref<1x32x128xf32, #tpu.memory_space<vmem>>
      %dma_start3A_1233 = tpu.memref_squeeze %dma_start3A_1232 : memref<1x32x128xf32, #tpu.memory_space<vmem>> -> memref<32x128xf32, #tpu.memory_space<vmem>>
      %dma_start3A_1234 = arith.constant 0 : i32
      %dma_start3A_1235 = tpu.memref_slice %arg6[%dma_start3A_1234, %multiple_of3A_137] : memref<32x1000000xf32, #tpu.memory_space<hbm>> -> memref<32x128xf32, #tpu.memory_space<hbm>>
      %dma_start3A_1236 = tpu.memref_slice %arg14[%dma_start3A_1229] : memref<24x!tpu.dma_semaphore, #tpu.memory_space<semaphore_mem>> -> memref<1x!tpu.dma_semaphore, #tpu.memory_space<semaphore_mem>>
      %dma_start3A_1237 = tpu.memref_squeeze %dma_start3A_1236 : memref<1x!tpu.dma_semaphore, #tpu.memory_space<semaphore_mem>> -> memref<!tpu.dma_semaphore, #tpu.memory_space<semaphore_mem>>
      %dma_start3A_1238 = arith.constant 0 : i32
      %dma_start3A_1239 = arith.constant 0 : i32
      %dma_start3A_1240 = tpu.memref_slice %arg12[%dma_start3A_1228, %dma_start3A_1238, %dma_start3A_1239] : memref<24x32x128xf32, #tpu.memory_space<vmem>> -> memref<1x32x128xf32, #tpu.memory_space<vmem>>
      %dma_start3A_1241 = tpu.memref_squeeze %dma_start3A_1240 : memref<1x32x128xf32, #tpu.memory_space<vmem>> -> memref<32x128xf32, #tpu.memory_space<vmem>>
      %dma_start3A_1242 = arith.constant 0 : i32
      %dma_start3A_1243 = tpu.memref_slice %arg6[%dma_start3A_1242, %multiple_of3A_137] : memref<32x1000000xf32, #tpu.memory_space<hbm>> -> memref<32x128xf32, #tpu.memory_space<hbm>>
      tpu.enqueue_dma source(%dma_start3A_1243 : memref<32x128xf32, #tpu.memory_space<hbm>>) target(%dma_start3A_1241 : memref<32x128xf32, #tpu.memory_space<vmem>>) target_semaphore(%dma_start3A_1237 : memref<!tpu.dma_semaphore, #tpu.memory_space<semaphore_mem>>)
    } else {
    }
    %convert_element_type3A_272 = arith.extui %ne3A_238 : i1 to i32
    %cond3A_273 = arith.constant 0 : i32
    %cond3A_274 = arith.cmpi ne, %convert_element_type3A_272, %cond3A_273 : i32
    scf.if %cond3A_274 {
      %dma_start3A_1228 = arith.constant 5 : i32
      %dma_start3A_1229 = arith.constant 5 : i32
      %dma_start3A_1230 = arith.constant 0 : i32
      %dma_start3A_1231 = arith.constant 0 : i32
      %dma_start3A_1232 = tpu.memref_slice %arg12[%dma_start3A_1228, %dma_start3A_1230, %dma_start3A_1231] : memref<24x32x128xf32, #tpu.memory_space<vmem>> -> memref<1x32x128xf32, #tpu.memory_space<vmem>>
      %dma_start3A_1233 = tpu.memref_squeeze %dma_start3A_1232 : memref<1x32x128xf32, #tpu.memory_space<vmem>> -> memref<32x128xf32, #tpu.memory_space<vmem>>
      %dma_start3A_1234 = arith.constant 0 : i32
      %dma_start3A_1235 = tpu.memref_slice %arg6[%dma_start3A_1234, %multiple_of3A_166] : memref<32x1000000xf32, #tpu.memory_space<hbm>> -> memref<32x128xf32, #tpu.memory_space<hbm>>
      %dma_start3A_1236 = tpu.memref_slice %arg14[%dma_start3A_1229] : memref<24x!tpu.dma_semaphore, #tpu.memory_space<semaphore_mem>> -> memref<1x!tpu.dma_semaphore, #tpu.memory_space<semaphore_mem>>
      %dma_start3A_1237 = tpu.memref_squeeze %dma_start3A_1236 : memref<1x!tpu.dma_semaphore, #tpu.memory_space<semaphore_mem>> -> memref<!tpu.dma_semaphore, #tpu.memory_space<semaphore_mem>>
      %dma_start3A_1238 = arith.constant 0 : i32
      %dma_start3A_1239 = arith.constant 0 : i32
      %dma_start3A_1240 = tpu.memref_slice %arg12[%dma_start3A_1228, %dma_start3A_1238, %dma_start3A_1239] : memref<24x32x128xf32, #tpu.memory_space<vmem>> -> memref<1x32x128xf32, #tpu.memory_space<vmem>>
      %dma_start3A_1241 = tpu.memref_squeeze %dma_start3A_1240 : memref<1x32x128xf32, #tpu.memory_space<vmem>> -> memref<32x128xf32, #tpu.memory_space<vmem>>
      %dma_start3A_1242 = arith.constant 0 : i32
      %dma_start3A_1243 = tpu.memref_slice %arg6[%dma_start3A_1242, %multiple_of3A_166] : memref<32x1000000xf32, #tpu.memory_space<hbm>> -> memref<32x128xf32, #tpu.memory_space<hbm>>
      tpu.enqueue_dma source(%dma_start3A_1243 : memref<32x128xf32, #tpu.memory_space<hbm>>) target(%dma_start3A_1241 : memref<32x128xf32, #tpu.memory_space<vmem>>) target_semaphore(%dma_start3A_1237 : memref<!tpu.dma_semaphore, #tpu.memory_space<semaphore_mem>>)
    } else {
    }
    %convert_element_type3A_275 = arith.extui %ne3A_241 : i1 to i32
    %cond3A_276 = arith.constant 0 : i32
    %cond3A_277 = arith.cmpi ne, %convert_element_type3A_275, %cond3A_276 : i32
    scf.if %cond3A_277 {
      %dma_start3A_1228 = arith.constant 6 : i32
      %dma_start3A_1229 = arith.constant 6 : i32
      %dma_start3A_1230 = arith.constant 0 : i32
      %dma_start3A_1231 = arith.constant 0 : i32
      %dma_start3A_1232 = tpu.memref_slice %arg12[%dma_start3A_1228, %dma_start3A_1230, %dma_start3A_1231] : memref<24x32x128xf32, #tpu.memory_space<vmem>> -> memref<1x32x128xf32, #tpu.memory_space<vmem>>
      %dma_start3A_1233 = tpu.memref_squeeze %dma_start3A_1232 : memref<1x32x128xf32, #tpu.memory_space<vmem>> -> memref<32x128xf32, #tpu.memory_space<vmem>>
      %dma_start3A_1234 = arith.constant 0 : i32
      %dma_start3A_1235 = tpu.memref_slice %arg6[%dma_start3A_1234, %multiple_of3A_195] : memref<32x1000000xf32, #tpu.memory_space<hbm>> -> memref<32x128xf32, #tpu.memory_space<hbm>>
      %dma_start3A_1236 = tpu.memref_slice %arg14[%dma_start3A_1229] : memref<24x!tpu.dma_semaphore, #tpu.memory_space<semaphore_mem>> -> memref<1x!tpu.dma_semaphore, #tpu.memory_space<semaphore_mem>>
      %dma_start3A_1237 = tpu.memref_squeeze %dma_start3A_1236 : memref<1x!tpu.dma_semaphore, #tpu.memory_space<semaphore_mem>> -> memref<!tpu.dma_semaphore, #tpu.memory_space<semaphore_mem>>
      %dma_start3A_1238 = arith.constant 0 : i32
      %dma_start3A_1239 = arith.constant 0 : i32
      %dma_start3A_1240 = tpu.memref_slice %arg12[%dma_start3A_1228, %dma_start3A_1238, %dma_start3A_1239] : memref<24x32x128xf32, #tpu.memory_space<vmem>> -> memref<1x32x128xf32, #tpu.memory_space<vmem>>
      %dma_start3A_1241 = tpu.memref_squeeze %dma_start3A_1240 : memref<1x32x128xf32, #tpu.memory_space<vmem>> -> memref<32x128xf32, #tpu.memory_space<vmem>>
      %dma_start3A_1242 = arith.constant 0 : i32
      %dma_start3A_1243 = tpu.memref_slice %arg6[%dma_start3A_1242, %multiple_of3A_195] : memref<32x1000000xf32, #tpu.memory_space<hbm>> -> memref<32x128xf32, #tpu.memory_space<hbm>>
      tpu.enqueue_dma source(%dma_start3A_1243 : memref<32x128xf32, #tpu.memory_space<hbm>>) target(%dma_start3A_1241 : memref<32x128xf32, #tpu.memory_space<vmem>>) target_semaphore(%dma_start3A_1237 : memref<!tpu.dma_semaphore, #tpu.memory_space<semaphore_mem>>)
    } else {
    }
    %convert_element_type3A_278 = arith.extui %ne3A_244 : i1 to i32
    %cond3A_279 = arith.constant 0 : i32
    %cond3A_280 = arith.cmpi ne, %convert_element_type3A_278, %cond3A_279 : i32
    scf.if %cond3A_280 {
      %dma_start3A_1228 = arith.constant 7 : i32
      %dma_start3A_1229 = arith.constant 7 : i32
      %dma_start3A_1230 = arith.constant 0 : i32
      %dma_start3A_1231 = arith.constant 0 : i32
      %dma_start3A_1232 = tpu.memref_slice %arg12[%dma_start3A_1228, %dma_start3A_1230, %dma_start3A_1231] : memref<24x32x128xf32, #tpu.memory_space<vmem>> -> memref<1x32x128xf32, #tpu.memory_space<vmem>>
      %dma_start3A_1233 = tpu.memref_squeeze %dma_start3A_1232 : memref<1x32x128xf32, #tpu.memory_space<vmem>> -> memref<32x128xf32, #tpu.memory_space<vmem>>
      %dma_start3A_1234 = arith.constant 0 : i32
      %dma_start3A_1235 = tpu.memref_slice %arg6[%dma_start3A_1234, %multiple_of3A_224] : memref<32x1000000xf32, #tpu.memory_space<hbm>> -> memref<32x128xf32, #tpu.memory_space<hbm>>
      %dma_start3A_1236 = tpu.memref_slice %arg14[%dma_start3A_1229] : memref<24x!tpu.dma_semaphore, #tpu.memory_space<semaphore_mem>> -> memref<1x!tpu.dma_semaphore, #tpu.memory_space<semaphore_mem>>
      %dma_start3A_1237 = tpu.memref_squeeze %dma_start3A_1236 : memref<1x!tpu.dma_semaphore, #tpu.memory_space<semaphore_mem>> -> memref<!tpu.dma_semaphore, #tpu.memory_space<semaphore_mem>>
      %dma_start3A_1238 = arith.constant 0 : i32
      %dma_start3A_1239 = arith.constant 0 : i32
      %dma_start3A_1240 = tpu.memref_slice %arg12[%dma_start3A_1228, %dma_start3A_1238, %dma_start3A_1239] : memref<24x32x128xf32, #tpu.memory_space<vmem>> -> memref<1x32x128xf32, #tpu.memory_space<vmem>>
      %dma_start3A_1241 = tpu.memref_squeeze %dma_start3A_1240 : memref<1x32x128xf32, #tpu.memory_space<vmem>> -> memref<32x128xf32, #tpu.memory_space<vmem>>
      %dma_start3A_1242 = arith.constant 0 : i32
      %dma_start3A_1243 = tpu.memref_slice %arg6[%dma_start3A_1242, %multiple_of3A_224] : memref<32x1000000xf32, #tpu.memory_space<hbm>> -> memref<32x128xf32, #tpu.memory_space<hbm>>
      tpu.enqueue_dma source(%dma_start3A_1243 : memref<32x128xf32, #tpu.memory_space<hbm>>) target(%dma_start3A_1241 : memref<32x128xf32, #tpu.memory_space<vmem>>) target_semaphore(%dma_start3A_1237 : memref<!tpu.dma_semaphore, #tpu.memory_space<semaphore_mem>>)
    } else {
    }
    %get3A_281 = arith.constant 8 : index
    %get3A_282 = tpu.vector_load %arg10[%get3A_281] {strides = array<i32>} : memref<528xi32, #tpu.memory_space<vmem>>, vector<16xi32>,
    %slice3A_283 = vector.extract_strided_slice %get3A_282 {offsets = [0], sizes = [1], strides = [1]} : vector<16xi32> to vector<1xi32>
    %squeeze3A_284 = vector.extract %slice3A_283[0] : i32 from vector<1xi32>
    %jit3A_285 = arith.constant 128 : i32
    %div3A_286 = arith.divsi %squeeze3A_284, %jit3A_285 : i32
    %sign3A_287 = arith.constant 0 : i32
    %sign3A_288 = arith.cmpi sgt, %squeeze3A_284, %sign3A_287 : i32
    %sign3A_289 = arith.extui %sign3A_288 : i1 to i32
    %sign3A_290 = arith.constant 0 : i32
    %sign3A_291 = arith.cmpi slt, %squeeze3A_284, %sign3A_290 : i32
    %sign3A_292 = arith.extui %sign3A_291 : i1 to i32
    %sign3A_293 = arith.subi %sign3A_289, %sign3A_292 : i32
    %sign3A_294 = arith.constant 0 : i32
    %sign3A_295 = arith.cmpi sgt, %jit3A_285, %sign3A_294 : i32
    %sign3A_296 = arith.extui %sign3A_295 : i1 to i32
    %sign3A_297 = arith.constant 0 : i32
    %sign3A_298 = arith.cmpi slt, %jit3A_285, %sign3A_297 : i32
    %sign3A_299 = arith.extui %sign3A_298 : i1 to i32
    %sign3A_300 = arith.subi %sign3A_296, %sign3A_299 : i32
    %ne3A_301 = arith.cmpi ne, %sign3A_293, %sign3A_300 : i32
    %rem3A_302 = arith.remsi %squeeze3A_284, %jit3A_285 : i32
    %ne3A_303 = arith.constant 0 : i32
    %ne3A_304 = arith.cmpi ne, %rem3A_302, %ne3A_303 : i32
    %and3A_305 = arith.andi %ne3A_301, %ne3A_304 : i1
    %sub3A_306 = arith.constant 1 : i32
    %sub3A_307 = arith.subi %div3A_286, %sub3A_306 : i32
    %select_n3A_308 = arith.select %and3A_305, %sub3A_307, %div3A_286 : i32
    %mul3A_309 = arith.constant 128 : i32
    %mul3A_310 = arith.muli %select_n3A_308, %mul3A_309 : i32
    %multiple_of3A_311 = tpu.assume_multiple %mul3A_310, 128 : i32
    %slice3A_312 = vector.extract_strided_slice %get3A_282 {offsets = [1], sizes = [1], strides = [1]} : vector<16xi32> to vector<1xi32>
    %squeeze3A_313 = vector.extract %slice3A_312[0] : i32 from vector<1xi32>
    %jit3A_314 = arith.constant 128 : i32
    %div3A_315 = arith.divsi %squeeze3A_313, %jit3A_314 : i32
    %sign3A_316 = arith.constant 0 : i32
    %sign3A_317 = arith.cmpi sgt, %squeeze3A_313, %sign3A_316 : i32
    %sign3A_318 = arith.extui %sign3A_317 : i1 to i32
    %sign3A_319 = arith.constant 0 : i32
    %sign3A_320 = arith.cmpi slt, %squeeze3A_313, %sign3A_319 : i32
    %sign3A_321 = arith.extui %sign3A_320 : i1 to i32
    %sign3A_322 = arith.subi %sign3A_318, %sign3A_321 : i32
    %sign3A_323 = arith.constant 0 : i32
    %sign3A_324 = arith.cmpi sgt, %jit3A_314, %sign3A_323 : i32
    %sign3A_325 = arith.extui %sign3A_324 : i1 to i32
    %sign3A_326 = arith.constant 0 : i32
    %sign3A_327 = arith.cmpi slt, %jit3A_314, %sign3A_326 : i32
    %sign3A_328 = arith.extui %sign3A_327 : i1 to i32
    %sign3A_329 = arith.subi %sign3A_325, %sign3A_328 : i32
    %ne3A_330 = arith.cmpi ne, %sign3A_322, %sign3A_329 : i32
    %rem3A_331 = arith.remsi %squeeze3A_313, %jit3A_314 : i32
    %ne3A_332 = arith.constant 0 : i32
    %ne3A_333 = arith.cmpi ne, %rem3A_331, %ne3A_332 : i32
    %and3A_334 = arith.andi %ne3A_330, %ne3A_333 : i1
    %sub3A_335 = arith.constant 1 : i32
    %sub3A_336 = arith.subi %div3A_315, %sub3A_335 : i32
    %select_n3A_337 = arith.select %and3A_334, %sub3A_336, %div3A_315 : i32
    %mul3A_338 = arith.constant 128 : i32
    %mul3A_339 = arith.muli %select_n3A_337, %mul3A_338 : i32
    %multiple_of3A_340 = tpu.assume_multiple %mul3A_339, 128 : i32
    %slice3A_341 = vector.extract_strided_slice %get3A_282 {offsets = [2], sizes = [1], strides = [1]} : vector<16xi32> to vector<1xi32>
    %squeeze3A_342 = vector.extract %slice3A_341[0] : i32 from vector<1xi32>
    %jit3A_343 = arith.constant 128 : i32
    %div3A_344 = arith.divsi %squeeze3A_342, %jit3A_343 : i32
    %sign3A_345 = arith.constant 0 : i32
    %sign3A_346 = arith.cmpi sgt, %squeeze3A_342, %sign3A_345 : i32
    %sign3A_347 = arith.extui %sign3A_346 : i1 to i32
    %sign3A_348 = arith.constant 0 : i32
    %sign3A_349 = arith.cmpi slt, %squeeze3A_342, %sign3A_348 : i32
    %sign3A_350 = arith.extui %sign3A_349 : i1 to i32
    %sign3A_351 = arith.subi %sign3A_347, %sign3A_350 : i32
    %sign3A_352 = arith.constant 0 : i32
    %sign3A_353 = arith.cmpi sgt, %jit3A_343, %sign3A_352 : i32
    %sign3A_354 = arith.extui %sign3A_353 : i1 to i32
    %sign3A_355 = arith.constant 0 : i32
    %sign3A_356 = arith.cmpi slt, %jit3A_343, %sign3A_355 : i32
    %sign3A_357 = arith.extui %sign3A_356 : i1 to i32
    %sign3A_358 = arith.subi %sign3A_354, %sign3A_357 : i32
    %ne3A_359 = arith.cmpi ne, %sign3A_351, %sign3A_358 : i32
    %rem3A_360 = arith.remsi %squeeze3A_342, %jit3A_343 : i32
    %ne3A_361 = arith.constant 0 : i32
    %ne3A_362 = arith.cmpi ne, %rem3A_360, %ne3A_361 : i32
    %and3A_363 = arith.andi %ne3A_359, %ne3A_362 : i1
    %sub3A_364 = arith.constant 1 : i32
    %sub3A_365 = arith.subi %div3A_344, %sub3A_364 : i32
    %select_n3A_366 = arith.select %and3A_363, %sub3A_365, %div3A_344 : i32
    %mul3A_367 = arith.constant 128 : i32
    %mul3A_368 = arith.muli %select_n3A_366, %mul3A_367 : i32
    %multiple_of3A_369 = tpu.assume_multiple %mul3A_368, 128 : i32
    %slice3A_370 = vector.extract_strided_slice %get3A_282 {offsets = [3], sizes = [1], strides = [1]} : vector<16xi32> to vector<1xi32>
    %squeeze3A_371 = vector.extract %slice3A_370[0] : i32 from vector<1xi32>
    %jit3A_372 = arith.constant 128 : i32
    %div3A_373 = arith.divsi %squeeze3A_371, %jit3A_372 : i32
    %sign3A_374 = arith.constant 0 : i32
    %sign3A_375 = arith.cmpi sgt, %squeeze3A_371, %sign3A_374 : i32
    %sign3A_376 = arith.extui %sign3A_375 : i1 to i32
    %sign3A_377 = arith.constant 0 : i32
    %sign3A_378 = arith.cmpi slt, %squeeze3A_371, %sign3A_377 : i32
    %sign3A_379 = arith.extui %sign3A_378 : i1 to i32
    %sign3A_380 = arith.subi %sign3A_376, %sign3A_379 : i32
    %sign3A_381 = arith.constant 0 : i32
    %sign3A_382 = arith.cmpi sgt, %jit3A_372, %sign3A_381 : i32
    %sign3A_383 = arith.extui %sign3A_382 : i1 to i32
    %sign3A_384 = arith.constant 0 : i32
    %sign3A_385 = arith.cmpi slt, %jit3A_372, %sign3A_384 : i32
    %sign3A_386 = arith.extui %sign3A_385 : i1 to i32
    %sign3A_387 = arith.subi %sign3A_383, %sign3A_386 : i32
    %ne3A_388 = arith.cmpi ne, %sign3A_380, %sign3A_387 : i32
    %rem3A_389 = arith.remsi %squeeze3A_371, %jit3A_372 : i32
    %ne3A_390 = arith.constant 0 : i32
    %ne3A_391 = arith.cmpi ne, %rem3A_389, %ne3A_390 : i32
    %and3A_392 = arith.andi %ne3A_388, %ne3A_391 : i1
    %sub3A_393 = arith.constant 1 : i32
    %sub3A_394 = arith.subi %div3A_373, %sub3A_393 : i32
    %select_n3A_395 = arith.select %and3A_392, %sub3A_394, %div3A_373 : i32
    %mul3A_396 = arith.constant 128 : i32
    %mul3A_397 = arith.muli %select_n3A_395, %mul3A_396 : i32
    %multiple_of3A_398 = tpu.assume_multiple %mul3A_397, 128 : i32
    %slice3A_399 = vector.extract_strided_slice %get3A_282 {offsets = [4], sizes = [1], strides = [1]} : vector<16xi32> to vector<1xi32>
    %squeeze3A_400 = vector.extract %slice3A_399[0] : i32 from vector<1xi32>
    %jit3A_401 = arith.constant 128 : i32
    %div3A_402 = arith.divsi %squeeze3A_400, %jit3A_401 : i32
    %sign3A_403 = arith.constant 0 : i32
    %sign3A_404 = arith.cmpi sgt, %squeeze3A_400, %sign3A_403 : i32
    %sign3A_405 = arith.extui %sign3A_404 : i1 to i32
    %sign3A_406 = arith.constant 0 : i32
    %sign3A_407 = arith.cmpi slt, %squeeze3A_400, %sign3A_406 : i32
    %sign3A_408 = arith.extui %sign3A_407 : i1 to i32
    %sign3A_409 = arith.subi %sign3A_405, %sign3A_408 : i32
    %sign3A_410 = arith.constant 0 : i32
    %sign3A_411 = arith.cmpi sgt, %jit3A_401, %sign3A_410 : i32
    %sign3A_412 = arith.extui %sign3A_411 : i1 to i32
    %sign3A_413 = arith.constant 0 : i32
    %sign3A_414 = arith.cmpi slt, %jit3A_401, %sign3A_413 : i32
    %sign3A_415 = arith.extui %sign3A_414 : i1 to i32
    %sign3A_416 = arith.subi %sign3A_412, %sign3A_415 : i32
    %ne3A_417 = arith.cmpi ne, %sign3A_409, %sign3A_416 : i32
    %rem3A_418 = arith.remsi %squeeze3A_400, %jit3A_401 : i32
    %ne3A_419 = arith.constant 0 : i32
    %ne3A_420 = arith.cmpi ne, %rem3A_418, %ne3A_419 : i32
    %and3A_421 = arith.andi %ne3A_417, %ne3A_420 : i1
    %sub3A_422 = arith.constant 1 : i32
    %sub3A_423 = arith.subi %div3A_402, %sub3A_422 : i32
    %select_n3A_424 = arith.select %and3A_421, %sub3A_423, %div3A_402 : i32
    %mul3A_425 = arith.constant 128 : i32
    %mul3A_426 = arith.muli %select_n3A_424, %mul3A_425 : i32
    %multiple_of3A_427 = tpu.assume_multiple %mul3A_426, 128 : i32
    %slice3A_428 = vector.extract_strided_slice %get3A_282 {offsets = [5], sizes = [1], strides = [1]} : vector<16xi32> to vector<1xi32>
    %squeeze3A_429 = vector.extract %slice3A_428[0] : i32 from vector<1xi32>
    %jit3A_430 = arith.constant 128 : i32
    %div3A_431 = arith.divsi %squeeze3A_429, %jit3A_430 : i32
    %sign3A_432 = arith.constant 0 : i32
    %sign3A_433 = arith.cmpi sgt, %squeeze3A_429, %sign3A_432 : i32
    %sign3A_434 = arith.extui %sign3A_433 : i1 to i32
    %sign3A_435 = arith.constant 0 : i32
    %sign3A_436 = arith.cmpi slt, %squeeze3A_429, %sign3A_435 : i32
    %sign3A_437 = arith.extui %sign3A_436 : i1 to i32
    %sign3A_438 = arith.subi %sign3A_434, %sign3A_437 : i32
    %sign3A_439 = arith.constant 0 : i32
    %sign3A_440 = arith.cmpi sgt, %jit3A_430, %sign3A_439 : i32
    %sign3A_441 = arith.extui %sign3A_440 : i1 to i32
    %sign3A_442 = arith.constant 0 : i32
    %sign3A_443 = arith.cmpi slt, %jit3A_430, %sign3A_442 : i32
    %sign3A_444 = arith.extui %sign3A_443 : i1 to i32
    %sign3A_445 = arith.subi %sign3A_441, %sign3A_444 : i32
    %ne3A_446 = arith.cmpi ne, %sign3A_438, %sign3A_445 : i32
    %rem3A_447 = arith.remsi %squeeze3A_429, %jit3A_430 : i32
    %ne3A_448 = arith.constant 0 : i32
    %ne3A_449 = arith.cmpi ne, %rem3A_447, %ne3A_448 : i32
    %and3A_450 = arith.andi %ne3A_446, %ne3A_449 : i1
    %sub3A_451 = arith.constant 1 : i32
    %sub3A_452 = arith.subi %div3A_431, %sub3A_451 : i32
    %select_n3A_453 = arith.select %and3A_450, %sub3A_452, %div3A_431 : i32
    %mul3A_454 = arith.constant 128 : i32
    %mul3A_455 = arith.muli %select_n3A_453, %mul3A_454 : i32
    %multiple_of3A_456 = tpu.assume_multiple %mul3A_455, 128 : i32
    %slice3A_457 = vector.extract_strided_slice %get3A_282 {offsets = [6], sizes = [1], strides = [1]} : vector<16xi32> to vector<1xi32>
    %squeeze3A_458 = vector.extract %slice3A_457[0] : i32 from vector<1xi32>
    %jit3A_459 = arith.constant 128 : i32
    %div3A_460 = arith.divsi %squeeze3A_458, %jit3A_459 : i32
    %sign3A_461 = arith.constant 0 : i32
    %sign3A_462 = arith.cmpi sgt, %squeeze3A_458, %sign3A_461 : i32
    %sign3A_463 = arith.extui %sign3A_462 : i1 to i32
    %sign3A_464 = arith.constant 0 : i32
    %sign3A_465 = arith.cmpi slt, %squeeze3A_458, %sign3A_464 : i32
    %sign3A_466 = arith.extui %sign3A_465 : i1 to i32
    %sign3A_467 = arith.subi %sign3A_463, %sign3A_466 : i32
    %sign3A_468 = arith.constant 0 : i32
    %sign3A_469 = arith.cmpi sgt, %jit3A_459, %sign3A_468 : i32
    %sign3A_470 = arith.extui %sign3A_469 : i1 to i32
    %sign3A_471 = arith.constant 0 : i32
    %sign3A_472 = arith.cmpi slt, %jit3A_459, %sign3A_471 : i32
    %sign3A_473 = arith.extui %sign3A_472 : i1 to i32
    %sign3A_474 = arith.subi %sign3A_470, %sign3A_473 : i32
    %ne3A_475 = arith.cmpi ne, %sign3A_467, %sign3A_474 : i32
    %rem3A_476 = arith.remsi %squeeze3A_458, %jit3A_459 : i32
    %ne3A_477 = arith.constant 0 : i32
    %ne3A_478 = arith.cmpi ne, %rem3A_476, %ne3A_477 : i32
    %and3A_479 = arith.andi %ne3A_475, %ne3A_478 : i1
    %sub3A_480 = arith.constant 1 : i32
    %sub3A_481 = arith.subi %div3A_460, %sub3A_480 : i32
    %select_n3A_482 = arith.select %and3A_479, %sub3A_481, %div3A_460 : i32
    %mul3A_483 = arith.constant 128 : i32
    %mul3A_484 = arith.muli %select_n3A_482, %mul3A_483 : i32
    %multiple_of3A_485 = tpu.assume_multiple %mul3A_484, 128 : i32
    %slice3A_486 = vector.extract_strided_slice %get3A_282 {offsets = [7], sizes = [1], strides = [1]} : vector<16xi32> to vector<1xi32>
    %squeeze3A_487 = vector.extract %slice3A_486[0] : i32 from vector<1xi32>
    %jit3A_488 = arith.constant 128 : i32
    %div3A_489 = arith.divsi %squeeze3A_487, %jit3A_488 : i32
    %sign3A_490 = arith.constant 0 : i32
    %sign3A_491 = arith.cmpi sgt, %squeeze3A_487, %sign3A_490 : i32
    %sign3A_492 = arith.extui %sign3A_491 : i1 to i32
    %sign3A_493 = arith.constant 0 : i32
    %sign3A_494 = arith.cmpi slt, %squeeze3A_487, %sign3A_493 : i32
    %sign3A_495 = arith.extui %sign3A_494 : i1 to i32
    %sign3A_496 = arith.subi %sign3A_492, %sign3A_495 : i32
    %sign3A_497 = arith.constant 0 : i32
    %sign3A_498 = arith.cmpi sgt, %jit3A_488, %sign3A_497 : i32
    %sign3A_499 = arith.extui %sign3A_498 : i1 to i32
    %sign3A_500 = arith.constant 0 : i32
    %sign3A_501 = arith.cmpi slt, %jit3A_488, %sign3A_500 : i32
    %sign3A_502 = arith.extui %sign3A_501 : i1 to i32
    %sign3A_503 = arith.subi %sign3A_499, %sign3A_502 : i32
    %ne3A_504 = arith.cmpi ne, %sign3A_496, %sign3A_503 : i32
    %rem3A_505 = arith.remsi %squeeze3A_487, %jit3A_488 : i32
    %ne3A_506 = arith.constant 0 : i32
    %ne3A_507 = arith.cmpi ne, %rem3A_505, %ne3A_506 : i32
    %and3A_508 = arith.andi %ne3A_504, %ne3A_507 : i1
    %sub3A_509 = arith.constant 1 : i32
    %sub3A_510 = arith.subi %div3A_489, %sub3A_509 : i32
    %select_n3A_511 = arith.select %and3A_508, %sub3A_510, %div3A_489 : i32
    %mul3A_512 = arith.constant 128 : i32
    %mul3A_513 = arith.muli %select_n3A_511, %mul3A_512 : i32
    %multiple_of3A_514 = tpu.assume_multiple %mul3A_513, 128 : i32
    %ne3A_515 = arith.cmpi ne, %multiple_of3A_340, %multiple_of3A_311 : i32
    %jit3A_516 = arith.constant 1 : i32
    %jit3A_517 = arith.constant 0 : i32
    %select_n3A_518 = arith.select %ne3A_515, %jit3A_516, %jit3A_517 : i32
    %ne3A_519 = arith.cmpi ne, %multiple_of3A_369, %multiple_of3A_340 : i32
    %jit3A_520 = arith.constant 2 : i32
    %select_n3A_521 = arith.select %ne3A_519, %jit3A_520, %select_n3A_518 : i32
    %ne3A_522 = arith.cmpi ne, %multiple_of3A_398, %multiple_of3A_369 : i32
    %jit3A_523 = arith.constant 3 : i32
    %select_n3A_524 = arith.select %ne3A_522, %jit3A_523, %select_n3A_521 : i32
    %ne3A_525 = arith.cmpi ne, %multiple_of3A_427, %multiple_of3A_398 : i32
    %jit3A_526 = arith.constant 4 : i32
    %select_n3A_527 = arith.select %ne3A_525, %jit3A_526, %select_n3A_524 : i32
    %ne3A_528 = arith.cmpi ne, %multiple_of3A_456, %multiple_of3A_427 : i32
    %jit3A_529 = arith.constant 5 : i32
    %select_n3A_530 = arith.select %ne3A_528, %jit3A_529, %select_n3A_527 : i32
    %ne3A_531 = arith.cmpi ne, %multiple_of3A_485, %multiple_of3A_456 : i32
    %jit3A_532 = arith.constant 6 : i32
    %select_n3A_533 = arith.select %ne3A_531, %jit3A_532, %select_n3A_530 : i32
    %ne3A_534 = arith.cmpi ne, %multiple_of3A_514, %multiple_of3A_485 : i32
    %jit3A_535 = arith.constant 7 : i32
    %select_n3A_536 = arith.select %ne3A_534, %jit3A_535, %select_n3A_533 : i32
    %dma_start3A_537 = arith.constant 8 : i32
    %dma_start3A_538 = arith.constant 8 : i32
    %dma_start3A_539 = arith.constant 0 : i32
    %dma_start3A_540 = arith.constant 0 : i32
    %dma_start3A_541 = tpu.memref_slice %arg12[%dma_start3A_537, %dma_start3A_539, %dma_start3A_540] : memref<24x32x128xf32, #tpu.memory_space<vmem>> -> memref<1x32x128xf32, #tpu.memory_space<vmem>>
    %dma_start3A_542 = tpu.memref_squeeze %dma_start3A_541 : memref<1x32x128xf32, #tpu.memory_space<vmem>> -> memref<32x128xf32, #tpu.memory_space<vmem>>
    %dma_start3A_543 = arith.constant 0 : i32
    %dma_start3A_544 = tpu.memref_slice %arg6[%dma_start3A_543, %multiple_of3A_311] : memref<32x1000000xf32, #tpu.memory_space<hbm>> -> memref<32x128xf32, #tpu.memory_space<hbm>>
    %dma_start3A_545 = tpu.memref_slice %arg14[%dma_start3A_538] : memref<24x!tpu.dma_semaphore, #tpu.memory_space<semaphore_mem>> -> memref<1x!tpu.dma_semaphore, #tpu.memory_space<semaphore_mem>>
    %dma_start3A_546 = tpu.memref_squeeze %dma_start3A_545 : memref<1x!tpu.dma_semaphore, #tpu.memory_space<semaphore_mem>> -> memref<!tpu.dma_semaphore, #tpu.memory_space<semaphore_mem>>
    %dma_start3A_547 = arith.constant 0 : i32
    %dma_start3A_548 = arith.constant 0 : i32
    %dma_start3A_549 = tpu.memref_slice %arg12[%dma_start3A_537, %dma_start3A_547, %dma_start3A_548] : memref<24x32x128xf32, #tpu.memory_space<vmem>> -> memref<1x32x128xf32, #tpu.memory_space<vmem>>
    %dma_start3A_550 = tpu.memref_squeeze %dma_start3A_549 : memref<1x32x128xf32, #tpu.memory_space<vmem>> -> memref<32x128xf32, #tpu.memory_space<vmem>>
    %dma_start3A_551 = arith.constant 0 : i32
    %dma_start3A_552 = tpu.memref_slice %arg6[%dma_start3A_551, %multiple_of3A_311] : memref<32x1000000xf32, #tpu.memory_space<hbm>> -> memref<32x128xf32, #tpu.memory_space<hbm>>
    tpu.enqueue_dma source(%dma_start3A_552 : memref<32x128xf32, #tpu.memory_space<hbm>>) target(%dma_start3A_550 : memref<32x128xf32, #tpu.memory_space<vmem>>) target_semaphore(%dma_start3A_546 : memref<!tpu.dma_semaphore, #tpu.memory_space<semaphore_mem>>)
    %convert_element_type3A_553 = arith.extui %ne3A_515 : i1 to i32
    %cond3A_554 = arith.constant 0 : i32
    %cond3A_555 = arith.cmpi ne, %convert_element_type3A_553, %cond3A_554 : i32
    scf.if %cond3A_555 {
      %dma_start3A_1228 = arith.constant 9 : i32
      %dma_start3A_1229 = arith.constant 9 : i32
      %dma_start3A_1230 = arith.constant 0 : i32
      %dma_start3A_1231 = arith.constant 0 : i32
      %dma_start3A_1232 = tpu.memref_slice %arg12[%dma_start3A_1228, %dma_start3A_1230, %dma_start3A_1231] : memref<24x32x128xf32, #tpu.memory_space<vmem>> -> memref<1x32x128xf32, #tpu.memory_space<vmem>>
      %dma_start3A_1233 = tpu.memref_squeeze %dma_start3A_1232 : memref<1x32x128xf32, #tpu.memory_space<vmem>> -> memref<32x128xf32, #tpu.memory_space<vmem>>
      %dma_start3A_1234 = arith.constant 0 : i32
      %dma_start3A_1235 = tpu.memref_slice %arg6[%dma_start3A_1234, %multiple_of3A_340] : memref<32x1000000xf32, #tpu.memory_space<hbm>> -> memref<32x128xf32, #tpu.memory_space<hbm>>
      %dma_start3A_1236 = tpu.memref_slice %arg14[%dma_start3A_1229] : memref<24x!tpu.dma_semaphore, #tpu.memory_space<semaphore_mem>> -> memref<1x!tpu.dma_semaphore, #tpu.memory_space<semaphore_mem>>
      %dma_start3A_1237 = tpu.memref_squeeze %dma_start3A_1236 : memref<1x!tpu.dma_semaphore, #tpu.memory_space<semaphore_mem>> -> memref<!tpu.dma_semaphore, #tpu.memory_space<semaphore_mem>>
      %dma_start3A_1238 = arith.constant 0 : i32
      %dma_start3A_1239 = arith.constant 0 : i32
      %dma_start3A_1240 = tpu.memref_slice %arg12[%dma_start3A_1228, %dma_start3A_1238, %dma_start3A_1239] : memref<24x32x128xf32, #tpu.memory_space<vmem>> -> memref<1x32x128xf32, #tpu.memory_space<vmem>>
      %dma_start3A_1241 = tpu.memref_squeeze %dma_start3A_1240 : memref<1x32x128xf32, #tpu.memory_space<vmem>> -> memref<32x128xf32, #tpu.memory_space<vmem>>
      %dma_start3A_1242 = arith.constant 0 : i32
      %dma_start3A_1243 = tpu.memref_slice %arg6[%dma_start3A_1242, %multiple_of3A_340] : memref<32x1000000xf32, #tpu.memory_space<hbm>> -> memref<32x128xf32, #tpu.memory_space<hbm>>
      tpu.enqueue_dma source(%dma_start3A_1243 : memref<32x128xf32, #tpu.memory_space<hbm>>) target(%dma_start3A_1241 : memref<32x128xf32, #tpu.memory_space<vmem>>) target_semaphore(%dma_start3A_1237 : memref<!tpu.dma_semaphore, #tpu.memory_space<semaphore_mem>>)
    } else {
    }
    %convert_element_type3A_556 = arith.extui %ne3A_519 : i1 to i32
    %cond3A_557 = arith.constant 0 : i32
    %cond3A_558 = arith.cmpi ne, %convert_element_type3A_556, %cond3A_557 : i32
    scf.if %cond3A_558 {
      %dma_start3A_1228 = arith.constant 10 : i32
      %dma_start3A_1229 = arith.constant 10 : i32
      %dma_start3A_1230 = arith.constant 0 : i32
      %dma_start3A_1231 = arith.constant 0 : i32
      %dma_start3A_1232 = tpu.memref_slice %arg12[%dma_start3A_1228, %dma_start3A_1230, %dma_start3A_1231] : memref<24x32x128xf32, #tpu.memory_space<vmem>> -> memref<1x32x128xf32, #tpu.memory_space<vmem>>
      %dma_start3A_1233 = tpu.memref_squeeze %dma_start3A_1232 : memref<1x32x128xf32, #tpu.memory_space<vmem>> -> memref<32x128xf32, #tpu.memory_space<vmem>>
      %dma_start3A_1234 = arith.constant 0 : i32
      %dma_start3A_1235 = tpu.memref_slice %arg6[%dma_start3A_1234, %multiple_of3A_369] : memref<32x1000000xf32, #tpu.memory_space<hbm>> -> memref<32x128xf32, #tpu.memory_space<hbm>>
      %dma_start3A_1236 = tpu.memref_slice %arg14[%dma_start3A_1229] : memref<24x!tpu.dma_semaphore, #tpu.memory_space<semaphore_mem>> -> memref<1x!tpu.dma_semaphore, #tpu.memory_space<semaphore_mem>>
      %dma_start3A_1237 = tpu.memref_squeeze %dma_start3A_1236 : memref<1x!tpu.dma_semaphore, #tpu.memory_space<semaphore_mem>> -> memref<!tpu.dma_semaphore, #tpu.memory_space<semaphore_mem>>
      %dma_start3A_1238 = arith.constant 0 : i32
      %dma_start3A_1239 = arith.constant 0 : i32
      %dma_start3A_1240 = tpu.memref_slice %arg12[%dma_start3A_1228, %dma_start3A_1238, %dma_start3A_1239] : memref<24x32x128xf32, #tpu.memory_space<vmem>> -> memref<1x32x128xf32, #tpu.memory_space<vmem>>
      %dma_start3A_1241 = tpu.memref_squeeze %dma_start3A_1240 : memref<1x32x128xf32, #tpu.memory_space<vmem>> -> memref<32x128xf32, #tpu.memory_space<vmem>>
      %dma_start3A_1242 = arith.constant 0 : i32
      %dma_start3A_1243 = tpu.memref_slice %arg6[%dma_start3A_1242, %multiple_of3A_369] : memref<32x1000000xf32, #tpu.memory_space<hbm>> -> memref<32x128xf32, #tpu.memory_space<hbm>>
      tpu.enqueue_dma source(%dma_start3A_1243 : memref<32x128xf32, #tpu.memory_space<hbm>>) target(%dma_start3A_1241 : memref<32x128xf32, #tpu.memory_space<vmem>>) target_semaphore(%dma_start3A_1237 : memref<!tpu.dma_semaphore, #tpu.memory_space<semaphore_mem>>)
    } else {
    }
    %convert_element_type3A_559 = arith.extui %ne3A_522 : i1 to i32
    %cond3A_560 = arith.constant 0 : i32
    %cond3A_561 = arith.cmpi ne, %convert_element_type3A_559, %cond3A_560 : i32
    scf.if %cond3A_561 {
      %dma_start3A_1228 = arith.constant 11 : i32
      %dma_start3A_1229 = arith.constant 11 : i32
      %dma_start3A_1230 = arith.constant 0 : i32
      %dma_start3A_1231 = arith.constant 0 : i32
      %dma_start3A_1232 = tpu.memref_slice %arg12[%dma_start3A_1228, %dma_start3A_1230, %dma_start3A_1231] : memref<24x32x128xf32, #tpu.memory_space<vmem>> -> memref<1x32x128xf32, #tpu.memory_space<vmem>>
      %dma_start3A_1233 = tpu.memref_squeeze %dma_start3A_1232 : memref<1x32x128xf32, #tpu.memory_space<vmem>> -> memref<32x128xf32, #tpu.memory_space<vmem>>
      %dma_start3A_1234 = arith.constant 0 : i32
      %dma_start3A_1235 = tpu.memref_slice %arg6[%dma_start3A_1234, %multiple_of3A_398] : memref<32x1000000xf32, #tpu.memory_space<hbm>> -> memref<32x128xf32, #tpu.memory_space<hbm>>
      %dma_start3A_1236 = tpu.memref_slice %arg14[%dma_start3A_1229] : memref<24x!tpu.dma_semaphore, #tpu.memory_space<semaphore_mem>> -> memref<1x!tpu.dma_semaphore, #tpu.memory_space<semaphore_mem>>
      %dma_start3A_1237 = tpu.memref_squeeze %dma_start3A_1236 : memref<1x!tpu.dma_semaphore, #tpu.memory_space<semaphore_mem>> -> memref<!tpu.dma_semaphore, #tpu.memory_space<semaphore_mem>>
      %dma_start3A_1238 = arith.constant 0 : i32
      %dma_start3A_1239 = arith.constant 0 : i32
      %dma_start3A_1240 = tpu.memref_slice %arg12[%dma_start3A_1228, %dma_start3A_1238, %dma_start3A_1239] : memref<24x32x128xf32, #tpu.memory_space<vmem>> -> memref<1x32x128xf32, #tpu.memory_space<vmem>>
      %dma_start3A_1241 = tpu.memref_squeeze %dma_start3A_1240 : memref<1x32x128xf32, #tpu.memory_space<vmem>> -> memref<32x128xf32, #tpu.memory_space<vmem>>
      %dma_start3A_1242 = arith.constant 0 : i32
      %dma_start3A_1243 = tpu.memref_slice %arg6[%dma_start3A_1242, %multiple_of3A_398] : memref<32x1000000xf32, #tpu.memory_space<hbm>> -> memref<32x128xf32, #tpu.memory_space<hbm>>
      tpu.enqueue_dma source(%dma_start3A_1243 : memref<32x128xf32, #tpu.memory_space<hbm>>) target(%dma_start3A_1241 : memref<32x128xf32, #tpu.memory_space<vmem>>) target_semaphore(%dma_start3A_1237 : memref<!tpu.dma_semaphore, #tpu.memory_space<semaphore_mem>>)
    } else {
    }
    %convert_element_type3A_562 = arith.extui %ne3A_525 : i1 to i32
    %cond3A_563 = arith.constant 0 : i32
    %cond3A_564 = arith.cmpi ne, %convert_element_type3A_562, %cond3A_563 : i32
    scf.if %cond3A_564 {
      %dma_start3A_1228 = arith.constant 12 : i32
      %dma_start3A_1229 = arith.constant 12 : i32
      %dma_start3A_1230 = arith.constant 0 : i32
      %dma_start3A_1231 = arith.constant 0 : i32
      %dma_start3A_1232 = tpu.memref_slice %arg12[%dma_start3A_1228, %dma_start3A_1230, %dma_start3A_1231] : memref<24x32x128xf32, #tpu.memory_space<vmem>> -> memref<1x32x128xf32, #tpu.memory_space<vmem>>
      %dma_start3A_1233 = tpu.memref_squeeze %dma_start3A_1232 : memref<1x32x128xf32, #tpu.memory_space<vmem>> -> memref<32x128xf32, #tpu.memory_space<vmem>>
      %dma_start3A_1234 = arith.constant 0 : i32
      %dma_start3A_1235 = tpu.memref_slice %arg6[%dma_start3A_1234, %multiple_of3A_427] : memref<32x1000000xf32, #tpu.memory_space<hbm>> -> memref<32x128xf32, #tpu.memory_space<hbm>>
      %dma_start3A_1236 = tpu.memref_slice %arg14[%dma_start3A_1229] : memref<24x!tpu.dma_semaphore, #tpu.memory_space<semaphore_mem>> -> memref<1x!tpu.dma_semaphore, #tpu.memory_space<semaphore_mem>>
      %dma_start3A_1237 = tpu.memref_squeeze %dma_start3A_1236 : memref<1x!tpu.dma_semaphore, #tpu.memory_space<semaphore_mem>> -> memref<!tpu.dma_semaphore, #tpu.memory_space<semaphore_mem>>
      %dma_start3A_1238 = arith.constant 0 : i32
      %dma_start3A_1239 = arith.constant 0 : i32
      %dma_start3A_1240 = tpu.memref_slice %arg12[%dma_start3A_1228, %dma_start3A_1238, %dma_start3A_1239] : memref<24x32x128xf32, #tpu.memory_space<vmem>> -> memref<1x32x128xf32, #tpu.memory_space<vmem>>
      %dma_start3A_1241 = tpu.memref_squeeze %dma_start3A_1240 : memref<1x32x128xf32, #tpu.memory_space<vmem>> -> memref<32x128xf32, #tpu.memory_space<vmem>>
      %dma_start3A_1242 = arith.constant 0 : i32
      %dma_start3A_1243 = tpu.memref_slice %arg6[%dma_start3A_1242, %multiple_of3A_427] : memref<32x1000000xf32, #tpu.memory_space<hbm>> -> memref<32x128xf32, #tpu.memory_space<hbm>>
      tpu.enqueue_dma source(%dma_start3A_1243 : memref<32x128xf32, #tpu.memory_space<hbm>>) target(%dma_start3A_1241 : memref<32x128xf32, #tpu.memory_space<vmem>>) target_semaphore(%dma_start3A_1237 : memref<!tpu.dma_semaphore, #tpu.memory_space<semaphore_mem>>)
    } else {
    }
    %convert_element_type3A_565 = arith.extui %ne3A_528 : i1 to i32
    %cond3A_566 = arith.constant 0 : i32
    %cond3A_567 = arith.cmpi ne, %convert_element_type3A_565, %cond3A_566 : i32
    scf.if %cond3A_567 {
      %dma_start3A_1228 = arith.constant 13 : i32
      %dma_start3A_1229 = arith.constant 13 : i32
      %dma_start3A_1230 = arith.constant 0 : i32
      %dma_start3A_1231 = arith.constant 0 : i32
      %dma_start3A_1232 = tpu.memref_slice %arg12[%dma_start3A_1228, %dma_start3A_1230, %dma_start3A_1231] : memref<24x32x128xf32, #tpu.memory_space<vmem>> -> memref<1x32x128xf32, #tpu.memory_space<vmem>>
      %dma_start3A_1233 = tpu.memref_squeeze %dma_start3A_1232 : memref<1x32x128xf32, #tpu.memory_space<vmem>> -> memref<32x128xf32, #tpu.memory_space<vmem>>
      %dma_start3A_1234 = arith.constant 0 : i32
      %dma_start3A_1235 = tpu.memref_slice %arg6[%dma_start3A_1234, %multiple_of3A_456] : memref<32x1000000xf32, #tpu.memory_space<hbm>> -> memref<32x128xf32, #tpu.memory_space<hbm>>
      %dma_start3A_1236 = tpu.memref_slice %arg14[%dma_start3A_1229] : memref<24x!tpu.dma_semaphore, #tpu.memory_space<semaphore_mem>> -> memref<1x!tpu.dma_semaphore, #tpu.memory_space<semaphore_mem>>
      %dma_start3A_1237 = tpu.memref_squeeze %dma_start3A_1236 : memref<1x!tpu.dma_semaphore, #tpu.memory_space<semaphore_mem>> -> memref<!tpu.dma_semaphore, #tpu.memory_space<semaphore_mem>>
      %dma_start3A_1238 = arith.constant 0 : i32
      %dma_start3A_1239 = arith.constant 0 : i32
      %dma_start3A_1240 = tpu.memref_slice %arg12[%dma_start3A_1228, %dma_start3A_1238, %dma_start3A_1239] : memref<24x32x128xf32, #tpu.memory_space<vmem>> -> memref<1x32x128xf32, #tpu.memory_space<vmem>>
      %dma_start3A_1241 = tpu.memref_squeeze %dma_start3A_1240 : memref<1x32x128xf32, #tpu.memory_space<vmem>> -> memref<32x128xf32, #tpu.memory_space<vmem>>
      %dma_start3A_1242 = arith.constant 0 : i32
      %dma_start3A_1243 = tpu.memref_slice %arg6[%dma_start3A_1242, %multiple_of3A_456] : memref<32x1000000xf32, #tpu.memory_space<hbm>> -> memref<32x128xf32, #tpu.memory_space<hbm>>
      tpu.enqueue_dma source(%dma_start3A_1243 : memref<32x128xf32, #tpu.memory_space<hbm>>) target(%dma_start3A_1241 : memref<32x128xf32, #tpu.memory_space<vmem>>) target_semaphore(%dma_start3A_1237 : memref<!tpu.dma_semaphore, #tpu.memory_space<semaphore_mem>>)
    } else {
    }
    %convert_element_type3A_568 = arith.extui %ne3A_531 : i1 to i32
    %cond3A_569 = arith.constant 0 : i32
    %cond3A_570 = arith.cmpi ne, %convert_element_type3A_568, %cond3A_569 : i32
    scf.if %cond3A_570 {
      %dma_start3A_1228 = arith.constant 14 : i32
      %dma_start3A_1229 = arith.constant 14 : i32
      %dma_start3A_1230 = arith.constant 0 : i32
      %dma_start3A_1231 = arith.constant 0 : i32
      %dma_start3A_1232 = tpu.memref_slice %arg12[%dma_start3A_1228, %dma_start3A_1230, %dma_start3A_1231] : memref<24x32x128xf32, #tpu.memory_space<vmem>> -> memref<1x32x128xf32, #tpu.memory_space<vmem>>
      %dma_start3A_1233 = tpu.memref_squeeze %dma_start3A_1232 : memref<1x32x128xf32, #tpu.memory_space<vmem>> -> memref<32x128xf32, #tpu.memory_space<vmem>>
      %dma_start3A_1234 = arith.constant 0 : i32
      %dma_start3A_1235 = tpu.memref_slice %arg6[%dma_start3A_1234, %multiple_of3A_485] : memref<32x1000000xf32, #tpu.memory_space<hbm>> -> memref<32x128xf32, #tpu.memory_space<hbm>>
      %dma_start3A_1236 = tpu.memref_slice %arg14[%dma_start3A_1229] : memref<24x!tpu.dma_semaphore, #tpu.memory_space<semaphore_mem>> -> memref<1x!tpu.dma_semaphore, #tpu.memory_space<semaphore_mem>>
      %dma_start3A_1237 = tpu.memref_squeeze %dma_start3A_1236 : memref<1x!tpu.dma_semaphore, #tpu.memory_space<semaphore_mem>> -> memref<!tpu.dma_semaphore, #tpu.memory_space<semaphore_mem>>
      %dma_start3A_1238 = arith.constant 0 : i32
      %dma_start3A_1239 = arith.constant 0 : i32
      %dma_start3A_1240 = tpu.memref_slice %arg12[%dma_start3A_1228, %dma_start3A_1238, %dma_start3A_1239] : memref<24x32x128xf32, #tpu.memory_space<vmem>> -> memref<1x32x128xf32, #tpu.memory_space<vmem>>
      %dma_start3A_1241 = tpu.memref_squeeze %dma_start3A_1240 : memref<1x32x128xf32, #tpu.memory_space<vmem>> -> memref<32x128xf32, #tpu.memory_space<vmem>>
      %dma_start3A_1242 = arith.constant 0 : i32
      %dma_start3A_1243 = tpu.memref_slice %arg6[%dma_start3A_1242, %multiple_of3A_485] : memref<32x1000000xf32, #tpu.memory_space<hbm>> -> memref<32x128xf32, #tpu.memory_space<hbm>>
      tpu.enqueue_dma source(%dma_start3A_1243 : memref<32x128xf32, #tpu.memory_space<hbm>>) target(%dma_start3A_1241 : memref<32x128xf32, #tpu.memory_space<vmem>>) target_semaphore(%dma_start3A_1237 : memref<!tpu.dma_semaphore, #tpu.memory_space<semaphore_mem>>)
    } else {
    }
    %convert_element_type3A_571 = arith.extui %ne3A_534 : i1 to i32
    %cond3A_572 = arith.constant 0 : i32
    %cond3A_573 = arith.cmpi ne, %convert_element_type3A_571, %cond3A_572 : i32
    scf.if %cond3A_573 {
      %dma_start3A_1228 = arith.constant 15 : i32
      %dma_start3A_1229 = arith.constant 15 : i32
      %dma_start3A_1230 = arith.constant 0 : i32
      %dma_start3A_1231 = arith.constant 0 : i32
      %dma_start3A_1232 = tpu.memref_slice %arg12[%dma_start3A_1228, %dma_start3A_1230, %dma_start3A_1231] : memref<24x32x128xf32, #tpu.memory_space<vmem>> -> memref<1x32x128xf32, #tpu.memory_space<vmem>>
      %dma_start3A_1233 = tpu.memref_squeeze %dma_start3A_1232 : memref<1x32x128xf32, #tpu.memory_space<vmem>> -> memref<32x128xf32, #tpu.memory_space<vmem>>
      %dma_start3A_1234 = arith.constant 0 : i32
      %dma_start3A_1235 = tpu.memref_slice %arg6[%dma_start3A_1234, %multiple_of3A_514] : memref<32x1000000xf32, #tpu.memory_space<hbm>> -> memref<32x128xf32, #tpu.memory_space<hbm>>
      %dma_start3A_1236 = tpu.memref_slice %arg14[%dma_start3A_1229] : memref<24x!tpu.dma_semaphore, #tpu.memory_space<semaphore_mem>> -> memref<1x!tpu.dma_semaphore, #tpu.memory_space<semaphore_mem>>
      %dma_start3A_1237 = tpu.memref_squeeze %dma_start3A_1236 : memref<1x!tpu.dma_semaphore, #tpu.memory_space<semaphore_mem>> -> memref<!tpu.dma_semaphore, #tpu.memory_space<semaphore_mem>>
      %dma_start3A_1238 = arith.constant 0 : i32
      %dma_start3A_1239 = arith.constant 0 : i32
      %dma_start3A_1240 = tpu.memref_slice %arg12[%dma_start3A_1228, %dma_start3A_1238, %dma_start3A_1239] : memref<24x32x128xf32, #tpu.memory_space<vmem>> -> memref<1x32x128xf32, #tpu.memory_space<vmem>>
      %dma_start3A_1241 = tpu.memref_squeeze %dma_start3A_1240 : memref<1x32x128xf32, #tpu.memory_space<vmem>> -> memref<32x128xf32, #tpu.memory_space<vmem>>
      %dma_start3A_1242 = arith.constant 0 : i32
      %dma_start3A_1243 = tpu.memref_slice %arg6[%dma_start3A_1242, %multiple_of3A_514] : memref<32x1000000xf32, #tpu.memory_space<hbm>> -> memref<32x128xf32, #tpu.memory_space<hbm>>
      tpu.enqueue_dma source(%dma_start3A_1243 : memref<32x128xf32, #tpu.memory_space<hbm>>) target(%dma_start3A_1241 : memref<32x128xf32, #tpu.memory_space<vmem>>) target_semaphore(%dma_start3A_1237 : memref<!tpu.dma_semaphore, #tpu.memory_space<semaphore_mem>>)
    } else {
    }
    %scan3A = arith.constant 0 : i32
    %scan3A_574 = arith.constant 64 : i32
    %scan3A_575 = arith.addi %scan3A, %scan3A_574 : i32
    %scan3A_576 = arith.constant 1 : i32
    scf.for %scan3A_1228 = %scan3A to %scan3A_575 step %scan3A_576  : i32 {
      %mul3A_1229 = arith.constant 1 : i32
      %mul3A_1230 = arith.muli %scan3A_1228, %mul3A_1229 : i32
      %add3A_1231 = arith.constant 0 : i32
      %add3A_1232 = arith.addi %add3A_1231, %mul3A_1230 : i32
      %rem3A_1233 = arith.constant 3 : i32
      %rem3A_1234 = arith.remsi %add3A_1232, %rem3A_1233 : i32
      %lt3A = arith.constant 62 : i32
      %lt3A_1235 = arith.cmpi slt, %add3A_1232, %lt3A : i32
      %convert_element_type3A_1236 = arith.extui %lt3A_1235 : i1 to i32
      %cond3A_1237 = arith.constant 0 : i32
      %cond3A_1238 = arith.cmpi ne, %convert_element_type3A_1236, %cond3A_1237 : i32
      scf.if %cond3A_1238 {
        %add3A_1865 = arith.constant 2 : i32
        %add3A_1866 = arith.addi %add3A_1232, %add3A_1865 : i32
        %add3A_1867 = arith.constant 2 : i32
        %add3A_1868 = arith.addi %add3A_1232, %add3A_1867 : i32
        %rem3A_1869 = arith.constant 3 : i32
        %rem3A_1870 = arith.remsi %add3A_1868, %rem3A_1869 : i32
        %mul3A_1871 = arith.constant 8 : i32
        %mul3A_1872 = arith.muli %add3A_1866, %mul3A_1871 : i32
        %get3A_1873 = arith.index_cast %mul3A_1872 : i32 to index
        %get3A_1874 = tpu.vector_load %arg10[%get3A_1873] {strides = array<i32>} : memref<528xi32, #tpu.memory_space<vmem>>, vector<16xi32>,
        %slice3A_1875 = vector.extract_strided_slice %get3A_1874 {offsets = [0], sizes = [1], strides = [1]} : vector<16xi32> to vector<1xi32>
        %squeeze3A_1876 = vector.extract %slice3A_1875[0] : i32 from vector<1xi32>
        %jit3A_1877 = arith.constant 128 : i32
        %div3A_1878 = arith.divsi %squeeze3A_1876, %jit3A_1877 : i32
        %sign3A_1879 = arith.constant 0 : i32
        %sign3A_1880 = arith.cmpi sgt, %squeeze3A_1876, %sign3A_1879 : i32
        %sign3A_1881 = arith.extui %sign3A_1880 : i1 to i32
        %sign3A_1882 = arith.constant 0 : i32
        %sign3A_1883 = arith.cmpi slt, %squeeze3A_1876, %sign3A_1882 : i32
        %sign3A_1884 = arith.extui %sign3A_1883 : i1 to i32
        %sign3A_1885 = arith.subi %sign3A_1881, %sign3A_1884 : i32
        %sign3A_1886 = arith.constant 0 : i32
        %sign3A_1887 = arith.cmpi sgt, %jit3A_1877, %sign3A_1886 : i32
        %sign3A_1888 = arith.extui %sign3A_1887 : i1 to i32
        %sign3A_1889 = arith.constant 0 : i32
        %sign3A_1890 = arith.cmpi slt, %jit3A_1877, %sign3A_1889 : i32
        %sign3A_1891 = arith.extui %sign3A_1890 : i1 to i32
        %sign3A_1892 = arith.subi %sign3A_1888, %sign3A_1891 : i32
        %ne3A_1893 = arith.cmpi ne, %sign3A_1885, %sign3A_1892 : i32
        %rem3A_1894 = arith.remsi %squeeze3A_1876, %jit3A_1877 : i32
        %ne3A_1895 = arith.constant 0 : i32
        %ne3A_1896 = arith.cmpi ne, %rem3A_1894, %ne3A_1895 : i32
        %and3A_1897 = arith.andi %ne3A_1893, %ne3A_1896 : i1
        %sub3A_1898 = arith.constant 1 : i32
        %sub3A_1899 = arith.subi %div3A_1878, %sub3A_1898 : i32
        %select_n3A_1900 = arith.select %and3A_1897, %sub3A_1899, %div3A_1878 : i32
        %mul3A_1901 = arith.constant 128 : i32
        %mul3A_1902 = arith.muli %select_n3A_1900, %mul3A_1901 : i32
        %multiple_of3A_1903 = tpu.assume_multiple %mul3A_1902, 128 : i32
        %slice3A_1904 = vector.extract_strided_slice %get3A_1874 {offsets = [1], sizes = [1], strides = [1]} : vector<16xi32> to vector<1xi32>
        %squeeze3A_1905 = vector.extract %slice3A_1904[0] : i32 from vector<1xi32>
        %jit3A_1906 = arith.constant 128 : i32
        %div3A_1907 = arith.divsi %squeeze3A_1905, %jit3A_1906 : i32
        %sign3A_1908 = arith.constant 0 : i32
        %sign3A_1909 = arith.cmpi sgt, %squeeze3A_1905, %sign3A_1908 : i32
        %sign3A_1910 = arith.extui %sign3A_1909 : i1 to i32
        %sign3A_1911 = arith.constant 0 : i32
        %sign3A_1912 = arith.cmpi slt, %squeeze3A_1905, %sign3A_1911 : i32
        %sign3A_1913 = arith.extui %sign3A_1912 : i1 to i32
        %sign3A_1914 = arith.subi %sign3A_1910, %sign3A_1913 : i32
        %sign3A_1915 = arith.constant 0 : i32
        %sign3A_1916 = arith.cmpi sgt, %jit3A_1906, %sign3A_1915 : i32
        %sign3A_1917 = arith.extui %sign3A_1916 : i1 to i32
        %sign3A_1918 = arith.constant 0 : i32
        %sign3A_1919 = arith.cmpi slt, %jit3A_1906, %sign3A_1918 : i32
        %sign3A_1920 = arith.extui %sign3A_1919 : i1 to i32
        %sign3A_1921 = arith.subi %sign3A_1917, %sign3A_1920 : i32
        %ne3A_1922 = arith.cmpi ne, %sign3A_1914, %sign3A_1921 : i32
        %rem3A_1923 = arith.remsi %squeeze3A_1905, %jit3A_1906 : i32
        %ne3A_1924 = arith.constant 0 : i32
        %ne3A_1925 = arith.cmpi ne, %rem3A_1923, %ne3A_1924 : i32
        %and3A_1926 = arith.andi %ne3A_1922, %ne3A_1925 : i1
        %sub3A_1927 = arith.constant 1 : i32
        %sub3A_1928 = arith.subi %div3A_1907, %sub3A_1927 : i32
        %select_n3A_1929 = arith.select %and3A_1926, %sub3A_1928, %div3A_1907 : i32
        %mul3A_1930 = arith.constant 128 : i32
        %mul3A_1931 = arith.muli %select_n3A_1929, %mul3A_1930 : i32
        %multiple_of3A_1932 = tpu.assume_multiple %mul3A_1931, 128 : i32
        %slice3A_1933 = vector.extract_strided_slice %get3A_1874 {offsets = [2], sizes = [1], strides = [1]} : vector<16xi32> to vector<1xi32>
        %squeeze3A_1934 = vector.extract %slice3A_1933[0] : i32 from vector<1xi32>
        %jit3A_1935 = arith.constant 128 : i32
        %div3A_1936 = arith.divsi %squeeze3A_1934, %jit3A_1935 : i32
        %sign3A_1937 = arith.constant 0 : i32
        %sign3A_1938 = arith.cmpi sgt, %squeeze3A_1934, %sign3A_1937 : i32
        %sign3A_1939 = arith.extui %sign3A_1938 : i1 to i32
        %sign3A_1940 = arith.constant 0 : i32
        %sign3A_1941 = arith.cmpi slt, %squeeze3A_1934, %sign3A_1940 : i32
        %sign3A_1942 = arith.extui %sign3A_1941 : i1 to i32
        %sign3A_1943 = arith.subi %sign3A_1939, %sign3A_1942 : i32
        %sign3A_1944 = arith.constant 0 : i32
        %sign3A_1945 = arith.cmpi sgt, %jit3A_1935, %sign3A_1944 : i32
        %sign3A_1946 = arith.extui %sign3A_1945 : i1 to i32
        %sign3A_1947 = arith.constant 0 : i32
        %sign3A_1948 = arith.cmpi slt, %jit3A_1935, %sign3A_1947 : i32
        %sign3A_1949 = arith.extui %sign3A_1948 : i1 to i32
        %sign3A_1950 = arith.subi %sign3A_1946, %sign3A_1949 : i32
        %ne3A_1951 = arith.cmpi ne, %sign3A_1943, %sign3A_1950 : i32
        %rem3A_1952 = arith.remsi %squeeze3A_1934, %jit3A_1935 : i32
        %ne3A_1953 = arith.constant 0 : i32
        %ne3A_1954 = arith.cmpi ne, %rem3A_1952, %ne3A_1953 : i32
        %and3A_1955 = arith.andi %ne3A_1951, %ne3A_1954 : i1
        %sub3A_1956 = arith.constant 1 : i32
        %sub3A_1957 = arith.subi %div3A_1936, %sub3A_1956 : i32
        %select_n3A_1958 = arith.select %and3A_1955, %sub3A_1957, %div3A_1936 : i32
        %mul3A_1959 = arith.constant 128 : i32
        %mul3A_1960 = arith.muli %select_n3A_1958, %mul3A_1959 : i32
        %multiple_of3A_1961 = tpu.assume_multiple %mul3A_1960, 128 : i32
        %slice3A_1962 = vector.extract_strided_slice %get3A_1874 {offsets = [3], sizes = [1], strides = [1]} : vector<16xi32> to vector<1xi32>
        %squeeze3A_1963 = vector.extract %slice3A_1962[0] : i32 from vector<1xi32>
        %jit3A_1964 = arith.constant 128 : i32
        %div3A_1965 = arith.divsi %squeeze3A_1963, %jit3A_1964 : i32
        %sign3A_1966 = arith.constant 0 : i32
        %sign3A_1967 = arith.cmpi sgt, %squeeze3A_1963, %sign3A_1966 : i32
        %sign3A_1968 = arith.extui %sign3A_1967 : i1 to i32
        %sign3A_1969 = arith.constant 0 : i32
        %sign3A_1970 = arith.cmpi slt, %squeeze3A_1963, %sign3A_1969 : i32
        %sign3A_1971 = arith.extui %sign3A_1970 : i1 to i32
        %sign3A_1972 = arith.subi %sign3A_1968, %sign3A_1971 : i32
        %sign3A_1973 = arith.constant 0 : i32
        %sign3A_1974 = arith.cmpi sgt, %jit3A_1964, %sign3A_1973 : i32
        %sign3A_1975 = arith.extui %sign3A_1974 : i1 to i32
        %sign3A_1976 = arith.constant 0 : i32
        %sign3A_1977 = arith.cmpi slt, %jit3A_1964, %sign3A_1976 : i32
        %sign3A_1978 = arith.extui %sign3A_1977 : i1 to i32
        %sign3A_1979 = arith.subi %sign3A_1975, %sign3A_1978 : i32
        %ne3A_1980 = arith.cmpi ne, %sign3A_1972, %sign3A_1979 : i32
        %rem3A_1981 = arith.remsi %squeeze3A_1963, %jit3A_1964 : i32
        %ne3A_1982 = arith.constant 0 : i32
        %ne3A_1983 = arith.cmpi ne, %rem3A_1981, %ne3A_1982 : i32
        %and3A_1984 = arith.andi %ne3A_1980, %ne3A_1983 : i1
        %sub3A_1985 = arith.constant 1 : i32
        %sub3A_1986 = arith.subi %div3A_1965, %sub3A_1985 : i32
        %select_n3A_1987 = arith.select %and3A_1984, %sub3A_1986, %div3A_1965 : i32
        %mul3A_1988 = arith.constant 128 : i32
        %mul3A_1989 = arith.muli %select_n3A_1987, %mul3A_1988 : i32
        %multiple_of3A_1990 = tpu.assume_multiple %mul3A_1989, 128 : i32
        %slice3A_1991 = vector.extract_strided_slice %get3A_1874 {offsets = [4], sizes = [1], strides = [1]} : vector<16xi32> to vector<1xi32>
        %squeeze3A_1992 = vector.extract %slice3A_1991[0] : i32 from vector<1xi32>
        %jit3A_1993 = arith.constant 128 : i32
        %div3A_1994 = arith.divsi %squeeze3A_1992, %jit3A_1993 : i32
        %sign3A_1995 = arith.constant 0 : i32
        %sign3A_1996 = arith.cmpi sgt, %squeeze3A_1992, %sign3A_1995 : i32
        %sign3A_1997 = arith.extui %sign3A_1996 : i1 to i32
        %sign3A_1998 = arith.constant 0 : i32
        %sign3A_1999 = arith.cmpi slt, %squeeze3A_1992, %sign3A_1998 : i32
        %sign3A_2000 = arith.extui %sign3A_1999 : i1 to i32
        %sign3A_2001 = arith.subi %sign3A_1997, %sign3A_2000 : i32
        %sign3A_2002 = arith.constant 0 : i32
        %sign3A_2003 = arith.cmpi sgt, %jit3A_1993, %sign3A_2002 : i32
        %sign3A_2004 = arith.extui %sign3A_2003 : i1 to i32
        %sign3A_2005 = arith.constant 0 : i32
        %sign3A_2006 = arith.cmpi slt, %jit3A_1993, %sign3A_2005 : i32
        %sign3A_2007 = arith.extui %sign3A_2006 : i1 to i32
        %sign3A_2008 = arith.subi %sign3A_2004, %sign3A_2007 : i32
        %ne3A_2009 = arith.cmpi ne, %sign3A_2001, %sign3A_2008 : i32
        %rem3A_2010 = arith.remsi %squeeze3A_1992, %jit3A_1993 : i32
        %ne3A_2011 = arith.constant 0 : i32
        %ne3A_2012 = arith.cmpi ne, %rem3A_2010, %ne3A_2011 : i32
        %and3A_2013 = arith.andi %ne3A_2009, %ne3A_2012 : i1
        %sub3A_2014 = arith.constant 1 : i32
        %sub3A_2015 = arith.subi %div3A_1994, %sub3A_2014 : i32
        %select_n3A_2016 = arith.select %and3A_2013, %sub3A_2015, %div3A_1994 : i32
        %mul3A_2017 = arith.constant 128 : i32
        %mul3A_2018 = arith.muli %select_n3A_2016, %mul3A_2017 : i32
        %multiple_of3A_2019 = tpu.assume_multiple %mul3A_2018, 128 : i32
        %slice3A_2020 = vector.extract_strided_slice %get3A_1874 {offsets = [5], sizes = [1], strides = [1]} : vector<16xi32> to vector<1xi32>
        %squeeze3A_2021 = vector.extract %slice3A_2020[0] : i32 from vector<1xi32>
        %jit3A_2022 = arith.constant 128 : i32
        %div3A_2023 = arith.divsi %squeeze3A_2021, %jit3A_2022 : i32
        %sign3A_2024 = arith.constant 0 : i32
        %sign3A_2025 = arith.cmpi sgt, %squeeze3A_2021, %sign3A_2024 : i32
        %sign3A_2026 = arith.extui %sign3A_2025 : i1 to i32
        %sign3A_2027 = arith.constant 0 : i32
        %sign3A_2028 = arith.cmpi slt, %squeeze3A_2021, %sign3A_2027 : i32
        %sign3A_2029 = arith.extui %sign3A_2028 : i1 to i32
        %sign3A_2030 = arith.subi %sign3A_2026, %sign3A_2029 : i32
        %sign3A_2031 = arith.constant 0 : i32
        %sign3A_2032 = arith.cmpi sgt, %jit3A_2022, %sign3A_2031 : i32
        %sign3A_2033 = arith.extui %sign3A_2032 : i1 to i32
        %sign3A_2034 = arith.constant 0 : i32
        %sign3A_2035 = arith.cmpi slt, %jit3A_2022, %sign3A_2034 : i32
        %sign3A_2036 = arith.extui %sign3A_2035 : i1 to i32
        %sign3A_2037 = arith.subi %sign3A_2033, %sign3A_2036 : i32
        %ne3A_2038 = arith.cmpi ne, %sign3A_2030, %sign3A_2037 : i32
        %rem3A_2039 = arith.remsi %squeeze3A_2021, %jit3A_2022 : i32
        %ne3A_2040 = arith.constant 0 : i32
        %ne3A_2041 = arith.cmpi ne, %rem3A_2039, %ne3A_2040 : i32
        %and3A_2042 = arith.andi %ne3A_2038, %ne3A_2041 : i1
        %sub3A_2043 = arith.constant 1 : i32
        %sub3A_2044 = arith.subi %div3A_2023, %sub3A_2043 : i32
        %select_n3A_2045 = arith.select %and3A_2042, %sub3A_2044, %div3A_2023 : i32
        %mul3A_2046 = arith.constant 128 : i32
        %mul3A_2047 = arith.muli %select_n3A_2045, %mul3A_2046 : i32
        %multiple_of3A_2048 = tpu.assume_multiple %mul3A_2047, 128 : i32
        %slice3A_2049 = vector.extract_strided_slice %get3A_1874 {offsets = [6], sizes = [1], strides = [1]} : vector<16xi32> to vector<1xi32>
        %squeeze3A_2050 = vector.extract %slice3A_2049[0] : i32 from vector<1xi32>
        %jit3A_2051 = arith.constant 128 : i32
        %div3A_2052 = arith.divsi %squeeze3A_2050, %jit3A_2051 : i32
        %sign3A_2053 = arith.constant 0 : i32
        %sign3A_2054 = arith.cmpi sgt, %squeeze3A_2050, %sign3A_2053 : i32
        %sign3A_2055 = arith.extui %sign3A_2054 : i1 to i32
        %sign3A_2056 = arith.constant 0 : i32
        %sign3A_2057 = arith.cmpi slt, %squeeze3A_2050, %sign3A_2056 : i32
        %sign3A_2058 = arith.extui %sign3A_2057 : i1 to i32
        %sign3A_2059 = arith.subi %sign3A_2055, %sign3A_2058 : i32
        %sign3A_2060 = arith.constant 0 : i32
        %sign3A_2061 = arith.cmpi sgt, %jit3A_2051, %sign3A_2060 : i32
        %sign3A_2062 = arith.extui %sign3A_2061 : i1 to i32
        %sign3A_2063 = arith.constant 0 : i32
        %sign3A_2064 = arith.cmpi slt, %jit3A_2051, %sign3A_2063 : i32
        %sign3A_2065 = arith.extui %sign3A_2064 : i1 to i32
        %sign3A_2066 = arith.subi %sign3A_2062, %sign3A_2065 : i32
        %ne3A_2067 = arith.cmpi ne, %sign3A_2059, %sign3A_2066 : i32
        %rem3A_2068 = arith.remsi %squeeze3A_2050, %jit3A_2051 : i32
        %ne3A_2069 = arith.constant 0 : i32
        %ne3A_2070 = arith.cmpi ne, %rem3A_2068, %ne3A_2069 : i32
        %and3A_2071 = arith.andi %ne3A_2067, %ne3A_2070 : i1
        %sub3A_2072 = arith.constant 1 : i32
        %sub3A_2073 = arith.subi %div3A_2052, %sub3A_2072 : i32
        %select_n3A_2074 = arith.select %and3A_2071, %sub3A_2073, %div3A_2052 : i32
        %mul3A_2075 = arith.constant 128 : i32
        %mul3A_2076 = arith.muli %select_n3A_2074, %mul3A_2075 : i32
        %multiple_of3A_2077 = tpu.assume_multiple %mul3A_2076, 128 : i32
        %slice3A_2078 = vector.extract_strided_slice %get3A_1874 {offsets = [7], sizes = [1], strides = [1]} : vector<16xi32> to vector<1xi32>
        %squeeze3A_2079 = vector.extract %slice3A_2078[0] : i32 from vector<1xi32>
        %jit3A_2080 = arith.constant 128 : i32
        %div3A_2081 = arith.divsi %squeeze3A_2079, %jit3A_2080 : i32
        %sign3A_2082 = arith.constant 0 : i32
        %sign3A_2083 = arith.cmpi sgt, %squeeze3A_2079, %sign3A_2082 : i32
        %sign3A_2084 = arith.extui %sign3A_2083 : i1 to i32
        %sign3A_2085 = arith.constant 0 : i32
        %sign3A_2086 = arith.cmpi slt, %squeeze3A_2079, %sign3A_2085 : i32
        %sign3A_2087 = arith.extui %sign3A_2086 : i1 to i32
        %sign3A_2088 = arith.subi %sign3A_2084, %sign3A_2087 : i32
        %sign3A_2089 = arith.constant 0 : i32
        %sign3A_2090 = arith.cmpi sgt, %jit3A_2080, %sign3A_2089 : i32
        %sign3A_2091 = arith.extui %sign3A_2090 : i1 to i32
        %sign3A_2092 = arith.constant 0 : i32
        %sign3A_2093 = arith.cmpi slt, %jit3A_2080, %sign3A_2092 : i32
        %sign3A_2094 = arith.extui %sign3A_2093 : i1 to i32
        %sign3A_2095 = arith.subi %sign3A_2091, %sign3A_2094 : i32
        %ne3A_2096 = arith.cmpi ne, %sign3A_2088, %sign3A_2095 : i32
        %rem3A_2097 = arith.remsi %squeeze3A_2079, %jit3A_2080 : i32
        %ne3A_2098 = arith.constant 0 : i32
        %ne3A_2099 = arith.cmpi ne, %rem3A_2097, %ne3A_2098 : i32
        %and3A_2100 = arith.andi %ne3A_2096, %ne3A_2099 : i1
        %sub3A_2101 = arith.constant 1 : i32
        %sub3A_2102 = arith.subi %div3A_2081, %sub3A_2101 : i32
        %select_n3A_2103 = arith.select %and3A_2100, %sub3A_2102, %div3A_2081 : i32
        %mul3A_2104 = arith.constant 128 : i32
        %mul3A_2105 = arith.muli %select_n3A_2103, %mul3A_2104 : i32
        %multiple_of3A_2106 = tpu.assume_multiple %mul3A_2105, 128 : i32
        %ne3A_2107 = arith.cmpi ne, %multiple_of3A_1932, %multiple_of3A_1903 : i32
        %jit3A_2108 = arith.constant 1 : i32
        %jit3A_2109 = arith.constant 0 : i32
        %select_n3A_2110 = arith.select %ne3A_2107, %jit3A_2108, %jit3A_2109 : i32
        %ne3A_2111 = arith.cmpi ne, %multiple_of3A_1961, %multiple_of3A_1932 : i32
        %jit3A_2112 = arith.constant 2 : i32
        %select_n3A_2113 = arith.select %ne3A_2111, %jit3A_2112, %select_n3A_2110 : i32
        %ne3A_2114 = arith.cmpi ne, %multiple_of3A_1990, %multiple_of3A_1961 : i32
        %jit3A_2115 = arith.constant 3 : i32
        %select_n3A_2116 = arith.select %ne3A_2114, %jit3A_2115, %select_n3A_2113 : i32
        %ne3A_2117 = arith.cmpi ne, %multiple_of3A_2019, %multiple_of3A_1990 : i32
        %jit3A_2118 = arith.constant 4 : i32
        %select_n3A_2119 = arith.select %ne3A_2117, %jit3A_2118, %select_n3A_2116 : i32
        %ne3A_2120 = arith.cmpi ne, %multiple_of3A_2048, %multiple_of3A_2019 : i32
        %jit3A_2121 = arith.constant 5 : i32
        %select_n3A_2122 = arith.select %ne3A_2120, %jit3A_2121, %select_n3A_2119 : i32
        %ne3A_2123 = arith.cmpi ne, %multiple_of3A_2077, %multiple_of3A_2048 : i32
        %jit3A_2124 = arith.constant 6 : i32
        %select_n3A_2125 = arith.select %ne3A_2123, %jit3A_2124, %select_n3A_2122 : i32
        %ne3A_2126 = arith.cmpi ne, %multiple_of3A_2106, %multiple_of3A_2077 : i32
        %jit3A_2127 = arith.constant 7 : i32
        %select_n3A_2128 = arith.select %ne3A_2126, %jit3A_2127, %select_n3A_2125 : i32
        %mul3A_2129 = arith.constant 8 : i32
        %mul3A_2130 = arith.muli %rem3A_1870, %mul3A_2129 : i32
        %add3A_2131 = arith.constant 0 : i32
        %add3A_2132 = arith.addi %mul3A_2130, %add3A_2131 : i32
        %mul3A_2133 = arith.constant 8 : i32
        %mul3A_2134 = arith.muli %rem3A_1870, %mul3A_2133 : i32
        %add3A_2135 = arith.constant 0 : i32
        %add3A_2136 = arith.addi %mul3A_2134, %add3A_2135 : i32
        %dma_start3A_2137 = arith.constant 0 : i32
        %dma_start3A_2138 = arith.constant 0 : i32
        %dma_start3A_2139 = tpu.memref_slice %arg12[%add3A_2132, %dma_start3A_2137, %dma_start3A_2138] : memref<24x32x128xf32, #tpu.memory_space<vmem>> -> memref<1x32x128xf32, #tpu.memory_space<vmem>>
        %dma_start3A_2140 = tpu.memref_squeeze %dma_start3A_2139 : memref<1x32x128xf32, #tpu.memory_space<vmem>> -> memref<32x128xf32, #tpu.memory_space<vmem>>
        %dma_start3A_2141 = arith.constant 0 : i32
        %dma_start3A_2142 = tpu.memref_slice %arg6[%dma_start3A_2141, %multiple_of3A_1903] : memref<32x1000000xf32, #tpu.memory_space<hbm>> -> memref<32x128xf32, #tpu.memory_space<hbm>>
        %dma_start3A_2143 = tpu.memref_slice %arg14[%add3A_2136] : memref<24x!tpu.dma_semaphore, #tpu.memory_space<semaphore_mem>> -> memref<1x!tpu.dma_semaphore, #tpu.memory_space<semaphore_mem>>
        %dma_start3A_2144 = tpu.memref_squeeze %dma_start3A_2143 : memref<1x!tpu.dma_semaphore, #tpu.memory_space<semaphore_mem>> -> memref<!tpu.dma_semaphore, #tpu.memory_space<semaphore_mem>>
        %dma_start3A_2145 = arith.constant 0 : i32
        %dma_start3A_2146 = arith.constant 0 : i32
        %dma_start3A_2147 = tpu.memref_slice %arg12[%add3A_2132, %dma_start3A_2145, %dma_start3A_2146] : memref<24x32x128xf32, #tpu.memory_space<vmem>> -> memref<1x32x128xf32, #tpu.memory_space<vmem>>
        %dma_start3A_2148 = tpu.memref_squeeze %dma_start3A_2147 : memref<1x32x128xf32, #tpu.memory_space<vmem>> -> memref<32x128xf32, #tpu.memory_space<vmem>>
        %dma_start3A_2149 = arith.constant 0 : i32
        %dma_start3A_2150 = tpu.memref_slice %arg6[%dma_start3A_2149, %multiple_of3A_1903] : memref<32x1000000xf32, #tpu.memory_space<hbm>> -> memref<32x128xf32, #tpu.memory_space<hbm>>
        tpu.enqueue_dma source(%dma_start3A_2150 : memref<32x128xf32, #tpu.memory_space<hbm>>) target(%dma_start3A_2148 : memref<32x128xf32, #tpu.memory_space<vmem>>) target_semaphore(%dma_start3A_2144 : memref<!tpu.dma_semaphore, #tpu.memory_space<semaphore_mem>>)
        %convert_element_type3A_2151 = arith.extui %ne3A_2107 : i1 to i32
        %cond3A_2152 = arith.constant 0 : i32
        %cond3A_2153 = arith.cmpi ne, %convert_element_type3A_2151, %cond3A_2152 : i32
        scf.if %cond3A_2153 {
          %mul3A_2172 = arith.constant 8 : i32
          %mul3A_2173 = arith.muli %rem3A_1870, %mul3A_2172 : i32
          %add3A_2174 = arith.constant 1 : i32
          %add3A_2175 = arith.addi %mul3A_2173, %add3A_2174 : i32
          %mul3A_2176 = arith.constant 8 : i32
          %mul3A_2177 = arith.muli %rem3A_1870, %mul3A_2176 : i32
          %add3A_2178 = arith.constant 1 : i32
          %add3A_2179 = arith.addi %mul3A_2177, %add3A_2178 : i32
          %dma_start3A_2180 = arith.constant 0 : i32
          %dma_start3A_2181 = arith.constant 0 : i32
          %dma_start3A_2182 = tpu.memref_slice %arg12[%add3A_2175, %dma_start3A_2180, %dma_start3A_2181] : memref<24x32x128xf32, #tpu.memory_space<vmem>> -> memref<1x32x128xf32, #tpu.memory_space<vmem>>
          %dma_start3A_2183 = tpu.memref_squeeze %dma_start3A_2182 : memref<1x32x128xf32, #tpu.memory_space<vmem>> -> memref<32x128xf32, #tpu.memory_space<vmem>>
          %dma_start3A_2184 = arith.constant 0 : i32
          %dma_start3A_2185 = tpu.memref_slice %arg6[%dma_start3A_2184, %multiple_of3A_1932] : memref<32x1000000xf32, #tpu.memory_space<hbm>> -> memref<32x128xf32, #tpu.memory_space<hbm>>
          %dma_start3A_2186 = tpu.memref_slice %arg14[%add3A_2179] : memref<24x!tpu.dma_semaphore, #tpu.memory_space<semaphore_mem>> -> memref<1x!tpu.dma_semaphore, #tpu.memory_space<semaphore_mem>>
          %dma_start3A_2187 = tpu.memref_squeeze %dma_start3A_2186 : memref<1x!tpu.dma_semaphore, #tpu.memory_space<semaphore_mem>> -> memref<!tpu.dma_semaphore, #tpu.memory_space<semaphore_mem>>
          %dma_start3A_2188 = arith.constant 0 : i32
          %dma_start3A_2189 = arith.constant 0 : i32
          %dma_start3A_2190 = tpu.memref_slice %arg12[%add3A_2175, %dma_start3A_2188, %dma_start3A_2189] : memref<24x32x128xf32, #tpu.memory_space<vmem>> -> memref<1x32x128xf32, #tpu.memory_space<vmem>>
          %dma_start3A_2191 = tpu.memref_squeeze %dma_start3A_2190 : memref<1x32x128xf32, #tpu.memory_space<vmem>> -> memref<32x128xf32, #tpu.memory_space<vmem>>
          %dma_start3A_2192 = arith.constant 0 : i32
          %dma_start3A_2193 = tpu.memref_slice %arg6[%dma_start3A_2192, %multiple_of3A_1932] : memref<32x1000000xf32, #tpu.memory_space<hbm>> -> memref<32x128xf32, #tpu.memory_space<hbm>>
          tpu.enqueue_dma source(%dma_start3A_2193 : memref<32x128xf32, #tpu.memory_space<hbm>>) target(%dma_start3A_2191 : memref<32x128xf32, #tpu.memory_space<vmem>>) target_semaphore(%dma_start3A_2187 : memref<!tpu.dma_semaphore, #tpu.memory_space<semaphore_mem>>)
        } else {
        }
        %convert_element_type3A_2154 = arith.extui %ne3A_2111 : i1 to i32
        %cond3A_2155 = arith.constant 0 : i32
        %cond3A_2156 = arith.cmpi ne, %convert_element_type3A_2154, %cond3A_2155 : i32
        scf.if %cond3A_2156 {
          %mul3A_2172 = arith.constant 8 : i32
          %mul3A_2173 = arith.muli %rem3A_1870, %mul3A_2172 : i32
          %add3A_2174 = arith.constant 2 : i32
          %add3A_2175 = arith.addi %mul3A_2173, %add3A_2174 : i32
          %mul3A_2176 = arith.constant 8 : i32
          %mul3A_2177 = arith.muli %rem3A_1870, %mul3A_2176 : i32
          %add3A_2178 = arith.constant 2 : i32
          %add3A_2179 = arith.addi %mul3A_2177, %add3A_2178 : i32
          %dma_start3A_2180 = arith.constant 0 : i32
          %dma_start3A_2181 = arith.constant 0 : i32
          %dma_start3A_2182 = tpu.memref_slice %arg12[%add3A_2175, %dma_start3A_2180, %dma_start3A_2181] : memref<24x32x128xf32, #tpu.memory_space<vmem>> -> memref<1x32x128xf32, #tpu.memory_space<vmem>>
          %dma_start3A_2183 = tpu.memref_squeeze %dma_start3A_2182 : memref<1x32x128xf32, #tpu.memory_space<vmem>> -> memref<32x128xf32, #tpu.memory_space<vmem>>
          %dma_start3A_2184 = arith.constant 0 : i32
          %dma_start3A_2185 = tpu.memref_slice %arg6[%dma_start3A_2184, %multiple_of3A_1961] : memref<32x1000000xf32, #tpu.memory_space<hbm>> -> memref<32x128xf32, #tpu.memory_space<hbm>>
          %dma_start3A_2186 = tpu.memref_slice %arg14[%add3A_2179] : memref<24x!tpu.dma_semaphore, #tpu.memory_space<semaphore_mem>> -> memref<1x!tpu.dma_semaphore, #tpu.memory_space<semaphore_mem>>
          %dma_start3A_2187 = tpu.memref_squeeze %dma_start3A_2186 : memref<1x!tpu.dma_semaphore, #tpu.memory_space<semaphore_mem>> -> memref<!tpu.dma_semaphore, #tpu.memory_space<semaphore_mem>>
          %dma_start3A_2188 = arith.constant 0 : i32
          %dma_start3A_2189 = arith.constant 0 : i32
          %dma_start3A_2190 = tpu.memref_slice %arg12[%add3A_2175, %dma_start3A_2188, %dma_start3A_2189] : memref<24x32x128xf32, #tpu.memory_space<vmem>> -> memref<1x32x128xf32, #tpu.memory_space<vmem>>
          %dma_start3A_2191 = tpu.memref_squeeze %dma_start3A_2190 : memref<1x32x128xf32, #tpu.memory_space<vmem>> -> memref<32x128xf32, #tpu.memory_space<vmem>>
          %dma_start3A_2192 = arith.constant 0 : i32
          %dma_start3A_2193 = tpu.memref_slice %arg6[%dma_start3A_2192, %multiple_of3A_1961] : memref<32x1000000xf32, #tpu.memory_space<hbm>> -> memref<32x128xf32, #tpu.memory_space<hbm>>
          tpu.enqueue_dma source(%dma_start3A_2193 : memref<32x128xf32, #tpu.memory_space<hbm>>) target(%dma_start3A_2191 : memref<32x128xf32, #tpu.memory_space<vmem>>) target_semaphore(%dma_start3A_2187 : memref<!tpu.dma_semaphore, #tpu.memory_space<semaphore_mem>>)
        } else {
        }
        %convert_element_type3A_2157 = arith.extui %ne3A_2114 : i1 to i32
        %cond3A_2158 = arith.constant 0 : i32
        %cond3A_2159 = arith.cmpi ne, %convert_element_type3A_2157, %cond3A_2158 : i32
        scf.if %cond3A_2159 {
          %mul3A_2172 = arith.constant 8 : i32
          %mul3A_2173 = arith.muli %rem3A_1870, %mul3A_2172 : i32
          %add3A_2174 = arith.constant 3 : i32
          %add3A_2175 = arith.addi %mul3A_2173, %add3A_2174 : i32
          %mul3A_2176 = arith.constant 8 : i32
          %mul3A_2177 = arith.muli %rem3A_1870, %mul3A_2176 : i32
          %add3A_2178 = arith.constant 3 : i32
          %add3A_2179 = arith.addi %mul3A_2177, %add3A_2178 : i32
          %dma_start3A_2180 = arith.constant 0 : i32
          %dma_start3A_2181 = arith.constant 0 : i32
          %dma_start3A_2182 = tpu.memref_slice %arg12[%add3A_2175, %dma_start3A_2180, %dma_start3A_2181] : memref<24x32x128xf32, #tpu.memory_space<vmem>> -> memref<1x32x128xf32, #tpu.memory_space<vmem>>
          %dma_start3A_2183 = tpu.memref_squeeze %dma_start3A_2182 : memref<1x32x128xf32, #tpu.memory_space<vmem>> -> memref<32x128xf32, #tpu.memory_space<vmem>>
          %dma_start3A_2184 = arith.constant 0 : i32
          %dma_start3A_2185 = tpu.memref_slice %arg6[%dma_start3A_2184, %multiple_of3A_1990] : memref<32x1000000xf32, #tpu.memory_space<hbm>> -> memref<32x128xf32, #tpu.memory_space<hbm>>
          %dma_start3A_2186 = tpu.memref_slice %arg14[%add3A_2179] : memref<24x!tpu.dma_semaphore, #tpu.memory_space<semaphore_mem>> -> memref<1x!tpu.dma_semaphore, #tpu.memory_space<semaphore_mem>>
          %dma_start3A_2187 = tpu.memref_squeeze %dma_start3A_2186 : memref<1x!tpu.dma_semaphore, #tpu.memory_space<semaphore_mem>> -> memref<!tpu.dma_semaphore, #tpu.memory_space<semaphore_mem>>
          %dma_start3A_2188 = arith.constant 0 : i32
          %dma_start3A_2189 = arith.constant 0 : i32
          %dma_start3A_2190 = tpu.memref_slice %arg12[%add3A_2175, %dma_start3A_2188, %dma_start3A_2189] : memref<24x32x128xf32, #tpu.memory_space<vmem>> -> memref<1x32x128xf32, #tpu.memory_space<vmem>>
          %dma_start3A_2191 = tpu.memref_squeeze %dma_start3A_2190 : memref<1x32x128xf32, #tpu.memory_space<vmem>> -> memref<32x128xf32, #tpu.memory_space<vmem>>
          %dma_start3A_2192 = arith.constant 0 : i32
          %dma_start3A_2193 = tpu.memref_slice %arg6[%dma_start3A_2192, %multiple_of3A_1990] : memref<32x1000000xf32, #tpu.memory_space<hbm>> -> memref<32x128xf32, #tpu.memory_space<hbm>>
          tpu.enqueue_dma source(%dma_start3A_2193 : memref<32x128xf32, #tpu.memory_space<hbm>>) target(%dma_start3A_2191 : memref<32x128xf32, #tpu.memory_space<vmem>>) target_semaphore(%dma_start3A_2187 : memref<!tpu.dma_semaphore, #tpu.memory_space<semaphore_mem>>)
        } else {
        }
        %convert_element_type3A_2160 = arith.extui %ne3A_2117 : i1 to i32
        %cond3A_2161 = arith.constant 0 : i32
        %cond3A_2162 = arith.cmpi ne, %convert_element_type3A_2160, %cond3A_2161 : i32
        scf.if %cond3A_2162 {
          %mul3A_2172 = arith.constant 8 : i32
          %mul3A_2173 = arith.muli %rem3A_1870, %mul3A_2172 : i32
          %add3A_2174 = arith.constant 4 : i32
          %add3A_2175 = arith.addi %mul3A_2173, %add3A_2174 : i32
          %mul3A_2176 = arith.constant 8 : i32
          %mul3A_2177 = arith.muli %rem3A_1870, %mul3A_2176 : i32
          %add3A_2178 = arith.constant 4 : i32
          %add3A_2179 = arith.addi %mul3A_2177, %add3A_2178 : i32
          %dma_start3A_2180 = arith.constant 0 : i32
          %dma_start3A_2181 = arith.constant 0 : i32
          %dma_start3A_2182 = tpu.memref_slice %arg12[%add3A_2175, %dma_start3A_2180, %dma_start3A_2181] : memref<24x32x128xf32, #tpu.memory_space<vmem>> -> memref<1x32x128xf32, #tpu.memory_space<vmem>>
          %dma_start3A_2183 = tpu.memref_squeeze %dma_start3A_2182 : memref<1x32x128xf32, #tpu.memory_space<vmem>> -> memref<32x128xf32, #tpu.memory_space<vmem>>
          %dma_start3A_2184 = arith.constant 0 : i32
          %dma_start3A_2185 = tpu.memref_slice %arg6[%dma_start3A_2184, %multiple_of3A_2019] : memref<32x1000000xf32, #tpu.memory_space<hbm>> -> memref<32x128xf32, #tpu.memory_space<hbm>>
          %dma_start3A_2186 = tpu.memref_slice %arg14[%add3A_2179] : memref<24x!tpu.dma_semaphore, #tpu.memory_space<semaphore_mem>> -> memref<1x!tpu.dma_semaphore, #tpu.memory_space<semaphore_mem>>
          %dma_start3A_2187 = tpu.memref_squeeze %dma_start3A_2186 : memref<1x!tpu.dma_semaphore, #tpu.memory_space<semaphore_mem>> -> memref<!tpu.dma_semaphore, #tpu.memory_space<semaphore_mem>>
          %dma_start3A_2188 = arith.constant 0 : i32
          %dma_start3A_2189 = arith.constant 0 : i32
          %dma_start3A_2190 = tpu.memref_slice %arg12[%add3A_2175, %dma_start3A_2188, %dma_start3A_2189] : memref<24x32x128xf32, #tpu.memory_space<vmem>> -> memref<1x32x128xf32, #tpu.memory_space<vmem>>
          %dma_start3A_2191 = tpu.memref_squeeze %dma_start3A_2190 : memref<1x32x128xf32, #tpu.memory_space<vmem>> -> memref<32x128xf32, #tpu.memory_space<vmem>>
          %dma_start3A_2192 = arith.constant 0 : i32
          %dma_start3A_2193 = tpu.memref_slice %arg6[%dma_start3A_2192, %multiple_of3A_2019] : memref<32x1000000xf32, #tpu.memory_space<hbm>> -> memref<32x128xf32, #tpu.memory_space<hbm>>
          tpu.enqueue_dma source(%dma_start3A_2193 : memref<32x128xf32, #tpu.memory_space<hbm>>) target(%dma_start3A_2191 : memref<32x128xf32, #tpu.memory_space<vmem>>) target_semaphore(%dma_start3A_2187 : memref<!tpu.dma_semaphore, #tpu.memory_space<semaphore_mem>>)
        } else {
        }
        %convert_element_type3A_2163 = arith.extui %ne3A_2120 : i1 to i32
        %cond3A_2164 = arith.constant 0 : i32
        %cond3A_2165 = arith.cmpi ne, %convert_element_type3A_2163, %cond3A_2164 : i32
        scf.if %cond3A_2165 {
          %mul3A_2172 = arith.constant 8 : i32
          %mul3A_2173 = arith.muli %rem3A_1870, %mul3A_2172 : i32
          %add3A_2174 = arith.constant 5 : i32
          %add3A_2175 = arith.addi %mul3A_2173, %add3A_2174 : i32
          %mul3A_2176 = arith.constant 8 : i32
          %mul3A_2177 = arith.muli %rem3A_1870, %mul3A_2176 : i32
          %add3A_2178 = arith.constant 5 : i32
          %add3A_2179 = arith.addi %mul3A_2177, %add3A_2178 : i32
          %dma_start3A_2180 = arith.constant 0 : i32
          %dma_start3A_2181 = arith.constant 0 : i32
          %dma_start3A_2182 = tpu.memref_slice %arg12[%add3A_2175, %dma_start3A_2180, %dma_start3A_2181] : memref<24x32x128xf32, #tpu.memory_space<vmem>> -> memref<1x32x128xf32, #tpu.memory_space<vmem>>
          %dma_start3A_2183 = tpu.memref_squeeze %dma_start3A_2182 : memref<1x32x128xf32, #tpu.memory_space<vmem>> -> memref<32x128xf32, #tpu.memory_space<vmem>>
          %dma_start3A_2184 = arith.constant 0 : i32
          %dma_start3A_2185 = tpu.memref_slice %arg6[%dma_start3A_2184, %multiple_of3A_2048] : memref<32x1000000xf32, #tpu.memory_space<hbm>> -> memref<32x128xf32, #tpu.memory_space<hbm>>
          %dma_start3A_2186 = tpu.memref_slice %arg14[%add3A_2179] : memref<24x!tpu.dma_semaphore, #tpu.memory_space<semaphore_mem>> -> memref<1x!tpu.dma_semaphore, #tpu.memory_space<semaphore_mem>>
          %dma_start3A_2187 = tpu.memref_squeeze %dma_start3A_2186 : memref<1x!tpu.dma_semaphore, #tpu.memory_space<semaphore_mem>> -> memref<!tpu.dma_semaphore, #tpu.memory_space<semaphore_mem>>
          %dma_start3A_2188 = arith.constant 0 : i32
          %dma_start3A_2189 = arith.constant 0 : i32
          %dma_start3A_2190 = tpu.memref_slice %arg12[%add3A_2175, %dma_start3A_2188, %dma_start3A_2189] : memref<24x32x128xf32, #tpu.memory_space<vmem>> -> memref<1x32x128xf32, #tpu.memory_space<vmem>>
          %dma_start3A_2191 = tpu.memref_squeeze %dma_start3A_2190 : memref<1x32x128xf32, #tpu.memory_space<vmem>> -> memref<32x128xf32, #tpu.memory_space<vmem>>
          %dma_start3A_2192 = arith.constant 0 : i32
          %dma_start3A_2193 = tpu.memref_slice %arg6[%dma_start3A_2192, %multiple_of3A_2048] : memref<32x1000000xf32, #tpu.memory_space<hbm>> -> memref<32x128xf32, #tpu.memory_space<hbm>>
          tpu.enqueue_dma source(%dma_start3A_2193 : memref<32x128xf32, #tpu.memory_space<hbm>>) target(%dma_start3A_2191 : memref<32x128xf32, #tpu.memory_space<vmem>>) target_semaphore(%dma_start3A_2187 : memref<!tpu.dma_semaphore, #tpu.memory_space<semaphore_mem>>)
        } else {
        }
        %convert_element_type3A_2166 = arith.extui %ne3A_2123 : i1 to i32
        %cond3A_2167 = arith.constant 0 : i32
        %cond3A_2168 = arith.cmpi ne, %convert_element_type3A_2166, %cond3A_2167 : i32
        scf.if %cond3A_2168 {
          %mul3A_2172 = arith.constant 8 : i32
          %mul3A_2173 = arith.muli %rem3A_1870, %mul3A_2172 : i32
          %add3A_2174 = arith.constant 6 : i32
          %add3A_2175 = arith.addi %mul3A_2173, %add3A_2174 : i32
          %mul3A_2176 = arith.constant 8 : i32
          %mul3A_2177 = arith.muli %rem3A_1870, %mul3A_2176 : i32
          %add3A_2178 = arith.constant 6 : i32
          %add3A_2179 = arith.addi %mul3A_2177, %add3A_2178 : i32
          %dma_start3A_2180 = arith.constant 0 : i32
          %dma_start3A_2181 = arith.constant 0 : i32
          %dma_start3A_2182 = tpu.memref_slice %arg12[%add3A_2175, %dma_start3A_2180, %dma_start3A_2181] : memref<24x32x128xf32, #tpu.memory_space<vmem>> -> memref<1x32x128xf32, #tpu.memory_space<vmem>>
          %dma_start3A_2183 = tpu.memref_squeeze %dma_start3A_2182 : memref<1x32x128xf32, #tpu.memory_space<vmem>> -> memref<32x128xf32, #tpu.memory_space<vmem>>
          %dma_start3A_2184 = arith.constant 0 : i32
          %dma_start3A_2185 = tpu.memref_slice %arg6[%dma_start3A_2184, %multiple_of3A_2077] : memref<32x1000000xf32, #tpu.memory_space<hbm>> -> memref<32x128xf32, #tpu.memory_space<hbm>>
          %dma_start3A_2186 = tpu.memref_slice %arg14[%add3A_2179] : memref<24x!tpu.dma_semaphore, #tpu.memory_space<semaphore_mem>> -> memref<1x!tpu.dma_semaphore, #tpu.memory_space<semaphore_mem>>
          %dma_start3A_2187 = tpu.memref_squeeze %dma_start3A_2186 : memref<1x!tpu.dma_semaphore, #tpu.memory_space<semaphore_mem>> -> memref<!tpu.dma_semaphore, #tpu.memory_space<semaphore_mem>>
          %dma_start3A_2188 = arith.constant 0 : i32
          %dma_start3A_2189 = arith.constant 0 : i32
          %dma_start3A_2190 = tpu.memref_slice %arg12[%add3A_2175, %dma_start3A_2188, %dma_start3A_2189] : memref<24x32x128xf32, #tpu.memory_space<vmem>> -> memref<1x32x128xf32, #tpu.memory_space<vmem>>
          %dma_start3A_2191 = tpu.memref_squeeze %dma_start3A_2190 : memref<1x32x128xf32, #tpu.memory_space<vmem>> -> memref<32x128xf32, #tpu.memory_space<vmem>>
          %dma_start3A_2192 = arith.constant 0 : i32
          %dma_start3A_2193 = tpu.memref_slice %arg6[%dma_start3A_2192, %multiple_of3A_2077] : memref<32x1000000xf32, #tpu.memory_space<hbm>> -> memref<32x128xf32, #tpu.memory_space<hbm>>
          tpu.enqueue_dma source(%dma_start3A_2193 : memref<32x128xf32, #tpu.memory_space<hbm>>) target(%dma_start3A_2191 : memref<32x128xf32, #tpu.memory_space<vmem>>) target_semaphore(%dma_start3A_2187 : memref<!tpu.dma_semaphore, #tpu.memory_space<semaphore_mem>>)
        } else {
        }
        %convert_element_type3A_2169 = arith.extui %ne3A_2126 : i1 to i32
        %cond3A_2170 = arith.constant 0 : i32
        %cond3A_2171 = arith.cmpi ne, %convert_element_type3A_2169, %cond3A_2170 : i32
        scf.if %cond3A_2171 {
          %mul3A_2172 = arith.constant 8 : i32
          %mul3A_2173 = arith.muli %rem3A_1870, %mul3A_2172 : i32
          %add3A_2174 = arith.constant 7 : i32
          %add3A_2175 = arith.addi %mul3A_2173, %add3A_2174 : i32
          %mul3A_2176 = arith.constant 8 : i32
          %mul3A_2177 = arith.muli %rem3A_1870, %mul3A_2176 : i32
          %add3A_2178 = arith.constant 7 : i32
          %add3A_2179 = arith.addi %mul3A_2177, %add3A_2178 : i32
          %dma_start3A_2180 = arith.constant 0 : i32
          %dma_start3A_2181 = arith.constant 0 : i32
          %dma_start3A_2182 = tpu.memref_slice %arg12[%add3A_2175, %dma_start3A_2180, %dma_start3A_2181] : memref<24x32x128xf32, #tpu.memory_space<vmem>> -> memref<1x32x128xf32, #tpu.memory_space<vmem>>
          %dma_start3A_2183 = tpu.memref_squeeze %dma_start3A_2182 : memref<1x32x128xf32, #tpu.memory_space<vmem>> -> memref<32x128xf32, #tpu.memory_space<vmem>>
          %dma_start3A_2184 = arith.constant 0 : i32
          %dma_start3A_2185 = tpu.memref_slice %arg6[%dma_start3A_2184, %multiple_of3A_2106] : memref<32x1000000xf32, #tpu.memory_space<hbm>> -> memref<32x128xf32, #tpu.memory_space<hbm>>
          %dma_start3A_2186 = tpu.memref_slice %arg14[%add3A_2179] : memref<24x!tpu.dma_semaphore, #tpu.memory_space<semaphore_mem>> -> memref<1x!tpu.dma_semaphore, #tpu.memory_space<semaphore_mem>>
          %dma_start3A_2187 = tpu.memref_squeeze %dma_start3A_2186 : memref<1x!tpu.dma_semaphore, #tpu.memory_space<semaphore_mem>> -> memref<!tpu.dma_semaphore, #tpu.memory_space<semaphore_mem>>
          %dma_start3A_2188 = arith.constant 0 : i32
          %dma_start3A_2189 = arith.constant 0 : i32
          %dma_start3A_2190 = tpu.memref_slice %arg12[%add3A_2175, %dma_start3A_2188, %dma_start3A_2189] : memref<24x32x128xf32, #tpu.memory_space<vmem>> -> memref<1x32x128xf32, #tpu.memory_space<vmem>>
          %dma_start3A_2191 = tpu.memref_squeeze %dma_start3A_2190 : memref<1x32x128xf32, #tpu.memory_space<vmem>> -> memref<32x128xf32, #tpu.memory_space<vmem>>
          %dma_start3A_2192 = arith.constant 0 : i32
          %dma_start3A_2193 = tpu.memref_slice %arg6[%dma_start3A_2192, %multiple_of3A_2106] : memref<32x1000000xf32, #tpu.memory_space<hbm>> -> memref<32x128xf32, #tpu.memory_space<hbm>>
          tpu.enqueue_dma source(%dma_start3A_2193 : memref<32x128xf32, #tpu.memory_space<hbm>>) target(%dma_start3A_2191 : memref<32x128xf32, #tpu.memory_space<vmem>>) target_semaphore(%dma_start3A_2187 : memref<!tpu.dma_semaphore, #tpu.memory_space<semaphore_mem>>)
        } else {
        }
      } else {
      }
      %jit3A_1239 = arith.constant 8 : i32
      %div3A_1240 = arith.divsi %add3A_1232, %jit3A_1239 : i32
      %sign3A_1241 = arith.constant 0 : i32
      %sign3A_1242 = arith.cmpi sgt, %add3A_1232, %sign3A_1241 : i32
      %sign3A_1243 = arith.extui %sign3A_1242 : i1 to i32
      %sign3A_1244 = arith.constant 0 : i32
      %sign3A_1245 = arith.cmpi slt, %add3A_1232, %sign3A_1244 : i32
      %sign3A_1246 = arith.extui %sign3A_1245 : i1 to i32
      %sign3A_1247 = arith.subi %sign3A_1243, %sign3A_1246 : i32
      %sign3A_1248 = arith.constant 0 : i32
      %sign3A_1249 = arith.cmpi sgt, %jit3A_1239, %sign3A_1248 : i32
      %sign3A_1250 = arith.extui %sign3A_1249 : i1 to i32
      %sign3A_1251 = arith.constant 0 : i32
      %sign3A_1252 = arith.cmpi slt, %jit3A_1239, %sign3A_1251 : i32
      %sign3A_1253 = arith.extui %sign3A_1252 : i1 to i32
      %sign3A_1254 = arith.subi %sign3A_1250, %sign3A_1253 : i32
      %ne3A_1255 = arith.cmpi ne, %sign3A_1247, %sign3A_1254 : i32
      %rem3A_1256 = arith.remsi %add3A_1232, %jit3A_1239 : i32
      %ne3A_1257 = arith.constant 0 : i32
      %ne3A_1258 = arith.cmpi ne, %rem3A_1256, %ne3A_1257 : i32
      %and3A_1259 = arith.andi %ne3A_1255, %ne3A_1258 : i1
      %sub3A_1260 = arith.constant 1 : i32
      %sub3A_1261 = arith.subi %div3A_1240, %sub3A_1260 : i32
      %select_n3A_1262 = arith.select %and3A_1259, %sub3A_1261, %div3A_1240 : i32
      %rem3A_1263 = arith.constant 2 : i32
      %rem3A_1264 = arith.remsi %select_n3A_1262, %rem3A_1263 : i32
      %rem3A_1265 = arith.constant 8 : i32
      %rem3A_1266 = arith.remsi %add3A_1232, %rem3A_1265 : i32
      %eq3A = arith.constant 0 : i32
      %eq3A_1267 = arith.cmpi eq, %rem3A_1266, %eq3A : i32
      %ge3A = arith.constant 16 : i32
      %ge3A_1268 = arith.cmpi sge, %add3A_1232, %ge3A : i32
      %and3A_1269 = arith.andi %eq3A_1267, %ge3A_1268 : i1
      %convert_element_type3A_1270 = arith.extui %and3A_1269 : i1 to i32
      %cond3A_1271 = arith.constant 0 : i32
      %cond3A_1272 = arith.cmpi ne, %convert_element_type3A_1270, %cond3A_1271 : i32
      scf.if %cond3A_1272 {
        %dma_wait3A_1865 = arith.constant 0 : i32
        %dma_wait3A_1866 = arith.constant 0 : i32
        %dma_wait3A_1867 = tpu.memref_slice %arg13[%rem3A_1264, %dma_wait3A_1865, %dma_wait3A_1866] : memref<2x64x128xf32, #tpu.memory_space<vmem>> -> memref<1x64x128xf32, #tpu.memory_space<vmem>>
        %dma_wait3A_1868 = tpu.memref_squeeze %dma_wait3A_1867 : memref<1x64x128xf32, #tpu.memory_space<vmem>> -> memref<64x128xf32, #tpu.memory_space<vmem>>
        %dma_wait3A_1869 = arith.constant 0 : i32
        %dma_wait3A_1870 = arith.constant 0 : i32
        %dma_wait3A_1871 = tpu.memref_slice %arg8[%dma_wait3A_1869, %dma_wait3A_1870] : memref<16384x128xf32, #tpu.memory_space<hbm>> -> memref<64x128xf32, #tpu.memory_space<hbm>>
        %dma_wait3A_1872 = arith.constant 0 : i32
        %dma_wait3A_1873 = arith.constant 0 : i32
        %dma_wait3A_1874 = tpu.memref_slice %arg8[%dma_wait3A_1872, %dma_wait3A_1873] : memref<16384x128xf32, #tpu.memory_space<hbm>> -> memref<64x128xf32, #tpu.memory_space<hbm>>
        %dma_wait3A_1875 = arith.constant 0 : i32
        %dma_wait3A_1876 = arith.constant 0 : i32
        %dma_wait3A_1877 = tpu.memref_slice %arg13[%rem3A_1264, %dma_wait3A_1875, %dma_wait3A_1876] : memref<2x64x128xf32, #tpu.memory_space<vmem>> -> memref<1x64x128xf32, #tpu.memory_space<vmem>>
        %dma_wait3A_1878 = tpu.memref_squeeze %dma_wait3A_1877 : memref<1x64x128xf32, #tpu.memory_space<vmem>> -> memref<64x128xf32, #tpu.memory_space<vmem>>
        tpu.wait_dma2 semaphore(%arg15 : memref<!tpu.dma_semaphore, #tpu.memory_space<semaphore_mem>>) src(%dma_wait3A_1878 : memref<64x128xf32, #tpu.memory_space<vmem>>) dst(%dma_wait3A_1874 : memref<64x128xf32, #tpu.memory_space<hbm>>)
      } else {
      }
      %mul3A_1273 = arith.constant 8 : i32
      %mul3A_1274 = arith.muli %add3A_1232, %mul3A_1273 : i32
      %get3A_1275 = arith.index_cast %mul3A_1274 : i32 to index
      %get3A_1276 = tpu.vector_load %arg10[%get3A_1275] {strides = array<i32>} : memref<528xi32, #tpu.memory_space<vmem>>, vector<16xi32>,
      %slice3A_1277 = vector.extract_strided_slice %get3A_1276 {offsets = [0], sizes = [1], strides = [1]} : vector<16xi32> to vector<1xi32>
      %squeeze3A_1278 = vector.extract %slice3A_1277[0] : i32 from vector<1xi32>
      %jit3A_1279 = arith.constant 128 : i32
      %div3A_1280 = arith.divsi %squeeze3A_1278, %jit3A_1279 : i32
      %sign3A_1281 = arith.constant 0 : i32
      %sign3A_1282 = arith.cmpi sgt, %squeeze3A_1278, %sign3A_1281 : i32
      %sign3A_1283 = arith.extui %sign3A_1282 : i1 to i32
      %sign3A_1284 = arith.constant 0 : i32
      %sign3A_1285 = arith.cmpi slt, %squeeze3A_1278, %sign3A_1284 : i32
      %sign3A_1286 = arith.extui %sign3A_1285 : i1 to i32
      %sign3A_1287 = arith.subi %sign3A_1283, %sign3A_1286 : i32
      %sign3A_1288 = arith.constant 0 : i32
      %sign3A_1289 = arith.cmpi sgt, %jit3A_1279, %sign3A_1288 : i32
      %sign3A_1290 = arith.extui %sign3A_1289 : i1 to i32
      %sign3A_1291 = arith.constant 0 : i32
      %sign3A_1292 = arith.cmpi slt, %jit3A_1279, %sign3A_1291 : i32
      %sign3A_1293 = arith.extui %sign3A_1292 : i1 to i32
      %sign3A_1294 = arith.subi %sign3A_1290, %sign3A_1293 : i32
      %ne3A_1295 = arith.cmpi ne, %sign3A_1287, %sign3A_1294 : i32
      %rem3A_1296 = arith.remsi %squeeze3A_1278, %jit3A_1279 : i32
      %ne3A_1297 = arith.constant 0 : i32
      %ne3A_1298 = arith.cmpi ne, %rem3A_1296, %ne3A_1297 : i32
      %and3A_1299 = arith.andi %ne3A_1295, %ne3A_1298 : i1
      %sub3A_1300 = arith.constant 1 : i32
      %sub3A_1301 = arith.subi %div3A_1280, %sub3A_1300 : i32
      %select_n3A_1302 = arith.select %and3A_1299, %sub3A_1301, %div3A_1280 : i32
      %mul3A_1303 = arith.constant 128 : i32
      %mul3A_1304 = arith.muli %select_n3A_1302, %mul3A_1303 : i32
      %multiple_of3A_1305 = tpu.assume_multiple %mul3A_1304, 128 : i32
      %slice3A_1306 = vector.extract_strided_slice %get3A_1276 {offsets = [1], sizes = [1], strides = [1]} : vector<16xi32> to vector<1xi32>
      %squeeze3A_1307 = vector.extract %slice3A_1306[0] : i32 from vector<1xi32>
      %jit3A_1308 = arith.constant 128 : i32
      %div3A_1309 = arith.divsi %squeeze3A_1307, %jit3A_1308 : i32
      %sign3A_1310 = arith.constant 0 : i32
      %sign3A_1311 = arith.cmpi sgt, %squeeze3A_1307, %sign3A_1310 : i32
      %sign3A_1312 = arith.extui %sign3A_1311 : i1 to i32
      %sign3A_1313 = arith.constant 0 : i32
      %sign3A_1314 = arith.cmpi slt, %squeeze3A_1307, %sign3A_1313 : i32
      %sign3A_1315 = arith.extui %sign3A_1314 : i1 to i32
      %sign3A_1316 = arith.subi %sign3A_1312, %sign3A_1315 : i32
      %sign3A_1317 = arith.constant 0 : i32
      %sign3A_1318 = arith.cmpi sgt, %jit3A_1308, %sign3A_1317 : i32
      %sign3A_1319 = arith.extui %sign3A_1318 : i1 to i32
      %sign3A_1320 = arith.constant 0 : i32
      %sign3A_1321 = arith.cmpi slt, %jit3A_1308, %sign3A_1320 : i32
      %sign3A_1322 = arith.extui %sign3A_1321 : i1 to i32
      %sign3A_1323 = arith.subi %sign3A_1319, %sign3A_1322 : i32
      %ne3A_1324 = arith.cmpi ne, %sign3A_1316, %sign3A_1323 : i32
      %rem3A_1325 = arith.remsi %squeeze3A_1307, %jit3A_1308 : i32
      %ne3A_1326 = arith.constant 0 : i32
      %ne3A_1327 = arith.cmpi ne, %rem3A_1325, %ne3A_1326 : i32
      %and3A_1328 = arith.andi %ne3A_1324, %ne3A_1327 : i1
      %sub3A_1329 = arith.constant 1 : i32
      %sub3A_1330 = arith.subi %div3A_1309, %sub3A_1329 : i32
      %select_n3A_1331 = arith.select %and3A_1328, %sub3A_1330, %div3A_1309 : i32
      %mul3A_1332 = arith.constant 128 : i32
      %mul3A_1333 = arith.muli %select_n3A_1331, %mul3A_1332 : i32
      %multiple_of3A_1334 = tpu.assume_multiple %mul3A_1333, 128 : i32
      %slice3A_1335 = vector.extract_strided_slice %get3A_1276 {offsets = [2], sizes = [1], strides = [1]} : vector<16xi32> to vector<1xi32>
      %squeeze3A_1336 = vector.extract %slice3A_1335[0] : i32 from vector<1xi32>
      %jit3A_1337 = arith.constant 128 : i32
      %div3A_1338 = arith.divsi %squeeze3A_1336, %jit3A_1337 : i32
      %sign3A_1339 = arith.constant 0 : i32
      %sign3A_1340 = arith.cmpi sgt, %squeeze3A_1336, %sign3A_1339 : i32
      %sign3A_1341 = arith.extui %sign3A_1340 : i1 to i32
      %sign3A_1342 = arith.constant 0 : i32
      %sign3A_1343 = arith.cmpi slt, %squeeze3A_1336, %sign3A_1342 : i32
      %sign3A_1344 = arith.extui %sign3A_1343 : i1 to i32
      %sign3A_1345 = arith.subi %sign3A_1341, %sign3A_1344 : i32
      %sign3A_1346 = arith.constant 0 : i32
      %sign3A_1347 = arith.cmpi sgt, %jit3A_1337, %sign3A_1346 : i32
      %sign3A_1348 = arith.extui %sign3A_1347 : i1 to i32
      %sign3A_1349 = arith.constant 0 : i32
      %sign3A_1350 = arith.cmpi slt, %jit3A_1337, %sign3A_1349 : i32
      %sign3A_1351 = arith.extui %sign3A_1350 : i1 to i32
      %sign3A_1352 = arith.subi %sign3A_1348, %sign3A_1351 : i32
      %ne3A_1353 = arith.cmpi ne, %sign3A_1345, %sign3A_1352 : i32
      %rem3A_1354 = arith.remsi %squeeze3A_1336, %jit3A_1337 : i32
      %ne3A_1355 = arith.constant 0 : i32
      %ne3A_1356 = arith.cmpi ne, %rem3A_1354, %ne3A_1355 : i32
      %and3A_1357 = arith.andi %ne3A_1353, %ne3A_1356 : i1
      %sub3A_1358 = arith.constant 1 : i32
      %sub3A_1359 = arith.subi %div3A_1338, %sub3A_1358 : i32
      %select_n3A_1360 = arith.select %and3A_1357, %sub3A_1359, %div3A_1338 : i32
      %mul3A_1361 = arith.constant 128 : i32
      %mul3A_1362 = arith.muli %select_n3A_1360, %mul3A_1361 : i32
      %multiple_of3A_1363 = tpu.assume_multiple %mul3A_1362, 128 : i32
      %slice3A_1364 = vector.extract_strided_slice %get3A_1276 {offsets = [3], sizes = [1], strides = [1]} : vector<16xi32> to vector<1xi32>
      %squeeze3A_1365 = vector.extract %slice3A_1364[0] : i32 from vector<1xi32>
      %jit3A_1366 = arith.constant 128 : i32
      %div3A_1367 = arith.divsi %squeeze3A_1365, %jit3A_1366 : i32
      %sign3A_1368 = arith.constant 0 : i32
      %sign3A_1369 = arith.cmpi sgt, %squeeze3A_1365, %sign3A_1368 : i32
      %sign3A_1370 = arith.extui %sign3A_1369 : i1 to i32
      %sign3A_1371 = arith.constant 0 : i32
      %sign3A_1372 = arith.cmpi slt, %squeeze3A_1365, %sign3A_1371 : i32
      %sign3A_1373 = arith.extui %sign3A_1372 : i1 to i32
      %sign3A_1374 = arith.subi %sign3A_1370, %sign3A_1373 : i32
      %sign3A_1375 = arith.constant 0 : i32
      %sign3A_1376 = arith.cmpi sgt, %jit3A_1366, %sign3A_1375 : i32
      %sign3A_1377 = arith.extui %sign3A_1376 : i1 to i32
      %sign3A_1378 = arith.constant 0 : i32
      %sign3A_1379 = arith.cmpi slt, %jit3A_1366, %sign3A_1378 : i32
      %sign3A_1380 = arith.extui %sign3A_1379 : i1 to i32
      %sign3A_1381 = arith.subi %sign3A_1377, %sign3A_1380 : i32
      %ne3A_1382 = arith.cmpi ne, %sign3A_1374, %sign3A_1381 : i32
      %rem3A_1383 = arith.remsi %squeeze3A_1365, %jit3A_1366 : i32
      %ne3A_1384 = arith.constant 0 : i32
      %ne3A_1385 = arith.cmpi ne, %rem3A_1383, %ne3A_1384 : i32
      %and3A_1386 = arith.andi %ne3A_1382, %ne3A_1385 : i1
      %sub3A_1387 = arith.constant 1 : i32
      %sub3A_1388 = arith.subi %div3A_1367, %sub3A_1387 : i32
      %select_n3A_1389 = arith.select %and3A_1386, %sub3A_1388, %div3A_1367 : i32
      %mul3A_1390 = arith.constant 128 : i32
      %mul3A_1391 = arith.muli %select_n3A_1389, %mul3A_1390 : i32
      %multiple_of3A_1392 = tpu.assume_multiple %mul3A_1391, 128 : i32
      %slice3A_1393 = vector.extract_strided_slice %get3A_1276 {offsets = [4], sizes = [1], strides = [1]} : vector<16xi32> to vector<1xi32>
      %squeeze3A_1394 = vector.extract %slice3A_1393[0] : i32 from vector<1xi32>
      %jit3A_1395 = arith.constant 128 : i32
      %div3A_1396 = arith.divsi %squeeze3A_1394, %jit3A_1395 : i32
      %sign3A_1397 = arith.constant 0 : i32
      %sign3A_1398 = arith.cmpi sgt, %squeeze3A_1394, %sign3A_1397 : i32
      %sign3A_1399 = arith.extui %sign3A_1398 : i1 to i32
      %sign3A_1400 = arith.constant 0 : i32
      %sign3A_1401 = arith.cmpi slt, %squeeze3A_1394, %sign3A_1400 : i32
      %sign3A_1402 = arith.extui %sign3A_1401 : i1 to i32
      %sign3A_1403 = arith.subi %sign3A_1399, %sign3A_1402 : i32
      %sign3A_1404 = arith.constant 0 : i32
      %sign3A_1405 = arith.cmpi sgt, %jit3A_1395, %sign3A_1404 : i32
      %sign3A_1406 = arith.extui %sign3A_1405 : i1 to i32
      %sign3A_1407 = arith.constant 0 : i32
      %sign3A_1408 = arith.cmpi slt, %jit3A_1395, %sign3A_1407 : i32
      %sign3A_1409 = arith.extui %sign3A_1408 : i1 to i32
      %sign3A_1410 = arith.subi %sign3A_1406, %sign3A_1409 : i32
      %ne3A_1411 = arith.cmpi ne, %sign3A_1403, %sign3A_1410 : i32
      %rem3A_1412 = arith.remsi %squeeze3A_1394, %jit3A_1395 : i32
      %ne3A_1413 = arith.constant 0 : i32
      %ne3A_1414 = arith.cmpi ne, %rem3A_1412, %ne3A_1413 : i32
      %and3A_1415 = arith.andi %ne3A_1411, %ne3A_1414 : i1
      %sub3A_1416 = arith.constant 1 : i32
      %sub3A_1417 = arith.subi %div3A_1396, %sub3A_1416 : i32
      %select_n3A_1418 = arith.select %and3A_1415, %sub3A_1417, %div3A_1396 : i32
      %mul3A_1419 = arith.constant 128 : i32
      %mul3A_1420 = arith.muli %select_n3A_1418, %mul3A_1419 : i32
      %multiple_of3A_1421 = tpu.assume_multiple %mul3A_1420, 128 : i32
      %slice3A_1422 = vector.extract_strided_slice %get3A_1276 {offsets = [5], sizes = [1], strides = [1]} : vector<16xi32> to vector<1xi32>
      %squeeze3A_1423 = vector.extract %slice3A_1422[0] : i32 from vector<1xi32>
      %jit3A_1424 = arith.constant 128 : i32
      %div3A_1425 = arith.divsi %squeeze3A_1423, %jit3A_1424 : i32
      %sign3A_1426 = arith.constant 0 : i32
      %sign3A_1427 = arith.cmpi sgt, %squeeze3A_1423, %sign3A_1426 : i32
      %sign3A_1428 = arith.extui %sign3A_1427 : i1 to i32
      %sign3A_1429 = arith.constant 0 : i32
      %sign3A_1430 = arith.cmpi slt, %squeeze3A_1423, %sign3A_1429 : i32
      %sign3A_1431 = arith.extui %sign3A_1430 : i1 to i32
      %sign3A_1432 = arith.subi %sign3A_1428, %sign3A_1431 : i32
      %sign3A_1433 = arith.constant 0 : i32
      %sign3A_1434 = arith.cmpi sgt, %jit3A_1424, %sign3A_1433 : i32
      %sign3A_1435 = arith.extui %sign3A_1434 : i1 to i32
      %sign3A_1436 = arith.constant 0 : i32
      %sign3A_1437 = arith.cmpi slt, %jit3A_1424, %sign3A_1436 : i32
      %sign3A_1438 = arith.extui %sign3A_1437 : i1 to i32
      %sign3A_1439 = arith.subi %sign3A_1435, %sign3A_1438 : i32
      %ne3A_1440 = arith.cmpi ne, %sign3A_1432, %sign3A_1439 : i32
      %rem3A_1441 = arith.remsi %squeeze3A_1423, %jit3A_1424 : i32
      %ne3A_1442 = arith.constant 0 : i32
      %ne3A_1443 = arith.cmpi ne, %rem3A_1441, %ne3A_1442 : i32
      %and3A_1444 = arith.andi %ne3A_1440, %ne3A_1443 : i1
      %sub3A_1445 = arith.constant 1 : i32
      %sub3A_1446 = arith.subi %div3A_1425, %sub3A_1445 : i32
      %select_n3A_1447 = arith.select %and3A_1444, %sub3A_1446, %div3A_1425 : i32
      %mul3A_1448 = arith.constant 128 : i32
      %mul3A_1449 = arith.muli %select_n3A_1447, %mul3A_1448 : i32
      %multiple_of3A_1450 = tpu.assume_multiple %mul3A_1449, 128 : i32
      %slice3A_1451 = vector.extract_strided_slice %get3A_1276 {offsets = [6], sizes = [1], strides = [1]} : vector<16xi32> to vector<1xi32>
      %squeeze3A_1452 = vector.extract %slice3A_1451[0] : i32 from vector<1xi32>
      %jit3A_1453 = arith.constant 128 : i32
      %div3A_1454 = arith.divsi %squeeze3A_1452, %jit3A_1453 : i32
      %sign3A_1455 = arith.constant 0 : i32
      %sign3A_1456 = arith.cmpi sgt, %squeeze3A_1452, %sign3A_1455 : i32
      %sign3A_1457 = arith.extui %sign3A_1456 : i1 to i32
      %sign3A_1458 = arith.constant 0 : i32
      %sign3A_1459 = arith.cmpi slt, %squeeze3A_1452, %sign3A_1458 : i32
      %sign3A_1460 = arith.extui %sign3A_1459 : i1 to i32
      %sign3A_1461 = arith.subi %sign3A_1457, %sign3A_1460 : i32
      %sign3A_1462 = arith.constant 0 : i32
      %sign3A_1463 = arith.cmpi sgt, %jit3A_1453, %sign3A_1462 : i32
      %sign3A_1464 = arith.extui %sign3A_1463 : i1 to i32
      %sign3A_1465 = arith.constant 0 : i32
      %sign3A_1466 = arith.cmpi slt, %jit3A_1453, %sign3A_1465 : i32
      %sign3A_1467 = arith.extui %sign3A_1466 : i1 to i32
      %sign3A_1468 = arith.subi %sign3A_1464, %sign3A_1467 : i32
      %ne3A_1469 = arith.cmpi ne, %sign3A_1461, %sign3A_1468 : i32
      %rem3A_1470 = arith.remsi %squeeze3A_1452, %jit3A_1453 : i32
      %ne3A_1471 = arith.constant 0 : i32
      %ne3A_1472 = arith.cmpi ne, %rem3A_1470, %ne3A_1471 : i32
      %and3A_1473 = arith.andi %ne3A_1469, %ne3A_1472 : i1
      %sub3A_1474 = arith.constant 1 : i32
      %sub3A_1475 = arith.subi %div3A_1454, %sub3A_1474 : i32
      %select_n3A_1476 = arith.select %and3A_1473, %sub3A_1475, %div3A_1454 : i32
      %mul3A_1477 = arith.constant 128 : i32
      %mul3A_1478 = arith.muli %select_n3A_1476, %mul3A_1477 : i32
      %multiple_of3A_1479 = tpu.assume_multiple %mul3A_1478, 128 : i32
      %slice3A_1480 = vector.extract_strided_slice %get3A_1276 {offsets = [7], sizes = [1], strides = [1]} : vector<16xi32> to vector<1xi32>
      %squeeze3A_1481 = vector.extract %slice3A_1480[0] : i32 from vector<1xi32>
      %jit3A_1482 = arith.constant 128 : i32
      %div3A_1483 = arith.divsi %squeeze3A_1481, %jit3A_1482 : i32
      %sign3A_1484 = arith.constant 0 : i32
      %sign3A_1485 = arith.cmpi sgt, %squeeze3A_1481, %sign3A_1484 : i32
      %sign3A_1486 = arith.extui %sign3A_1485 : i1 to i32
      %sign3A_1487 = arith.constant 0 : i32
      %sign3A_1488 = arith.cmpi slt, %squeeze3A_1481, %sign3A_1487 : i32
      %sign3A_1489 = arith.extui %sign3A_1488 : i1 to i32
      %sign3A_1490 = arith.subi %sign3A_1486, %sign3A_1489 : i32
      %sign3A_1491 = arith.constant 0 : i32
      %sign3A_1492 = arith.cmpi sgt, %jit3A_1482, %sign3A_1491 : i32
      %sign3A_1493 = arith.extui %sign3A_1492 : i1 to i32
      %sign3A_1494 = arith.constant 0 : i32
      %sign3A_1495 = arith.cmpi slt, %jit3A_1482, %sign3A_1494 : i32
      %sign3A_1496 = arith.extui %sign3A_1495 : i1 to i32
      %sign3A_1497 = arith.subi %sign3A_1493, %sign3A_1496 : i32
      %ne3A_1498 = arith.cmpi ne, %sign3A_1490, %sign3A_1497 : i32
      %rem3A_1499 = arith.remsi %squeeze3A_1481, %jit3A_1482 : i32
      %ne3A_1500 = arith.constant 0 : i32
      %ne3A_1501 = arith.cmpi ne, %rem3A_1499, %ne3A_1500 : i32
      %and3A_1502 = arith.andi %ne3A_1498, %ne3A_1501 : i1
      %sub3A_1503 = arith.constant 1 : i32
      %sub3A_1504 = arith.subi %div3A_1483, %sub3A_1503 : i32
      %select_n3A_1505 = arith.select %and3A_1502, %sub3A_1504, %div3A_1483 : i32
      %mul3A_1506 = arith.constant 128 : i32
      %mul3A_1507 = arith.muli %select_n3A_1505, %mul3A_1506 : i32
      %multiple_of3A_1508 = tpu.assume_multiple %mul3A_1507, 128 : i32
      %ne3A_1509 = arith.cmpi ne, %multiple_of3A_1334, %multiple_of3A_1305 : i32
      %jit3A_1510 = arith.constant 1 : i32
      %jit3A_1511 = arith.constant 0 : i32
      %select_n3A_1512 = arith.select %ne3A_1509, %jit3A_1510, %jit3A_1511 : i32
      %ne3A_1513 = arith.cmpi ne, %multiple_of3A_1363, %multiple_of3A_1334 : i32
      %jit3A_1514 = arith.constant 2 : i32
      %select_n3A_1515 = arith.select %ne3A_1513, %jit3A_1514, %select_n3A_1512 : i32
      %ne3A_1516 = arith.cmpi ne, %multiple_of3A_1392, %multiple_of3A_1363 : i32
      %jit3A_1517 = arith.constant 3 : i32
      %select_n3A_1518 = arith.select %ne3A_1516, %jit3A_1517, %select_n3A_1515 : i32
      %ne3A_1519 = arith.cmpi ne, %multiple_of3A_1421, %multiple_of3A_1392 : i32
      %jit3A_1520 = arith.constant 4 : i32
      %select_n3A_1521 = arith.select %ne3A_1519, %jit3A_1520, %select_n3A_1518 : i32
      %ne3A_1522 = arith.cmpi ne, %multiple_of3A_1450, %multiple_of3A_1421 : i32
      %jit3A_1523 = arith.constant 5 : i32
      %select_n3A_1524 = arith.select %ne3A_1522, %jit3A_1523, %select_n3A_1521 : i32
      %ne3A_1525 = arith.cmpi ne, %multiple_of3A_1479, %multiple_of3A_1450 : i32
      %jit3A_1526 = arith.constant 6 : i32
      %select_n3A_1527 = arith.select %ne3A_1525, %jit3A_1526, %select_n3A_1524 : i32
      %ne3A_1528 = arith.cmpi ne, %multiple_of3A_1508, %multiple_of3A_1479 : i32
      %jit3A_1529 = arith.constant 7 : i32
      %select_n3A_1530 = arith.select %ne3A_1528, %jit3A_1529, %select_n3A_1527 : i32
      %mul3A_1531 = arith.constant 8 : i32
      %mul3A_1532 = arith.muli %rem3A_1234, %mul3A_1531 : i32
      %add3A_1533 = arith.constant 0 : i32
      %add3A_1534 = arith.addi %mul3A_1532, %add3A_1533 : i32
      %mul3A_1535 = arith.constant 8 : i32
      %mul3A_1536 = arith.muli %rem3A_1234, %mul3A_1535 : i32
      %add3A_1537 = arith.constant 0 : i32
      %add3A_1538 = arith.addi %mul3A_1536, %add3A_1537 : i32
      %dma_wait3A_1539 = arith.constant 0 : i32
      %dma_wait3A_1540 = arith.constant 0 : i32
      %dma_wait3A_1541 = tpu.memref_slice %arg12[%add3A_1534, %dma_wait3A_1539, %dma_wait3A_1540] : memref<24x32x128xf32, #tpu.memory_space<vmem>> -> memref<1x32x128xf32, #tpu.memory_space<vmem>>
      %dma_wait3A_1542 = tpu.memref_squeeze %dma_wait3A_1541 : memref<1x32x128xf32, #tpu.memory_space<vmem>> -> memref<32x128xf32, #tpu.memory_space<vmem>>
      %dma_wait3A_1543 = arith.constant 0 : i32
      %dma_wait3A_1544 = arith.constant 0 : i32
      %dma_wait3A_1545 = tpu.memref_slice %arg6[%dma_wait3A_1543, %dma_wait3A_1544] : memref<32x1000000xf32, #tpu.memory_space<hbm>> -> memref<32x128xf32, #tpu.memory_space<hbm>>
      %dma_wait3A_1546 = tpu.memref_slice %arg14[%add3A_1538] : memref<24x!tpu.dma_semaphore, #tpu.memory_space<semaphore_mem>> -> memref<1x!tpu.dma_semaphore, #tpu.memory_space<semaphore_mem>>
      %dma_wait3A_1547 = tpu.memref_squeeze %dma_wait3A_1546 : memref<1x!tpu.dma_semaphore, #tpu.memory_space<semaphore_mem>> -> memref<!tpu.dma_semaphore, #tpu.memory_space<semaphore_mem>>
      %dma_wait3A_1548 = arith.constant 0 : i32
      %dma_wait3A_1549 = arith.constant 0 : i32
      %dma_wait3A_1550 = tpu.memref_slice %arg12[%add3A_1534, %dma_wait3A_1548, %dma_wait3A_1549] : memref<24x32x128xf32, #tpu.memory_space<vmem>> -> memref<1x32x128xf32, #tpu.memory_space<vmem>>
      %dma_wait3A_1551 = tpu.memref_squeeze %dma_wait3A_1550 : memref<1x32x128xf32, #tpu.memory_space<vmem>> -> memref<32x128xf32, #tpu.memory_space<vmem>>
      %dma_wait3A_1552 = arith.constant 0 : i32
      %dma_wait3A_1553 = arith.constant 0 : i32
      %dma_wait3A_1554 = tpu.memref_slice %arg6[%dma_wait3A_1552, %dma_wait3A_1553] : memref<32x1000000xf32, #tpu.memory_space<hbm>> -> memref<32x128xf32, #tpu.memory_space<hbm>>
      tpu.wait_dma2 semaphore(%dma_wait3A_1547 : memref<!tpu.dma_semaphore, #tpu.memory_space<semaphore_mem>>) src(%dma_wait3A_1554 : memref<32x128xf32, #tpu.memory_space<hbm>>) dst(%dma_wait3A_1551 : memref<32x128xf32, #tpu.memory_space<vmem>>)
      %convert_element_type3A_1555 = arith.extui %ne3A_1509 : i1 to i32
      %cond3A_1556 = arith.constant 0 : i32
      %cond3A_1557 = arith.cmpi ne, %convert_element_type3A_1555, %cond3A_1556 : i32
      scf.if %cond3A_1557 {
        %mul3A_1865 = arith.constant 8 : i32
        %mul3A_1866 = arith.muli %rem3A_1234, %mul3A_1865 : i32
        %add3A_1867 = arith.constant 1 : i32
        %add3A_1868 = arith.addi %mul3A_1866, %add3A_1867 : i32
        %mul3A_1869 = arith.constant 8 : i32
        %mul3A_1870 = arith.muli %rem3A_1234, %mul3A_1869 : i32
        %add3A_1871 = arith.constant 1 : i32
        %add3A_1872 = arith.addi %mul3A_1870, %add3A_1871 : i32
        %dma_wait3A_1873 = arith.constant 0 : i32
        %dma_wait3A_1874 = arith.constant 0 : i32
        %dma_wait3A_1875 = tpu.memref_slice %arg12[%add3A_1868, %dma_wait3A_1873, %dma_wait3A_1874] : memref<24x32x128xf32, #tpu.memory_space<vmem>> -> memref<1x32x128xf32, #tpu.memory_space<vmem>>
        %dma_wait3A_1876 = tpu.memref_squeeze %dma_wait3A_1875 : memref<1x32x128xf32, #tpu.memory_space<vmem>> -> memref<32x128xf32, #tpu.memory_space<vmem>>
        %dma_wait3A_1877 = arith.constant 0 : i32
        %dma_wait3A_1878 = arith.constant 0 : i32
        %dma_wait3A_1879 = tpu.memref_slice %arg6[%dma_wait3A_1877, %dma_wait3A_1878] : memref<32x1000000xf32, #tpu.memory_space<hbm>> -> memref<32x128xf32, #tpu.memory_space<hbm>>
        %dma_wait3A_1880 = tpu.memref_slice %arg14[%add3A_1872] : memref<24x!tpu.dma_semaphore, #tpu.memory_space<semaphore_mem>> -> memref<1x!tpu.dma_semaphore, #tpu.memory_space<semaphore_mem>>
        %dma_wait3A_1881 = tpu.memref_squeeze %dma_wait3A_1880 : memref<1x!tpu.dma_semaphore, #tpu.memory_space<semaphore_mem>> -> memref<!tpu.dma_semaphore, #tpu.memory_space<semaphore_mem>>
        %dma_wait3A_1882 = arith.constant 0 : i32
        %dma_wait3A_1883 = arith.constant 0 : i32
        %dma_wait3A_1884 = tpu.memref_slice %arg12[%add3A_1868, %dma_wait3A_1882, %dma_wait3A_1883] : memref<24x32x128xf32, #tpu.memory_space<vmem>> -> memref<1x32x128xf32, #tpu.memory_space<vmem>>
        %dma_wait3A_1885 = tpu.memref_squeeze %dma_wait3A_1884 : memref<1x32x128xf32, #tpu.memory_space<vmem>> -> memref<32x128xf32, #tpu.memory_space<vmem>>
        %dma_wait3A_1886 = arith.constant 0 : i32
        %dma_wait3A_1887 = arith.constant 0 : i32
        %dma_wait3A_1888 = tpu.memref_slice %arg6[%dma_wait3A_1886, %dma_wait3A_1887] : memref<32x1000000xf32, #tpu.memory_space<hbm>> -> memref<32x128xf32, #tpu.memory_space<hbm>>
        tpu.wait_dma2 semaphore(%dma_wait3A_1881 : memref<!tpu.dma_semaphore, #tpu.memory_space<semaphore_mem>>) src(%dma_wait3A_1888 : memref<32x128xf32, #tpu.memory_space<hbm>>) dst(%dma_wait3A_1885 : memref<32x128xf32, #tpu.memory_space<vmem>>)
      } else {
      }
      %convert_element_type3A_1558 = arith.extui %ne3A_1513 : i1 to i32
      %cond3A_1559 = arith.constant 0 : i32
      %cond3A_1560 = arith.cmpi ne, %convert_element_type3A_1558, %cond3A_1559 : i32
      scf.if %cond3A_1560 {
        %mul3A_1865 = arith.constant 8 : i32
        %mul3A_1866 = arith.muli %rem3A_1234, %mul3A_1865 : i32
        %add3A_1867 = arith.constant 2 : i32
        %add3A_1868 = arith.addi %mul3A_1866, %add3A_1867 : i32
        %mul3A_1869 = arith.constant 8 : i32
        %mul3A_1870 = arith.muli %rem3A_1234, %mul3A_1869 : i32
        %add3A_1871 = arith.constant 2 : i32
        %add3A_1872 = arith.addi %mul3A_1870, %add3A_1871 : i32
        %dma_wait3A_1873 = arith.constant 0 : i32
        %dma_wait3A_1874 = arith.constant 0 : i32
        %dma_wait3A_1875 = tpu.memref_slice %arg12[%add3A_1868, %dma_wait3A_1873, %dma_wait3A_1874] : memref<24x32x128xf32, #tpu.memory_space<vmem>> -> memref<1x32x128xf32, #tpu.memory_space<vmem>>
        %dma_wait3A_1876 = tpu.memref_squeeze %dma_wait3A_1875 : memref<1x32x128xf32, #tpu.memory_space<vmem>> -> memref<32x128xf32, #tpu.memory_space<vmem>>
        %dma_wait3A_1877 = arith.constant 0 : i32
        %dma_wait3A_1878 = arith.constant 0 : i32
        %dma_wait3A_1879 = tpu.memref_slice %arg6[%dma_wait3A_1877, %dma_wait3A_1878] : memref<32x1000000xf32, #tpu.memory_space<hbm>> -> memref<32x128xf32, #tpu.memory_space<hbm>>
        %dma_wait3A_1880 = tpu.memref_slice %arg14[%add3A_1872] : memref<24x!tpu.dma_semaphore, #tpu.memory_space<semaphore_mem>> -> memref<1x!tpu.dma_semaphore, #tpu.memory_space<semaphore_mem>>
        %dma_wait3A_1881 = tpu.memref_squeeze %dma_wait3A_1880 : memref<1x!tpu.dma_semaphore, #tpu.memory_space<semaphore_mem>> -> memref<!tpu.dma_semaphore, #tpu.memory_space<semaphore_mem>>
        %dma_wait3A_1882 = arith.constant 0 : i32
        %dma_wait3A_1883 = arith.constant 0 : i32
        %dma_wait3A_1884 = tpu.memref_slice %arg12[%add3A_1868, %dma_wait3A_1882, %dma_wait3A_1883] : memref<24x32x128xf32, #tpu.memory_space<vmem>> -> memref<1x32x128xf32, #tpu.memory_space<vmem>>
        %dma_wait3A_1885 = tpu.memref_squeeze %dma_wait3A_1884 : memref<1x32x128xf32, #tpu.memory_space<vmem>> -> memref<32x128xf32, #tpu.memory_space<vmem>>
        %dma_wait3A_1886 = arith.constant 0 : i32
        %dma_wait3A_1887 = arith.constant 0 : i32
        %dma_wait3A_1888 = tpu.memref_slice %arg6[%dma_wait3A_1886, %dma_wait3A_1887] : memref<32x1000000xf32, #tpu.memory_space<hbm>> -> memref<32x128xf32, #tpu.memory_space<hbm>>
        tpu.wait_dma2 semaphore(%dma_wait3A_1881 : memref<!tpu.dma_semaphore, #tpu.memory_space<semaphore_mem>>) src(%dma_wait3A_1888 : memref<32x128xf32, #tpu.memory_space<hbm>>) dst(%dma_wait3A_1885 : memref<32x128xf32, #tpu.memory_space<vmem>>)
      } else {
      }
      %convert_element_type3A_1561 = arith.extui %ne3A_1516 : i1 to i32
      %cond3A_1562 = arith.constant 0 : i32
      %cond3A_1563 = arith.cmpi ne, %convert_element_type3A_1561, %cond3A_1562 : i32
      scf.if %cond3A_1563 {
        %mul3A_1865 = arith.constant 8 : i32
        %mul3A_1866 = arith.muli %rem3A_1234, %mul3A_1865 : i32
        %add3A_1867 = arith.constant 3 : i32
        %add3A_1868 = arith.addi %mul3A_1866, %add3A_1867 : i32
        %mul3A_1869 = arith.constant 8 : i32
        %mul3A_1870 = arith.muli %rem3A_1234, %mul3A_1869 : i32
        %add3A_1871 = arith.constant 3 : i32
        %add3A_1872 = arith.addi %mul3A_1870, %add3A_1871 : i32
        %dma_wait3A_1873 = arith.constant 0 : i32
        %dma_wait3A_1874 = arith.constant 0 : i32
        %dma_wait3A_1875 = tpu.memref_slice %arg12[%add3A_1868, %dma_wait3A_1873, %dma_wait3A_1874] : memref<24x32x128xf32, #tpu.memory_space<vmem>> -> memref<1x32x128xf32, #tpu.memory_space<vmem>>
        %dma_wait3A_1876 = tpu.memref_squeeze %dma_wait3A_1875 : memref<1x32x128xf32, #tpu.memory_space<vmem>> -> memref<32x128xf32, #tpu.memory_space<vmem>>
        %dma_wait3A_1877 = arith.constant 0 : i32
        %dma_wait3A_1878 = arith.constant 0 : i32
        %dma_wait3A_1879 = tpu.memref_slice %arg6[%dma_wait3A_1877, %dma_wait3A_1878] : memref<32x1000000xf32, #tpu.memory_space<hbm>> -> memref<32x128xf32, #tpu.memory_space<hbm>>
        %dma_wait3A_1880 = tpu.memref_slice %arg14[%add3A_1872] : memref<24x!tpu.dma_semaphore, #tpu.memory_space<semaphore_mem>> -> memref<1x!tpu.dma_semaphore, #tpu.memory_space<semaphore_mem>>
        %dma_wait3A_1881 = tpu.memref_squeeze %dma_wait3A_1880 : memref<1x!tpu.dma_semaphore, #tpu.memory_space<semaphore_mem>> -> memref<!tpu.dma_semaphore, #tpu.memory_space<semaphore_mem>>
        %dma_wait3A_1882 = arith.constant 0 : i32
        %dma_wait3A_1883 = arith.constant 0 : i32
        %dma_wait3A_1884 = tpu.memref_slice %arg12[%add3A_1868, %dma_wait3A_1882, %dma_wait3A_1883] : memref<24x32x128xf32, #tpu.memory_space<vmem>> -> memref<1x32x128xf32, #tpu.memory_space<vmem>>
        %dma_wait3A_1885 = tpu.memref_squeeze %dma_wait3A_1884 : memref<1x32x128xf32, #tpu.memory_space<vmem>> -> memref<32x128xf32, #tpu.memory_space<vmem>>
        %dma_wait3A_1886 = arith.constant 0 : i32
        %dma_wait3A_1887 = arith.constant 0 : i32
        %dma_wait3A_1888 = tpu.memref_slice %arg6[%dma_wait3A_1886, %dma_wait3A_1887] : memref<32x1000000xf32, #tpu.memory_space<hbm>> -> memref<32x128xf32, #tpu.memory_space<hbm>>
        tpu.wait_dma2 semaphore(%dma_wait3A_1881 : memref<!tpu.dma_semaphore, #tpu.memory_space<semaphore_mem>>) src(%dma_wait3A_1888 : memref<32x128xf32, #tpu.memory_space<hbm>>) dst(%dma_wait3A_1885 : memref<32x128xf32, #tpu.memory_space<vmem>>)
      } else {
      }
      %convert_element_type3A_1564 = arith.extui %ne3A_1519 : i1 to i32
      %cond3A_1565 = arith.constant 0 : i32
      %cond3A_1566 = arith.cmpi ne, %convert_element_type3A_1564, %cond3A_1565 : i32
      scf.if %cond3A_1566 {
        %mul3A_1865 = arith.constant 8 : i32
        %mul3A_1866 = arith.muli %rem3A_1234, %mul3A_1865 : i32
        %add3A_1867 = arith.constant 4 : i32
        %add3A_1868 = arith.addi %mul3A_1866, %add3A_1867 : i32
        %mul3A_1869 = arith.constant 8 : i32
        %mul3A_1870 = arith.muli %rem3A_1234, %mul3A_1869 : i32
        %add3A_1871 = arith.constant 4 : i32
        %add3A_1872 = arith.addi %mul3A_1870, %add3A_1871 : i32
        %dma_wait3A_1873 = arith.constant 0 : i32
        %dma_wait3A_1874 = arith.constant 0 : i32
        %dma_wait3A_1875 = tpu.memref_slice %arg12[%add3A_1868, %dma_wait3A_1873, %dma_wait3A_1874] : memref<24x32x128xf32, #tpu.memory_space<vmem>> -> memref<1x32x128xf32, #tpu.memory_space<vmem>>
        %dma_wait3A_1876 = tpu.memref_squeeze %dma_wait3A_1875 : memref<1x32x128xf32, #tpu.memory_space<vmem>> -> memref<32x128xf32, #tpu.memory_space<vmem>>
        %dma_wait3A_1877 = arith.constant 0 : i32
        %dma_wait3A_1878 = arith.constant 0 : i32
        %dma_wait3A_1879 = tpu.memref_slice %arg6[%dma_wait3A_1877, %dma_wait3A_1878] : memref<32x1000000xf32, #tpu.memory_space<hbm>> -> memref<32x128xf32, #tpu.memory_space<hbm>>
        %dma_wait3A_1880 = tpu.memref_slice %arg14[%add3A_1872] : memref<24x!tpu.dma_semaphore, #tpu.memory_space<semaphore_mem>> -> memref<1x!tpu.dma_semaphore, #tpu.memory_space<semaphore_mem>>
        %dma_wait3A_1881 = tpu.memref_squeeze %dma_wait3A_1880 : memref<1x!tpu.dma_semaphore, #tpu.memory_space<semaphore_mem>> -> memref<!tpu.dma_semaphore, #tpu.memory_space<semaphore_mem>>
        %dma_wait3A_1882 = arith.constant 0 : i32
        %dma_wait3A_1883 = arith.constant 0 : i32
        %dma_wait3A_1884 = tpu.memref_slice %arg12[%add3A_1868, %dma_wait3A_1882, %dma_wait3A_1883] : memref<24x32x128xf32, #tpu.memory_space<vmem>> -> memref<1x32x128xf32, #tpu.memory_space<vmem>>
        %dma_wait3A_1885 = tpu.memref_squeeze %dma_wait3A_1884 : memref<1x32x128xf32, #tpu.memory_space<vmem>> -> memref<32x128xf32, #tpu.memory_space<vmem>>
        %dma_wait3A_1886 = arith.constant 0 : i32
        %dma_wait3A_1887 = arith.constant 0 : i32
        %dma_wait3A_1888 = tpu.memref_slice %arg6[%dma_wait3A_1886, %dma_wait3A_1887] : memref<32x1000000xf32, #tpu.memory_space<hbm>> -> memref<32x128xf32, #tpu.memory_space<hbm>>
        tpu.wait_dma2 semaphore(%dma_wait3A_1881 : memref<!tpu.dma_semaphore, #tpu.memory_space<semaphore_mem>>) src(%dma_wait3A_1888 : memref<32x128xf32, #tpu.memory_space<hbm>>) dst(%dma_wait3A_1885 : memref<32x128xf32, #tpu.memory_space<vmem>>)
      } else {
      }
      %convert_element_type3A_1567 = arith.extui %ne3A_1522 : i1 to i32
      %cond3A_1568 = arith.constant 0 : i32
      %cond3A_1569 = arith.cmpi ne, %convert_element_type3A_1567, %cond3A_1568 : i32
      scf.if %cond3A_1569 {
        %mul3A_1865 = arith.constant 8 : i32
        %mul3A_1866 = arith.muli %rem3A_1234, %mul3A_1865 : i32
        %add3A_1867 = arith.constant 5 : i32
        %add3A_1868 = arith.addi %mul3A_1866, %add3A_1867 : i32
        %mul3A_1869 = arith.constant 8 : i32
        %mul3A_1870 = arith.muli %rem3A_1234, %mul3A_1869 : i32
        %add3A_1871 = arith.constant 5 : i32
        %add3A_1872 = arith.addi %mul3A_1870, %add3A_1871 : i32
        %dma_wait3A_1873 = arith.constant 0 : i32
        %dma_wait3A_1874 = arith.constant 0 : i32
        %dma_wait3A_1875 = tpu.memref_slice %arg12[%add3A_1868, %dma_wait3A_1873, %dma_wait3A_1874] : memref<24x32x128xf32, #tpu.memory_space<vmem>> -> memref<1x32x128xf32, #tpu.memory_space<vmem>>
        %dma_wait3A_1876 = tpu.memref_squeeze %dma_wait3A_1875 : memref<1x32x128xf32, #tpu.memory_space<vmem>> -> memref<32x128xf32, #tpu.memory_space<vmem>>
        %dma_wait3A_1877 = arith.constant 0 : i32
        %dma_wait3A_1878 = arith.constant 0 : i32
        %dma_wait3A_1879 = tpu.memref_slice %arg6[%dma_wait3A_1877, %dma_wait3A_1878] : memref<32x1000000xf32, #tpu.memory_space<hbm>> -> memref<32x128xf32, #tpu.memory_space<hbm>>
        %dma_wait3A_1880 = tpu.memref_slice %arg14[%add3A_1872] : memref<24x!tpu.dma_semaphore, #tpu.memory_space<semaphore_mem>> -> memref<1x!tpu.dma_semaphore, #tpu.memory_space<semaphore_mem>>
        %dma_wait3A_1881 = tpu.memref_squeeze %dma_wait3A_1880 : memref<1x!tpu.dma_semaphore, #tpu.memory_space<semaphore_mem>> -> memref<!tpu.dma_semaphore, #tpu.memory_space<semaphore_mem>>
        %dma_wait3A_1882 = arith.constant 0 : i32
        %dma_wait3A_1883 = arith.constant 0 : i32
        %dma_wait3A_1884 = tpu.memref_slice %arg12[%add3A_1868, %dma_wait3A_1882, %dma_wait3A_1883] : memref<24x32x128xf32, #tpu.memory_space<vmem>> -> memref<1x32x128xf32, #tpu.memory_space<vmem>>
        %dma_wait3A_1885 = tpu.memref_squeeze %dma_wait3A_1884 : memref<1x32x128xf32, #tpu.memory_space<vmem>> -> memref<32x128xf32, #tpu.memory_space<vmem>>
        %dma_wait3A_1886 = arith.constant 0 : i32
        %dma_wait3A_1887 = arith.constant 0 : i32
        %dma_wait3A_1888 = tpu.memref_slice %arg6[%dma_wait3A_1886, %dma_wait3A_1887] : memref<32x1000000xf32, #tpu.memory_space<hbm>> -> memref<32x128xf32, #tpu.memory_space<hbm>>
        tpu.wait_dma2 semaphore(%dma_wait3A_1881 : memref<!tpu.dma_semaphore, #tpu.memory_space<semaphore_mem>>) src(%dma_wait3A_1888 : memref<32x128xf32, #tpu.memory_space<hbm>>) dst(%dma_wait3A_1885 : memref<32x128xf32, #tpu.memory_space<vmem>>)
      } else {
      }
      %convert_element_type3A_1570 = arith.extui %ne3A_1525 : i1 to i32
      %cond3A_1571 = arith.constant 0 : i32
      %cond3A_1572 = arith.cmpi ne, %convert_element_type3A_1570, %cond3A_1571 : i32
      scf.if %cond3A_1572 {
        %mul3A_1865 = arith.constant 8 : i32
        %mul3A_1866 = arith.muli %rem3A_1234, %mul3A_1865 : i32
        %add3A_1867 = arith.constant 6 : i32
        %add3A_1868 = arith.addi %mul3A_1866, %add3A_1867 : i32
        %mul3A_1869 = arith.constant 8 : i32
        %mul3A_1870 = arith.muli %rem3A_1234, %mul3A_1869 : i32
        %add3A_1871 = arith.constant 6 : i32
        %add3A_1872 = arith.addi %mul3A_1870, %add3A_1871 : i32
        %dma_wait3A_1873 = arith.constant 0 : i32
        %dma_wait3A_1874 = arith.constant 0 : i32
        %dma_wait3A_1875 = tpu.memref_slice %arg12[%add3A_1868, %dma_wait3A_1873, %dma_wait3A_1874] : memref<24x32x128xf32, #tpu.memory_space<vmem>> -> memref<1x32x128xf32, #tpu.memory_space<vmem>>
        %dma_wait3A_1876 = tpu.memref_squeeze %dma_wait3A_1875 : memref<1x32x128xf32, #tpu.memory_space<vmem>> -> memref<32x128xf32, #tpu.memory_space<vmem>>
        %dma_wait3A_1877 = arith.constant 0 : i32
        %dma_wait3A_1878 = arith.constant 0 : i32
        %dma_wait3A_1879 = tpu.memref_slice %arg6[%dma_wait3A_1877, %dma_wait3A_1878] : memref<32x1000000xf32, #tpu.memory_space<hbm>> -> memref<32x128xf32, #tpu.memory_space<hbm>>
        %dma_wait3A_1880 = tpu.memref_slice %arg14[%add3A_1872] : memref<24x!tpu.dma_semaphore, #tpu.memory_space<semaphore_mem>> -> memref<1x!tpu.dma_semaphore, #tpu.memory_space<semaphore_mem>>
        %dma_wait3A_1881 = tpu.memref_squeeze %dma_wait3A_1880 : memref<1x!tpu.dma_semaphore, #tpu.memory_space<semaphore_mem>> -> memref<!tpu.dma_semaphore, #tpu.memory_space<semaphore_mem>>
        %dma_wait3A_1882 = arith.constant 0 : i32
        %dma_wait3A_1883 = arith.constant 0 : i32
        %dma_wait3A_1884 = tpu.memref_slice %arg12[%add3A_1868, %dma_wait3A_1882, %dma_wait3A_1883] : memref<24x32x128xf32, #tpu.memory_space<vmem>> -> memref<1x32x128xf32, #tpu.memory_space<vmem>>
        %dma_wait3A_1885 = tpu.memref_squeeze %dma_wait3A_1884 : memref<1x32x128xf32, #tpu.memory_space<vmem>> -> memref<32x128xf32, #tpu.memory_space<vmem>>
        %dma_wait3A_1886 = arith.constant 0 : i32
        %dma_wait3A_1887 = arith.constant 0 : i32
        %dma_wait3A_1888 = tpu.memref_slice %arg6[%dma_wait3A_1886, %dma_wait3A_1887] : memref<32x1000000xf32, #tpu.memory_space<hbm>> -> memref<32x128xf32, #tpu.memory_space<hbm>>
        tpu.wait_dma2 semaphore(%dma_wait3A_1881 : memref<!tpu.dma_semaphore, #tpu.memory_space<semaphore_mem>>) src(%dma_wait3A_1888 : memref<32x128xf32, #tpu.memory_space<hbm>>) dst(%dma_wait3A_1885 : memref<32x128xf32, #tpu.memory_space<vmem>>)
      } else {
      }
      %convert_element_type3A_1573 = arith.extui %ne3A_1528 : i1 to i32
      %cond3A_1574 = arith.constant 0 : i32
      %cond3A_1575 = arith.cmpi ne, %convert_element_type3A_1573, %cond3A_1574 : i32
      scf.if %cond3A_1575 {
        %mul3A_1865 = arith.constant 8 : i32
        %mul3A_1866 = arith.muli %rem3A_1234, %mul3A_1865 : i32
        %add3A_1867 = arith.constant 7 : i32
        %add3A_1868 = arith.addi %mul3A_1866, %add3A_1867 : i32
        %mul3A_1869 = arith.constant 8 : i32
        %mul3A_1870 = arith.muli %rem3A_1234, %mul3A_1869 : i32
        %add3A_1871 = arith.constant 7 : i32
        %add3A_1872 = arith.addi %mul3A_1870, %add3A_1871 : i32
        %dma_wait3A_1873 = arith.constant 0 : i32
        %dma_wait3A_1874 = arith.constant 0 : i32
        %dma_wait3A_1875 = tpu.memref_slice %arg12[%add3A_1868, %dma_wait3A_1873, %dma_wait3A_1874] : memref<24x32x128xf32, #tpu.memory_space<vmem>> -> memref<1x32x128xf32, #tpu.memory_space<vmem>>
        %dma_wait3A_1876 = tpu.memref_squeeze %dma_wait3A_1875 : memref<1x32x128xf32, #tpu.memory_space<vmem>> -> memref<32x128xf32, #tpu.memory_space<vmem>>
        %dma_wait3A_1877 = arith.constant 0 : i32
        %dma_wait3A_1878 = arith.constant 0 : i32
        %dma_wait3A_1879 = tpu.memref_slice %arg6[%dma_wait3A_1877, %dma_wait3A_1878] : memref<32x1000000xf32, #tpu.memory_space<hbm>> -> memref<32x128xf32, #tpu.memory_space<hbm>>
        %dma_wait3A_1880 = tpu.memref_slice %arg14[%add3A_1872] : memref<24x!tpu.dma_semaphore, #tpu.memory_space<semaphore_mem>> -> memref<1x!tpu.dma_semaphore, #tpu.memory_space<semaphore_mem>>
        %dma_wait3A_1881 = tpu.memref_squeeze %dma_wait3A_1880 : memref<1x!tpu.dma_semaphore, #tpu.memory_space<semaphore_mem>> -> memref<!tpu.dma_semaphore, #tpu.memory_space<semaphore_mem>>
        %dma_wait3A_1882 = arith.constant 0 : i32
        %dma_wait3A_1883 = arith.constant 0 : i32
        %dma_wait3A_1884 = tpu.memref_slice %arg12[%add3A_1868, %dma_wait3A_1882, %dma_wait3A_1883] : memref<24x32x128xf32, #tpu.memory_space<vmem>> -> memref<1x32x128xf32, #tpu.memory_space<vmem>>
        %dma_wait3A_1885 = tpu.memref_squeeze %dma_wait3A_1884 : memref<1x32x128xf32, #tpu.memory_space<vmem>> -> memref<32x128xf32, #tpu.memory_space<vmem>>
        %dma_wait3A_1886 = arith.constant 0 : i32
        %dma_wait3A_1887 = arith.constant 0 : i32
        %dma_wait3A_1888 = tpu.memref_slice %arg6[%dma_wait3A_1886, %dma_wait3A_1887] : memref<32x1000000xf32, #tpu.memory_space<hbm>> -> memref<32x128xf32, #tpu.memory_space<hbm>>
        tpu.wait_dma2 semaphore(%dma_wait3A_1881 : memref<!tpu.dma_semaphore, #tpu.memory_space<semaphore_mem>>) src(%dma_wait3A_1888 : memref<32x128xf32, #tpu.memory_space<hbm>>) dst(%dma_wait3A_1885 : memref<32x128xf32, #tpu.memory_space<vmem>>)
      } else {
      }
      %rem3A_1576 = arith.constant 8 : i32
      %rem3A_1577 = arith.remsi %add3A_1232, %rem3A_1576 : i32
      %mul3A_1578 = arith.constant 8 : i32
      %mul3A_1579 = arith.muli %rem3A_1577, %mul3A_1578 : i32
      %slice3A_1580 = vector.extract_strided_slice %get3A_1276 {offsets = [0], sizes = [1], strides = [1]} : vector<16xi32> to vector<1xi32>
      %squeeze3A_1581 = vector.extract %slice3A_1580[0] : i32 from vector<1xi32>
      %rem3A_1582 = arith.constant 128 : i32
      %rem3A_1583 = arith.remsi %squeeze3A_1581, %rem3A_1582 : i32
      %broadcast_in_dim3A = vector.broadcast %rem3A_1583 : i32 to vector<16xi32>
      %add3A_1584 = arith.constant 0 : i32
      %add3A_1585 = arith.addi %mul3A_1579, %add3A_1584 : i32
      %broadcast_in_dim3A_1586 = vector.broadcast %add3A_1585 : i32 to vector<16xi32>
      %mul3A_1587 = arith.constant 8 : i32
      %mul3A_1588 = arith.muli %rem3A_1234, %mul3A_1587 : i32
      %add3A_1589 = arith.constant 0 : i32
      %add3A_1590 = arith.addi %mul3A_1588, %add3A_1589 : i32
      %gather3A = arith.constant 0 : i32
      %gather3A_1591 = arith.constant 0 : i32
      %gather3A_1592 = tpu.memref_slice %arg12[%add3A_1590, %gather3A, %gather3A_1591] : memref<24x32x128xf32, #tpu.memory_space<vmem>> -> memref<1x32x128xf32, #tpu.memory_space<vmem>>
      %gather3A_1593 = tpu.memref_squeeze %gather3A_1592 : memref<1x32x128xf32, #tpu.memory_space<vmem>> -> memref<32x128xf32, #tpu.memory_space<vmem>>
      %gather3A_1594 = tpu.vector_load_idx %gather3A_1593[%iota3A, %broadcast_in_dim3A] : memref<32x128xf32, #tpu.memory_space<vmem>>[vector<16xi32>, vector<16xi32>], vector<16xf32>,
      %add3A_1595 = arith.constant 16 : i32
      %add3A_1596 = vector.broadcast %add3A_1595 : i32 to vector<16xi32>
      %add3A_1597 = arith.addi %iota3A, %add3A_1596 : vector<16xi32>
      %gather3A_1598 = arith.constant 0 : i32
      %gather3A_1599 = arith.constant 0 : i32
      %gather3A_1600 = tpu.memref_slice %arg12[%add3A_1590, %gather3A_1598, %gather3A_1599] : memref<24x32x128xf32, #tpu.memory_space<vmem>> -> memref<1x32x128xf32, #tpu.memory_space<vmem>>
      %gather3A_1601 = tpu.memref_squeeze %gather3A_1600 : memref<1x32x128xf32, #tpu.memory_space<vmem>> -> memref<32x128xf32, #tpu.memory_space<vmem>>
      %gather3A_1602 = tpu.vector_load_idx %gather3A_1601[%add3A_1597, %broadcast_in_dim3A] : memref<32x128xf32, #tpu.memory_space<vmem>>[vector<16xi32>, vector<16xi32>], vector<16xf32>,
      %scatter3A = arith.constant 0 : i32
      %scatter3A_1603 = arith.constant 0 : i32
      %scatter3A_1604 = tpu.memref_slice %arg13[%rem3A_1264, %scatter3A, %scatter3A_1603] : memref<2x64x128xf32, #tpu.memory_space<vmem>> -> memref<1x64x128xf32, #tpu.memory_space<vmem>>
      %scatter3A_1605 = tpu.memref_squeeze %scatter3A_1604 : memref<1x64x128xf32, #tpu.memory_space<vmem>> -> memref<64x128xf32, #tpu.memory_space<vmem>>
      tpu.vector_store_idx %scatter3A_1605[%broadcast_in_dim3A_1586, %iota3A], %gather3A_1594 : memref<64x128xf32, #tpu.memory_space<vmem>>[vector<16xi32>, vector<16xi32>], vector<16xf32>,
      %add3A_1606 = arith.constant 16 : i32
      %add3A_1607 = vector.broadcast %add3A_1606 : i32 to vector<16xi32>
      %add3A_1608 = arith.addi %iota3A, %add3A_1607 : vector<16xi32>
      %scatter3A_1609 = arith.constant 0 : i32
      %scatter3A_1610 = arith.constant 0 : i32
      %scatter3A_1611 = tpu.memref_slice %arg13[%rem3A_1264, %scatter3A_1609, %scatter3A_1610] : memref<2x64x128xf32, #tpu.memory_space<vmem>> -> memref<1x64x128xf32, #tpu.memory_space<vmem>>
      %scatter3A_1612 = tpu.memref_squeeze %scatter3A_1611 : memref<1x64x128xf32, #tpu.memory_space<vmem>> -> memref<64x128xf32, #tpu.memory_space<vmem>>
      tpu.vector_store_idx %scatter3A_1612[%broadcast_in_dim3A_1586, %add3A_1608], %gather3A_1602 : memref<64x128xf32, #tpu.memory_space<vmem>>[vector<16xi32>, vector<16xi32>], vector<16xf32>,
      %slice3A_1613 = vector.extract_strided_slice %get3A_1276 {offsets = [1], sizes = [1], strides = [1]} : vector<16xi32> to vector<1xi32>
      %squeeze3A_1614 = vector.extract %slice3A_1613[0] : i32 from vector<1xi32>
      %rem3A_1615 = arith.constant 128 : i32
      %rem3A_1616 = arith.remsi %squeeze3A_1614, %rem3A_1615 : i32
      %broadcast_in_dim3A_1617 = vector.broadcast %rem3A_1616 : i32 to vector<16xi32>
      %add3A_1618 = arith.constant 1 : i32
      %add3A_1619 = arith.addi %mul3A_1579, %add3A_1618 : i32
      %broadcast_in_dim3A_1620 = vector.broadcast %add3A_1619 : i32 to vector<16xi32>
      %mul3A_1621 = arith.constant 8 : i32
      %mul3A_1622 = arith.muli %rem3A_1234, %mul3A_1621 : i32
      %add3A_1623 = arith.addi %mul3A_1622, %select_n3A_1512 : i32
      %gather3A_1624 = arith.constant 0 : i32
      %gather3A_1625 = arith.constant 0 : i32
      %gather3A_1626 = tpu.memref_slice %arg12[%add3A_1623, %gather3A_1624, %gather3A_1625] : memref<24x32x128xf32, #tpu.memory_space<vmem>> -> memref<1x32x128xf32, #tpu.memory_space<vmem>>
      %gather3A_1627 = tpu.memref_squeeze %gather3A_1626 : memref<1x32x128xf32, #tpu.memory_space<vmem>> -> memref<32x128xf32, #tpu.memory_space<vmem>>
      %gather3A_1628 = tpu.vector_load_idx %gather3A_1627[%iota3A, %broadcast_in_dim3A_1617] : memref<32x128xf32, #tpu.memory_space<vmem>>[vector<16xi32>, vector<16xi32>], vector<16xf32>,
      %add3A_1629 = arith.constant 16 : i32
      %add3A_1630 = vector.broadcast %add3A_1629 : i32 to vector<16xi32>
      %add3A_1631 = arith.addi %iota3A, %add3A_1630 : vector<16xi32>
      %gather3A_1632 = arith.constant 0 : i32
      %gather3A_1633 = arith.constant 0 : i32
      %gather3A_1634 = tpu.memref_slice %arg12[%add3A_1623, %gather3A_1632, %gather3A_1633] : memref<24x32x128xf32, #tpu.memory_space<vmem>> -> memref<1x32x128xf32, #tpu.memory_space<vmem>>
      %gather3A_1635 = tpu.memref_squeeze %gather3A_1634 : memref<1x32x128xf32, #tpu.memory_space<vmem>> -> memref<32x128xf32, #tpu.memory_space<vmem>>
      %gather3A_1636 = tpu.vector_load_idx %gather3A_1635[%add3A_1631, %broadcast_in_dim3A_1617] : memref<32x128xf32, #tpu.memory_space<vmem>>[vector<16xi32>, vector<16xi32>], vector<16xf32>,
      %scatter3A_1637 = arith.constant 0 : i32
      %scatter3A_1638 = arith.constant 0 : i32
      %scatter3A_1639 = tpu.memref_slice %arg13[%rem3A_1264, %scatter3A_1637, %scatter3A_1638] : memref<2x64x128xf32, #tpu.memory_space<vmem>> -> memref<1x64x128xf32, #tpu.memory_space<vmem>>
      %scatter3A_1640 = tpu.memref_squeeze %scatter3A_1639 : memref<1x64x128xf32, #tpu.memory_space<vmem>> -> memref<64x128xf32, #tpu.memory_space<vmem>>
      tpu.vector_store_idx %scatter3A_1640[%broadcast_in_dim3A_1620, %iota3A], %gather3A_1628 : memref<64x128xf32, #tpu.memory_space<vmem>>[vector<16xi32>, vector<16xi32>], vector<16xf32>,
      %add3A_1641 = arith.constant 16 : i32
      %add3A_1642 = vector.broadcast %add3A_1641 : i32 to vector<16xi32>
      %add3A_1643 = arith.addi %iota3A, %add3A_1642 : vector<16xi32>
      %scatter3A_1644 = arith.constant 0 : i32
      %scatter3A_1645 = arith.constant 0 : i32
      %scatter3A_1646 = tpu.memref_slice %arg13[%rem3A_1264, %scatter3A_1644, %scatter3A_1645] : memref<2x64x128xf32, #tpu.memory_space<vmem>> -> memref<1x64x128xf32, #tpu.memory_space<vmem>>
      %scatter3A_1647 = tpu.memref_squeeze %scatter3A_1646 : memref<1x64x128xf32, #tpu.memory_space<vmem>> -> memref<64x128xf32, #tpu.memory_space<vmem>>
      tpu.vector_store_idx %scatter3A_1647[%broadcast_in_dim3A_1620, %add3A_1643], %gather3A_1636 : memref<64x128xf32, #tpu.memory_space<vmem>>[vector<16xi32>, vector<16xi32>], vector<16xf32>,
      %slice3A_1648 = vector.extract_strided_slice %get3A_1276 {offsets = [2], sizes = [1], strides = [1]} : vector<16xi32> to vector<1xi32>
      %squeeze3A_1649 = vector.extract %slice3A_1648[0] : i32 from vector<1xi32>
      %rem3A_1650 = arith.constant 128 : i32
      %rem3A_1651 = arith.remsi %squeeze3A_1649, %rem3A_1650 : i32
      %broadcast_in_dim3A_1652 = vector.broadcast %rem3A_1651 : i32 to vector<16xi32>
      %add3A_1653 = arith.constant 2 : i32
      %add3A_1654 = arith.addi %mul3A_1579, %add3A_1653 : i32
      %broadcast_in_dim3A_1655 = vector.broadcast %add3A_1654 : i32 to vector<16xi32>
      %mul3A_1656 = arith.constant 8 : i32
      %mul3A_1657 = arith.muli %rem3A_1234, %mul3A_1656 : i32
      %add3A_1658 = arith.addi %mul3A_1657, %select_n3A_1515 : i32
      %gather3A_1659 = arith.constant 0 : i32
      %gather3A_1660 = arith.constant 0 : i32
      %gather3A_1661 = tpu.memref_slice %arg12[%add3A_1658, %gather3A_1659, %gather3A_1660] : memref<24x32x128xf32, #tpu.memory_space<vmem>> -> memref<1x32x128xf32, #tpu.memory_space<vmem>>
      %gather3A_1662 = tpu.memref_squeeze %gather3A_1661 : memref<1x32x128xf32, #tpu.memory_space<vmem>> -> memref<32x128xf32, #tpu.memory_space<vmem>>
      %gather3A_1663 = tpu.vector_load_idx %gather3A_1662[%iota3A, %broadcast_in_dim3A_1652] : memref<32x128xf32, #tpu.memory_space<vmem>>[vector<16xi32>, vector<16xi32>], vector<16xf32>,
      %add3A_1664 = arith.constant 16 : i32
      %add3A_1665 = vector.broadcast %add3A_1664 : i32 to vector<16xi32>
      %add3A_1666 = arith.addi %iota3A, %add3A_1665 : vector<16xi32>
      %gather3A_1667 = arith.constant 0 : i32
      %gather3A_1668 = arith.constant 0 : i32
      %gather3A_1669 = tpu.memref_slice %arg12[%add3A_1658, %gather3A_1667, %gather3A_1668] : memref<24x32x128xf32, #tpu.memory_space<vmem>> -> memref<1x32x128xf32, #tpu.memory_space<vmem>>
      %gather3A_1670 = tpu.memref_squeeze %gather3A_1669 : memref<1x32x128xf32, #tpu.memory_space<vmem>> -> memref<32x128xf32, #tpu.memory_space<vmem>>
      %gather3A_1671 = tpu.vector_load_idx %gather3A_1670[%add3A_1666, %broadcast_in_dim3A_1652] : memref<32x128xf32, #tpu.memory_space<vmem>>[vector<16xi32>, vector<16xi32>], vector<16xf32>,
      %scatter3A_1672 = arith.constant 0 : i32
      %scatter3A_1673 = arith.constant 0 : i32
      %scatter3A_1674 = tpu.memref_slice %arg13[%rem3A_1264, %scatter3A_1672, %scatter3A_1673] : memref<2x64x128xf32, #tpu.memory_space<vmem>> -> memref<1x64x128xf32, #tpu.memory_space<vmem>>
      %scatter3A_1675 = tpu.memref_squeeze %scatter3A_1674 : memref<1x64x128xf32, #tpu.memory_space<vmem>> -> memref<64x128xf32, #tpu.memory_space<vmem>>
      tpu.vector_store_idx %scatter3A_1675[%broadcast_in_dim3A_1655, %iota3A], %gather3A_1663 : memref<64x128xf32, #tpu.memory_space<vmem>>[vector<16xi32>, vector<16xi32>], vector<16xf32>,
      %add3A_1676 = arith.constant 16 : i32
      %add3A_1677 = vector.broadcast %add3A_1676 : i32 to vector<16xi32>
      %add3A_1678 = arith.addi %iota3A, %add3A_1677 : vector<16xi32>
      %scatter3A_1679 = arith.constant 0 : i32
      %scatter3A_1680 = arith.constant 0 : i32
      %scatter3A_1681 = tpu.memref_slice %arg13[%rem3A_1264, %scatter3A_1679, %scatter3A_1680] : memref<2x64x128xf32, #tpu.memory_space<vmem>> -> memref<1x64x128xf32, #tpu.memory_space<vmem>>
      %scatter3A_1682 = tpu.memref_squeeze %scatter3A_1681 : memref<1x64x128xf32, #tpu.memory_space<vmem>> -> memref<64x128xf32, #tpu.memory_space<vmem>>
      tpu.vector_store_idx %scatter3A_1682[%broadcast_in_dim3A_1655, %add3A_1678], %gather3A_1671 : memref<64x128xf32, #tpu.memory_space<vmem>>[vector<16xi32>, vector<16xi32>], vector<16xf32>,
      %slice3A_1683 = vector.extract_strided_slice %get3A_1276 {offsets = [3], sizes = [1], strides = [1]} : vector<16xi32> to vector<1xi32>
      %squeeze3A_1684 = vector.extract %slice3A_1683[0] : i32 from vector<1xi32>
      %rem3A_1685 = arith.constant 128 : i32
      %rem3A_1686 = arith.remsi %squeeze3A_1684, %rem3A_1685 : i32
      %broadcast_in_dim3A_1687 = vector.broadcast %rem3A_1686 : i32 to vector<16xi32>
      %add3A_1688 = arith.constant 3 : i32
      %add3A_1689 = arith.addi %mul3A_1579, %add3A_1688 : i32
      %broadcast_in_dim3A_1690 = vector.broadcast %add3A_1689 : i32 to vector<16xi32>
      %mul3A_1691 = arith.constant 8 : i32
      %mul3A_1692 = arith.muli %rem3A_1234, %mul3A_1691 : i32
      %add3A_1693 = arith.addi %mul3A_1692, %select_n3A_1518 : i32
      %gather3A_1694 = arith.constant 0 : i32
      %gather3A_1695 = arith.constant 0 : i32
      %gather3A_1696 = tpu.memref_slice %arg12[%add3A_1693, %gather3A_1694, %gather3A_1695] : memref<24x32x128xf32, #tpu.memory_space<vmem>> -> memref<1x32x128xf32, #tpu.memory_space<vmem>>
      %gather3A_1697 = tpu.memref_squeeze %gather3A_1696 : memref<1x32x128xf32, #tpu.memory_space<vmem>> -> memref<32x128xf32, #tpu.memory_space<vmem>>
      %gather3A_1698 = tpu.vector_load_idx %gather3A_1697[%iota3A, %broadcast_in_dim3A_1687] : memref<32x128xf32, #tpu.memory_space<vmem>>[vector<16xi32>, vector<16xi32>], vector<16xf32>,
      %add3A_1699 = arith.constant 16 : i32
      %add3A_1700 = vector.broadcast %add3A_1699 : i32 to vector<16xi32>
      %add3A_1701 = arith.addi %iota3A, %add3A_1700 : vector<16xi32>
      %gather3A_1702 = arith.constant 0 : i32
      %gather3A_1703 = arith.constant 0 : i32
      %gather3A_1704 = tpu.memref_slice %arg12[%add3A_1693, %gather3A_1702, %gather3A_1703] : memref<24x32x128xf32, #tpu.memory_space<vmem>> -> memref<1x32x128xf32, #tpu.memory_space<vmem>>
      %gather3A_1705 = tpu.memref_squeeze %gather3A_1704 : memref<1x32x128xf32, #tpu.memory_space<vmem>> -> memref<32x128xf32, #tpu.memory_space<vmem>>
      %gather3A_1706 = tpu.vector_load_idx %gather3A_1705[%add3A_1701, %broadcast_in_dim3A_1687] : memref<32x128xf32, #tpu.memory_space<vmem>>[vector<16xi32>, vector<16xi32>], vector<16xf32>,
      %scatter3A_1707 = arith.constant 0 : i32
      %scatter3A_1708 = arith.constant 0 : i32
      %scatter3A_1709 = tpu.memref_slice %arg13[%rem3A_1264, %scatter3A_1707, %scatter3A_1708] : memref<2x64x128xf32, #tpu.memory_space<vmem>> -> memref<1x64x128xf32, #tpu.memory_space<vmem>>
      %scatter3A_1710 = tpu.memref_squeeze %scatter3A_1709 : memref<1x64x128xf32, #tpu.memory_space<vmem>> -> memref<64x128xf32, #tpu.memory_space<vmem>>
      tpu.vector_store_idx %scatter3A_1710[%broadcast_in_dim3A_1690, %iota3A], %gather3A_1698 : memref<64x128xf32, #tpu.memory_space<vmem>>[vector<16xi32>, vector<16xi32>], vector<16xf32>,
      %add3A_1711 = arith.constant 16 : i32
      %add3A_1712 = vector.broadcast %add3A_1711 : i32 to vector<16xi32>
      %add3A_1713 = arith.addi %iota3A, %add3A_1712 : vector<16xi32>
      %scatter3A_1714 = arith.constant 0 : i32
      %scatter3A_1715 = arith.constant 0 : i32
      %scatter3A_1716 = tpu.memref_slice %arg13[%rem3A_1264, %scatter3A_1714, %scatter3A_1715] : memref<2x64x128xf32, #tpu.memory_space<vmem>> -> memref<1x64x128xf32, #tpu.memory_space<vmem>>
      %scatter3A_1717 = tpu.memref_squeeze %scatter3A_1716 : memref<1x64x128xf32, #tpu.memory_space<vmem>> -> memref<64x128xf32, #tpu.memory_space<vmem>>
      tpu.vector_store_idx %scatter3A_1717[%broadcast_in_dim3A_1690, %add3A_1713], %gather3A_1706 : memref<64x128xf32, #tpu.memory_space<vmem>>[vector<16xi32>, vector<16xi32>], vector<16xf32>,
      %slice3A_1718 = vector.extract_strided_slice %get3A_1276 {offsets = [4], sizes = [1], strides = [1]} : vector<16xi32> to vector<1xi32>
      %squeeze3A_1719 = vector.extract %slice3A_1718[0] : i32 from vector<1xi32>
      %rem3A_1720 = arith.constant 128 : i32
      %rem3A_1721 = arith.remsi %squeeze3A_1719, %rem3A_1720 : i32
      %broadcast_in_dim3A_1722 = vector.broadcast %rem3A_1721 : i32 to vector<16xi32>
      %add3A_1723 = arith.constant 4 : i32
      %add3A_1724 = arith.addi %mul3A_1579, %add3A_1723 : i32
      %broadcast_in_dim3A_1725 = vector.broadcast %add3A_1724 : i32 to vector<16xi32>
      %mul3A_1726 = arith.constant 8 : i32
      %mul3A_1727 = arith.muli %rem3A_1234, %mul3A_1726 : i32
      %add3A_1728 = arith.addi %mul3A_1727, %select_n3A_1521 : i32
      %gather3A_1729 = arith.constant 0 : i32
      %gather3A_1730 = arith.constant 0 : i32
      %gather3A_1731 = tpu.memref_slice %arg12[%add3A_1728, %gather3A_1729, %gather3A_1730] : memref<24x32x128xf32, #tpu.memory_space<vmem>> -> memref<1x32x128xf32, #tpu.memory_space<vmem>>
      %gather3A_1732 = tpu.memref_squeeze %gather3A_1731 : memref<1x32x128xf32, #tpu.memory_space<vmem>> -> memref<32x128xf32, #tpu.memory_space<vmem>>
      %gather3A_1733 = tpu.vector_load_idx %gather3A_1732[%iota3A, %broadcast_in_dim3A_1722] : memref<32x128xf32, #tpu.memory_space<vmem>>[vector<16xi32>, vector<16xi32>], vector<16xf32>,
      %add3A_1734 = arith.constant 16 : i32
      %add3A_1735 = vector.broadcast %add3A_1734 : i32 to vector<16xi32>
      %add3A_1736 = arith.addi %iota3A, %add3A_1735 : vector<16xi32>
      %gather3A_1737 = arith.constant 0 : i32
      %gather3A_1738 = arith.constant 0 : i32
      %gather3A_1739 = tpu.memref_slice %arg12[%add3A_1728, %gather3A_1737, %gather3A_1738] : memref<24x32x128xf32, #tpu.memory_space<vmem>> -> memref<1x32x128xf32, #tpu.memory_space<vmem>>
      %gather3A_1740 = tpu.memref_squeeze %gather3A_1739 : memref<1x32x128xf32, #tpu.memory_space<vmem>> -> memref<32x128xf32, #tpu.memory_space<vmem>>
      %gather3A_1741 = tpu.vector_load_idx %gather3A_1740[%add3A_1736, %broadcast_in_dim3A_1722] : memref<32x128xf32, #tpu.memory_space<vmem>>[vector<16xi32>, vector<16xi32>], vector<16xf32>,
      %scatter3A_1742 = arith.constant 0 : i32
      %scatter3A_1743 = arith.constant 0 : i32
      %scatter3A_1744 = tpu.memref_slice %arg13[%rem3A_1264, %scatter3A_1742, %scatter3A_1743] : memref<2x64x128xf32, #tpu.memory_space<vmem>> -> memref<1x64x128xf32, #tpu.memory_space<vmem>>
      %scatter3A_1745 = tpu.memref_squeeze %scatter3A_1744 : memref<1x64x128xf32, #tpu.memory_space<vmem>> -> memref<64x128xf32, #tpu.memory_space<vmem>>
      tpu.vector_store_idx %scatter3A_1745[%broadcast_in_dim3A_1725, %iota3A], %gather3A_1733 : memref<64x128xf32, #tpu.memory_space<vmem>>[vector<16xi32>, vector<16xi32>], vector<16xf32>,
      %add3A_1746 = arith.constant 16 : i32
      %add3A_1747 = vector.broadcast %add3A_1746 : i32 to vector<16xi32>
      %add3A_1748 = arith.addi %iota3A, %add3A_1747 : vector<16xi32>
      %scatter3A_1749 = arith.constant 0 : i32
      %scatter3A_1750 = arith.constant 0 : i32
      %scatter3A_1751 = tpu.memref_slice %arg13[%rem3A_1264, %scatter3A_1749, %scatter3A_1750] : memref<2x64x128xf32, #tpu.memory_space<vmem>> -> memref<1x64x128xf32, #tpu.memory_space<vmem>>
      %scatter3A_1752 = tpu.memref_squeeze %scatter3A_1751 : memref<1x64x128xf32, #tpu.memory_space<vmem>> -> memref<64x128xf32, #tpu.memory_space<vmem>>
      tpu.vector_store_idx %scatter3A_1752[%broadcast_in_dim3A_1725, %add3A_1748], %gather3A_1741 : memref<64x128xf32, #tpu.memory_space<vmem>>[vector<16xi32>, vector<16xi32>], vector<16xf32>,
      %slice3A_1753 = vector.extract_strided_slice %get3A_1276 {offsets = [5], sizes = [1], strides = [1]} : vector<16xi32> to vector<1xi32>
      %squeeze3A_1754 = vector.extract %slice3A_1753[0] : i32 from vector<1xi32>
      %rem3A_1755 = arith.constant 128 : i32
      %rem3A_1756 = arith.remsi %squeeze3A_1754, %rem3A_1755 : i32
      %broadcast_in_dim3A_1757 = vector.broadcast %rem3A_1756 : i32 to vector<16xi32>
      %add3A_1758 = arith.constant 5 : i32
      %add3A_1759 = arith.addi %mul3A_1579, %add3A_1758 : i32
      %broadcast_in_dim3A_1760 = vector.broadcast %add3A_1759 : i32 to vector<16xi32>
      %mul3A_1761 = arith.constant 8 : i32
      %mul3A_1762 = arith.muli %rem3A_1234, %mul3A_1761 : i32
      %add3A_1763 = arith.addi %mul3A_1762, %select_n3A_1524 : i32
      %gather3A_1764 = arith.constant 0 : i32
      %gather3A_1765 = arith.constant 0 : i32
      %gather3A_1766 = tpu.memref_slice %arg12[%add3A_1763, %gather3A_1764, %gather3A_1765] : memref<24x32x128xf32, #tpu.memory_space<vmem>> -> memref<1x32x128xf32, #tpu.memory_space<vmem>>
      %gather3A_1767 = tpu.memref_squeeze %gather3A_1766 : memref<1x32x128xf32, #tpu.memory_space<vmem>> -> memref<32x128xf32, #tpu.memory_space<vmem>>
      %gather3A_1768 = tpu.vector_load_idx %gather3A_1767[%iota3A, %broadcast_in_dim3A_1757] : memref<32x128xf32, #tpu.memory_space<vmem>>[vector<16xi32>, vector<16xi32>], vector<16xf32>,
      %add3A_1769 = arith.constant 16 : i32
      %add3A_1770 = vector.broadcast %add3A_1769 : i32 to vector<16xi32>
      %add3A_1771 = arith.addi %iota3A, %add3A_1770 : vector<16xi32>
      %gather3A_1772 = arith.constant 0 : i32
      %gather3A_1773 = arith.constant 0 : i32
      %gather3A_1774 = tpu.memref_slice %arg12[%add3A_1763, %gather3A_1772, %gather3A_1773] : memref<24x32x128xf32, #tpu.memory_space<vmem>> -> memref<1x32x128xf32, #tpu.memory_space<vmem>>
      %gather3A_1775 = tpu.memref_squeeze %gather3A_1774 : memref<1x32x128xf32, #tpu.memory_space<vmem>> -> memref<32x128xf32, #tpu.memory_space<vmem>>
      %gather3A_1776 = tpu.vector_load_idx %gather3A_1775[%add3A_1771, %broadcast_in_dim3A_1757] : memref<32x128xf32, #tpu.memory_space<vmem>>[vector<16xi32>, vector<16xi32>], vector<16xf32>,
      %scatter3A_1777 = arith.constant 0 : i32
      %scatter3A_1778 = arith.constant 0 : i32
      %scatter3A_1779 = tpu.memref_slice %arg13[%rem3A_1264, %scatter3A_1777, %scatter3A_1778] : memref<2x64x128xf32, #tpu.memory_space<vmem>> -> memref<1x64x128xf32, #tpu.memory_space<vmem>>
      %scatter3A_1780 = tpu.memref_squeeze %scatter3A_1779 : memref<1x64x128xf32, #tpu.memory_space<vmem>> -> memref<64x128xf32, #tpu.memory_space<vmem>>
      tpu.vector_store_idx %scatter3A_1780[%broadcast_in_dim3A_1760, %iota3A], %gather3A_1768 : memref<64x128xf32, #tpu.memory_space<vmem>>[vector<16xi32>, vector<16xi32>], vector<16xf32>,
      %add3A_1781 = arith.constant 16 : i32
      %add3A_1782 = vector.broadcast %add3A_1781 : i32 to vector<16xi32>
      %add3A_1783 = arith.addi %iota3A, %add3A_1782 : vector<16xi32>
      %scatter3A_1784 = arith.constant 0 : i32
      %scatter3A_1785 = arith.constant 0 : i32
      %scatter3A_1786 = tpu.memref_slice %arg13[%rem3A_1264, %scatter3A_1784, %scatter3A_1785] : memref<2x64x128xf32, #tpu.memory_space<vmem>> -> memref<1x64x128xf32, #tpu.memory_space<vmem>>
      %scatter3A_1787 = tpu.memref_squeeze %scatter3A_1786 : memref<1x64x128xf32, #tpu.memory_space<vmem>> -> memref<64x128xf32, #tpu.memory_space<vmem>>
      tpu.vector_store_idx %scatter3A_1787[%broadcast_in_dim3A_1760, %add3A_1783], %gather3A_1776 : memref<64x128xf32, #tpu.memory_space<vmem>>[vector<16xi32>, vector<16xi32>], vector<16xf32>,
      %slice3A_1788 = vector.extract_strided_slice %get3A_1276 {offsets = [6], sizes = [1], strides = [1]} : vector<16xi32> to vector<1xi32>
      %squeeze3A_1789 = vector.extract %slice3A_1788[0] : i32 from vector<1xi32>
      %rem3A_1790 = arith.constant 128 : i32
      %rem3A_1791 = arith.remsi %squeeze3A_1789, %rem3A_1790 : i32
      %broadcast_in_dim3A_1792 = vector.broadcast %rem3A_1791 : i32 to vector<16xi32>
      %add3A_1793 = arith.constant 6 : i32
      %add3A_1794 = arith.addi %mul3A_1579, %add3A_1793 : i32
      %broadcast_in_dim3A_1795 = vector.broadcast %add3A_1794 : i32 to vector<16xi32>
      %mul3A_1796 = arith.constant 8 : i32
      %mul3A_1797 = arith.muli %rem3A_1234, %mul3A_1796 : i32
      %add3A_1798 = arith.addi %mul3A_1797, %select_n3A_1527 : i32
      %gather3A_1799 = arith.constant 0 : i32
      %gather3A_1800 = arith.constant 0 : i32
      %gather3A_1801 = tpu.memref_slice %arg12[%add3A_1798, %gather3A_1799, %gather3A_1800] : memref<24x32x128xf32, #tpu.memory_space<vmem>> -> memref<1x32x128xf32, #tpu.memory_space<vmem>>
      %gather3A_1802 = tpu.memref_squeeze %gather3A_1801 : memref<1x32x128xf32, #tpu.memory_space<vmem>> -> memref<32x128xf32, #tpu.memory_space<vmem>>
      %gather3A_1803 = tpu.vector_load_idx %gather3A_1802[%iota3A, %broadcast_in_dim3A_1792] : memref<32x128xf32, #tpu.memory_space<vmem>>[vector<16xi32>, vector<16xi32>], vector<16xf32>,
      %add3A_1804 = arith.constant 16 : i32
      %add3A_1805 = vector.broadcast %add3A_1804 : i32 to vector<16xi32>
      %add3A_1806 = arith.addi %iota3A, %add3A_1805 : vector<16xi32>
      %gather3A_1807 = arith.constant 0 : i32
      %gather3A_1808 = arith.constant 0 : i32
      %gather3A_1809 = tpu.memref_slice %arg12[%add3A_1798, %gather3A_1807, %gather3A_1808] : memref<24x32x128xf32, #tpu.memory_space<vmem>> -> memref<1x32x128xf32, #tpu.memory_space<vmem>>
      %gather3A_1810 = tpu.memref_squeeze %gather3A_1809 : memref<1x32x128xf32, #tpu.memory_space<vmem>> -> memref<32x128xf32, #tpu.memory_space<vmem>>
      %gather3A_1811 = tpu.vector_load_idx %gather3A_1810[%add3A_1806, %broadcast_in_dim3A_1792] : memref<32x128xf32, #tpu.memory_space<vmem>>[vector<16xi32>, vector<16xi32>], vector<16xf32>,
      %scatter3A_1812 = arith.constant 0 : i32
      %scatter3A_1813 = arith.constant 0 : i32
      %scatter3A_1814 = tpu.memref_slice %arg13[%rem3A_1264, %scatter3A_1812, %scatter3A_1813] : memref<2x64x128xf32, #tpu.memory_space<vmem>> -> memref<1x64x128xf32, #tpu.memory_space<vmem>>
      %scatter3A_1815 = tpu.memref_squeeze %scatter3A_1814 : memref<1x64x128xf32, #tpu.memory_space<vmem>> -> memref<64x128xf32, #tpu.memory_space<vmem>>
      tpu.vector_store_idx %scatter3A_1815[%broadcast_in_dim3A_1795, %iota3A], %gather3A_1803 : memref<64x128xf32, #tpu.memory_space<vmem>>[vector<16xi32>, vector<16xi32>], vector<16xf32>,
      %add3A_1816 = arith.constant 16 : i32
      %add3A_1817 = vector.broadcast %add3A_1816 : i32 to vector<16xi32>
      %add3A_1818 = arith.addi %iota3A, %add3A_1817 : vector<16xi32>
      %scatter3A_1819 = arith.constant 0 : i32
      %scatter3A_1820 = arith.constant 0 : i32
      %scatter3A_1821 = tpu.memref_slice %arg13[%rem3A_1264, %scatter3A_1819, %scatter3A_1820] : memref<2x64x128xf32, #tpu.memory_space<vmem>> -> memref<1x64x128xf32, #tpu.memory_space<vmem>>
      %scatter3A_1822 = tpu.memref_squeeze %scatter3A_1821 : memref<1x64x128xf32, #tpu.memory_space<vmem>> -> memref<64x128xf32, #tpu.memory_space<vmem>>
      tpu.vector_store_idx %scatter3A_1822[%broadcast_in_dim3A_1795, %add3A_1818], %gather3A_1811 : memref<64x128xf32, #tpu.memory_space<vmem>>[vector<16xi32>, vector<16xi32>], vector<16xf32>,
      %slice3A_1823 = vector.extract_strided_slice %get3A_1276 {offsets = [7], sizes = [1], strides = [1]} : vector<16xi32> to vector<1xi32>
      %squeeze3A_1824 = vector.extract %slice3A_1823[0] : i32 from vector<1xi32>
      %rem3A_1825 = arith.constant 128 : i32
      %rem3A_1826 = arith.remsi %squeeze3A_1824, %rem3A_1825 : i32
      %broadcast_in_dim3A_1827 = vector.broadcast %rem3A_1826 : i32 to vector<16xi32>
      %add3A_1828 = arith.constant 7 : i32
      %add3A_1829 = arith.addi %mul3A_1579, %add3A_1828 : i32
      %broadcast_in_dim3A_1830 = vector.broadcast %add3A_1829 : i32 to vector<16xi32>
      %mul3A_1831 = arith.constant 8 : i32
      %mul3A_1832 = arith.muli %rem3A_1234, %mul3A_1831 : i32
      %add3A_1833 = arith.addi %mul3A_1832, %select_n3A_1530 : i32
      %gather3A_1834 = arith.constant 0 : i32
      %gather3A_1835 = arith.constant 0 : i32
      %gather3A_1836 = tpu.memref_slice %arg12[%add3A_1833, %gather3A_1834, %gather3A_1835] : memref<24x32x128xf32, #tpu.memory_space<vmem>> -> memref<1x32x128xf32, #tpu.memory_space<vmem>>
      %gather3A_1837 = tpu.memref_squeeze %gather3A_1836 : memref<1x32x128xf32, #tpu.memory_space<vmem>> -> memref<32x128xf32, #tpu.memory_space<vmem>>
      %gather3A_1838 = tpu.vector_load_idx %gather3A_1837[%iota3A, %broadcast_in_dim3A_1827] : memref<32x128xf32, #tpu.memory_space<vmem>>[vector<16xi32>, vector<16xi32>], vector<16xf32>,
      %add3A_1839 = arith.constant 16 : i32
      %add3A_1840 = vector.broadcast %add3A_1839 : i32 to vector<16xi32>
      %add3A_1841 = arith.addi %iota3A, %add3A_1840 : vector<16xi32>
      %gather3A_1842 = arith.constant 0 : i32
      %gather3A_1843 = arith.constant 0 : i32
      %gather3A_1844 = tpu.memref_slice %arg12[%add3A_1833, %gather3A_1842, %gather3A_1843] : memref<24x32x128xf32, #tpu.memory_space<vmem>> -> memref<1x32x128xf32, #tpu.memory_space<vmem>>
      %gather3A_1845 = tpu.memref_squeeze %gather3A_1844 : memref<1x32x128xf32, #tpu.memory_space<vmem>> -> memref<32x128xf32, #tpu.memory_space<vmem>>
      %gather3A_1846 = tpu.vector_load_idx %gather3A_1845[%add3A_1841, %broadcast_in_dim3A_1827] : memref<32x128xf32, #tpu.memory_space<vmem>>[vector<16xi32>, vector<16xi32>], vector<16xf32>,
      %scatter3A_1847 = arith.constant 0 : i32
      %scatter3A_1848 = arith.constant 0 : i32
      %scatter3A_1849 = tpu.memref_slice %arg13[%rem3A_1264, %scatter3A_1847, %scatter3A_1848] : memref<2x64x128xf32, #tpu.memory_space<vmem>> -> memref<1x64x128xf32, #tpu.memory_space<vmem>>
      %scatter3A_1850 = tpu.memref_squeeze %scatter3A_1849 : memref<1x64x128xf32, #tpu.memory_space<vmem>> -> memref<64x128xf32, #tpu.memory_space<vmem>>
      tpu.vector_store_idx %scatter3A_1850[%broadcast_in_dim3A_1830, %iota3A], %gather3A_1838 : memref<64x128xf32, #tpu.memory_space<vmem>>[vector<16xi32>, vector<16xi32>], vector<16xf32>,
      %add3A_1851 = arith.constant 16 : i32
      %add3A_1852 = vector.broadcast %add3A_1851 : i32 to vector<16xi32>
      %add3A_1853 = arith.addi %iota3A, %add3A_1852 : vector<16xi32>
      %scatter3A_1854 = arith.constant 0 : i32
      %scatter3A_1855 = arith.constant 0 : i32
      %scatter3A_1856 = tpu.memref_slice %arg13[%rem3A_1264, %scatter3A_1854, %scatter3A_1855] : memref<2x64x128xf32, #tpu.memory_space<vmem>> -> memref<1x64x128xf32, #tpu.memory_space<vmem>>
      %scatter3A_1857 = tpu.memref_squeeze %scatter3A_1856 : memref<1x64x128xf32, #tpu.memory_space<vmem>> -> memref<64x128xf32, #tpu.memory_space<vmem>>
      tpu.vector_store_idx %scatter3A_1857[%broadcast_in_dim3A_1830, %add3A_1853], %gather3A_1846 : memref<64x128xf32, #tpu.memory_space<vmem>>[vector<16xi32>, vector<16xi32>], vector<16xf32>,
      %rem3A_1858 = arith.constant 8 : i32
      %rem3A_1859 = arith.remsi %add3A_1232, %rem3A_1858 : i32
      %eq3A_1860 = arith.constant 7 : i32
      %eq3A_1861 = arith.cmpi eq, %rem3A_1859, %eq3A_1860 : i32
      %convert_element_type3A_1862 = arith.extui %eq3A_1861 : i1 to i32
      %cond3A_1863 = arith.constant 0 : i32
      %cond3A_1864 = arith.cmpi ne, %convert_element_type3A_1862, %cond3A_1863 : i32
      scf.if %cond3A_1864 {
        %dma_start3A_1865 = arith.constant 0 : i32
        %dma_start3A_1866 = arith.constant 0 : i32
        %dma_start3A_1867 = tpu.memref_slice %arg13[%rem3A_1264, %dma_start3A_1865, %dma_start3A_1866] : memref<2x64x128xf32, #tpu.memory_space<vmem>> -> memref<1x64x128xf32, #tpu.memory_space<vmem>>
        %dma_start3A_1868 = tpu.memref_squeeze %dma_start3A_1867 : memref<1x64x128xf32, #tpu.memory_space<vmem>> -> memref<64x128xf32, #tpu.memory_space<vmem>>
        %dma_start3A_1869 = arith.constant 0 : i32
        %dma_start3A_1870 = tpu.memref_slice %arg11[%select_n3A_1262, %dma_start3A_1869] : memref<8x64xi32, #tpu.memory_space<vmem>> -> memref<1x64xi32, #tpu.memory_space<vmem>>
        %dma_start3A_1871 = tpu.memref_squeeze %dma_start3A_1870 : memref<1x64xi32, #tpu.memory_space<vmem>> -> memref<64xi32, #tpu.memory_space<vmem>>
        %dma_start3A_1872 = arith.constant 0 : i32
        %dma_start3A_1873 = arith.constant 0 : i32
        %dma_start3A_1874 = tpu.memref_slice %arg8[%dma_start3A_1872, %dma_start3A_1873] : memref<16384x128xf32, #tpu.memory_space<hbm>> -> memref<16384x128xf32, #tpu.memory_space<hbm>>
        tpu.enqueue_indirect_dma source(%dma_start3A_1868 : memref<64x128xf32, #tpu.memory_space<vmem>>) target(%dma_start3A_1874 : memref<16384x128xf32, #tpu.memory_space<hbm>>) offsets(%dma_start3A_1871 : memref<64xi32, #tpu.memory_space<vmem>>) semaphore(%arg15 : memref<!tpu.dma_semaphore, #tpu.memory_space<semaphore_mem>>)
      } else {
      }
    }
    %scan3A_577 = arith.constant 64 : i32
    %dma_wait3A = arith.constant 0 : i32
    %dma_wait3A_578 = arith.constant 0 : i32
    %dma_wait3A_579 = arith.constant 0 : i32
    %dma_wait3A_580 = tpu.memref_slice %arg13[%dma_wait3A, %dma_wait3A_578, %dma_wait3A_579] : memref<2x64x128xf32, #tpu.memory_space<vmem>> -> memref<1x64x128xf32, #tpu.memory_space<vmem>>
    %dma_wait3A_581 = tpu.memref_squeeze %dma_wait3A_580 : memref<1x64x128xf32, #tpu.memory_space<vmem>> -> memref<64x128xf32, #tpu.memory_space<vmem>>
    %dma_wait3A_582 = arith.constant 0 : i32
    %dma_wait3A_583 = arith.constant 0 : i32
    %dma_wait3A_584 = tpu.memref_slice %arg8[%dma_wait3A_582, %dma_wait3A_583] : memref<16384x128xf32, #tpu.memory_space<hbm>> -> memref<64x128xf32, #tpu.memory_space<hbm>>
    %dma_wait3A_585 = arith.constant 0 : i32
    %dma_wait3A_586 = arith.constant 0 : i32
    %dma_wait3A_587 = tpu.memref_slice %arg8[%dma_wait3A_585, %dma_wait3A_586] : memref<16384x128xf32, #tpu.memory_space<hbm>> -> memref<64x128xf32, #tpu.memory_space<hbm>>
    %dma_wait3A_588 = arith.constant 0 : i32
    %dma_wait3A_589 = arith.constant 0 : i32
    %dma_wait3A_590 = tpu.memref_slice %arg13[%dma_wait3A, %dma_wait3A_588, %dma_wait3A_589] : memref<2x64x128xf32, #tpu.memory_space<vmem>> -> memref<1x64x128xf32, #tpu.memory_space<vmem>>
    %dma_wait3A_591 = tpu.memref_squeeze %dma_wait3A_590 : memref<1x64x128xf32, #tpu.memory_space<vmem>> -> memref<64x128xf32, #tpu.memory_space<vmem>>
    tpu.wait_dma2 semaphore(%arg15 : memref<!tpu.dma_semaphore, #tpu.memory_space<semaphore_mem>>) src(%dma_wait3A_591 : memref<64x128xf32, #tpu.memory_space<vmem>>) dst(%dma_wait3A_587 : memref<64x128xf32, #tpu.memory_space<hbm>>)
    %dma_wait3A_592 = arith.constant 0 : i32
    %dma_wait3A_593 = arith.constant 0 : i32
    %dma_wait3A_594 = arith.constant 0 : i32
    %dma_wait3A_595 = tpu.memref_slice %arg13[%dma_wait3A_592, %dma_wait3A_593, %dma_wait3A_594] : memref<2x64x128xf32, #tpu.memory_space<vmem>> -> memref<1x64x128xf32, #tpu.memory_space<vmem>>
    %dma_wait3A_596 = tpu.memref_squeeze %dma_wait3A_595 : memref<1x64x128xf32, #tpu.memory_space<vmem>> -> memref<64x128xf32, #tpu.memory_space<vmem>>
    %dma_wait3A_597 = arith.constant 0 : i32
    %dma_wait3A_598 = arith.constant 0 : i32
    %dma_wait3A_599 = tpu.memref_slice %arg8[%dma_wait3A_597, %dma_wait3A_598] : memref<16384x128xf32, #tpu.memory_space<hbm>> -> memref<64x128xf32, #tpu.memory_space<hbm>>
    %dma_wait3A_600 = arith.constant 0 : i32
    %dma_wait3A_601 = arith.constant 0 : i32
    %dma_wait3A_602 = tpu.memref_slice %arg8[%dma_wait3A_600, %dma_wait3A_601] : memref<16384x128xf32, #tpu.memory_space<hbm>> -> memref<64x128xf32, #tpu.memory_space<hbm>>
    %dma_wait3A_603 = arith.constant 0 : i32
    %dma_wait3A_604 = arith.constant 0 : i32
    %dma_wait3A_605 = tpu.memref_slice %arg13[%dma_wait3A_592, %dma_wait3A_603, %dma_wait3A_604] : memref<2x64x128xf32, #tpu.memory_space<vmem>> -> memref<1x64x128xf32, #tpu.memory_space<vmem>>
    %dma_wait3A_606 = tpu.memref_squeeze %dma_wait3A_605 : memref<1x64x128xf32, #tpu.memory_space<vmem>> -> memref<64x128xf32, #tpu.memory_space<vmem>>
    tpu.wait_dma2 semaphore(%arg15 : memref<!tpu.dma_semaphore, #tpu.memory_space<semaphore_mem>>) src(%dma_wait3A_606 : memref<64x128xf32, #tpu.memory_space<vmem>>) dst(%dma_wait3A_602 : memref<64x128xf32, #tpu.memory_space<hbm>>)
    "tpu.region"() ({
      %run_scoped3A = tpu.sem_alloc : memref<!tpu.dma_semaphore, #tpu.memory_space<semaphore_mem>>
      %dma_start3A_1228 = arith.constant 0 : i32
      %dma_start3A_1229 = tpu.memref_slice %arg10[%dma_start3A_1228] : memref<528xi32, #tpu.memory_space<vmem>> -> memref<512xi32, #tpu.memory_space<vmem>>
      %dma_start3A_1230 = tpu.memref_slice %arg4[%mul3A_2] : memref<16384xi32, #tpu.memory_space<hbm>> -> memref<512xi32, #tpu.memory_space<hbm>>
      %dma_start3A_1231 = arith.constant 0 : i32
      %dma_start3A_1232 = tpu.memref_slice %arg10[%dma_start3A_1231] : memref<528xi32, #tpu.memory_space<vmem>> -> memref<512xi32, #tpu.memory_space<vmem>>
      %dma_start3A_1233 = tpu.memref_slice %arg4[%mul3A_2] : memref<16384xi32, #tpu.memory_space<hbm>> -> memref<512xi32, #tpu.memory_space<hbm>>
      tpu.enqueue_dma source(%dma_start3A_1233 : memref<512xi32, #tpu.memory_space<hbm>>) target(%dma_start3A_1232 : memref<512xi32, #tpu.memory_space<vmem>>) target_semaphore(%run_scoped3A : memref<!tpu.dma_semaphore, #tpu.memory_space<semaphore_mem>>)
      %dma_wait3A_1234 = arith.constant 0 : i32
      %dma_wait3A_1235 = tpu.memref_slice %arg10[%dma_wait3A_1234] : memref<528xi32, #tpu.memory_space<vmem>> -> memref<512xi32, #tpu.memory_space<vmem>>
      %dma_wait3A_1236 = tpu.memref_slice %arg4[%mul3A_2] : memref<16384xi32, #tpu.memory_space<hbm>> -> memref<512xi32, #tpu.memory_space<hbm>>
      %dma_wait3A_1237 = arith.constant 0 : i32
      %dma_wait3A_1238 = tpu.memref_slice %arg10[%dma_wait3A_1237] : memref<528xi32, #tpu.memory_space<vmem>> -> memref<512xi32, #tpu.memory_space<vmem>>
      %dma_wait3A_1239 = tpu.memref_slice %arg4[%mul3A_2] : memref<16384xi32, #tpu.memory_space<hbm>> -> memref<512xi32, #tpu.memory_space<hbm>>
      tpu.wait_dma2 semaphore(%run_scoped3A : memref<!tpu.dma_semaphore, #tpu.memory_space<semaphore_mem>>) src(%dma_wait3A_1239 : memref<512xi32, #tpu.memory_space<hbm>>) dst(%dma_wait3A_1238 : memref<512xi32, #tpu.memory_space<vmem>>)
      tpu.yield
    }) : () -> ()
    "tpu.region"() ({
      %run_scoped3A = tpu.sem_alloc : memref<!tpu.dma_semaphore, #tpu.memory_space<semaphore_mem>>
      %dma_start3A_1228 = arith.constant 0 : i32
      %dma_start3A_1229 = arith.constant 0 : i32
      %dma_start3A_1230 = tpu.memref_slice %arg5[%add3A, %dma_start3A_1228, %dma_start3A_1229] : memref<32x8x64xi32, #tpu.memory_space<hbm>> -> memref<1x8x64xi32, #tpu.memory_space<hbm>>
      %dma_start3A_1231 = tpu.memref_squeeze %dma_start3A_1230 : memref<1x8x64xi32, #tpu.memory_space<hbm>> -> memref<8x64xi32, #tpu.memory_space<hbm>>
      %dma_start3A_1232 = arith.constant 0 : i32
      %dma_start3A_1233 = arith.constant 0 : i32
      %dma_start3A_1234 = tpu.memref_slice %arg5[%add3A, %dma_start3A_1232, %dma_start3A_1233] : memref<32x8x64xi32, #tpu.memory_space<hbm>> -> memref<1x8x64xi32, #tpu.memory_space<hbm>>
      %dma_start3A_1235 = tpu.memref_squeeze %dma_start3A_1234 : memref<1x8x64xi32, #tpu.memory_space<hbm>> -> memref<8x64xi32, #tpu.memory_space<hbm>>
      tpu.enqueue_dma source(%dma_start3A_1235 : memref<8x64xi32, #tpu.memory_space<hbm>>) target(%arg11 : memref<8x64xi32, #tpu.memory_space<vmem>>) target_semaphore(%run_scoped3A : memref<!tpu.dma_semaphore, #tpu.memory_space<semaphore_mem>>)
      %dma_wait3A_1236 = arith.constant 0 : i32
      %dma_wait3A_1237 = arith.constant 0 : i32
      %dma_wait3A_1238 = tpu.memref_slice %arg5[%add3A, %dma_wait3A_1236, %dma_wait3A_1237] : memref<32x8x64xi32, #tpu.memory_space<hbm>> -> memref<1x8x64xi32, #tpu.memory_space<hbm>>
      %dma_wait3A_1239 = tpu.memref_squeeze %dma_wait3A_1238 : memref<1x8x64xi32, #tpu.memory_space<hbm>> -> memref<8x64xi32, #tpu.memory_space<hbm>>
      %dma_wait3A_1240 = arith.constant 0 : i32
      %dma_wait3A_1241 = arith.constant 0 : i32
      %dma_wait3A_1242 = tpu.memref_slice %arg5[%add3A, %dma_wait3A_1240, %dma_wait3A_1241] : memref<32x8x64xi32, #tpu.memory_space<hbm>> -> memref<1x8x64xi32, #tpu.memory_space<hbm>>
      %dma_wait3A_1243 = tpu.memref_squeeze %dma_wait3A_1242 : memref<1x8x64xi32, #tpu.memory_space<hbm>> -> memref<8x64xi32, #tpu.memory_space<hbm>>
      tpu.wait_dma2 semaphore(%run_scoped3A : memref<!tpu.dma_semaphore, #tpu.memory_space<semaphore_mem>>) src(%dma_wait3A_1243 : memref<8x64xi32, #tpu.memory_space<hbm>>) dst(%arg11 : memref<8x64xi32, #tpu.memory_space<vmem>>)
      tpu.yield
    }) : () -> ()
    %get3A_607 = arith.constant 0 : index
    %get3A_608 = tpu.vector_load %arg10[%get3A_607] {strides = array<i32>} : memref<528xi32, #tpu.memory_space<vmem>>, vector<16xi32>,
    %slice3A_609 = vector.extract_strided_slice %get3A_608 {offsets = [0], sizes = [1], strides = [1]} : vector<16xi32> to vector<1xi32>
    %squeeze3A_610 = vector.extract %slice3A_609[0] : i32 from vector<1xi32>
    %jit3A_611 = arith.constant 128 : i32
    %div3A_612 = arith.divsi %squeeze3A_610, %jit3A_611 : i32
    %sign3A_613 = arith.constant 0 : i32
    %sign3A_614 = arith.cmpi sgt, %squeeze3A_610, %sign3A_613 : i32
    %sign3A_615 = arith.extui %sign3A_614 : i1 to i32
    %sign3A_616 = arith.constant 0 : i32
    %sign3A_617 = arith.cmpi slt, %squeeze3A_610, %sign3A_616 : i32
    %sign3A_618 = arith.extui %sign3A_617 : i1 to i32
    %sign3A_619 = arith.subi %sign3A_615, %sign3A_618 : i32
    %sign3A_620 = arith.constant 0 : i32
    %sign3A_621 = arith.cmpi sgt, %jit3A_611, %sign3A_620 : i32
    %sign3A_622 = arith.extui %sign3A_621 : i1 to i32
    %sign3A_623 = arith.constant 0 : i32
    %sign3A_624 = arith.cmpi slt, %jit3A_611, %sign3A_623 : i32
    %sign3A_625 = arith.extui %sign3A_624 : i1 to i32
    %sign3A_626 = arith.subi %sign3A_622, %sign3A_625 : i32
    %ne3A_627 = arith.cmpi ne, %sign3A_619, %sign3A_626 : i32
    %rem3A_628 = arith.remsi %squeeze3A_610, %jit3A_611 : i32
    %ne3A_629 = arith.constant 0 : i32
    %ne3A_630 = arith.cmpi ne, %rem3A_628, %ne3A_629 : i32
    %and3A_631 = arith.andi %ne3A_627, %ne3A_630 : i1
    %sub3A_632 = arith.constant 1 : i32
    %sub3A_633 = arith.subi %div3A_612, %sub3A_632 : i32
    %select_n3A_634 = arith.select %and3A_631, %sub3A_633, %div3A_612 : i32
    %mul3A_635 = arith.constant 128 : i32
    %mul3A_636 = arith.muli %select_n3A_634, %mul3A_635 : i32
    %multiple_of3A_637 = tpu.assume_multiple %mul3A_636, 128 : i32
    %slice3A_638 = vector.extract_strided_slice %get3A_608 {offsets = [1], sizes = [1], strides = [1]} : vector<16xi32> to vector<1xi32>
    %squeeze3A_639 = vector.extract %slice3A_638[0] : i32 from vector<1xi32>
    %jit3A_640 = arith.constant 128 : i32
    %div3A_641 = arith.divsi %squeeze3A_639, %jit3A_640 : i32
    %sign3A_642 = arith.constant 0 : i32
    %sign3A_643 = arith.cmpi sgt, %squeeze3A_639, %sign3A_642 : i32
    %sign3A_644 = arith.extui %sign3A_643 : i1 to i32
    %sign3A_645 = arith.constant 0 : i32
    %sign3A_646 = arith.cmpi slt, %squeeze3A_639, %sign3A_645 : i32
    %sign3A_647 = arith.extui %sign3A_646 : i1 to i32
    %sign3A_648 = arith.subi %sign3A_644, %sign3A_647 : i32
    %sign3A_649 = arith.constant 0 : i32
    %sign3A_650 = arith.cmpi sgt, %jit3A_640, %sign3A_649 : i32
    %sign3A_651 = arith.extui %sign3A_650 : i1 to i32
    %sign3A_652 = arith.constant 0 : i32
    %sign3A_653 = arith.cmpi slt, %jit3A_640, %sign3A_652 : i32
    %sign3A_654 = arith.extui %sign3A_653 : i1 to i32
    %sign3A_655 = arith.subi %sign3A_651, %sign3A_654 : i32
    %ne3A_656 = arith.cmpi ne, %sign3A_648, %sign3A_655 : i32
    %rem3A_657 = arith.remsi %squeeze3A_639, %jit3A_640 : i32
    %ne3A_658 = arith.constant 0 : i32
    %ne3A_659 = arith.cmpi ne, %rem3A_657, %ne3A_658 : i32
    %and3A_660 = arith.andi %ne3A_656, %ne3A_659 : i1
    %sub3A_661 = arith.constant 1 : i32
    %sub3A_662 = arith.subi %div3A_641, %sub3A_661 : i32
    %select_n3A_663 = arith.select %and3A_660, %sub3A_662, %div3A_641 : i32
    %mul3A_664 = arith.constant 128 : i32
    %mul3A_665 = arith.muli %select_n3A_663, %mul3A_664 : i32
    %multiple_of3A_666 = tpu.assume_multiple %mul3A_665, 128 : i32
    %slice3A_667 = vector.extract_strided_slice %get3A_608 {offsets = [2], sizes = [1], strides = [1]} : vector<16xi32> to vector<1xi32>
    %squeeze3A_668 = vector.extract %slice3A_667[0] : i32 from vector<1xi32>
    %jit3A_669 = arith.constant 128 : i32
    %div3A_670 = arith.divsi %squeeze3A_668, %jit3A_669 : i32
    %sign3A_671 = arith.constant 0 : i32
    %sign3A_672 = arith.cmpi sgt, %squeeze3A_668, %sign3A_671 : i32
    %sign3A_673 = arith.extui %sign3A_672 : i1 to i32
    %sign3A_674 = arith.constant 0 : i32
    %sign3A_675 = arith.cmpi slt, %squeeze3A_668, %sign3A_674 : i32
    %sign3A_676 = arith.extui %sign3A_675 : i1 to i32
    %sign3A_677 = arith.subi %sign3A_673, %sign3A_676 : i32
    %sign3A_678 = arith.constant 0 : i32
    %sign3A_679 = arith.cmpi sgt, %jit3A_669, %sign3A_678 : i32
    %sign3A_680 = arith.extui %sign3A_679 : i1 to i32
    %sign3A_681 = arith.constant 0 : i32
    %sign3A_682 = arith.cmpi slt, %jit3A_669, %sign3A_681 : i32
    %sign3A_683 = arith.extui %sign3A_682 : i1 to i32
    %sign3A_684 = arith.subi %sign3A_680, %sign3A_683 : i32
    %ne3A_685 = arith.cmpi ne, %sign3A_677, %sign3A_684 : i32
    %rem3A_686 = arith.remsi %squeeze3A_668, %jit3A_669 : i32
    %ne3A_687 = arith.constant 0 : i32
    %ne3A_688 = arith.cmpi ne, %rem3A_686, %ne3A_687 : i32
    %and3A_689 = arith.andi %ne3A_685, %ne3A_688 : i1
    %sub3A_690 = arith.constant 1 : i32
    %sub3A_691 = arith.subi %div3A_670, %sub3A_690 : i32
    %select_n3A_692 = arith.select %and3A_689, %sub3A_691, %div3A_670 : i32
    %mul3A_693 = arith.constant 128 : i32
    %mul3A_694 = arith.muli %select_n3A_692, %mul3A_693 : i32
    %multiple_of3A_695 = tpu.assume_multiple %mul3A_694, 128 : i32
    %slice3A_696 = vector.extract_strided_slice %get3A_608 {offsets = [3], sizes = [1], strides = [1]} : vector<16xi32> to vector<1xi32>
    %squeeze3A_697 = vector.extract %slice3A_696[0] : i32 from vector<1xi32>
    %jit3A_698 = arith.constant 128 : i32
    %div3A_699 = arith.divsi %squeeze3A_697, %jit3A_698 : i32
    %sign3A_700 = arith.constant 0 : i32
    %sign3A_701 = arith.cmpi sgt, %squeeze3A_697, %sign3A_700 : i32
    %sign3A_702 = arith.extui %sign3A_701 : i1 to i32
    %sign3A_703 = arith.constant 0 : i32
    %sign3A_704 = arith.cmpi slt, %squeeze3A_697, %sign3A_703 : i32
    %sign3A_705 = arith.extui %sign3A_704 : i1 to i32
    %sign3A_706 = arith.subi %sign3A_702, %sign3A_705 : i32
    %sign3A_707 = arith.constant 0 : i32
    %sign3A_708 = arith.cmpi sgt, %jit3A_698, %sign3A_707 : i32
    %sign3A_709 = arith.extui %sign3A_708 : i1 to i32
    %sign3A_710 = arith.constant 0 : i32
    %sign3A_711 = arith.cmpi slt, %jit3A_698, %sign3A_710 : i32
    %sign3A_712 = arith.extui %sign3A_711 : i1 to i32
    %sign3A_713 = arith.subi %sign3A_709, %sign3A_712 : i32
    %ne3A_714 = arith.cmpi ne, %sign3A_706, %sign3A_713 : i32
    %rem3A_715 = arith.remsi %squeeze3A_697, %jit3A_698 : i32
    %ne3A_716 = arith.constant 0 : i32
    %ne3A_717 = arith.cmpi ne, %rem3A_715, %ne3A_716 : i32
    %and3A_718 = arith.andi %ne3A_714, %ne3A_717 : i1
    %sub3A_719 = arith.constant 1 : i32
    %sub3A_720 = arith.subi %div3A_699, %sub3A_719 : i32
    %select_n3A_721 = arith.select %and3A_718, %sub3A_720, %div3A_699 : i32
    %mul3A_722 = arith.constant 128 : i32
    %mul3A_723 = arith.muli %select_n3A_721, %mul3A_722 : i32
    %multiple_of3A_724 = tpu.assume_multiple %mul3A_723, 128 : i32
    %slice3A_725 = vector.extract_strided_slice %get3A_608 {offsets = [4], sizes = [1], strides = [1]} : vector<16xi32> to vector<1xi32>
    %squeeze3A_726 = vector.extract %slice3A_725[0] : i32 from vector<1xi32>
    %jit3A_727 = arith.constant 128 : i32
    %div3A_728 = arith.divsi %squeeze3A_726, %jit3A_727 : i32
    %sign3A_729 = arith.constant 0 : i32
    %sign3A_730 = arith.cmpi sgt, %squeeze3A_726, %sign3A_729 : i32
    %sign3A_731 = arith.extui %sign3A_730 : i1 to i32
    %sign3A_732 = arith.constant 0 : i32
    %sign3A_733 = arith.cmpi slt, %squeeze3A_726, %sign3A_732 : i32
    %sign3A_734 = arith.extui %sign3A_733 : i1 to i32
    %sign3A_735 = arith.subi %sign3A_731, %sign3A_734 : i32
    %sign3A_736 = arith.constant 0 : i32
    %sign3A_737 = arith.cmpi sgt, %jit3A_727, %sign3A_736 : i32
    %sign3A_738 = arith.extui %sign3A_737 : i1 to i32
    %sign3A_739 = arith.constant 0 : i32
    %sign3A_740 = arith.cmpi slt, %jit3A_727, %sign3A_739 : i32
    %sign3A_741 = arith.extui %sign3A_740 : i1 to i32
    %sign3A_742 = arith.subi %sign3A_738, %sign3A_741 : i32
    %ne3A_743 = arith.cmpi ne, %sign3A_735, %sign3A_742 : i32
    %rem3A_744 = arith.remsi %squeeze3A_726, %jit3A_727 : i32
    %ne3A_745 = arith.constant 0 : i32
    %ne3A_746 = arith.cmpi ne, %rem3A_744, %ne3A_745 : i32
    %and3A_747 = arith.andi %ne3A_743, %ne3A_746 : i1
    %sub3A_748 = arith.constant 1 : i32
    %sub3A_749 = arith.subi %div3A_728, %sub3A_748 : i32
    %select_n3A_750 = arith.select %and3A_747, %sub3A_749, %div3A_728 : i32
    %mul3A_751 = arith.constant 128 : i32
    %mul3A_752 = arith.muli %select_n3A_750, %mul3A_751 : i32
    %multiple_of3A_753 = tpu.assume_multiple %mul3A_752, 128 : i32
    %slice3A_754 = vector.extract_strided_slice %get3A_608 {offsets = [5], sizes = [1], strides = [1]} : vector<16xi32> to vector<1xi32>
    %squeeze3A_755 = vector.extract %slice3A_754[0] : i32 from vector<1xi32>
    %jit3A_756 = arith.constant 128 : i32
    %div3A_757 = arith.divsi %squeeze3A_755, %jit3A_756 : i32
    %sign3A_758 = arith.constant 0 : i32
    %sign3A_759 = arith.cmpi sgt, %squeeze3A_755, %sign3A_758 : i32
    %sign3A_760 = arith.extui %sign3A_759 : i1 to i32
    %sign3A_761 = arith.constant 0 : i32
    %sign3A_762 = arith.cmpi slt, %squeeze3A_755, %sign3A_761 : i32
    %sign3A_763 = arith.extui %sign3A_762 : i1 to i32
    %sign3A_764 = arith.subi %sign3A_760, %sign3A_763 : i32
    %sign3A_765 = arith.constant 0 : i32
    %sign3A_766 = arith.cmpi sgt, %jit3A_756, %sign3A_765 : i32
    %sign3A_767 = arith.extui %sign3A_766 : i1 to i32
    %sign3A_768 = arith.constant 0 : i32
    %sign3A_769 = arith.cmpi slt, %jit3A_756, %sign3A_768 : i32
    %sign3A_770 = arith.extui %sign3A_769 : i1 to i32
    %sign3A_771 = arith.subi %sign3A_767, %sign3A_770 : i32
    %ne3A_772 = arith.cmpi ne, %sign3A_764, %sign3A_771 : i32
    %rem3A_773 = arith.remsi %squeeze3A_755, %jit3A_756 : i32
    %ne3A_774 = arith.constant 0 : i32
    %ne3A_775 = arith.cmpi ne, %rem3A_773, %ne3A_774 : i32
    %and3A_776 = arith.andi %ne3A_772, %ne3A_775 : i1
    %sub3A_777 = arith.constant 1 : i32
    %sub3A_778 = arith.subi %div3A_757, %sub3A_777 : i32
    %select_n3A_779 = arith.select %and3A_776, %sub3A_778, %div3A_757 : i32
    %mul3A_780 = arith.constant 128 : i32
    %mul3A_781 = arith.muli %select_n3A_779, %mul3A_780 : i32
    %multiple_of3A_782 = tpu.assume_multiple %mul3A_781, 128 : i32
    %slice3A_783 = vector.extract_strided_slice %get3A_608 {offsets = [6], sizes = [1], strides = [1]} : vector<16xi32> to vector<1xi32>
    %squeeze3A_784 = vector.extract %slice3A_783[0] : i32 from vector<1xi32>
    %jit3A_785 = arith.constant 128 : i32
    %div3A_786 = arith.divsi %squeeze3A_784, %jit3A_785 : i32
    %sign3A_787 = arith.constant 0 : i32
    %sign3A_788 = arith.cmpi sgt, %squeeze3A_784, %sign3A_787 : i32
    %sign3A_789 = arith.extui %sign3A_788 : i1 to i32
    %sign3A_790 = arith.constant 0 : i32
    %sign3A_791 = arith.cmpi slt, %squeeze3A_784, %sign3A_790 : i32
    %sign3A_792 = arith.extui %sign3A_791 : i1 to i32
    %sign3A_793 = arith.subi %sign3A_789, %sign3A_792 : i32
    %sign3A_794 = arith.constant 0 : i32
    %sign3A_795 = arith.cmpi sgt, %jit3A_785, %sign3A_794 : i32
    %sign3A_796 = arith.extui %sign3A_795 : i1 to i32
    %sign3A_797 = arith.constant 0 : i32
    %sign3A_798 = arith.cmpi slt, %jit3A_785, %sign3A_797 : i32
    %sign3A_799 = arith.extui %sign3A_798 : i1 to i32
    %sign3A_800 = arith.subi %sign3A_796, %sign3A_799 : i32
    %ne3A_801 = arith.cmpi ne, %sign3A_793, %sign3A_800 : i32
    %rem3A_802 = arith.remsi %squeeze3A_784, %jit3A_785 : i32
    %ne3A_803 = arith.constant 0 : i32
    %ne3A_804 = arith.cmpi ne, %rem3A_802, %ne3A_803 : i32
    %and3A_805 = arith.andi %ne3A_801, %ne3A_804 : i1
    %sub3A_806 = arith.constant 1 : i32
    %sub3A_807 = arith.subi %div3A_786, %sub3A_806 : i32
    %select_n3A_808 = arith.select %and3A_805, %sub3A_807, %div3A_786 : i32
    %mul3A_809 = arith.constant 128 : i32
    %mul3A_810 = arith.muli %select_n3A_808, %mul3A_809 : i32
    %multiple_of3A_811 = tpu.assume_multiple %mul3A_810, 128 : i32
    %slice3A_812 = vector.extract_strided_slice %get3A_608 {offsets = [7], sizes = [1], strides = [1]} : vector<16xi32> to vector<1xi32>
    %squeeze3A_813 = vector.extract %slice3A_812[0] : i32 from vector<1xi32>
    %jit3A_814 = arith.constant 128 : i32
    %div3A_815 = arith.divsi %squeeze3A_813, %jit3A_814 : i32
    %sign3A_816 = arith.constant 0 : i32
    %sign3A_817 = arith.cmpi sgt, %squeeze3A_813, %sign3A_816 : i32
    %sign3A_818 = arith.extui %sign3A_817 : i1 to i32
    %sign3A_819 = arith.constant 0 : i32
    %sign3A_820 = arith.cmpi slt, %squeeze3A_813, %sign3A_819 : i32
    %sign3A_821 = arith.extui %sign3A_820 : i1 to i32
    %sign3A_822 = arith.subi %sign3A_818, %sign3A_821 : i32
    %sign3A_823 = arith.constant 0 : i32
    %sign3A_824 = arith.cmpi sgt, %jit3A_814, %sign3A_823 : i32
    %sign3A_825 = arith.extui %sign3A_824 : i1 to i32
    %sign3A_826 = arith.constant 0 : i32
    %sign3A_827 = arith.cmpi slt, %jit3A_814, %sign3A_826 : i32
    %sign3A_828 = arith.extui %sign3A_827 : i1 to i32
    %sign3A_829 = arith.subi %sign3A_825, %sign3A_828 : i32
    %ne3A_830 = arith.cmpi ne, %sign3A_822, %sign3A_829 : i32
    %rem3A_831 = arith.remsi %squeeze3A_813, %jit3A_814 : i32
    %ne3A_832 = arith.constant 0 : i32
    %ne3A_833 = arith.cmpi ne, %rem3A_831, %ne3A_832 : i32
    %and3A_834 = arith.andi %ne3A_830, %ne3A_833 : i1
    %sub3A_835 = arith.constant 1 : i32
    %sub3A_836 = arith.subi %div3A_815, %sub3A_835 : i32
    %select_n3A_837 = arith.select %and3A_834, %sub3A_836, %div3A_815 : i32
    %mul3A_838 = arith.constant 128 : i32
    %mul3A_839 = arith.muli %select_n3A_837, %mul3A_838 : i32
    %multiple_of3A_840 = tpu.assume_multiple %mul3A_839, 128 : i32
    %ne3A_841 = arith.cmpi ne, %multiple_of3A_666, %multiple_of3A_637 : i32
    %jit3A_842 = arith.constant 1 : i32
    %jit3A_843 = arith.constant 0 : i32
    %select_n3A_844 = arith.select %ne3A_841, %jit3A_842, %jit3A_843 : i32
    %ne3A_845 = arith.cmpi ne, %multiple_of3A_695, %multiple_of3A_666 : i32
    %jit3A_846 = arith.constant 2 : i32
    %select_n3A_847 = arith.select %ne3A_845, %jit3A_846, %select_n3A_844 : i32
    %ne3A_848 = arith.cmpi ne, %multiple_of3A_724, %multiple_of3A_695 : i32
    %jit3A_849 = arith.constant 3 : i32
    %select_n3A_850 = arith.select %ne3A_848, %jit3A_849, %select_n3A_847 : i32
    %ne3A_851 = arith.cmpi ne, %multiple_of3A_753, %multiple_of3A_724 : i32
    %jit3A_852 = arith.constant 4 : i32
    %select_n3A_853 = arith.select %ne3A_851, %jit3A_852, %select_n3A_850 : i32
    %ne3A_854 = arith.cmpi ne, %multiple_of3A_782, %multiple_of3A_753 : i32
    %jit3A_855 = arith.constant 5 : i32
    %select_n3A_856 = arith.select %ne3A_854, %jit3A_855, %select_n3A_853 : i32
    %ne3A_857 = arith.cmpi ne, %multiple_of3A_811, %multiple_of3A_782 : i32
    %jit3A_858 = arith.constant 6 : i32
    %select_n3A_859 = arith.select %ne3A_857, %jit3A_858, %select_n3A_856 : i32
    %ne3A_860 = arith.cmpi ne, %multiple_of3A_840, %multiple_of3A_811 : i32
    %jit3A_861 = arith.constant 7 : i32
    %select_n3A_862 = arith.select %ne3A_860, %jit3A_861, %select_n3A_859 : i32
    %dma_start3A_863 = arith.constant 0 : i32
    %dma_start3A_864 = arith.constant 0 : i32
    %dma_start3A_865 = arith.constant 0 : i32
    %dma_start3A_866 = arith.constant 0 : i32
    %dma_start3A_867 = tpu.memref_slice %arg12[%dma_start3A_863, %dma_start3A_865, %dma_start3A_866] : memref<24x32x128xf32, #tpu.memory_space<vmem>> -> memref<1x32x128xf32, #tpu.memory_space<vmem>>
    %dma_start3A_868 = tpu.memref_squeeze %dma_start3A_867 : memref<1x32x128xf32, #tpu.memory_space<vmem>> -> memref<32x128xf32, #tpu.memory_space<vmem>>
    %dma_start3A_869 = arith.constant 0 : i32
    %dma_start3A_870 = tpu.memref_slice %arg7[%dma_start3A_869, %multiple_of3A_637] : memref<32x1000000xf32, #tpu.memory_space<hbm>> -> memref<32x128xf32, #tpu.memory_space<hbm>>
    %dma_start3A_871 = tpu.memref_slice %arg14[%dma_start3A_864] : memref<24x!tpu.dma_semaphore, #tpu.memory_space<semaphore_mem>> -> memref<1x!tpu.dma_semaphore, #tpu.memory_space<semaphore_mem>>
    %dma_start3A_872 = tpu.memref_squeeze %dma_start3A_871 : memref<1x!tpu.dma_semaphore, #tpu.memory_space<semaphore_mem>> -> memref<!tpu.dma_semaphore, #tpu.memory_space<semaphore_mem>>
    %dma_start3A_873 = arith.constant 0 : i32
    %dma_start3A_874 = arith.constant 0 : i32
    %dma_start3A_875 = tpu.memref_slice %arg12[%dma_start3A_863, %dma_start3A_873, %dma_start3A_874] : memref<24x32x128xf32, #tpu.memory_space<vmem>> -> memref<1x32x128xf32, #tpu.memory_space<vmem>>
    %dma_start3A_876 = tpu.memref_squeeze %dma_start3A_875 : memref<1x32x128xf32, #tpu.memory_space<vmem>> -> memref<32x128xf32, #tpu.memory_space<vmem>>
    %dma_start3A_877 = arith.constant 0 : i32
    %dma_start3A_878 = tpu.memref_slice %arg7[%dma_start3A_877, %multiple_of3A_637] : memref<32x1000000xf32, #tpu.memory_space<hbm>> -> memref<32x128xf32, #tpu.memory_space<hbm>>
    tpu.enqueue_dma source(%dma_start3A_878 : memref<32x128xf32, #tpu.memory_space<hbm>>) target(%dma_start3A_876 : memref<32x128xf32, #tpu.memory_space<vmem>>) target_semaphore(%dma_start3A_872 : memref<!tpu.dma_semaphore, #tpu.memory_space<semaphore_mem>>)
    %convert_element_type3A_879 = arith.extui %ne3A_841 : i1 to i32
    %cond3A_880 = arith.constant 0 : i32
    %cond3A_881 = arith.cmpi ne, %convert_element_type3A_879, %cond3A_880 : i32
    scf.if %cond3A_881 {
      %dma_start3A_1228 = arith.constant 1 : i32
      %dma_start3A_1229 = arith.constant 1 : i32
      %dma_start3A_1230 = arith.constant 0 : i32
      %dma_start3A_1231 = arith.constant 0 : i32
      %dma_start3A_1232 = tpu.memref_slice %arg12[%dma_start3A_1228, %dma_start3A_1230, %dma_start3A_1231] : memref<24x32x128xf32, #tpu.memory_space<vmem>> -> memref<1x32x128xf32, #tpu.memory_space<vmem>>
      %dma_start3A_1233 = tpu.memref_squeeze %dma_start3A_1232 : memref<1x32x128xf32, #tpu.memory_space<vmem>> -> memref<32x128xf32, #tpu.memory_space<vmem>>
      %dma_start3A_1234 = arith.constant 0 : i32
      %dma_start3A_1235 = tpu.memref_slice %arg7[%dma_start3A_1234, %multiple_of3A_666] : memref<32x1000000xf32, #tpu.memory_space<hbm>> -> memref<32x128xf32, #tpu.memory_space<hbm>>
      %dma_start3A_1236 = tpu.memref_slice %arg14[%dma_start3A_1229] : memref<24x!tpu.dma_semaphore, #tpu.memory_space<semaphore_mem>> -> memref<1x!tpu.dma_semaphore, #tpu.memory_space<semaphore_mem>>
      %dma_start3A_1237 = tpu.memref_squeeze %dma_start3A_1236 : memref<1x!tpu.dma_semaphore, #tpu.memory_space<semaphore_mem>> -> memref<!tpu.dma_semaphore, #tpu.memory_space<semaphore_mem>>
      %dma_start3A_1238 = arith.constant 0 : i32
      %dma_start3A_1239 = arith.constant 0 : i32
      %dma_start3A_1240 = tpu.memref_slice %arg12[%dma_start3A_1228, %dma_start3A_1238, %dma_start3A_1239] : memref<24x32x128xf32, #tpu.memory_space<vmem>> -> memref<1x32x128xf32, #tpu.memory_space<vmem>>
      %dma_start3A_1241 = tpu.memref_squeeze %dma_start3A_1240 : memref<1x32x128xf32, #tpu.memory_space<vmem>> -> memref<32x128xf32, #tpu.memory_space<vmem>>
      %dma_start3A_1242 = arith.constant 0 : i32
      %dma_start3A_1243 = tpu.memref_slice %arg7[%dma_start3A_1242, %multiple_of3A_666] : memref<32x1000000xf32, #tpu.memory_space<hbm>> -> memref<32x128xf32, #tpu.memory_space<hbm>>
      tpu.enqueue_dma source(%dma_start3A_1243 : memref<32x128xf32, #tpu.memory_space<hbm>>) target(%dma_start3A_1241 : memref<32x128xf32, #tpu.memory_space<vmem>>) target_semaphore(%dma_start3A_1237 : memref<!tpu.dma_semaphore, #tpu.memory_space<semaphore_mem>>)
    } else {
    }
    %convert_element_type3A_882 = arith.extui %ne3A_845 : i1 to i32
    %cond3A_883 = arith.constant 0 : i32
    %cond3A_884 = arith.cmpi ne, %convert_element_type3A_882, %cond3A_883 : i32
    scf.if %cond3A_884 {
      %dma_start3A_1228 = arith.constant 2 : i32
      %dma_start3A_1229 = arith.constant 2 : i32
      %dma_start3A_1230 = arith.constant 0 : i32
      %dma_start3A_1231 = arith.constant 0 : i32
      %dma_start3A_1232 = tpu.memref_slice %arg12[%dma_start3A_1228, %dma_start3A_1230, %dma_start3A_1231] : memref<24x32x128xf32, #tpu.memory_space<vmem>> -> memref<1x32x128xf32, #tpu.memory_space<vmem>>
      %dma_start3A_1233 = tpu.memref_squeeze %dma_start3A_1232 : memref<1x32x128xf32, #tpu.memory_space<vmem>> -> memref<32x128xf32, #tpu.memory_space<vmem>>
      %dma_start3A_1234 = arith.constant 0 : i32
      %dma_start3A_1235 = tpu.memref_slice %arg7[%dma_start3A_1234, %multiple_of3A_695] : memref<32x1000000xf32, #tpu.memory_space<hbm>> -> memref<32x128xf32, #tpu.memory_space<hbm>>
      %dma_start3A_1236 = tpu.memref_slice %arg14[%dma_start3A_1229] : memref<24x!tpu.dma_semaphore, #tpu.memory_space<semaphore_mem>> -> memref<1x!tpu.dma_semaphore, #tpu.memory_space<semaphore_mem>>
      %dma_start3A_1237 = tpu.memref_squeeze %dma_start3A_1236 : memref<1x!tpu.dma_semaphore, #tpu.memory_space<semaphore_mem>> -> memref<!tpu.dma_semaphore, #tpu.memory_space<semaphore_mem>>
      %dma_start3A_1238 = arith.constant 0 : i32
      %dma_start3A_1239 = arith.constant 0 : i32
      %dma_start3A_1240 = tpu.memref_slice %arg12[%dma_start3A_1228, %dma_start3A_1238, %dma_start3A_1239] : memref<24x32x128xf32, #tpu.memory_space<vmem>> -> memref<1x32x128xf32, #tpu.memory_space<vmem>>
      %dma_start3A_1241 = tpu.memref_squeeze %dma_start3A_1240 : memref<1x32x128xf32, #tpu.memory_space<vmem>> -> memref<32x128xf32, #tpu.memory_space<vmem>>
      %dma_start3A_1242 = arith.constant 0 : i32
      %dma_start3A_1243 = tpu.memref_slice %arg7[%dma_start3A_1242, %multiple_of3A_695] : memref<32x1000000xf32, #tpu.memory_space<hbm>> -> memref<32x128xf32, #tpu.memory_space<hbm>>
      tpu.enqueue_dma source(%dma_start3A_1243 : memref<32x128xf32, #tpu.memory_space<hbm>>) target(%dma_start3A_1241 : memref<32x128xf32, #tpu.memory_space<vmem>>) target_semaphore(%dma_start3A_1237 : memref<!tpu.dma_semaphore, #tpu.memory_space<semaphore_mem>>)
    } else {
    }
    %convert_element_type3A_885 = arith.extui %ne3A_848 : i1 to i32
    %cond3A_886 = arith.constant 0 : i32
    %cond3A_887 = arith.cmpi ne, %convert_element_type3A_885, %cond3A_886 : i32
    scf.if %cond3A_887 {
      %dma_start3A_1228 = arith.constant 3 : i32
      %dma_start3A_1229 = arith.constant 3 : i32
      %dma_start3A_1230 = arith.constant 0 : i32
      %dma_start3A_1231 = arith.constant 0 : i32
      %dma_start3A_1232 = tpu.memref_slice %arg12[%dma_start3A_1228, %dma_start3A_1230, %dma_start3A_1231] : memref<24x32x128xf32, #tpu.memory_space<vmem>> -> memref<1x32x128xf32, #tpu.memory_space<vmem>>
      %dma_start3A_1233 = tpu.memref_squeeze %dma_start3A_1232 : memref<1x32x128xf32, #tpu.memory_space<vmem>> -> memref<32x128xf32, #tpu.memory_space<vmem>>
      %dma_start3A_1234 = arith.constant 0 : i32
      %dma_start3A_1235 = tpu.memref_slice %arg7[%dma_start3A_1234, %multiple_of3A_724] : memref<32x1000000xf32, #tpu.memory_space<hbm>> -> memref<32x128xf32, #tpu.memory_space<hbm>>
      %dma_start3A_1236 = tpu.memref_slice %arg14[%dma_start3A_1229] : memref<24x!tpu.dma_semaphore, #tpu.memory_space<semaphore_mem>> -> memref<1x!tpu.dma_semaphore, #tpu.memory_space<semaphore_mem>>
      %dma_start3A_1237 = tpu.memref_squeeze %dma_start3A_1236 : memref<1x!tpu.dma_semaphore, #tpu.memory_space<semaphore_mem>> -> memref<!tpu.dma_semaphore, #tpu.memory_space<semaphore_mem>>
      %dma_start3A_1238 = arith.constant 0 : i32
      %dma_start3A_1239 = arith.constant 0 : i32
      %dma_start3A_1240 = tpu.memref_slice %arg12[%dma_start3A_1228, %dma_start3A_1238, %dma_start3A_1239] : memref<24x32x128xf32, #tpu.memory_space<vmem>> -> memref<1x32x128xf32, #tpu.memory_space<vmem>>
      %dma_start3A_1241 = tpu.memref_squeeze %dma_start3A_1240 : memref<1x32x128xf32, #tpu.memory_space<vmem>> -> memref<32x128xf32, #tpu.memory_space<vmem>>
      %dma_start3A_1242 = arith.constant 0 : i32
      %dma_start3A_1243 = tpu.memref_slice %arg7[%dma_start3A_1242, %multiple_of3A_724] : memref<32x1000000xf32, #tpu.memory_space<hbm>> -> memref<32x128xf32, #tpu.memory_space<hbm>>
      tpu.enqueue_dma source(%dma_start3A_1243 : memref<32x128xf32, #tpu.memory_space<hbm>>) target(%dma_start3A_1241 : memref<32x128xf32, #tpu.memory_space<vmem>>) target_semaphore(%dma_start3A_1237 : memref<!tpu.dma_semaphore, #tpu.memory_space<semaphore_mem>>)
    } else {
    }
    %convert_element_type3A_888 = arith.extui %ne3A_851 : i1 to i32
    %cond3A_889 = arith.constant 0 : i32
    %cond3A_890 = arith.cmpi ne, %convert_element_type3A_888, %cond3A_889 : i32
    scf.if %cond3A_890 {
      %dma_start3A_1228 = arith.constant 4 : i32
      %dma_start3A_1229 = arith.constant 4 : i32
      %dma_start3A_1230 = arith.constant 0 : i32
      %dma_start3A_1231 = arith.constant 0 : i32
      %dma_start3A_1232 = tpu.memref_slice %arg12[%dma_start3A_1228, %dma_start3A_1230, %dma_start3A_1231] : memref<24x32x128xf32, #tpu.memory_space<vmem>> -> memref<1x32x128xf32, #tpu.memory_space<vmem>>
      %dma_start3A_1233 = tpu.memref_squeeze %dma_start3A_1232 : memref<1x32x128xf32, #tpu.memory_space<vmem>> -> memref<32x128xf32, #tpu.memory_space<vmem>>
      %dma_start3A_1234 = arith.constant 0 : i32
      %dma_start3A_1235 = tpu.memref_slice %arg7[%dma_start3A_1234, %multiple_of3A_753] : memref<32x1000000xf32, #tpu.memory_space<hbm>> -> memref<32x128xf32, #tpu.memory_space<hbm>>
      %dma_start3A_1236 = tpu.memref_slice %arg14[%dma_start3A_1229] : memref<24x!tpu.dma_semaphore, #tpu.memory_space<semaphore_mem>> -> memref<1x!tpu.dma_semaphore, #tpu.memory_space<semaphore_mem>>
      %dma_start3A_1237 = tpu.memref_squeeze %dma_start3A_1236 : memref<1x!tpu.dma_semaphore, #tpu.memory_space<semaphore_mem>> -> memref<!tpu.dma_semaphore, #tpu.memory_space<semaphore_mem>>
      %dma_start3A_1238 = arith.constant 0 : i32
      %dma_start3A_1239 = arith.constant 0 : i32
      %dma_start3A_1240 = tpu.memref_slice %arg12[%dma_start3A_1228, %dma_start3A_1238, %dma_start3A_1239] : memref<24x32x128xf32, #tpu.memory_space<vmem>> -> memref<1x32x128xf32, #tpu.memory_space<vmem>>
      %dma_start3A_1241 = tpu.memref_squeeze %dma_start3A_1240 : memref<1x32x128xf32, #tpu.memory_space<vmem>> -> memref<32x128xf32, #tpu.memory_space<vmem>>
      %dma_start3A_1242 = arith.constant 0 : i32
      %dma_start3A_1243 = tpu.memref_slice %arg7[%dma_start3A_1242, %multiple_of3A_753] : memref<32x1000000xf32, #tpu.memory_space<hbm>> -> memref<32x128xf32, #tpu.memory_space<hbm>>
      tpu.enqueue_dma source(%dma_start3A_1243 : memref<32x128xf32, #tpu.memory_space<hbm>>) target(%dma_start3A_1241 : memref<32x128xf32, #tpu.memory_space<vmem>>) target_semaphore(%dma_start3A_1237 : memref<!tpu.dma_semaphore, #tpu.memory_space<semaphore_mem>>)
    } else {
    }
    %convert_element_type3A_891 = arith.extui %ne3A_854 : i1 to i32
    %cond3A_892 = arith.constant 0 : i32
    %cond3A_893 = arith.cmpi ne, %convert_element_type3A_891, %cond3A_892 : i32
    scf.if %cond3A_893 {
      %dma_start3A_1228 = arith.constant 5 : i32
      %dma_start3A_1229 = arith.constant 5 : i32
      %dma_start3A_1230 = arith.constant 0 : i32
      %dma_start3A_1231 = arith.constant 0 : i32
      %dma_start3A_1232 = tpu.memref_slice %arg12[%dma_start3A_1228, %dma_start3A_1230, %dma_start3A_1231] : memref<24x32x128xf32, #tpu.memory_space<vmem>> -> memref<1x32x128xf32, #tpu.memory_space<vmem>>
      %dma_start3A_1233 = tpu.memref_squeeze %dma_start3A_1232 : memref<1x32x128xf32, #tpu.memory_space<vmem>> -> memref<32x128xf32, #tpu.memory_space<vmem>>
      %dma_start3A_1234 = arith.constant 0 : i32
      %dma_start3A_1235 = tpu.memref_slice %arg7[%dma_start3A_1234, %multiple_of3A_782] : memref<32x1000000xf32, #tpu.memory_space<hbm>> -> memref<32x128xf32, #tpu.memory_space<hbm>>
      %dma_start3A_1236 = tpu.memref_slice %arg14[%dma_start3A_1229] : memref<24x!tpu.dma_semaphore, #tpu.memory_space<semaphore_mem>> -> memref<1x!tpu.dma_semaphore, #tpu.memory_space<semaphore_mem>>
      %dma_start3A_1237 = tpu.memref_squeeze %dma_start3A_1236 : memref<1x!tpu.dma_semaphore, #tpu.memory_space<semaphore_mem>> -> memref<!tpu.dma_semaphore, #tpu.memory_space<semaphore_mem>>
      %dma_start3A_1238 = arith.constant 0 : i32
      %dma_start3A_1239 = arith.constant 0 : i32
      %dma_start3A_1240 = tpu.memref_slice %arg12[%dma_start3A_1228, %dma_start3A_1238, %dma_start3A_1239] : memref<24x32x128xf32, #tpu.memory_space<vmem>> -> memref<1x32x128xf32, #tpu.memory_space<vmem>>
      %dma_start3A_1241 = tpu.memref_squeeze %dma_start3A_1240 : memref<1x32x128xf32, #tpu.memory_space<vmem>> -> memref<32x128xf32, #tpu.memory_space<vmem>>
      %dma_start3A_1242 = arith.constant 0 : i32
      %dma_start3A_1243 = tpu.memref_slice %arg7[%dma_start3A_1242, %multiple_of3A_782] : memref<32x1000000xf32, #tpu.memory_space<hbm>> -> memref<32x128xf32, #tpu.memory_space<hbm>>
      tpu.enqueue_dma source(%dma_start3A_1243 : memref<32x128xf32, #tpu.memory_space<hbm>>) target(%dma_start3A_1241 : memref<32x128xf32, #tpu.memory_space<vmem>>) target_semaphore(%dma_start3A_1237 : memref<!tpu.dma_semaphore, #tpu.memory_space<semaphore_mem>>)
    } else {
    }
    %convert_element_type3A_894 = arith.extui %ne3A_857 : i1 to i32
    %cond3A_895 = arith.constant 0 : i32
    %cond3A_896 = arith.cmpi ne, %convert_element_type3A_894, %cond3A_895 : i32
    scf.if %cond3A_896 {
      %dma_start3A_1228 = arith.constant 6 : i32
      %dma_start3A_1229 = arith.constant 6 : i32
      %dma_start3A_1230 = arith.constant 0 : i32
      %dma_start3A_1231 = arith.constant 0 : i32
      %dma_start3A_1232 = tpu.memref_slice %arg12[%dma_start3A_1228, %dma_start3A_1230, %dma_start3A_1231] : memref<24x32x128xf32, #tpu.memory_space<vmem>> -> memref<1x32x128xf32, #tpu.memory_space<vmem>>
      %dma_start3A_1233 = tpu.memref_squeeze %dma_start3A_1232 : memref<1x32x128xf32, #tpu.memory_space<vmem>> -> memref<32x128xf32, #tpu.memory_space<vmem>>
      %dma_start3A_1234 = arith.constant 0 : i32
      %dma_start3A_1235 = tpu.memref_slice %arg7[%dma_start3A_1234, %multiple_of3A_811] : memref<32x1000000xf32, #tpu.memory_space<hbm>> -> memref<32x128xf32, #tpu.memory_space<hbm>>
      %dma_start3A_1236 = tpu.memref_slice %arg14[%dma_start3A_1229] : memref<24x!tpu.dma_semaphore, #tpu.memory_space<semaphore_mem>> -> memref<1x!tpu.dma_semaphore, #tpu.memory_space<semaphore_mem>>
      %dma_start3A_1237 = tpu.memref_squeeze %dma_start3A_1236 : memref<1x!tpu.dma_semaphore, #tpu.memory_space<semaphore_mem>> -> memref<!tpu.dma_semaphore, #tpu.memory_space<semaphore_mem>>
      %dma_start3A_1238 = arith.constant 0 : i32
      %dma_start3A_1239 = arith.constant 0 : i32
      %dma_start3A_1240 = tpu.memref_slice %arg12[%dma_start3A_1228, %dma_start3A_1238, %dma_start3A_1239] : memref<24x32x128xf32, #tpu.memory_space<vmem>> -> memref<1x32x128xf32, #tpu.memory_space<vmem>>
      %dma_start3A_1241 = tpu.memref_squeeze %dma_start3A_1240 : memref<1x32x128xf32, #tpu.memory_space<vmem>> -> memref<32x128xf32, #tpu.memory_space<vmem>>
      %dma_start3A_1242 = arith.constant 0 : i32
      %dma_start3A_1243 = tpu.memref_slice %arg7[%dma_start3A_1242, %multiple_of3A_811] : memref<32x1000000xf32, #tpu.memory_space<hbm>> -> memref<32x128xf32, #tpu.memory_space<hbm>>
      tpu.enqueue_dma source(%dma_start3A_1243 : memref<32x128xf32, #tpu.memory_space<hbm>>) target(%dma_start3A_1241 : memref<32x128xf32, #tpu.memory_space<vmem>>) target_semaphore(%dma_start3A_1237 : memref<!tpu.dma_semaphore, #tpu.memory_space<semaphore_mem>>)
    } else {
    }
    %convert_element_type3A_897 = arith.extui %ne3A_860 : i1 to i32
    %cond3A_898 = arith.constant 0 : i32
    %cond3A_899 = arith.cmpi ne, %convert_element_type3A_897, %cond3A_898 : i32
    scf.if %cond3A_899 {
      %dma_start3A_1228 = arith.constant 7 : i32
      %dma_start3A_1229 = arith.constant 7 : i32
      %dma_start3A_1230 = arith.constant 0 : i32
      %dma_start3A_1231 = arith.constant 0 : i32
      %dma_start3A_1232 = tpu.memref_slice %arg12[%dma_start3A_1228, %dma_start3A_1230, %dma_start3A_1231] : memref<24x32x128xf32, #tpu.memory_space<vmem>> -> memref<1x32x128xf32, #tpu.memory_space<vmem>>
      %dma_start3A_1233 = tpu.memref_squeeze %dma_start3A_1232 : memref<1x32x128xf32, #tpu.memory_space<vmem>> -> memref<32x128xf32, #tpu.memory_space<vmem>>
      %dma_start3A_1234 = arith.constant 0 : i32
      %dma_start3A_1235 = tpu.memref_slice %arg7[%dma_start3A_1234, %multiple_of3A_840] : memref<32x1000000xf32, #tpu.memory_space<hbm>> -> memref<32x128xf32, #tpu.memory_space<hbm>>
      %dma_start3A_1236 = tpu.memref_slice %arg14[%dma_start3A_1229] : memref<24x!tpu.dma_semaphore, #tpu.memory_space<semaphore_mem>> -> memref<1x!tpu.dma_semaphore, #tpu.memory_space<semaphore_mem>>
      %dma_start3A_1237 = tpu.memref_squeeze %dma_start3A_1236 : memref<1x!tpu.dma_semaphore, #tpu.memory_space<semaphore_mem>> -> memref<!tpu.dma_semaphore, #tpu.memory_space<semaphore_mem>>
      %dma_start3A_1238 = arith.constant 0 : i32
      %dma_start3A_1239 = arith.constant 0 : i32
      %dma_start3A_1240 = tpu.memref_slice %arg12[%dma_start3A_1228, %dma_start3A_1238, %dma_start3A_1239] : memref<24x32x128xf32, #tpu.memory_space<vmem>> -> memref<1x32x128xf32, #tpu.memory_space<vmem>>
      %dma_start3A_1241 = tpu.memref_squeeze %dma_start3A_1240 : memref<1x32x128xf32, #tpu.memory_space<vmem>> -> memref<32x128xf32, #tpu.memory_space<vmem>>
      %dma_start3A_1242 = arith.constant 0 : i32
      %dma_start3A_1243 = tpu.memref_slice %arg7[%dma_start3A_1242, %multiple_of3A_840] : memref<32x1000000xf32, #tpu.memory_space<hbm>> -> memref<32x128xf32, #tpu.memory_space<hbm>>
      tpu.enqueue_dma source(%dma_start3A_1243 : memref<32x128xf32, #tpu.memory_space<hbm>>) target(%dma_start3A_1241 : memref<32x128xf32, #tpu.memory_space<vmem>>) target_semaphore(%dma_start3A_1237 : memref<!tpu.dma_semaphore, #tpu.memory_space<semaphore_mem>>)
    } else {
    }
    %get3A_900 = arith.constant 8 : index
    %get3A_901 = tpu.vector_load %arg10[%get3A_900] {strides = array<i32>} : memref<528xi32, #tpu.memory_space<vmem>>, vector<16xi32>,
    %slice3A_902 = vector.extract_strided_slice %get3A_901 {offsets = [0], sizes = [1], strides = [1]} : vector<16xi32> to vector<1xi32>
    %squeeze3A_903 = vector.extract %slice3A_902[0] : i32 from vector<1xi32>
    %jit3A_904 = arith.constant 128 : i32
    %div3A_905 = arith.divsi %squeeze3A_903, %jit3A_904 : i32
    %sign3A_906 = arith.constant 0 : i32
    %sign3A_907 = arith.cmpi sgt, %squeeze3A_903, %sign3A_906 : i32
    %sign3A_908 = arith.extui %sign3A_907 : i1 to i32
    %sign3A_909 = arith.constant 0 : i32
    %sign3A_910 = arith.cmpi slt, %squeeze3A_903, %sign3A_909 : i32
    %sign3A_911 = arith.extui %sign3A_910 : i1 to i32
    %sign3A_912 = arith.subi %sign3A_908, %sign3A_911 : i32
    %sign3A_913 = arith.constant 0 : i32
    %sign3A_914 = arith.cmpi sgt, %jit3A_904, %sign3A_913 : i32
    %sign3A_915 = arith.extui %sign3A_914 : i1 to i32
    %sign3A_916 = arith.constant 0 : i32
    %sign3A_917 = arith.cmpi slt, %jit3A_904, %sign3A_916 : i32
    %sign3A_918 = arith.extui %sign3A_917 : i1 to i32
    %sign3A_919 = arith.subi %sign3A_915, %sign3A_918 : i32
    %ne3A_920 = arith.cmpi ne, %sign3A_912, %sign3A_919 : i32
    %rem3A_921 = arith.remsi %squeeze3A_903, %jit3A_904 : i32
    %ne3A_922 = arith.constant 0 : i32
    %ne3A_923 = arith.cmpi ne, %rem3A_921, %ne3A_922 : i32
    %and3A_924 = arith.andi %ne3A_920, %ne3A_923 : i1
    %sub3A_925 = arith.constant 1 : i32
    %sub3A_926 = arith.subi %div3A_905, %sub3A_925 : i32
    %select_n3A_927 = arith.select %and3A_924, %sub3A_926, %div3A_905 : i32
    %mul3A_928 = arith.constant 128 : i32
    %mul3A_929 = arith.muli %select_n3A_927, %mul3A_928 : i32
    %multiple_of3A_930 = tpu.assume_multiple %mul3A_929, 128 : i32
    %slice3A_931 = vector.extract_strided_slice %get3A_901 {offsets = [1], sizes = [1], strides = [1]} : vector<16xi32> to vector<1xi32>
    %squeeze3A_932 = vector.extract %slice3A_931[0] : i32 from vector<1xi32>
    %jit3A_933 = arith.constant 128 : i32
    %div3A_934 = arith.divsi %squeeze3A_932, %jit3A_933 : i32
    %sign3A_935 = arith.constant 0 : i32
    %sign3A_936 = arith.cmpi sgt, %squeeze3A_932, %sign3A_935 : i32
    %sign3A_937 = arith.extui %sign3A_936 : i1 to i32
    %sign3A_938 = arith.constant 0 : i32
    %sign3A_939 = arith.cmpi slt, %squeeze3A_932, %sign3A_938 : i32
    %sign3A_940 = arith.extui %sign3A_939 : i1 to i32
    %sign3A_941 = arith.subi %sign3A_937, %sign3A_940 : i32
    %sign3A_942 = arith.constant 0 : i32
    %sign3A_943 = arith.cmpi sgt, %jit3A_933, %sign3A_942 : i32
    %sign3A_944 = arith.extui %sign3A_943 : i1 to i32
    %sign3A_945 = arith.constant 0 : i32
    %sign3A_946 = arith.cmpi slt, %jit3A_933, %sign3A_945 : i32
    %sign3A_947 = arith.extui %sign3A_946 : i1 to i32
    %sign3A_948 = arith.subi %sign3A_944, %sign3A_947 : i32
    %ne3A_949 = arith.cmpi ne, %sign3A_941, %sign3A_948 : i32
    %rem3A_950 = arith.remsi %squeeze3A_932, %jit3A_933 : i32
    %ne3A_951 = arith.constant 0 : i32
    %ne3A_952 = arith.cmpi ne, %rem3A_950, %ne3A_951 : i32
    %and3A_953 = arith.andi %ne3A_949, %ne3A_952 : i1
    %sub3A_954 = arith.constant 1 : i32
    %sub3A_955 = arith.subi %div3A_934, %sub3A_954 : i32
    %select_n3A_956 = arith.select %and3A_953, %sub3A_955, %div3A_934 : i32
    %mul3A_957 = arith.constant 128 : i32
    %mul3A_958 = arith.muli %select_n3A_956, %mul3A_957 : i32
    %multiple_of3A_959 = tpu.assume_multiple %mul3A_958, 128 : i32
    %slice3A_960 = vector.extract_strided_slice %get3A_901 {offsets = [2], sizes = [1], strides = [1]} : vector<16xi32> to vector<1xi32>
    %squeeze3A_961 = vector.extract %slice3A_960[0] : i32 from vector<1xi32>
    %jit3A_962 = arith.constant 128 : i32
    %div3A_963 = arith.divsi %squeeze3A_961, %jit3A_962 : i32
    %sign3A_964 = arith.constant 0 : i32
    %sign3A_965 = arith.cmpi sgt, %squeeze3A_961, %sign3A_964 : i32
    %sign3A_966 = arith.extui %sign3A_965 : i1 to i32
    %sign3A_967 = arith.constant 0 : i32
    %sign3A_968 = arith.cmpi slt, %squeeze3A_961, %sign3A_967 : i32
    %sign3A_969 = arith.extui %sign3A_968 : i1 to i32
    %sign3A_970 = arith.subi %sign3A_966, %sign3A_969 : i32
    %sign3A_971 = arith.constant 0 : i32
    %sign3A_972 = arith.cmpi sgt, %jit3A_962, %sign3A_971 : i32
    %sign3A_973 = arith.extui %sign3A_972 : i1 to i32
    %sign3A_974 = arith.constant 0 : i32
    %sign3A_975 = arith.cmpi slt, %jit3A_962, %sign3A_974 : i32
    %sign3A_976 = arith.extui %sign3A_975 : i1 to i32
    %sign3A_977 = arith.subi %sign3A_973, %sign3A_976 : i32
    %ne3A_978 = arith.cmpi ne, %sign3A_970, %sign3A_977 : i32
    %rem3A_979 = arith.remsi %squeeze3A_961, %jit3A_962 : i32
    %ne3A_980 = arith.constant 0 : i32
    %ne3A_981 = arith.cmpi ne, %rem3A_979, %ne3A_980 : i32
    %and3A_982 = arith.andi %ne3A_978, %ne3A_981 : i1
    %sub3A_983 = arith.constant 1 : i32
    %sub3A_984 = arith.subi %div3A_963, %sub3A_983 : i32
    %select_n3A_985 = arith.select %and3A_982, %sub3A_984, %div3A_963 : i32
    %mul3A_986 = arith.constant 128 : i32
    %mul3A_987 = arith.muli %select_n3A_985, %mul3A_986 : i32
    %multiple_of3A_988 = tpu.assume_multiple %mul3A_987, 128 : i32
    %slice3A_989 = vector.extract_strided_slice %get3A_901 {offsets = [3], sizes = [1], strides = [1]} : vector<16xi32> to vector<1xi32>
    %squeeze3A_990 = vector.extract %slice3A_989[0] : i32 from vector<1xi32>
    %jit3A_991 = arith.constant 128 : i32
    %div3A_992 = arith.divsi %squeeze3A_990, %jit3A_991 : i32
    %sign3A_993 = arith.constant 0 : i32
    %sign3A_994 = arith.cmpi sgt, %squeeze3A_990, %sign3A_993 : i32
    %sign3A_995 = arith.extui %sign3A_994 : i1 to i32
    %sign3A_996 = arith.constant 0 : i32
    %sign3A_997 = arith.cmpi slt, %squeeze3A_990, %sign3A_996 : i32
    %sign3A_998 = arith.extui %sign3A_997 : i1 to i32
    %sign3A_999 = arith.subi %sign3A_995, %sign3A_998 : i32
    %sign3A_1000 = arith.constant 0 : i32
    %sign3A_1001 = arith.cmpi sgt, %jit3A_991, %sign3A_1000 : i32
    %sign3A_1002 = arith.extui %sign3A_1001 : i1 to i32
    %sign3A_1003 = arith.constant 0 : i32
    %sign3A_1004 = arith.cmpi slt, %jit3A_991, %sign3A_1003 : i32
    %sign3A_1005 = arith.extui %sign3A_1004 : i1 to i32
    %sign3A_1006 = arith.subi %sign3A_1002, %sign3A_1005 : i32
    %ne3A_1007 = arith.cmpi ne, %sign3A_999, %sign3A_1006 : i32
    %rem3A_1008 = arith.remsi %squeeze3A_990, %jit3A_991 : i32
    %ne3A_1009 = arith.constant 0 : i32
    %ne3A_1010 = arith.cmpi ne, %rem3A_1008, %ne3A_1009 : i32
    %and3A_1011 = arith.andi %ne3A_1007, %ne3A_1010 : i1
    %sub3A_1012 = arith.constant 1 : i32
    %sub3A_1013 = arith.subi %div3A_992, %sub3A_1012 : i32
    %select_n3A_1014 = arith.select %and3A_1011, %sub3A_1013, %div3A_992 : i32
    %mul3A_1015 = arith.constant 128 : i32
    %mul3A_1016 = arith.muli %select_n3A_1014, %mul3A_1015 : i32
    %multiple_of3A_1017 = tpu.assume_multiple %mul3A_1016, 128 : i32
    %slice3A_1018 = vector.extract_strided_slice %get3A_901 {offsets = [4], sizes = [1], strides = [1]} : vector<16xi32> to vector<1xi32>
    %squeeze3A_1019 = vector.extract %slice3A_1018[0] : i32 from vector<1xi32>
    %jit3A_1020 = arith.constant 128 : i32
    %div3A_1021 = arith.divsi %squeeze3A_1019, %jit3A_1020 : i32
    %sign3A_1022 = arith.constant 0 : i32
    %sign3A_1023 = arith.cmpi sgt, %squeeze3A_1019, %sign3A_1022 : i32
    %sign3A_1024 = arith.extui %sign3A_1023 : i1 to i32
    %sign3A_1025 = arith.constant 0 : i32
    %sign3A_1026 = arith.cmpi slt, %squeeze3A_1019, %sign3A_1025 : i32
    %sign3A_1027 = arith.extui %sign3A_1026 : i1 to i32
    %sign3A_1028 = arith.subi %sign3A_1024, %sign3A_1027 : i32
    %sign3A_1029 = arith.constant 0 : i32
    %sign3A_1030 = arith.cmpi sgt, %jit3A_1020, %sign3A_1029 : i32
    %sign3A_1031 = arith.extui %sign3A_1030 : i1 to i32
    %sign3A_1032 = arith.constant 0 : i32
    %sign3A_1033 = arith.cmpi slt, %jit3A_1020, %sign3A_1032 : i32
    %sign3A_1034 = arith.extui %sign3A_1033 : i1 to i32
    %sign3A_1035 = arith.subi %sign3A_1031, %sign3A_1034 : i32
    %ne3A_1036 = arith.cmpi ne, %sign3A_1028, %sign3A_1035 : i32
    %rem3A_1037 = arith.remsi %squeeze3A_1019, %jit3A_1020 : i32
    %ne3A_1038 = arith.constant 0 : i32
    %ne3A_1039 = arith.cmpi ne, %rem3A_1037, %ne3A_1038 : i32
    %and3A_1040 = arith.andi %ne3A_1036, %ne3A_1039 : i1
    %sub3A_1041 = arith.constant 1 : i32
    %sub3A_1042 = arith.subi %div3A_1021, %sub3A_1041 : i32
    %select_n3A_1043 = arith.select %and3A_1040, %sub3A_1042, %div3A_1021 : i32
    %mul3A_1044 = arith.constant 128 : i32
    %mul3A_1045 = arith.muli %select_n3A_1043, %mul3A_1044 : i32
    %multiple_of3A_1046 = tpu.assume_multiple %mul3A_1045, 128 : i32
    %slice3A_1047 = vector.extract_strided_slice %get3A_901 {offsets = [5], sizes = [1], strides = [1]} : vector<16xi32> to vector<1xi32>
    %squeeze3A_1048 = vector.extract %slice3A_1047[0] : i32 from vector<1xi32>
    %jit3A_1049 = arith.constant 128 : i32
    %div3A_1050 = arith.divsi %squeeze3A_1048, %jit3A_1049 : i32
    %sign3A_1051 = arith.constant 0 : i32
    %sign3A_1052 = arith.cmpi sgt, %squeeze3A_1048, %sign3A_1051 : i32
    %sign3A_1053 = arith.extui %sign3A_1052 : i1 to i32
    %sign3A_1054 = arith.constant 0 : i32
    %sign3A_1055 = arith.cmpi slt, %squeeze3A_1048, %sign3A_1054 : i32
    %sign3A_1056 = arith.extui %sign3A_1055 : i1 to i32
    %sign3A_1057 = arith.subi %sign3A_1053, %sign3A_1056 : i32
    %sign3A_1058 = arith.constant 0 : i32
    %sign3A_1059 = arith.cmpi sgt, %jit3A_1049, %sign3A_1058 : i32
    %sign3A_1060 = arith.extui %sign3A_1059 : i1 to i32
    %sign3A_1061 = arith.constant 0 : i32
    %sign3A_1062 = arith.cmpi slt, %jit3A_1049, %sign3A_1061 : i32
    %sign3A_1063 = arith.extui %sign3A_1062 : i1 to i32
    %sign3A_1064 = arith.subi %sign3A_1060, %sign3A_1063 : i32
    %ne3A_1065 = arith.cmpi ne, %sign3A_1057, %sign3A_1064 : i32
    %rem3A_1066 = arith.remsi %squeeze3A_1048, %jit3A_1049 : i32
    %ne3A_1067 = arith.constant 0 : i32
    %ne3A_1068 = arith.cmpi ne, %rem3A_1066, %ne3A_1067 : i32
    %and3A_1069 = arith.andi %ne3A_1065, %ne3A_1068 : i1
    %sub3A_1070 = arith.constant 1 : i32
    %sub3A_1071 = arith.subi %div3A_1050, %sub3A_1070 : i32
    %select_n3A_1072 = arith.select %and3A_1069, %sub3A_1071, %div3A_1050 : i32
    %mul3A_1073 = arith.constant 128 : i32
    %mul3A_1074 = arith.muli %select_n3A_1072, %mul3A_1073 : i32
    %multiple_of3A_1075 = tpu.assume_multiple %mul3A_1074, 128 : i32
    %slice3A_1076 = vector.extract_strided_slice %get3A_901 {offsets = [6], sizes = [1], strides = [1]} : vector<16xi32> to vector<1xi32>
    %squeeze3A_1077 = vector.extract %slice3A_1076[0] : i32 from vector<1xi32>
    %jit3A_1078 = arith.constant 128 : i32
    %div3A_1079 = arith.divsi %squeeze3A_1077, %jit3A_1078 : i32
    %sign3A_1080 = arith.constant 0 : i32
    %sign3A_1081 = arith.cmpi sgt, %squeeze3A_1077, %sign3A_1080 : i32
    %sign3A_1082 = arith.extui %sign3A_1081 : i1 to i32
    %sign3A_1083 = arith.constant 0 : i32
    %sign3A_1084 = arith.cmpi slt, %squeeze3A_1077, %sign3A_1083 : i32
    %sign3A_1085 = arith.extui %sign3A_1084 : i1 to i32
    %sign3A_1086 = arith.subi %sign3A_1082, %sign3A_1085 : i32
    %sign3A_1087 = arith.constant 0 : i32
    %sign3A_1088 = arith.cmpi sgt, %jit3A_1078, %sign3A_1087 : i32
    %sign3A_1089 = arith.extui %sign3A_1088 : i1 to i32
    %sign3A_1090 = arith.constant 0 : i32
    %sign3A_1091 = arith.cmpi slt, %jit3A_1078, %sign3A_1090 : i32
    %sign3A_1092 = arith.extui %sign3A_1091 : i1 to i32
    %sign3A_1093 = arith.subi %sign3A_1089, %sign3A_1092 : i32
    %ne3A_1094 = arith.cmpi ne, %sign3A_1086, %sign3A_1093 : i32
    %rem3A_1095 = arith.remsi %squeeze3A_1077, %jit3A_1078 : i32
    %ne3A_1096 = arith.constant 0 : i32
    %ne3A_1097 = arith.cmpi ne, %rem3A_1095, %ne3A_1096 : i32
    %and3A_1098 = arith.andi %ne3A_1094, %ne3A_1097 : i1
    %sub3A_1099 = arith.constant 1 : i32
    %sub3A_1100 = arith.subi %div3A_1079, %sub3A_1099 : i32
    %select_n3A_1101 = arith.select %and3A_1098, %sub3A_1100, %div3A_1079 : i32
    %mul3A_1102 = arith.constant 128 : i32
    %mul3A_1103 = arith.muli %select_n3A_1101, %mul3A_1102 : i32
    %multiple_of3A_1104 = tpu.assume_multiple %mul3A_1103, 128 : i32
    %slice3A_1105 = vector.extract_strided_slice %get3A_901 {offsets = [7], sizes = [1], strides = [1]} : vector<16xi32> to vector<1xi32>
    %squeeze3A_1106 = vector.extract %slice3A_1105[0] : i32 from vector<1xi32>
    %jit3A_1107 = arith.constant 128 : i32
    %div3A_1108 = arith.divsi %squeeze3A_1106, %jit3A_1107 : i32
    %sign3A_1109 = arith.constant 0 : i32
    %sign3A_1110 = arith.cmpi sgt, %squeeze3A_1106, %sign3A_1109 : i32
    %sign3A_1111 = arith.extui %sign3A_1110 : i1 to i32
    %sign3A_1112 = arith.constant 0 : i32
    %sign3A_1113 = arith.cmpi slt, %squeeze3A_1106, %sign3A_1112 : i32
    %sign3A_1114 = arith.extui %sign3A_1113 : i1 to i32
    %sign3A_1115 = arith.subi %sign3A_1111, %sign3A_1114 : i32
    %sign3A_1116 = arith.constant 0 : i32
    %sign3A_1117 = arith.cmpi sgt, %jit3A_1107, %sign3A_1116 : i32
    %sign3A_1118 = arith.extui %sign3A_1117 : i1 to i32
    %sign3A_1119 = arith.constant 0 : i32
    %sign3A_1120 = arith.cmpi slt, %jit3A_1107, %sign3A_1119 : i32
    %sign3A_1121 = arith.extui %sign3A_1120 : i1 to i32
    %sign3A_1122 = arith.subi %sign3A_1118, %sign3A_1121 : i32
    %ne3A_1123 = arith.cmpi ne, %sign3A_1115, %sign3A_1122 : i32
    %rem3A_1124 = arith.remsi %squeeze3A_1106, %jit3A_1107 : i32
    %ne3A_1125 = arith.constant 0 : i32
    %ne3A_1126 = arith.cmpi ne, %rem3A_1124, %ne3A_1125 : i32
    %and3A_1127 = arith.andi %ne3A_1123, %ne3A_1126 : i1
    %sub3A_1128 = arith.constant 1 : i32
    %sub3A_1129 = arith.subi %div3A_1108, %sub3A_1128 : i32
    %select_n3A_1130 = arith.select %and3A_1127, %sub3A_1129, %div3A_1108 : i32
    %mul3A_1131 = arith.constant 128 : i32
    %mul3A_1132 = arith.muli %select_n3A_1130, %mul3A_1131 : i32
    %multiple_of3A_1133 = tpu.assume_multiple %mul3A_1132, 128 : i32
    %ne3A_1134 = arith.cmpi ne, %multiple_of3A_959, %multiple_of3A_930 : i32
    %jit3A_1135 = arith.constant 1 : i32
    %jit3A_1136 = arith.constant 0 : i32
    %select_n3A_1137 = arith.select %ne3A_1134, %jit3A_1135, %jit3A_1136 : i32
    %ne3A_1138 = arith.cmpi ne, %multiple_of3A_988, %multiple_of3A_959 : i32
    %jit3A_1139 = arith.constant 2 : i32
    %select_n3A_1140 = arith.select %ne3A_1138, %jit3A_1139, %select_n3A_1137 : i32
    %ne3A_1141 = arith.cmpi ne, %multiple_of3A_1017, %multiple_of3A_988 : i32
    %jit3A_1142 = arith.constant 3 : i32
    %select_n3A_1143 = arith.select %ne3A_1141, %jit3A_1142, %select_n3A_1140 : i32
    %ne3A_1144 = arith.cmpi ne, %multiple_of3A_1046, %multiple_of3A_1017 : i32
    %jit3A_1145 = arith.constant 4 : i32
    %select_n3A_1146 = arith.select %ne3A_1144, %jit3A_1145, %select_n3A_1143 : i32
    %ne3A_1147 = arith.cmpi ne, %multiple_of3A_1075, %multiple_of3A_1046 : i32
    %jit3A_1148 = arith.constant 5 : i32
    %select_n3A_1149 = arith.select %ne3A_1147, %jit3A_1148, %select_n3A_1146 : i32
    %ne3A_1150 = arith.cmpi ne, %multiple_of3A_1104, %multiple_of3A_1075 : i32
    %jit3A_1151 = arith.constant 6 : i32
    %select_n3A_1152 = arith.select %ne3A_1150, %jit3A_1151, %select_n3A_1149 : i32
    %ne3A_1153 = arith.cmpi ne, %multiple_of3A_1133, %multiple_of3A_1104 : i32
    %jit3A_1154 = arith.constant 7 : i32
    %select_n3A_1155 = arith.select %ne3A_1153, %jit3A_1154, %select_n3A_1152 : i32
    %dma_start3A_1156 = arith.constant 8 : i32
    %dma_start3A_1157 = arith.constant 8 : i32
    %dma_start3A_1158 = arith.constant 0 : i32
    %dma_start3A_1159 = arith.constant 0 : i32
    %dma_start3A_1160 = tpu.memref_slice %arg12[%dma_start3A_1156, %dma_start3A_1158, %dma_start3A_1159] : memref<24x32x128xf32, #tpu.memory_space<vmem>> -> memref<1x32x128xf32, #tpu.memory_space<vmem>>
    %dma_start3A_1161 = tpu.memref_squeeze %dma_start3A_1160 : memref<1x32x128xf32, #tpu.memory_space<vmem>> -> memref<32x128xf32, #tpu.memory_space<vmem>>
    %dma_start3A_1162 = arith.constant 0 : i32
    %dma_start3A_1163 = tpu.memref_slice %arg7[%dma_start3A_1162, %multiple_of3A_930] : memref<32x1000000xf32, #tpu.memory_space<hbm>> -> memref<32x128xf32, #tpu.memory_space<hbm>>
    %dma_start3A_1164 = tpu.memref_slice %arg14[%dma_start3A_1157] : memref<24x!tpu.dma_semaphore, #tpu.memory_space<semaphore_mem>> -> memref<1x!tpu.dma_semaphore, #tpu.memory_space<semaphore_mem>>
    %dma_start3A_1165 = tpu.memref_squeeze %dma_start3A_1164 : memref<1x!tpu.dma_semaphore, #tpu.memory_space<semaphore_mem>> -> memref<!tpu.dma_semaphore, #tpu.memory_space<semaphore_mem>>
    %dma_start3A_1166 = arith.constant 0 : i32
    %dma_start3A_1167 = arith.constant 0 : i32
    %dma_start3A_1168 = tpu.memref_slice %arg12[%dma_start3A_1156, %dma_start3A_1166, %dma_start3A_1167] : memref<24x32x128xf32, #tpu.memory_space<vmem>> -> memref<1x32x128xf32, #tpu.memory_space<vmem>>
    %dma_start3A_1169 = tpu.memref_squeeze %dma_start3A_1168 : memref<1x32x128xf32, #tpu.memory_space<vmem>> -> memref<32x128xf32, #tpu.memory_space<vmem>>
    %dma_start3A_1170 = arith.constant 0 : i32
    %dma_start3A_1171 = tpu.memref_slice %arg7[%dma_start3A_1170, %multiple_of3A_930] : memref<32x1000000xf32, #tpu.memory_space<hbm>> -> memref<32x128xf32, #tpu.memory_space<hbm>>
    tpu.enqueue_dma source(%dma_start3A_1171 : memref<32x128xf32, #tpu.memory_space<hbm>>) target(%dma_start3A_1169 : memref<32x128xf32, #tpu.memory_space<vmem>>) target_semaphore(%dma_start3A_1165 : memref<!tpu.dma_semaphore, #tpu.memory_space<semaphore_mem>>)
    %convert_element_type3A_1172 = arith.extui %ne3A_1134 : i1 to i32
    %cond3A_1173 = arith.constant 0 : i32
    %cond3A_1174 = arith.cmpi ne, %convert_element_type3A_1172, %cond3A_1173 : i32
    scf.if %cond3A_1174 {
      %dma_start3A_1228 = arith.constant 9 : i32
      %dma_start3A_1229 = arith.constant 9 : i32
      %dma_start3A_1230 = arith.constant 0 : i32
      %dma_start3A_1231 = arith.constant 0 : i32
      %dma_start3A_1232 = tpu.memref_slice %arg12[%dma_start3A_1228, %dma_start3A_1230, %dma_start3A_1231] : memref<24x32x128xf32, #tpu.memory_space<vmem>> -> memref<1x32x128xf32, #tpu.memory_space<vmem>>
      %dma_start3A_1233 = tpu.memref_squeeze %dma_start3A_1232 : memref<1x32x128xf32, #tpu.memory_space<vmem>> -> memref<32x128xf32, #tpu.memory_space<vmem>>
      %dma_start3A_1234 = arith.constant 0 : i32
      %dma_start3A_1235 = tpu.memref_slice %arg7[%dma_start3A_1234, %multiple_of3A_959] : memref<32x1000000xf32, #tpu.memory_space<hbm>> -> memref<32x128xf32, #tpu.memory_space<hbm>>
      %dma_start3A_1236 = tpu.memref_slice %arg14[%dma_start3A_1229] : memref<24x!tpu.dma_semaphore, #tpu.memory_space<semaphore_mem>> -> memref<1x!tpu.dma_semaphore, #tpu.memory_space<semaphore_mem>>
      %dma_start3A_1237 = tpu.memref_squeeze %dma_start3A_1236 : memref<1x!tpu.dma_semaphore, #tpu.memory_space<semaphore_mem>> -> memref<!tpu.dma_semaphore, #tpu.memory_space<semaphore_mem>>
      %dma_start3A_1238 = arith.constant 0 : i32
      %dma_start3A_1239 = arith.constant 0 : i32
      %dma_start3A_1240 = tpu.memref_slice %arg12[%dma_start3A_1228, %dma_start3A_1238, %dma_start3A_1239] : memref<24x32x128xf32, #tpu.memory_space<vmem>> -> memref<1x32x128xf32, #tpu.memory_space<vmem>>
      %dma_start3A_1241 = tpu.memref_squeeze %dma_start3A_1240 : memref<1x32x128xf32, #tpu.memory_space<vmem>> -> memref<32x128xf32, #tpu.memory_space<vmem>>
      %dma_start3A_1242 = arith.constant 0 : i32
      %dma_start3A_1243 = tpu.memref_slice %arg7[%dma_start3A_1242, %multiple_of3A_959] : memref<32x1000000xf32, #tpu.memory_space<hbm>> -> memref<32x128xf32, #tpu.memory_space<hbm>>
      tpu.enqueue_dma source(%dma_start3A_1243 : memref<32x128xf32, #tpu.memory_space<hbm>>) target(%dma_start3A_1241 : memref<32x128xf32, #tpu.memory_space<vmem>>) target_semaphore(%dma_start3A_1237 : memref<!tpu.dma_semaphore, #tpu.memory_space<semaphore_mem>>)
    } else {
    }
    %convert_element_type3A_1175 = arith.extui %ne3A_1138 : i1 to i32
    %cond3A_1176 = arith.constant 0 : i32
    %cond3A_1177 = arith.cmpi ne, %convert_element_type3A_1175, %cond3A_1176 : i32
    scf.if %cond3A_1177 {
      %dma_start3A_1228 = arith.constant 10 : i32
      %dma_start3A_1229 = arith.constant 10 : i32
      %dma_start3A_1230 = arith.constant 0 : i32
      %dma_start3A_1231 = arith.constant 0 : i32
      %dma_start3A_1232 = tpu.memref_slice %arg12[%dma_start3A_1228, %dma_start3A_1230, %dma_start3A_1231] : memref<24x32x128xf32, #tpu.memory_space<vmem>> -> memref<1x32x128xf32, #tpu.memory_space<vmem>>
      %dma_start3A_1233 = tpu.memref_squeeze %dma_start3A_1232 : memref<1x32x128xf32, #tpu.memory_space<vmem>> -> memref<32x128xf32, #tpu.memory_space<vmem>>
      %dma_start3A_1234 = arith.constant 0 : i32
      %dma_start3A_1235 = tpu.memref_slice %arg7[%dma_start3A_1234, %multiple_of3A_988] : memref<32x1000000xf32, #tpu.memory_space<hbm>> -> memref<32x128xf32, #tpu.memory_space<hbm>>
      %dma_start3A_1236 = tpu.memref_slice %arg14[%dma_start3A_1229] : memref<24x!tpu.dma_semaphore, #tpu.memory_space<semaphore_mem>> -> memref<1x!tpu.dma_semaphore, #tpu.memory_space<semaphore_mem>>
      %dma_start3A_1237 = tpu.memref_squeeze %dma_start3A_1236 : memref<1x!tpu.dma_semaphore, #tpu.memory_space<semaphore_mem>> -> memref<!tpu.dma_semaphore, #tpu.memory_space<semaphore_mem>>
      %dma_start3A_1238 = arith.constant 0 : i32
      %dma_start3A_1239 = arith.constant 0 : i32
      %dma_start3A_1240 = tpu.memref_slice %arg12[%dma_start3A_1228, %dma_start3A_1238, %dma_start3A_1239] : memref<24x32x128xf32, #tpu.memory_space<vmem>> -> memref<1x32x128xf32, #tpu.memory_space<vmem>>
      %dma_start3A_1241 = tpu.memref_squeeze %dma_start3A_1240 : memref<1x32x128xf32, #tpu.memory_space<vmem>> -> memref<32x128xf32, #tpu.memory_space<vmem>>
      %dma_start3A_1242 = arith.constant 0 : i32
      %dma_start3A_1243 = tpu.memref_slice %arg7[%dma_start3A_1242, %multiple_of3A_988] : memref<32x1000000xf32, #tpu.memory_space<hbm>> -> memref<32x128xf32, #tpu.memory_space<hbm>>
      tpu.enqueue_dma source(%dma_start3A_1243 : memref<32x128xf32, #tpu.memory_space<hbm>>) target(%dma_start3A_1241 : memref<32x128xf32, #tpu.memory_space<vmem>>) target_semaphore(%dma_start3A_1237 : memref<!tpu.dma_semaphore, #tpu.memory_space<semaphore_mem>>)
    } else {
    }
    %convert_element_type3A_1178 = arith.extui %ne3A_1141 : i1 to i32
    %cond3A_1179 = arith.constant 0 : i32
    %cond3A_1180 = arith.cmpi ne, %convert_element_type3A_1178, %cond3A_1179 : i32
    scf.if %cond3A_1180 {
      %dma_start3A_1228 = arith.constant 11 : i32
      %dma_start3A_1229 = arith.constant 11 : i32
      %dma_start3A_1230 = arith.constant 0 : i32
      %dma_start3A_1231 = arith.constant 0 : i32
      %dma_start3A_1232 = tpu.memref_slice %arg12[%dma_start3A_1228, %dma_start3A_1230, %dma_start3A_1231] : memref<24x32x128xf32, #tpu.memory_space<vmem>> -> memref<1x32x128xf32, #tpu.memory_space<vmem>>
      %dma_start3A_1233 = tpu.memref_squeeze %dma_start3A_1232 : memref<1x32x128xf32, #tpu.memory_space<vmem>> -> memref<32x128xf32, #tpu.memory_space<vmem>>
      %dma_start3A_1234 = arith.constant 0 : i32
      %dma_start3A_1235 = tpu.memref_slice %arg7[%dma_start3A_1234, %multiple_of3A_1017] : memref<32x1000000xf32, #tpu.memory_space<hbm>> -> memref<32x128xf32, #tpu.memory_space<hbm>>
      %dma_start3A_1236 = tpu.memref_slice %arg14[%dma_start3A_1229] : memref<24x!tpu.dma_semaphore, #tpu.memory_space<semaphore_mem>> -> memref<1x!tpu.dma_semaphore, #tpu.memory_space<semaphore_mem>>
      %dma_start3A_1237 = tpu.memref_squeeze %dma_start3A_1236 : memref<1x!tpu.dma_semaphore, #tpu.memory_space<semaphore_mem>> -> memref<!tpu.dma_semaphore, #tpu.memory_space<semaphore_mem>>
      %dma_start3A_1238 = arith.constant 0 : i32
      %dma_start3A_1239 = arith.constant 0 : i32
      %dma_start3A_1240 = tpu.memref_slice %arg12[%dma_start3A_1228, %dma_start3A_1238, %dma_start3A_1239] : memref<24x32x128xf32, #tpu.memory_space<vmem>> -> memref<1x32x128xf32, #tpu.memory_space<vmem>>
      %dma_start3A_1241 = tpu.memref_squeeze %dma_start3A_1240 : memref<1x32x128xf32, #tpu.memory_space<vmem>> -> memref<32x128xf32, #tpu.memory_space<vmem>>
      %dma_start3A_1242 = arith.constant 0 : i32
      %dma_start3A_1243 = tpu.memref_slice %arg7[%dma_start3A_1242, %multiple_of3A_1017] : memref<32x1000000xf32, #tpu.memory_space<hbm>> -> memref<32x128xf32, #tpu.memory_space<hbm>>
      tpu.enqueue_dma source(%dma_start3A_1243 : memref<32x128xf32, #tpu.memory_space<hbm>>) target(%dma_start3A_1241 : memref<32x128xf32, #tpu.memory_space<vmem>>) target_semaphore(%dma_start3A_1237 : memref<!tpu.dma_semaphore, #tpu.memory_space<semaphore_mem>>)
    } else {
    }
    %convert_element_type3A_1181 = arith.extui %ne3A_1144 : i1 to i32
    %cond3A_1182 = arith.constant 0 : i32
    %cond3A_1183 = arith.cmpi ne, %convert_element_type3A_1181, %cond3A_1182 : i32
    scf.if %cond3A_1183 {
      %dma_start3A_1228 = arith.constant 12 : i32
      %dma_start3A_1229 = arith.constant 12 : i32
      %dma_start3A_1230 = arith.constant 0 : i32
      %dma_start3A_1231 = arith.constant 0 : i32
      %dma_start3A_1232 = tpu.memref_slice %arg12[%dma_start3A_1228, %dma_start3A_1230, %dma_start3A_1231] : memref<24x32x128xf32, #tpu.memory_space<vmem>> -> memref<1x32x128xf32, #tpu.memory_space<vmem>>
      %dma_start3A_1233 = tpu.memref_squeeze %dma_start3A_1232 : memref<1x32x128xf32, #tpu.memory_space<vmem>> -> memref<32x128xf32, #tpu.memory_space<vmem>>
      %dma_start3A_1234 = arith.constant 0 : i32
      %dma_start3A_1235 = tpu.memref_slice %arg7[%dma_start3A_1234, %multiple_of3A_1046] : memref<32x1000000xf32, #tpu.memory_space<hbm>> -> memref<32x128xf32, #tpu.memory_space<hbm>>
      %dma_start3A_1236 = tpu.memref_slice %arg14[%dma_start3A_1229] : memref<24x!tpu.dma_semaphore, #tpu.memory_space<semaphore_mem>> -> memref<1x!tpu.dma_semaphore, #tpu.memory_space<semaphore_mem>>
      %dma_start3A_1237 = tpu.memref_squeeze %dma_start3A_1236 : memref<1x!tpu.dma_semaphore, #tpu.memory_space<semaphore_mem>> -> memref<!tpu.dma_semaphore, #tpu.memory_space<semaphore_mem>>
      %dma_start3A_1238 = arith.constant 0 : i32
      %dma_start3A_1239 = arith.constant 0 : i32
      %dma_start3A_1240 = tpu.memref_slice %arg12[%dma_start3A_1228, %dma_start3A_1238, %dma_start3A_1239] : memref<24x32x128xf32, #tpu.memory_space<vmem>> -> memref<1x32x128xf32, #tpu.memory_space<vmem>>
      %dma_start3A_1241 = tpu.memref_squeeze %dma_start3A_1240 : memref<1x32x128xf32, #tpu.memory_space<vmem>> -> memref<32x128xf32, #tpu.memory_space<vmem>>
      %dma_start3A_1242 = arith.constant 0 : i32
      %dma_start3A_1243 = tpu.memref_slice %arg7[%dma_start3A_1242, %multiple_of3A_1046] : memref<32x1000000xf32, #tpu.memory_space<hbm>> -> memref<32x128xf32, #tpu.memory_space<hbm>>
      tpu.enqueue_dma source(%dma_start3A_1243 : memref<32x128xf32, #tpu.memory_space<hbm>>) target(%dma_start3A_1241 : memref<32x128xf32, #tpu.memory_space<vmem>>) target_semaphore(%dma_start3A_1237 : memref<!tpu.dma_semaphore, #tpu.memory_space<semaphore_mem>>)
    } else {
    }
    %convert_element_type3A_1184 = arith.extui %ne3A_1147 : i1 to i32
    %cond3A_1185 = arith.constant 0 : i32
    %cond3A_1186 = arith.cmpi ne, %convert_element_type3A_1184, %cond3A_1185 : i32
    scf.if %cond3A_1186 {
      %dma_start3A_1228 = arith.constant 13 : i32
      %dma_start3A_1229 = arith.constant 13 : i32
      %dma_start3A_1230 = arith.constant 0 : i32
      %dma_start3A_1231 = arith.constant 0 : i32
      %dma_start3A_1232 = tpu.memref_slice %arg12[%dma_start3A_1228, %dma_start3A_1230, %dma_start3A_1231] : memref<24x32x128xf32, #tpu.memory_space<vmem>> -> memref<1x32x128xf32, #tpu.memory_space<vmem>>
      %dma_start3A_1233 = tpu.memref_squeeze %dma_start3A_1232 : memref<1x32x128xf32, #tpu.memory_space<vmem>> -> memref<32x128xf32, #tpu.memory_space<vmem>>
      %dma_start3A_1234 = arith.constant 0 : i32
      %dma_start3A_1235 = tpu.memref_slice %arg7[%dma_start3A_1234, %multiple_of3A_1075] : memref<32x1000000xf32, #tpu.memory_space<hbm>> -> memref<32x128xf32, #tpu.memory_space<hbm>>
      %dma_start3A_1236 = tpu.memref_slice %arg14[%dma_start3A_1229] : memref<24x!tpu.dma_semaphore, #tpu.memory_space<semaphore_mem>> -> memref<1x!tpu.dma_semaphore, #tpu.memory_space<semaphore_mem>>
      %dma_start3A_1237 = tpu.memref_squeeze %dma_start3A_1236 : memref<1x!tpu.dma_semaphore, #tpu.memory_space<semaphore_mem>> -> memref<!tpu.dma_semaphore, #tpu.memory_space<semaphore_mem>>
      %dma_start3A_1238 = arith.constant 0 : i32
      %dma_start3A_1239 = arith.constant 0 : i32
      %dma_start3A_1240 = tpu.memref_slice %arg12[%dma_start3A_1228, %dma_start3A_1238, %dma_start3A_1239] : memref<24x32x128xf32, #tpu.memory_space<vmem>> -> memref<1x32x128xf32, #tpu.memory_space<vmem>>
      %dma_start3A_1241 = tpu.memref_squeeze %dma_start3A_1240 : memref<1x32x128xf32, #tpu.memory_space<vmem>> -> memref<32x128xf32, #tpu.memory_space<vmem>>
      %dma_start3A_1242 = arith.constant 0 : i32
      %dma_start3A_1243 = tpu.memref_slice %arg7[%dma_start3A_1242, %multiple_of3A_1075] : memref<32x1000000xf32, #tpu.memory_space<hbm>> -> memref<32x128xf32, #tpu.memory_space<hbm>>
      tpu.enqueue_dma source(%dma_start3A_1243 : memref<32x128xf32, #tpu.memory_space<hbm>>) target(%dma_start3A_1241 : memref<32x128xf32, #tpu.memory_space<vmem>>) target_semaphore(%dma_start3A_1237 : memref<!tpu.dma_semaphore, #tpu.memory_space<semaphore_mem>>)
    } else {
    }
    %convert_element_type3A_1187 = arith.extui %ne3A_1150 : i1 to i32
    %cond3A_1188 = arith.constant 0 : i32
    %cond3A_1189 = arith.cmpi ne, %convert_element_type3A_1187, %cond3A_1188 : i32
    scf.if %cond3A_1189 {
      %dma_start3A_1228 = arith.constant 14 : i32
      %dma_start3A_1229 = arith.constant 14 : i32
      %dma_start3A_1230 = arith.constant 0 : i32
      %dma_start3A_1231 = arith.constant 0 : i32
      %dma_start3A_1232 = tpu.memref_slice %arg12[%dma_start3A_1228, %dma_start3A_1230, %dma_start3A_1231] : memref<24x32x128xf32, #tpu.memory_space<vmem>> -> memref<1x32x128xf32, #tpu.memory_space<vmem>>
      %dma_start3A_1233 = tpu.memref_squeeze %dma_start3A_1232 : memref<1x32x128xf32, #tpu.memory_space<vmem>> -> memref<32x128xf32, #tpu.memory_space<vmem>>
      %dma_start3A_1234 = arith.constant 0 : i32
      %dma_start3A_1235 = tpu.memref_slice %arg7[%dma_start3A_1234, %multiple_of3A_1104] : memref<32x1000000xf32, #tpu.memory_space<hbm>> -> memref<32x128xf32, #tpu.memory_space<hbm>>
      %dma_start3A_1236 = tpu.memref_slice %arg14[%dma_start3A_1229] : memref<24x!tpu.dma_semaphore, #tpu.memory_space<semaphore_mem>> -> memref<1x!tpu.dma_semaphore, #tpu.memory_space<semaphore_mem>>
      %dma_start3A_1237 = tpu.memref_squeeze %dma_start3A_1236 : memref<1x!tpu.dma_semaphore, #tpu.memory_space<semaphore_mem>> -> memref<!tpu.dma_semaphore, #tpu.memory_space<semaphore_mem>>
      %dma_start3A_1238 = arith.constant 0 : i32
      %dma_start3A_1239 = arith.constant 0 : i32
      %dma_start3A_1240 = tpu.memref_slice %arg12[%dma_start3A_1228, %dma_start3A_1238, %dma_start3A_1239] : memref<24x32x128xf32, #tpu.memory_space<vmem>> -> memref<1x32x128xf32, #tpu.memory_space<vmem>>
      %dma_start3A_1241 = tpu.memref_squeeze %dma_start3A_1240 : memref<1x32x128xf32, #tpu.memory_space<vmem>> -> memref<32x128xf32, #tpu.memory_space<vmem>>
      %dma_start3A_1242 = arith.constant 0 : i32
      %dma_start3A_1243 = tpu.memref_slice %arg7[%dma_start3A_1242, %multiple_of3A_1104] : memref<32x1000000xf32, #tpu.memory_space<hbm>> -> memref<32x128xf32, #tpu.memory_space<hbm>>
      tpu.enqueue_dma source(%dma_start3A_1243 : memref<32x128xf32, #tpu.memory_space<hbm>>) target(%dma_start3A_1241 : memref<32x128xf32, #tpu.memory_space<vmem>>) target_semaphore(%dma_start3A_1237 : memref<!tpu.dma_semaphore, #tpu.memory_space<semaphore_mem>>)
    } else {
    }
    %convert_element_type3A_1190 = arith.extui %ne3A_1153 : i1 to i32
    %cond3A_1191 = arith.constant 0 : i32
    %cond3A_1192 = arith.cmpi ne, %convert_element_type3A_1190, %cond3A_1191 : i32
    scf.if %cond3A_1192 {
      %dma_start3A_1228 = arith.constant 15 : i32
      %dma_start3A_1229 = arith.constant 15 : i32
      %dma_start3A_1230 = arith.constant 0 : i32
      %dma_start3A_1231 = arith.constant 0 : i32
      %dma_start3A_1232 = tpu.memref_slice %arg12[%dma_start3A_1228, %dma_start3A_1230, %dma_start3A_1231] : memref<24x32x128xf32, #tpu.memory_space<vmem>> -> memref<1x32x128xf32, #tpu.memory_space<vmem>>
      %dma_start3A_1233 = tpu.memref_squeeze %dma_start3A_1232 : memref<1x32x128xf32, #tpu.memory_space<vmem>> -> memref<32x128xf32, #tpu.memory_space<vmem>>
      %dma_start3A_1234 = arith.constant 0 : i32
      %dma_start3A_1235 = tpu.memref_slice %arg7[%dma_start3A_1234, %multiple_of3A_1133] : memref<32x1000000xf32, #tpu.memory_space<hbm>> -> memref<32x128xf32, #tpu.memory_space<hbm>>
      %dma_start3A_1236 = tpu.memref_slice %arg14[%dma_start3A_1229] : memref<24x!tpu.dma_semaphore, #tpu.memory_space<semaphore_mem>> -> memref<1x!tpu.dma_semaphore, #tpu.memory_space<semaphore_mem>>
      %dma_start3A_1237 = tpu.memref_squeeze %dma_start3A_1236 : memref<1x!tpu.dma_semaphore, #tpu.memory_space<semaphore_mem>> -> memref<!tpu.dma_semaphore, #tpu.memory_space<semaphore_mem>>
      %dma_start3A_1238 = arith.constant 0 : i32
      %dma_start3A_1239 = arith.constant 0 : i32
      %dma_start3A_1240 = tpu.memref_slice %arg12[%dma_start3A_1228, %dma_start3A_1238, %dma_start3A_1239] : memref<24x32x128xf32, #tpu.memory_space<vmem>> -> memref<1x32x128xf32, #tpu.memory_space<vmem>>
      %dma_start3A_1241 = tpu.memref_squeeze %dma_start3A_1240 : memref<1x32x128xf32, #tpu.memory_space<vmem>> -> memref<32x128xf32, #tpu.memory_space<vmem>>
      %dma_start3A_1242 = arith.constant 0 : i32
      %dma_start3A_1243 = tpu.memref_slice %arg7[%dma_start3A_1242, %multiple_of3A_1133] : memref<32x1000000xf32, #tpu.memory_space<hbm>> -> memref<32x128xf32, #tpu.memory_space<hbm>>
      tpu.enqueue_dma source(%dma_start3A_1243 : memref<32x128xf32, #tpu.memory_space<hbm>>) target(%dma_start3A_1241 : memref<32x128xf32, #tpu.memory_space<vmem>>) target_semaphore(%dma_start3A_1237 : memref<!tpu.dma_semaphore, #tpu.memory_space<semaphore_mem>>)
    } else {
    }
    %scan3A_1193 = arith.constant 0 : i32
    %scan3A_1194 = arith.constant 64 : i32
    %scan3A_1195 = arith.addi %scan3A_1193, %scan3A_1194 : i32
    %scan3A_1196 = arith.constant 1 : i32
    scf.for %scan3A_1228 = %scan3A_1193 to %scan3A_1195 step %scan3A_1196  : i32 {
      %mul3A_1229 = arith.constant 1 : i32
      %mul3A_1230 = arith.muli %scan3A_1228, %mul3A_1229 : i32
      %add3A_1231 = arith.constant 0 : i32
      %add3A_1232 = arith.addi %add3A_1231, %mul3A_1230 : i32
      %rem3A_1233 = arith.constant 3 : i32
      %rem3A_1234 = arith.remsi %add3A_1232, %rem3A_1233 : i32
      %lt3A = arith.constant 62 : i32
      %lt3A_1235 = arith.cmpi slt, %add3A_1232, %lt3A : i32
      %convert_element_type3A_1236 = arith.extui %lt3A_1235 : i1 to i32
      %cond3A_1237 = arith.constant 0 : i32
      %cond3A_1238 = arith.cmpi ne, %convert_element_type3A_1236, %cond3A_1237 : i32
      scf.if %cond3A_1238 {
        %add3A_1865 = arith.constant 2 : i32
        %add3A_1866 = arith.addi %add3A_1232, %add3A_1865 : i32
        %add3A_1867 = arith.constant 2 : i32
        %add3A_1868 = arith.addi %add3A_1232, %add3A_1867 : i32
        %rem3A_1869 = arith.constant 3 : i32
        %rem3A_1870 = arith.remsi %add3A_1868, %rem3A_1869 : i32
        %mul3A_1871 = arith.constant 8 : i32
        %mul3A_1872 = arith.muli %add3A_1866, %mul3A_1871 : i32
        %get3A_1873 = arith.index_cast %mul3A_1872 : i32 to index
        %get3A_1874 = tpu.vector_load %arg10[%get3A_1873] {strides = array<i32>} : memref<528xi32, #tpu.memory_space<vmem>>, vector<16xi32>,
        %slice3A_1875 = vector.extract_strided_slice %get3A_1874 {offsets = [0], sizes = [1], strides = [1]} : vector<16xi32> to vector<1xi32>
        %squeeze3A_1876 = vector.extract %slice3A_1875[0] : i32 from vector<1xi32>
        %jit3A_1877 = arith.constant 128 : i32
        %div3A_1878 = arith.divsi %squeeze3A_1876, %jit3A_1877 : i32
        %sign3A_1879 = arith.constant 0 : i32
        %sign3A_1880 = arith.cmpi sgt, %squeeze3A_1876, %sign3A_1879 : i32
        %sign3A_1881 = arith.extui %sign3A_1880 : i1 to i32
        %sign3A_1882 = arith.constant 0 : i32
        %sign3A_1883 = arith.cmpi slt, %squeeze3A_1876, %sign3A_1882 : i32
        %sign3A_1884 = arith.extui %sign3A_1883 : i1 to i32
        %sign3A_1885 = arith.subi %sign3A_1881, %sign3A_1884 : i32
        %sign3A_1886 = arith.constant 0 : i32
        %sign3A_1887 = arith.cmpi sgt, %jit3A_1877, %sign3A_1886 : i32
        %sign3A_1888 = arith.extui %sign3A_1887 : i1 to i32
        %sign3A_1889 = arith.constant 0 : i32
        %sign3A_1890 = arith.cmpi slt, %jit3A_1877, %sign3A_1889 : i32
        %sign3A_1891 = arith.extui %sign3A_1890 : i1 to i32
        %sign3A_1892 = arith.subi %sign3A_1888, %sign3A_1891 : i32
        %ne3A_1893 = arith.cmpi ne, %sign3A_1885, %sign3A_1892 : i32
        %rem3A_1894 = arith.remsi %squeeze3A_1876, %jit3A_1877 : i32
        %ne3A_1895 = arith.constant 0 : i32
        %ne3A_1896 = arith.cmpi ne, %rem3A_1894, %ne3A_1895 : i32
        %and3A_1897 = arith.andi %ne3A_1893, %ne3A_1896 : i1
        %sub3A_1898 = arith.constant 1 : i32
        %sub3A_1899 = arith.subi %div3A_1878, %sub3A_1898 : i32
        %select_n3A_1900 = arith.select %and3A_1897, %sub3A_1899, %div3A_1878 : i32
        %mul3A_1901 = arith.constant 128 : i32
        %mul3A_1902 = arith.muli %select_n3A_1900, %mul3A_1901 : i32
        %multiple_of3A_1903 = tpu.assume_multiple %mul3A_1902, 128 : i32
        %slice3A_1904 = vector.extract_strided_slice %get3A_1874 {offsets = [1], sizes = [1], strides = [1]} : vector<16xi32> to vector<1xi32>
        %squeeze3A_1905 = vector.extract %slice3A_1904[0] : i32 from vector<1xi32>
        %jit3A_1906 = arith.constant 128 : i32
        %div3A_1907 = arith.divsi %squeeze3A_1905, %jit3A_1906 : i32
        %sign3A_1908 = arith.constant 0 : i32
        %sign3A_1909 = arith.cmpi sgt, %squeeze3A_1905, %sign3A_1908 : i32
        %sign3A_1910 = arith.extui %sign3A_1909 : i1 to i32
        %sign3A_1911 = arith.constant 0 : i32
        %sign3A_1912 = arith.cmpi slt, %squeeze3A_1905, %sign3A_1911 : i32
        %sign3A_1913 = arith.extui %sign3A_1912 : i1 to i32
        %sign3A_1914 = arith.subi %sign3A_1910, %sign3A_1913 : i32
        %sign3A_1915 = arith.constant 0 : i32
        %sign3A_1916 = arith.cmpi sgt, %jit3A_1906, %sign3A_1915 : i32
        %sign3A_1917 = arith.extui %sign3A_1916 : i1 to i32
        %sign3A_1918 = arith.constant 0 : i32
        %sign3A_1919 = arith.cmpi slt, %jit3A_1906, %sign3A_1918 : i32
        %sign3A_1920 = arith.extui %sign3A_1919 : i1 to i32
        %sign3A_1921 = arith.subi %sign3A_1917, %sign3A_1920 : i32
        %ne3A_1922 = arith.cmpi ne, %sign3A_1914, %sign3A_1921 : i32
        %rem3A_1923 = arith.remsi %squeeze3A_1905, %jit3A_1906 : i32
        %ne3A_1924 = arith.constant 0 : i32
        %ne3A_1925 = arith.cmpi ne, %rem3A_1923, %ne3A_1924 : i32
        %and3A_1926 = arith.andi %ne3A_1922, %ne3A_1925 : i1
        %sub3A_1927 = arith.constant 1 : i32
        %sub3A_1928 = arith.subi %div3A_1907, %sub3A_1927 : i32
        %select_n3A_1929 = arith.select %and3A_1926, %sub3A_1928, %div3A_1907 : i32
        %mul3A_1930 = arith.constant 128 : i32
        %mul3A_1931 = arith.muli %select_n3A_1929, %mul3A_1930 : i32
        %multiple_of3A_1932 = tpu.assume_multiple %mul3A_1931, 128 : i32
        %slice3A_1933 = vector.extract_strided_slice %get3A_1874 {offsets = [2], sizes = [1], strides = [1]} : vector<16xi32> to vector<1xi32>
        %squeeze3A_1934 = vector.extract %slice3A_1933[0] : i32 from vector<1xi32>
        %jit3A_1935 = arith.constant 128 : i32
        %div3A_1936 = arith.divsi %squeeze3A_1934, %jit3A_1935 : i32
        %sign3A_1937 = arith.constant 0 : i32
        %sign3A_1938 = arith.cmpi sgt, %squeeze3A_1934, %sign3A_1937 : i32
        %sign3A_1939 = arith.extui %sign3A_1938 : i1 to i32
        %sign3A_1940 = arith.constant 0 : i32
        %sign3A_1941 = arith.cmpi slt, %squeeze3A_1934, %sign3A_1940 : i32
        %sign3A_1942 = arith.extui %sign3A_1941 : i1 to i32
        %sign3A_1943 = arith.subi %sign3A_1939, %sign3A_1942 : i32
        %sign3A_1944 = arith.constant 0 : i32
        %sign3A_1945 = arith.cmpi sgt, %jit3A_1935, %sign3A_1944 : i32
        %sign3A_1946 = arith.extui %sign3A_1945 : i1 to i32
        %sign3A_1947 = arith.constant 0 : i32
        %sign3A_1948 = arith.cmpi slt, %jit3A_1935, %sign3A_1947 : i32
        %sign3A_1949 = arith.extui %sign3A_1948 : i1 to i32
        %sign3A_1950 = arith.subi %sign3A_1946, %sign3A_1949 : i32
        %ne3A_1951 = arith.cmpi ne, %sign3A_1943, %sign3A_1950 : i32
        %rem3A_1952 = arith.remsi %squeeze3A_1934, %jit3A_1935 : i32
        %ne3A_1953 = arith.constant 0 : i32
        %ne3A_1954 = arith.cmpi ne, %rem3A_1952, %ne3A_1953 : i32
        %and3A_1955 = arith.andi %ne3A_1951, %ne3A_1954 : i1
        %sub3A_1956 = arith.constant 1 : i32
        %sub3A_1957 = arith.subi %div3A_1936, %sub3A_1956 : i32
        %select_n3A_1958 = arith.select %and3A_1955, %sub3A_1957, %div3A_1936 : i32
        %mul3A_1959 = arith.constant 128 : i32
        %mul3A_1960 = arith.muli %select_n3A_1958, %mul3A_1959 : i32
        %multiple_of3A_1961 = tpu.assume_multiple %mul3A_1960, 128 : i32
        %slice3A_1962 = vector.extract_strided_slice %get3A_1874 {offsets = [3], sizes = [1], strides = [1]} : vector<16xi32> to vector<1xi32>
        %squeeze3A_1963 = vector.extract %slice3A_1962[0] : i32 from vector<1xi32>
        %jit3A_1964 = arith.constant 128 : i32
        %div3A_1965 = arith.divsi %squeeze3A_1963, %jit3A_1964 : i32
        %sign3A_1966 = arith.constant 0 : i32
        %sign3A_1967 = arith.cmpi sgt, %squeeze3A_1963, %sign3A_1966 : i32
        %sign3A_1968 = arith.extui %sign3A_1967 : i1 to i32
        %sign3A_1969 = arith.constant 0 : i32
        %sign3A_1970 = arith.cmpi slt, %squeeze3A_1963, %sign3A_1969 : i32
        %sign3A_1971 = arith.extui %sign3A_1970 : i1 to i32
        %sign3A_1972 = arith.subi %sign3A_1968, %sign3A_1971 : i32
        %sign3A_1973 = arith.constant 0 : i32
        %sign3A_1974 = arith.cmpi sgt, %jit3A_1964, %sign3A_1973 : i32
        %sign3A_1975 = arith.extui %sign3A_1974 : i1 to i32
        %sign3A_1976 = arith.constant 0 : i32
        %sign3A_1977 = arith.cmpi slt, %jit3A_1964, %sign3A_1976 : i32
        %sign3A_1978 = arith.extui %sign3A_1977 : i1 to i32
        %sign3A_1979 = arith.subi %sign3A_1975, %sign3A_1978 : i32
        %ne3A_1980 = arith.cmpi ne, %sign3A_1972, %sign3A_1979 : i32
        %rem3A_1981 = arith.remsi %squeeze3A_1963, %jit3A_1964 : i32
        %ne3A_1982 = arith.constant 0 : i32
        %ne3A_1983 = arith.cmpi ne, %rem3A_1981, %ne3A_1982 : i32
        %and3A_1984 = arith.andi %ne3A_1980, %ne3A_1983 : i1
        %sub3A_1985 = arith.constant 1 : i32
        %sub3A_1986 = arith.subi %div3A_1965, %sub3A_1985 : i32
        %select_n3A_1987 = arith.select %and3A_1984, %sub3A_1986, %div3A_1965 : i32
        %mul3A_1988 = arith.constant 128 : i32
        %mul3A_1989 = arith.muli %select_n3A_1987, %mul3A_1988 : i32
        %multiple_of3A_1990 = tpu.assume_multiple %mul3A_1989, 128 : i32
        %slice3A_1991 = vector.extract_strided_slice %get3A_1874 {offsets = [4], sizes = [1], strides = [1]} : vector<16xi32> to vector<1xi32>
        %squeeze3A_1992 = vector.extract %slice3A_1991[0] : i32 from vector<1xi32>
        %jit3A_1993 = arith.constant 128 : i32
        %div3A_1994 = arith.divsi %squeeze3A_1992, %jit3A_1993 : i32
        %sign3A_1995 = arith.constant 0 : i32
        %sign3A_1996 = arith.cmpi sgt, %squeeze3A_1992, %sign3A_1995 : i32
        %sign3A_1997 = arith.extui %sign3A_1996 : i1 to i32
        %sign3A_1998 = arith.constant 0 : i32
        %sign3A_1999 = arith.cmpi slt, %squeeze3A_1992, %sign3A_1998 : i32
        %sign3A_2000 = arith.extui %sign3A_1999 : i1 to i32
        %sign3A_2001 = arith.subi %sign3A_1997, %sign3A_2000 : i32
        %sign3A_2002 = arith.constant 0 : i32
        %sign3A_2003 = arith.cmpi sgt, %jit3A_1993, %sign3A_2002 : i32
        %sign3A_2004 = arith.extui %sign3A_2003 : i1 to i32
        %sign3A_2005 = arith.constant 0 : i32
        %sign3A_2006 = arith.cmpi slt, %jit3A_1993, %sign3A_2005 : i32
        %sign3A_2007 = arith.extui %sign3A_2006 : i1 to i32
        %sign3A_2008 = arith.subi %sign3A_2004, %sign3A_2007 : i32
        %ne3A_2009 = arith.cmpi ne, %sign3A_2001, %sign3A_2008 : i32
        %rem3A_2010 = arith.remsi %squeeze3A_1992, %jit3A_1993 : i32
        %ne3A_2011 = arith.constant 0 : i32
        %ne3A_2012 = arith.cmpi ne, %rem3A_2010, %ne3A_2011 : i32
        %and3A_2013 = arith.andi %ne3A_2009, %ne3A_2012 : i1
        %sub3A_2014 = arith.constant 1 : i32
        %sub3A_2015 = arith.subi %div3A_1994, %sub3A_2014 : i32
        %select_n3A_2016 = arith.select %and3A_2013, %sub3A_2015, %div3A_1994 : i32
        %mul3A_2017 = arith.constant 128 : i32
        %mul3A_2018 = arith.muli %select_n3A_2016, %mul3A_2017 : i32
        %multiple_of3A_2019 = tpu.assume_multiple %mul3A_2018, 128 : i32
        %slice3A_2020 = vector.extract_strided_slice %get3A_1874 {offsets = [5], sizes = [1], strides = [1]} : vector<16xi32> to vector<1xi32>
        %squeeze3A_2021 = vector.extract %slice3A_2020[0] : i32 from vector<1xi32>
        %jit3A_2022 = arith.constant 128 : i32
        %div3A_2023 = arith.divsi %squeeze3A_2021, %jit3A_2022 : i32
        %sign3A_2024 = arith.constant 0 : i32
        %sign3A_2025 = arith.cmpi sgt, %squeeze3A_2021, %sign3A_2024 : i32
        %sign3A_2026 = arith.extui %sign3A_2025 : i1 to i32
        %sign3A_2027 = arith.constant 0 : i32
        %sign3A_2028 = arith.cmpi slt, %squeeze3A_2021, %sign3A_2027 : i32
        %sign3A_2029 = arith.extui %sign3A_2028 : i1 to i32
        %sign3A_2030 = arith.subi %sign3A_2026, %sign3A_2029 : i32
        %sign3A_2031 = arith.constant 0 : i32
        %sign3A_2032 = arith.cmpi sgt, %jit3A_2022, %sign3A_2031 : i32
        %sign3A_2033 = arith.extui %sign3A_2032 : i1 to i32
        %sign3A_2034 = arith.constant 0 : i32
        %sign3A_2035 = arith.cmpi slt, %jit3A_2022, %sign3A_2034 : i32
        %sign3A_2036 = arith.extui %sign3A_2035 : i1 to i32
        %sign3A_2037 = arith.subi %sign3A_2033, %sign3A_2036 : i32
        %ne3A_2038 = arith.cmpi ne, %sign3A_2030, %sign3A_2037 : i32
        %rem3A_2039 = arith.remsi %squeeze3A_2021, %jit3A_2022 : i32
        %ne3A_2040 = arith.constant 0 : i32
        %ne3A_2041 = arith.cmpi ne, %rem3A_2039, %ne3A_2040 : i32
        %and3A_2042 = arith.andi %ne3A_2038, %ne3A_2041 : i1
        %sub3A_2043 = arith.constant 1 : i32
        %sub3A_2044 = arith.subi %div3A_2023, %sub3A_2043 : i32
        %select_n3A_2045 = arith.select %and3A_2042, %sub3A_2044, %div3A_2023 : i32
        %mul3A_2046 = arith.constant 128 : i32
        %mul3A_2047 = arith.muli %select_n3A_2045, %mul3A_2046 : i32
        %multiple_of3A_2048 = tpu.assume_multiple %mul3A_2047, 128 : i32
        %slice3A_2049 = vector.extract_strided_slice %get3A_1874 {offsets = [6], sizes = [1], strides = [1]} : vector<16xi32> to vector<1xi32>
        %squeeze3A_2050 = vector.extract %slice3A_2049[0] : i32 from vector<1xi32>
        %jit3A_2051 = arith.constant 128 : i32
        %div3A_2052 = arith.divsi %squeeze3A_2050, %jit3A_2051 : i32
        %sign3A_2053 = arith.constant 0 : i32
        %sign3A_2054 = arith.cmpi sgt, %squeeze3A_2050, %sign3A_2053 : i32
        %sign3A_2055 = arith.extui %sign3A_2054 : i1 to i32
        %sign3A_2056 = arith.constant 0 : i32
        %sign3A_2057 = arith.cmpi slt, %squeeze3A_2050, %sign3A_2056 : i32
        %sign3A_2058 = arith.extui %sign3A_2057 : i1 to i32
        %sign3A_2059 = arith.subi %sign3A_2055, %sign3A_2058 : i32
        %sign3A_2060 = arith.constant 0 : i32
        %sign3A_2061 = arith.cmpi sgt, %jit3A_2051, %sign3A_2060 : i32
        %sign3A_2062 = arith.extui %sign3A_2061 : i1 to i32
        %sign3A_2063 = arith.constant 0 : i32
        %sign3A_2064 = arith.cmpi slt, %jit3A_2051, %sign3A_2063 : i32
        %sign3A_2065 = arith.extui %sign3A_2064 : i1 to i32
        %sign3A_2066 = arith.subi %sign3A_2062, %sign3A_2065 : i32
        %ne3A_2067 = arith.cmpi ne, %sign3A_2059, %sign3A_2066 : i32
        %rem3A_2068 = arith.remsi %squeeze3A_2050, %jit3A_2051 : i32
        %ne3A_2069 = arith.constant 0 : i32
        %ne3A_2070 = arith.cmpi ne, %rem3A_2068, %ne3A_2069 : i32
        %and3A_2071 = arith.andi %ne3A_2067, %ne3A_2070 : i1
        %sub3A_2072 = arith.constant 1 : i32
        %sub3A_2073 = arith.subi %div3A_2052, %sub3A_2072 : i32
        %select_n3A_2074 = arith.select %and3A_2071, %sub3A_2073, %div3A_2052 : i32
        %mul3A_2075 = arith.constant 128 : i32
        %mul3A_2076 = arith.muli %select_n3A_2074, %mul3A_2075 : i32
        %multiple_of3A_2077 = tpu.assume_multiple %mul3A_2076, 128 : i32
        %slice3A_2078 = vector.extract_strided_slice %get3A_1874 {offsets = [7], sizes = [1], strides = [1]} : vector<16xi32> to vector<1xi32>
        %squeeze3A_2079 = vector.extract %slice3A_2078[0] : i32 from vector<1xi32>
        %jit3A_2080 = arith.constant 128 : i32
        %div3A_2081 = arith.divsi %squeeze3A_2079, %jit3A_2080 : i32
        %sign3A_2082 = arith.constant 0 : i32
        %sign3A_2083 = arith.cmpi sgt, %squeeze3A_2079, %sign3A_2082 : i32
        %sign3A_2084 = arith.extui %sign3A_2083 : i1 to i32
        %sign3A_2085 = arith.constant 0 : i32
        %sign3A_2086 = arith.cmpi slt, %squeeze3A_2079, %sign3A_2085 : i32
        %sign3A_2087 = arith.extui %sign3A_2086 : i1 to i32
        %sign3A_2088 = arith.subi %sign3A_2084, %sign3A_2087 : i32
        %sign3A_2089 = arith.constant 0 : i32
        %sign3A_2090 = arith.cmpi sgt, %jit3A_2080, %sign3A_2089 : i32
        %sign3A_2091 = arith.extui %sign3A_2090 : i1 to i32
        %sign3A_2092 = arith.constant 0 : i32
        %sign3A_2093 = arith.cmpi slt, %jit3A_2080, %sign3A_2092 : i32
        %sign3A_2094 = arith.extui %sign3A_2093 : i1 to i32
        %sign3A_2095 = arith.subi %sign3A_2091, %sign3A_2094 : i32
        %ne3A_2096 = arith.cmpi ne, %sign3A_2088, %sign3A_2095 : i32
        %rem3A_2097 = arith.remsi %squeeze3A_2079, %jit3A_2080 : i32
        %ne3A_2098 = arith.constant 0 : i32
        %ne3A_2099 = arith.cmpi ne, %rem3A_2097, %ne3A_2098 : i32
        %and3A_2100 = arith.andi %ne3A_2096, %ne3A_2099 : i1
        %sub3A_2101 = arith.constant 1 : i32
        %sub3A_2102 = arith.subi %div3A_2081, %sub3A_2101 : i32
        %select_n3A_2103 = arith.select %and3A_2100, %sub3A_2102, %div3A_2081 : i32
        %mul3A_2104 = arith.constant 128 : i32
        %mul3A_2105 = arith.muli %select_n3A_2103, %mul3A_2104 : i32
        %multiple_of3A_2106 = tpu.assume_multiple %mul3A_2105, 128 : i32
        %ne3A_2107 = arith.cmpi ne, %multiple_of3A_1932, %multiple_of3A_1903 : i32
        %jit3A_2108 = arith.constant 1 : i32
        %jit3A_2109 = arith.constant 0 : i32
        %select_n3A_2110 = arith.select %ne3A_2107, %jit3A_2108, %jit3A_2109 : i32
        %ne3A_2111 = arith.cmpi ne, %multiple_of3A_1961, %multiple_of3A_1932 : i32
        %jit3A_2112 = arith.constant 2 : i32
        %select_n3A_2113 = arith.select %ne3A_2111, %jit3A_2112, %select_n3A_2110 : i32
        %ne3A_2114 = arith.cmpi ne, %multiple_of3A_1990, %multiple_of3A_1961 : i32
        %jit3A_2115 = arith.constant 3 : i32
        %select_n3A_2116 = arith.select %ne3A_2114, %jit3A_2115, %select_n3A_2113 : i32
        %ne3A_2117 = arith.cmpi ne, %multiple_of3A_2019, %multiple_of3A_1990 : i32
        %jit3A_2118 = arith.constant 4 : i32
        %select_n3A_2119 = arith.select %ne3A_2117, %jit3A_2118, %select_n3A_2116 : i32
        %ne3A_2120 = arith.cmpi ne, %multiple_of3A_2048, %multiple_of3A_2019 : i32
        %jit3A_2121 = arith.constant 5 : i32
        %select_n3A_2122 = arith.select %ne3A_2120, %jit3A_2121, %select_n3A_2119 : i32
        %ne3A_2123 = arith.cmpi ne, %multiple_of3A_2077, %multiple_of3A_2048 : i32
        %jit3A_2124 = arith.constant 6 : i32
        %select_n3A_2125 = arith.select %ne3A_2123, %jit3A_2124, %select_n3A_2122 : i32
        %ne3A_2126 = arith.cmpi ne, %multiple_of3A_2106, %multiple_of3A_2077 : i32
        %jit3A_2127 = arith.constant 7 : i32
        %select_n3A_2128 = arith.select %ne3A_2126, %jit3A_2127, %select_n3A_2125 : i32
        %mul3A_2129 = arith.constant 8 : i32
        %mul3A_2130 = arith.muli %rem3A_1870, %mul3A_2129 : i32
        %add3A_2131 = arith.constant 0 : i32
        %add3A_2132 = arith.addi %mul3A_2130, %add3A_2131 : i32
        %mul3A_2133 = arith.constant 8 : i32
        %mul3A_2134 = arith.muli %rem3A_1870, %mul3A_2133 : i32
        %add3A_2135 = arith.constant 0 : i32
        %add3A_2136 = arith.addi %mul3A_2134, %add3A_2135 : i32
        %dma_start3A_2137 = arith.constant 0 : i32
        %dma_start3A_2138 = arith.constant 0 : i32
        %dma_start3A_2139 = tpu.memref_slice %arg12[%add3A_2132, %dma_start3A_2137, %dma_start3A_2138] : memref<24x32x128xf32, #tpu.memory_space<vmem>> -> memref<1x32x128xf32, #tpu.memory_space<vmem>>
        %dma_start3A_2140 = tpu.memref_squeeze %dma_start3A_2139 : memref<1x32x128xf32, #tpu.memory_space<vmem>> -> memref<32x128xf32, #tpu.memory_space<vmem>>
        %dma_start3A_2141 = arith.constant 0 : i32
        %dma_start3A_2142 = tpu.memref_slice %arg7[%dma_start3A_2141, %multiple_of3A_1903] : memref<32x1000000xf32, #tpu.memory_space<hbm>> -> memref<32x128xf32, #tpu.memory_space<hbm>>
        %dma_start3A_2143 = tpu.memref_slice %arg14[%add3A_2136] : memref<24x!tpu.dma_semaphore, #tpu.memory_space<semaphore_mem>> -> memref<1x!tpu.dma_semaphore, #tpu.memory_space<semaphore_mem>>
        %dma_start3A_2144 = tpu.memref_squeeze %dma_start3A_2143 : memref<1x!tpu.dma_semaphore, #tpu.memory_space<semaphore_mem>> -> memref<!tpu.dma_semaphore, #tpu.memory_space<semaphore_mem>>
        %dma_start3A_2145 = arith.constant 0 : i32
        %dma_start3A_2146 = arith.constant 0 : i32
        %dma_start3A_2147 = tpu.memref_slice %arg12[%add3A_2132, %dma_start3A_2145, %dma_start3A_2146] : memref<24x32x128xf32, #tpu.memory_space<vmem>> -> memref<1x32x128xf32, #tpu.memory_space<vmem>>
        %dma_start3A_2148 = tpu.memref_squeeze %dma_start3A_2147 : memref<1x32x128xf32, #tpu.memory_space<vmem>> -> memref<32x128xf32, #tpu.memory_space<vmem>>
        %dma_start3A_2149 = arith.constant 0 : i32
        %dma_start3A_2150 = tpu.memref_slice %arg7[%dma_start3A_2149, %multiple_of3A_1903] : memref<32x1000000xf32, #tpu.memory_space<hbm>> -> memref<32x128xf32, #tpu.memory_space<hbm>>
        tpu.enqueue_dma source(%dma_start3A_2150 : memref<32x128xf32, #tpu.memory_space<hbm>>) target(%dma_start3A_2148 : memref<32x128xf32, #tpu.memory_space<vmem>>) target_semaphore(%dma_start3A_2144 : memref<!tpu.dma_semaphore, #tpu.memory_space<semaphore_mem>>)
        %convert_element_type3A_2151 = arith.extui %ne3A_2107 : i1 to i32
        %cond3A_2152 = arith.constant 0 : i32
        %cond3A_2153 = arith.cmpi ne, %convert_element_type3A_2151, %cond3A_2152 : i32
        scf.if %cond3A_2153 {
          %mul3A_2172 = arith.constant 8 : i32
          %mul3A_2173 = arith.muli %rem3A_1870, %mul3A_2172 : i32
          %add3A_2174 = arith.constant 1 : i32
          %add3A_2175 = arith.addi %mul3A_2173, %add3A_2174 : i32
          %mul3A_2176 = arith.constant 8 : i32
          %mul3A_2177 = arith.muli %rem3A_1870, %mul3A_2176 : i32
          %add3A_2178 = arith.constant 1 : i32
          %add3A_2179 = arith.addi %mul3A_2177, %add3A_2178 : i32
          %dma_start3A_2180 = arith.constant 0 : i32
          %dma_start3A_2181 = arith.constant 0 : i32
          %dma_start3A_2182 = tpu.memref_slice %arg12[%add3A_2175, %dma_start3A_2180, %dma_start3A_2181] : memref<24x32x128xf32, #tpu.memory_space<vmem>> -> memref<1x32x128xf32, #tpu.memory_space<vmem>>
          %dma_start3A_2183 = tpu.memref_squeeze %dma_start3A_2182 : memref<1x32x128xf32, #tpu.memory_space<vmem>> -> memref<32x128xf32, #tpu.memory_space<vmem>>
          %dma_start3A_2184 = arith.constant 0 : i32
          %dma_start3A_2185 = tpu.memref_slice %arg7[%dma_start3A_2184, %multiple_of3A_1932] : memref<32x1000000xf32, #tpu.memory_space<hbm>> -> memref<32x128xf32, #tpu.memory_space<hbm>>
          %dma_start3A_2186 = tpu.memref_slice %arg14[%add3A_2179] : memref<24x!tpu.dma_semaphore, #tpu.memory_space<semaphore_mem>> -> memref<1x!tpu.dma_semaphore, #tpu.memory_space<semaphore_mem>>
          %dma_start3A_2187 = tpu.memref_squeeze %dma_start3A_2186 : memref<1x!tpu.dma_semaphore, #tpu.memory_space<semaphore_mem>> -> memref<!tpu.dma_semaphore, #tpu.memory_space<semaphore_mem>>
          %dma_start3A_2188 = arith.constant 0 : i32
          %dma_start3A_2189 = arith.constant 0 : i32
          %dma_start3A_2190 = tpu.memref_slice %arg12[%add3A_2175, %dma_start3A_2188, %dma_start3A_2189] : memref<24x32x128xf32, #tpu.memory_space<vmem>> -> memref<1x32x128xf32, #tpu.memory_space<vmem>>
          %dma_start3A_2191 = tpu.memref_squeeze %dma_start3A_2190 : memref<1x32x128xf32, #tpu.memory_space<vmem>> -> memref<32x128xf32, #tpu.memory_space<vmem>>
          %dma_start3A_2192 = arith.constant 0 : i32
          %dma_start3A_2193 = tpu.memref_slice %arg7[%dma_start3A_2192, %multiple_of3A_1932] : memref<32x1000000xf32, #tpu.memory_space<hbm>> -> memref<32x128xf32, #tpu.memory_space<hbm>>
          tpu.enqueue_dma source(%dma_start3A_2193 : memref<32x128xf32, #tpu.memory_space<hbm>>) target(%dma_start3A_2191 : memref<32x128xf32, #tpu.memory_space<vmem>>) target_semaphore(%dma_start3A_2187 : memref<!tpu.dma_semaphore, #tpu.memory_space<semaphore_mem>>)
        } else {
        }
        %convert_element_type3A_2154 = arith.extui %ne3A_2111 : i1 to i32
        %cond3A_2155 = arith.constant 0 : i32
        %cond3A_2156 = arith.cmpi ne, %convert_element_type3A_2154, %cond3A_2155 : i32
        scf.if %cond3A_2156 {
          %mul3A_2172 = arith.constant 8 : i32
          %mul3A_2173 = arith.muli %rem3A_1870, %mul3A_2172 : i32
          %add3A_2174 = arith.constant 2 : i32
          %add3A_2175 = arith.addi %mul3A_2173, %add3A_2174 : i32
          %mul3A_2176 = arith.constant 8 : i32
          %mul3A_2177 = arith.muli %rem3A_1870, %mul3A_2176 : i32
          %add3A_2178 = arith.constant 2 : i32
          %add3A_2179 = arith.addi %mul3A_2177, %add3A_2178 : i32
          %dma_start3A_2180 = arith.constant 0 : i32
          %dma_start3A_2181 = arith.constant 0 : i32
          %dma_start3A_2182 = tpu.memref_slice %arg12[%add3A_2175, %dma_start3A_2180, %dma_start3A_2181] : memref<24x32x128xf32, #tpu.memory_space<vmem>> -> memref<1x32x128xf32, #tpu.memory_space<vmem>>
          %dma_start3A_2183 = tpu.memref_squeeze %dma_start3A_2182 : memref<1x32x128xf32, #tpu.memory_space<vmem>> -> memref<32x128xf32, #tpu.memory_space<vmem>>
          %dma_start3A_2184 = arith.constant 0 : i32
          %dma_start3A_2185 = tpu.memref_slice %arg7[%dma_start3A_2184, %multiple_of3A_1961] : memref<32x1000000xf32, #tpu.memory_space<hbm>> -> memref<32x128xf32, #tpu.memory_space<hbm>>
          %dma_start3A_2186 = tpu.memref_slice %arg14[%add3A_2179] : memref<24x!tpu.dma_semaphore, #tpu.memory_space<semaphore_mem>> -> memref<1x!tpu.dma_semaphore, #tpu.memory_space<semaphore_mem>>
          %dma_start3A_2187 = tpu.memref_squeeze %dma_start3A_2186 : memref<1x!tpu.dma_semaphore, #tpu.memory_space<semaphore_mem>> -> memref<!tpu.dma_semaphore, #tpu.memory_space<semaphore_mem>>
          %dma_start3A_2188 = arith.constant 0 : i32
          %dma_start3A_2189 = arith.constant 0 : i32
          %dma_start3A_2190 = tpu.memref_slice %arg12[%add3A_2175, %dma_start3A_2188, %dma_start3A_2189] : memref<24x32x128xf32, #tpu.memory_space<vmem>> -> memref<1x32x128xf32, #tpu.memory_space<vmem>>
          %dma_start3A_2191 = tpu.memref_squeeze %dma_start3A_2190 : memref<1x32x128xf32, #tpu.memory_space<vmem>> -> memref<32x128xf32, #tpu.memory_space<vmem>>
          %dma_start3A_2192 = arith.constant 0 : i32
          %dma_start3A_2193 = tpu.memref_slice %arg7[%dma_start3A_2192, %multiple_of3A_1961] : memref<32x1000000xf32, #tpu.memory_space<hbm>> -> memref<32x128xf32, #tpu.memory_space<hbm>>
          tpu.enqueue_dma source(%dma_start3A_2193 : memref<32x128xf32, #tpu.memory_space<hbm>>) target(%dma_start3A_2191 : memref<32x128xf32, #tpu.memory_space<vmem>>) target_semaphore(%dma_start3A_2187 : memref<!tpu.dma_semaphore, #tpu.memory_space<semaphore_mem>>)
        } else {
        }
        %convert_element_type3A_2157 = arith.extui %ne3A_2114 : i1 to i32
        %cond3A_2158 = arith.constant 0 : i32
        %cond3A_2159 = arith.cmpi ne, %convert_element_type3A_2157, %cond3A_2158 : i32
        scf.if %cond3A_2159 {
          %mul3A_2172 = arith.constant 8 : i32
          %mul3A_2173 = arith.muli %rem3A_1870, %mul3A_2172 : i32
          %add3A_2174 = arith.constant 3 : i32
          %add3A_2175 = arith.addi %mul3A_2173, %add3A_2174 : i32
          %mul3A_2176 = arith.constant 8 : i32
          %mul3A_2177 = arith.muli %rem3A_1870, %mul3A_2176 : i32
          %add3A_2178 = arith.constant 3 : i32
          %add3A_2179 = arith.addi %mul3A_2177, %add3A_2178 : i32
          %dma_start3A_2180 = arith.constant 0 : i32
          %dma_start3A_2181 = arith.constant 0 : i32
          %dma_start3A_2182 = tpu.memref_slice %arg12[%add3A_2175, %dma_start3A_2180, %dma_start3A_2181] : memref<24x32x128xf32, #tpu.memory_space<vmem>> -> memref<1x32x128xf32, #tpu.memory_space<vmem>>
          %dma_start3A_2183 = tpu.memref_squeeze %dma_start3A_2182 : memref<1x32x128xf32, #tpu.memory_space<vmem>> -> memref<32x128xf32, #tpu.memory_space<vmem>>
          %dma_start3A_2184 = arith.constant 0 : i32
          %dma_start3A_2185 = tpu.memref_slice %arg7[%dma_start3A_2184, %multiple_of3A_1990] : memref<32x1000000xf32, #tpu.memory_space<hbm>> -> memref<32x128xf32, #tpu.memory_space<hbm>>
          %dma_start3A_2186 = tpu.memref_slice %arg14[%add3A_2179] : memref<24x!tpu.dma_semaphore, #tpu.memory_space<semaphore_mem>> -> memref<1x!tpu.dma_semaphore, #tpu.memory_space<semaphore_mem>>
          %dma_start3A_2187 = tpu.memref_squeeze %dma_start3A_2186 : memref<1x!tpu.dma_semaphore, #tpu.memory_space<semaphore_mem>> -> memref<!tpu.dma_semaphore, #tpu.memory_space<semaphore_mem>>
          %dma_start3A_2188 = arith.constant 0 : i32
          %dma_start3A_2189 = arith.constant 0 : i32
          %dma_start3A_2190 = tpu.memref_slice %arg12[%add3A_2175, %dma_start3A_2188, %dma_start3A_2189] : memref<24x32x128xf32, #tpu.memory_space<vmem>> -> memref<1x32x128xf32, #tpu.memory_space<vmem>>
          %dma_start3A_2191 = tpu.memref_squeeze %dma_start3A_2190 : memref<1x32x128xf32, #tpu.memory_space<vmem>> -> memref<32x128xf32, #tpu.memory_space<vmem>>
          %dma_start3A_2192 = arith.constant 0 : i32
          %dma_start3A_2193 = tpu.memref_slice %arg7[%dma_start3A_2192, %multiple_of3A_1990] : memref<32x1000000xf32, #tpu.memory_space<hbm>> -> memref<32x128xf32, #tpu.memory_space<hbm>>
          tpu.enqueue_dma source(%dma_start3A_2193 : memref<32x128xf32, #tpu.memory_space<hbm>>) target(%dma_start3A_2191 : memref<32x128xf32, #tpu.memory_space<vmem>>) target_semaphore(%dma_start3A_2187 : memref<!tpu.dma_semaphore, #tpu.memory_space<semaphore_mem>>)
        } else {
        }
        %convert_element_type3A_2160 = arith.extui %ne3A_2117 : i1 to i32
        %cond3A_2161 = arith.constant 0 : i32
        %cond3A_2162 = arith.cmpi ne, %convert_element_type3A_2160, %cond3A_2161 : i32
        scf.if %cond3A_2162 {
          %mul3A_2172 = arith.constant 8 : i32
          %mul3A_2173 = arith.muli %rem3A_1870, %mul3A_2172 : i32
          %add3A_2174 = arith.constant 4 : i32
          %add3A_2175 = arith.addi %mul3A_2173, %add3A_2174 : i32
          %mul3A_2176 = arith.constant 8 : i32
          %mul3A_2177 = arith.muli %rem3A_1870, %mul3A_2176 : i32
          %add3A_2178 = arith.constant 4 : i32
          %add3A_2179 = arith.addi %mul3A_2177, %add3A_2178 : i32
          %dma_start3A_2180 = arith.constant 0 : i32
          %dma_start3A_2181 = arith.constant 0 : i32
          %dma_start3A_2182 = tpu.memref_slice %arg12[%add3A_2175, %dma_start3A_2180, %dma_start3A_2181] : memref<24x32x128xf32, #tpu.memory_space<vmem>> -> memref<1x32x128xf32, #tpu.memory_space<vmem>>
          %dma_start3A_2183 = tpu.memref_squeeze %dma_start3A_2182 : memref<1x32x128xf32, #tpu.memory_space<vmem>> -> memref<32x128xf32, #tpu.memory_space<vmem>>
          %dma_start3A_2184 = arith.constant 0 : i32
          %dma_start3A_2185 = tpu.memref_slice %arg7[%dma_start3A_2184, %multiple_of3A_2019] : memref<32x1000000xf32, #tpu.memory_space<hbm>> -> memref<32x128xf32, #tpu.memory_space<hbm>>
          %dma_start3A_2186 = tpu.memref_slice %arg14[%add3A_2179] : memref<24x!tpu.dma_semaphore, #tpu.memory_space<semaphore_mem>> -> memref<1x!tpu.dma_semaphore, #tpu.memory_space<semaphore_mem>>
          %dma_start3A_2187 = tpu.memref_squeeze %dma_start3A_2186 : memref<1x!tpu.dma_semaphore, #tpu.memory_space<semaphore_mem>> -> memref<!tpu.dma_semaphore, #tpu.memory_space<semaphore_mem>>
          %dma_start3A_2188 = arith.constant 0 : i32
          %dma_start3A_2189 = arith.constant 0 : i32
          %dma_start3A_2190 = tpu.memref_slice %arg12[%add3A_2175, %dma_start3A_2188, %dma_start3A_2189] : memref<24x32x128xf32, #tpu.memory_space<vmem>> -> memref<1x32x128xf32, #tpu.memory_space<vmem>>
          %dma_start3A_2191 = tpu.memref_squeeze %dma_start3A_2190 : memref<1x32x128xf32, #tpu.memory_space<vmem>> -> memref<32x128xf32, #tpu.memory_space<vmem>>
          %dma_start3A_2192 = arith.constant 0 : i32
          %dma_start3A_2193 = tpu.memref_slice %arg7[%dma_start3A_2192, %multiple_of3A_2019] : memref<32x1000000xf32, #tpu.memory_space<hbm>> -> memref<32x128xf32, #tpu.memory_space<hbm>>
          tpu.enqueue_dma source(%dma_start3A_2193 : memref<32x128xf32, #tpu.memory_space<hbm>>) target(%dma_start3A_2191 : memref<32x128xf32, #tpu.memory_space<vmem>>) target_semaphore(%dma_start3A_2187 : memref<!tpu.dma_semaphore, #tpu.memory_space<semaphore_mem>>)
        } else {
        }
        %convert_element_type3A_2163 = arith.extui %ne3A_2120 : i1 to i32
        %cond3A_2164 = arith.constant 0 : i32
        %cond3A_2165 = arith.cmpi ne, %convert_element_type3A_2163, %cond3A_2164 : i32
        scf.if %cond3A_2165 {
          %mul3A_2172 = arith.constant 8 : i32
          %mul3A_2173 = arith.muli %rem3A_1870, %mul3A_2172 : i32
          %add3A_2174 = arith.constant 5 : i32
          %add3A_2175 = arith.addi %mul3A_2173, %add3A_2174 : i32
          %mul3A_2176 = arith.constant 8 : i32
          %mul3A_2177 = arith.muli %rem3A_1870, %mul3A_2176 : i32
          %add3A_2178 = arith.constant 5 : i32
          %add3A_2179 = arith.addi %mul3A_2177, %add3A_2178 : i32
          %dma_start3A_2180 = arith.constant 0 : i32
          %dma_start3A_2181 = arith.constant 0 : i32
          %dma_start3A_2182 = tpu.memref_slice %arg12[%add3A_2175, %dma_start3A_2180, %dma_start3A_2181] : memref<24x32x128xf32, #tpu.memory_space<vmem>> -> memref<1x32x128xf32, #tpu.memory_space<vmem>>
          %dma_start3A_2183 = tpu.memref_squeeze %dma_start3A_2182 : memref<1x32x128xf32, #tpu.memory_space<vmem>> -> memref<32x128xf32, #tpu.memory_space<vmem>>
          %dma_start3A_2184 = arith.constant 0 : i32
          %dma_start3A_2185 = tpu.memref_slice %arg7[%dma_start3A_2184, %multiple_of3A_2048] : memref<32x1000000xf32, #tpu.memory_space<hbm>> -> memref<32x128xf32, #tpu.memory_space<hbm>>
          %dma_start3A_2186 = tpu.memref_slice %arg14[%add3A_2179] : memref<24x!tpu.dma_semaphore, #tpu.memory_space<semaphore_mem>> -> memref<1x!tpu.dma_semaphore, #tpu.memory_space<semaphore_mem>>
          %dma_start3A_2187 = tpu.memref_squeeze %dma_start3A_2186 : memref<1x!tpu.dma_semaphore, #tpu.memory_space<semaphore_mem>> -> memref<!tpu.dma_semaphore, #tpu.memory_space<semaphore_mem>>
          %dma_start3A_2188 = arith.constant 0 : i32
          %dma_start3A_2189 = arith.constant 0 : i32
          %dma_start3A_2190 = tpu.memref_slice %arg12[%add3A_2175, %dma_start3A_2188, %dma_start3A_2189] : memref<24x32x128xf32, #tpu.memory_space<vmem>> -> memref<1x32x128xf32, #tpu.memory_space<vmem>>
          %dma_start3A_2191 = tpu.memref_squeeze %dma_start3A_2190 : memref<1x32x128xf32, #tpu.memory_space<vmem>> -> memref<32x128xf32, #tpu.memory_space<vmem>>
          %dma_start3A_2192 = arith.constant 0 : i32
          %dma_start3A_2193 = tpu.memref_slice %arg7[%dma_start3A_2192, %multiple_of3A_2048] : memref<32x1000000xf32, #tpu.memory_space<hbm>> -> memref<32x128xf32, #tpu.memory_space<hbm>>
          tpu.enqueue_dma source(%dma_start3A_2193 : memref<32x128xf32, #tpu.memory_space<hbm>>) target(%dma_start3A_2191 : memref<32x128xf32, #tpu.memory_space<vmem>>) target_semaphore(%dma_start3A_2187 : memref<!tpu.dma_semaphore, #tpu.memory_space<semaphore_mem>>)
        } else {
        }
        %convert_element_type3A_2166 = arith.extui %ne3A_2123 : i1 to i32
        %cond3A_2167 = arith.constant 0 : i32
        %cond3A_2168 = arith.cmpi ne, %convert_element_type3A_2166, %cond3A_2167 : i32
        scf.if %cond3A_2168 {
          %mul3A_2172 = arith.constant 8 : i32
          %mul3A_2173 = arith.muli %rem3A_1870, %mul3A_2172 : i32
          %add3A_2174 = arith.constant 6 : i32
          %add3A_2175 = arith.addi %mul3A_2173, %add3A_2174 : i32
          %mul3A_2176 = arith.constant 8 : i32
          %mul3A_2177 = arith.muli %rem3A_1870, %mul3A_2176 : i32
          %add3A_2178 = arith.constant 6 : i32
          %add3A_2179 = arith.addi %mul3A_2177, %add3A_2178 : i32
          %dma_start3A_2180 = arith.constant 0 : i32
          %dma_start3A_2181 = arith.constant 0 : i32
          %dma_start3A_2182 = tpu.memref_slice %arg12[%add3A_2175, %dma_start3A_2180, %dma_start3A_2181] : memref<24x32x128xf32, #tpu.memory_space<vmem>> -> memref<1x32x128xf32, #tpu.memory_space<vmem>>
          %dma_start3A_2183 = tpu.memref_squeeze %dma_start3A_2182 : memref<1x32x128xf32, #tpu.memory_space<vmem>> -> memref<32x128xf32, #tpu.memory_space<vmem>>
          %dma_start3A_2184 = arith.constant 0 : i32
          %dma_start3A_2185 = tpu.memref_slice %arg7[%dma_start3A_2184, %multiple_of3A_2077] : memref<32x1000000xf32, #tpu.memory_space<hbm>> -> memref<32x128xf32, #tpu.memory_space<hbm>>
          %dma_start3A_2186 = tpu.memref_slice %arg14[%add3A_2179] : memref<24x!tpu.dma_semaphore, #tpu.memory_space<semaphore_mem>> -> memref<1x!tpu.dma_semaphore, #tpu.memory_space<semaphore_mem>>
          %dma_start3A_2187 = tpu.memref_squeeze %dma_start3A_2186 : memref<1x!tpu.dma_semaphore, #tpu.memory_space<semaphore_mem>> -> memref<!tpu.dma_semaphore, #tpu.memory_space<semaphore_mem>>
          %dma_start3A_2188 = arith.constant 0 : i32
          %dma_start3A_2189 = arith.constant 0 : i32
          %dma_start3A_2190 = tpu.memref_slice %arg12[%add3A_2175, %dma_start3A_2188, %dma_start3A_2189] : memref<24x32x128xf32, #tpu.memory_space<vmem>> -> memref<1x32x128xf32, #tpu.memory_space<vmem>>
          %dma_start3A_2191 = tpu.memref_squeeze %dma_start3A_2190 : memref<1x32x128xf32, #tpu.memory_space<vmem>> -> memref<32x128xf32, #tpu.memory_space<vmem>>
          %dma_start3A_2192 = arith.constant 0 : i32
          %dma_start3A_2193 = tpu.memref_slice %arg7[%dma_start3A_2192, %multiple_of3A_2077] : memref<32x1000000xf32, #tpu.memory_space<hbm>> -> memref<32x128xf32, #tpu.memory_space<hbm>>
          tpu.enqueue_dma source(%dma_start3A_2193 : memref<32x128xf32, #tpu.memory_space<hbm>>) target(%dma_start3A_2191 : memref<32x128xf32, #tpu.memory_space<vmem>>) target_semaphore(%dma_start3A_2187 : memref<!tpu.dma_semaphore, #tpu.memory_space<semaphore_mem>>)
        } else {
        }
        %convert_element_type3A_2169 = arith.extui %ne3A_2126 : i1 to i32
        %cond3A_2170 = arith.constant 0 : i32
        %cond3A_2171 = arith.cmpi ne, %convert_element_type3A_2169, %cond3A_2170 : i32
        scf.if %cond3A_2171 {
          %mul3A_2172 = arith.constant 8 : i32
          %mul3A_2173 = arith.muli %rem3A_1870, %mul3A_2172 : i32
          %add3A_2174 = arith.constant 7 : i32
          %add3A_2175 = arith.addi %mul3A_2173, %add3A_2174 : i32
          %mul3A_2176 = arith.constant 8 : i32
          %mul3A_2177 = arith.muli %rem3A_1870, %mul3A_2176 : i32
          %add3A_2178 = arith.constant 7 : i32
          %add3A_2179 = arith.addi %mul3A_2177, %add3A_2178 : i32
          %dma_start3A_2180 = arith.constant 0 : i32
          %dma_start3A_2181 = arith.constant 0 : i32
          %dma_start3A_2182 = tpu.memref_slice %arg12[%add3A_2175, %dma_start3A_2180, %dma_start3A_2181] : memref<24x32x128xf32, #tpu.memory_space<vmem>> -> memref<1x32x128xf32, #tpu.memory_space<vmem>>
          %dma_start3A_2183 = tpu.memref_squeeze %dma_start3A_2182 : memref<1x32x128xf32, #tpu.memory_space<vmem>> -> memref<32x128xf32, #tpu.memory_space<vmem>>
          %dma_start3A_2184 = arith.constant 0 : i32
          %dma_start3A_2185 = tpu.memref_slice %arg7[%dma_start3A_2184, %multiple_of3A_2106] : memref<32x1000000xf32, #tpu.memory_space<hbm>> -> memref<32x128xf32, #tpu.memory_space<hbm>>
          %dma_start3A_2186 = tpu.memref_slice %arg14[%add3A_2179] : memref<24x!tpu.dma_semaphore, #tpu.memory_space<semaphore_mem>> -> memref<1x!tpu.dma_semaphore, #tpu.memory_space<semaphore_mem>>
          %dma_start3A_2187 = tpu.memref_squeeze %dma_start3A_2186 : memref<1x!tpu.dma_semaphore, #tpu.memory_space<semaphore_mem>> -> memref<!tpu.dma_semaphore, #tpu.memory_space<semaphore_mem>>
          %dma_start3A_2188 = arith.constant 0 : i32
          %dma_start3A_2189 = arith.constant 0 : i32
          %dma_start3A_2190 = tpu.memref_slice %arg12[%add3A_2175, %dma_start3A_2188, %dma_start3A_2189] : memref<24x32x128xf32, #tpu.memory_space<vmem>> -> memref<1x32x128xf32, #tpu.memory_space<vmem>>
          %dma_start3A_2191 = tpu.memref_squeeze %dma_start3A_2190 : memref<1x32x128xf32, #tpu.memory_space<vmem>> -> memref<32x128xf32, #tpu.memory_space<vmem>>
          %dma_start3A_2192 = arith.constant 0 : i32
          %dma_start3A_2193 = tpu.memref_slice %arg7[%dma_start3A_2192, %multiple_of3A_2106] : memref<32x1000000xf32, #tpu.memory_space<hbm>> -> memref<32x128xf32, #tpu.memory_space<hbm>>
          tpu.enqueue_dma source(%dma_start3A_2193 : memref<32x128xf32, #tpu.memory_space<hbm>>) target(%dma_start3A_2191 : memref<32x128xf32, #tpu.memory_space<vmem>>) target_semaphore(%dma_start3A_2187 : memref<!tpu.dma_semaphore, #tpu.memory_space<semaphore_mem>>)
        } else {
        }
      } else {
      }
      %jit3A_1239 = arith.constant 8 : i32
      %div3A_1240 = arith.divsi %add3A_1232, %jit3A_1239 : i32
      %sign3A_1241 = arith.constant 0 : i32
      %sign3A_1242 = arith.cmpi sgt, %add3A_1232, %sign3A_1241 : i32
      %sign3A_1243 = arith.extui %sign3A_1242 : i1 to i32
      %sign3A_1244 = arith.constant 0 : i32
      %sign3A_1245 = arith.cmpi slt, %add3A_1232, %sign3A_1244 : i32
      %sign3A_1246 = arith.extui %sign3A_1245 : i1 to i32
      %sign3A_1247 = arith.subi %sign3A_1243, %sign3A_1246 : i32
      %sign3A_1248 = arith.constant 0 : i32
      %sign3A_1249 = arith.cmpi sgt, %jit3A_1239, %sign3A_1248 : i32
      %sign3A_1250 = arith.extui %sign3A_1249 : i1 to i32
      %sign3A_1251 = arith.constant 0 : i32
      %sign3A_1252 = arith.cmpi slt, %jit3A_1239, %sign3A_1251 : i32
      %sign3A_1253 = arith.extui %sign3A_1252 : i1 to i32
      %sign3A_1254 = arith.subi %sign3A_1250, %sign3A_1253 : i32
      %ne3A_1255 = arith.cmpi ne, %sign3A_1247, %sign3A_1254 : i32
      %rem3A_1256 = arith.remsi %add3A_1232, %jit3A_1239 : i32
      %ne3A_1257 = arith.constant 0 : i32
      %ne3A_1258 = arith.cmpi ne, %rem3A_1256, %ne3A_1257 : i32
      %and3A_1259 = arith.andi %ne3A_1255, %ne3A_1258 : i1
      %sub3A_1260 = arith.constant 1 : i32
      %sub3A_1261 = arith.subi %div3A_1240, %sub3A_1260 : i32
      %select_n3A_1262 = arith.select %and3A_1259, %sub3A_1261, %div3A_1240 : i32
      %rem3A_1263 = arith.constant 2 : i32
      %rem3A_1264 = arith.remsi %select_n3A_1262, %rem3A_1263 : i32
      %rem3A_1265 = arith.constant 8 : i32
      %rem3A_1266 = arith.remsi %add3A_1232, %rem3A_1265 : i32
      %eq3A = arith.constant 0 : i32
      %eq3A_1267 = arith.cmpi eq, %rem3A_1266, %eq3A : i32
      %ge3A = arith.constant 16 : i32
      %ge3A_1268 = arith.cmpi sge, %add3A_1232, %ge3A : i32
      %and3A_1269 = arith.andi %eq3A_1267, %ge3A_1268 : i1
      %convert_element_type3A_1270 = arith.extui %and3A_1269 : i1 to i32
      %cond3A_1271 = arith.constant 0 : i32
      %cond3A_1272 = arith.cmpi ne, %convert_element_type3A_1270, %cond3A_1271 : i32
      scf.if %cond3A_1272 {
        %dma_wait3A_1865 = arith.constant 0 : i32
        %dma_wait3A_1866 = arith.constant 0 : i32
        %dma_wait3A_1867 = tpu.memref_slice %arg13[%rem3A_1264, %dma_wait3A_1865, %dma_wait3A_1866] : memref<2x64x128xf32, #tpu.memory_space<vmem>> -> memref<1x64x128xf32, #tpu.memory_space<vmem>>
        %dma_wait3A_1868 = tpu.memref_squeeze %dma_wait3A_1867 : memref<1x64x128xf32, #tpu.memory_space<vmem>> -> memref<64x128xf32, #tpu.memory_space<vmem>>
        %dma_wait3A_1869 = arith.constant 0 : i32
        %dma_wait3A_1870 = arith.constant 0 : i32
        %dma_wait3A_1871 = tpu.memref_slice %arg9[%dma_wait3A_1869, %dma_wait3A_1870] : memref<16384x128xf32, #tpu.memory_space<hbm>> -> memref<64x128xf32, #tpu.memory_space<hbm>>
        %dma_wait3A_1872 = arith.constant 0 : i32
        %dma_wait3A_1873 = arith.constant 0 : i32
        %dma_wait3A_1874 = tpu.memref_slice %arg9[%dma_wait3A_1872, %dma_wait3A_1873] : memref<16384x128xf32, #tpu.memory_space<hbm>> -> memref<64x128xf32, #tpu.memory_space<hbm>>
        %dma_wait3A_1875 = arith.constant 0 : i32
        %dma_wait3A_1876 = arith.constant 0 : i32
        %dma_wait3A_1877 = tpu.memref_slice %arg13[%rem3A_1264, %dma_wait3A_1875, %dma_wait3A_1876] : memref<2x64x128xf32, #tpu.memory_space<vmem>> -> memref<1x64x128xf32, #tpu.memory_space<vmem>>
        %dma_wait3A_1878 = tpu.memref_squeeze %dma_wait3A_1877 : memref<1x64x128xf32, #tpu.memory_space<vmem>> -> memref<64x128xf32, #tpu.memory_space<vmem>>
        tpu.wait_dma2 semaphore(%arg15 : memref<!tpu.dma_semaphore, #tpu.memory_space<semaphore_mem>>) src(%dma_wait3A_1878 : memref<64x128xf32, #tpu.memory_space<vmem>>) dst(%dma_wait3A_1874 : memref<64x128xf32, #tpu.memory_space<hbm>>)
      } else {
      }
      %mul3A_1273 = arith.constant 8 : i32
      %mul3A_1274 = arith.muli %add3A_1232, %mul3A_1273 : i32
      %get3A_1275 = arith.index_cast %mul3A_1274 : i32 to index
      %get3A_1276 = tpu.vector_load %arg10[%get3A_1275] {strides = array<i32>} : memref<528xi32, #tpu.memory_space<vmem>>, vector<16xi32>,
      %slice3A_1277 = vector.extract_strided_slice %get3A_1276 {offsets = [0], sizes = [1], strides = [1]} : vector<16xi32> to vector<1xi32>
      %squeeze3A_1278 = vector.extract %slice3A_1277[0] : i32 from vector<1xi32>
      %jit3A_1279 = arith.constant 128 : i32
      %div3A_1280 = arith.divsi %squeeze3A_1278, %jit3A_1279 : i32
      %sign3A_1281 = arith.constant 0 : i32
      %sign3A_1282 = arith.cmpi sgt, %squeeze3A_1278, %sign3A_1281 : i32
      %sign3A_1283 = arith.extui %sign3A_1282 : i1 to i32
      %sign3A_1284 = arith.constant 0 : i32
      %sign3A_1285 = arith.cmpi slt, %squeeze3A_1278, %sign3A_1284 : i32
      %sign3A_1286 = arith.extui %sign3A_1285 : i1 to i32
      %sign3A_1287 = arith.subi %sign3A_1283, %sign3A_1286 : i32
      %sign3A_1288 = arith.constant 0 : i32
      %sign3A_1289 = arith.cmpi sgt, %jit3A_1279, %sign3A_1288 : i32
      %sign3A_1290 = arith.extui %sign3A_1289 : i1 to i32
      %sign3A_1291 = arith.constant 0 : i32
      %sign3A_1292 = arith.cmpi slt, %jit3A_1279, %sign3A_1291 : i32
      %sign3A_1293 = arith.extui %sign3A_1292 : i1 to i32
      %sign3A_1294 = arith.subi %sign3A_1290, %sign3A_1293 : i32
      %ne3A_1295 = arith.cmpi ne, %sign3A_1287, %sign3A_1294 : i32
      %rem3A_1296 = arith.remsi %squeeze3A_1278, %jit3A_1279 : i32
      %ne3A_1297 = arith.constant 0 : i32
      %ne3A_1298 = arith.cmpi ne, %rem3A_1296, %ne3A_1297 : i32
      %and3A_1299 = arith.andi %ne3A_1295, %ne3A_1298 : i1
      %sub3A_1300 = arith.constant 1 : i32
      %sub3A_1301 = arith.subi %div3A_1280, %sub3A_1300 : i32
      %select_n3A_1302 = arith.select %and3A_1299, %sub3A_1301, %div3A_1280 : i32
      %mul3A_1303 = arith.constant 128 : i32
      %mul3A_1304 = arith.muli %select_n3A_1302, %mul3A_1303 : i32
      %multiple_of3A_1305 = tpu.assume_multiple %mul3A_1304, 128 : i32
      %slice3A_1306 = vector.extract_strided_slice %get3A_1276 {offsets = [1], sizes = [1], strides = [1]} : vector<16xi32> to vector<1xi32>
      %squeeze3A_1307 = vector.extract %slice3A_1306[0] : i32 from vector<1xi32>
      %jit3A_1308 = arith.constant 128 : i32
      %div3A_1309 = arith.divsi %squeeze3A_1307, %jit3A_1308 : i32
      %sign3A_1310 = arith.constant 0 : i32
      %sign3A_1311 = arith.cmpi sgt, %squeeze3A_1307, %sign3A_1310 : i32
      %sign3A_1312 = arith.extui %sign3A_1311 : i1 to i32
      %sign3A_1313 = arith.constant 0 : i32
      %sign3A_1314 = arith.cmpi slt, %squeeze3A_1307, %sign3A_1313 : i32
      %sign3A_1315 = arith.extui %sign3A_1314 : i1 to i32
      %sign3A_1316 = arith.subi %sign3A_1312, %sign3A_1315 : i32
      %sign3A_1317 = arith.constant 0 : i32
      %sign3A_1318 = arith.cmpi sgt, %jit3A_1308, %sign3A_1317 : i32
      %sign3A_1319 = arith.extui %sign3A_1318 : i1 to i32
      %sign3A_1320 = arith.constant 0 : i32
      %sign3A_1321 = arith.cmpi slt, %jit3A_1308, %sign3A_1320 : i32
      %sign3A_1322 = arith.extui %sign3A_1321 : i1 to i32
      %sign3A_1323 = arith.subi %sign3A_1319, %sign3A_1322 : i32
      %ne3A_1324 = arith.cmpi ne, %sign3A_1316, %sign3A_1323 : i32
      %rem3A_1325 = arith.remsi %squeeze3A_1307, %jit3A_1308 : i32
      %ne3A_1326 = arith.constant 0 : i32
      %ne3A_1327 = arith.cmpi ne, %rem3A_1325, %ne3A_1326 : i32
      %and3A_1328 = arith.andi %ne3A_1324, %ne3A_1327 : i1
      %sub3A_1329 = arith.constant 1 : i32
      %sub3A_1330 = arith.subi %div3A_1309, %sub3A_1329 : i32
      %select_n3A_1331 = arith.select %and3A_1328, %sub3A_1330, %div3A_1309 : i32
      %mul3A_1332 = arith.constant 128 : i32
      %mul3A_1333 = arith.muli %select_n3A_1331, %mul3A_1332 : i32
      %multiple_of3A_1334 = tpu.assume_multiple %mul3A_1333, 128 : i32
      %slice3A_1335 = vector.extract_strided_slice %get3A_1276 {offsets = [2], sizes = [1], strides = [1]} : vector<16xi32> to vector<1xi32>
      %squeeze3A_1336 = vector.extract %slice3A_1335[0] : i32 from vector<1xi32>
      %jit3A_1337 = arith.constant 128 : i32
      %div3A_1338 = arith.divsi %squeeze3A_1336, %jit3A_1337 : i32
      %sign3A_1339 = arith.constant 0 : i32
      %sign3A_1340 = arith.cmpi sgt, %squeeze3A_1336, %sign3A_1339 : i32
      %sign3A_1341 = arith.extui %sign3A_1340 : i1 to i32
      %sign3A_1342 = arith.constant 0 : i32
      %sign3A_1343 = arith.cmpi slt, %squeeze3A_1336, %sign3A_1342 : i32
      %sign3A_1344 = arith.extui %sign3A_1343 : i1 to i32
      %sign3A_1345 = arith.subi %sign3A_1341, %sign3A_1344 : i32
      %sign3A_1346 = arith.constant 0 : i32
      %sign3A_1347 = arith.cmpi sgt, %jit3A_1337, %sign3A_1346 : i32
      %sign3A_1348 = arith.extui %sign3A_1347 : i1 to i32
      %sign3A_1349 = arith.constant 0 : i32
      %sign3A_1350 = arith.cmpi slt, %jit3A_1337, %sign3A_1349 : i32
      %sign3A_1351 = arith.extui %sign3A_1350 : i1 to i32
      %sign3A_1352 = arith.subi %sign3A_1348, %sign3A_1351 : i32
      %ne3A_1353 = arith.cmpi ne, %sign3A_1345, %sign3A_1352 : i32
      %rem3A_1354 = arith.remsi %squeeze3A_1336, %jit3A_1337 : i32
      %ne3A_1355 = arith.constant 0 : i32
      %ne3A_1356 = arith.cmpi ne, %rem3A_1354, %ne3A_1355 : i32
      %and3A_1357 = arith.andi %ne3A_1353, %ne3A_1356 : i1
      %sub3A_1358 = arith.constant 1 : i32
      %sub3A_1359 = arith.subi %div3A_1338, %sub3A_1358 : i32
      %select_n3A_1360 = arith.select %and3A_1357, %sub3A_1359, %div3A_1338 : i32
      %mul3A_1361 = arith.constant 128 : i32
      %mul3A_1362 = arith.muli %select_n3A_1360, %mul3A_1361 : i32
      %multiple_of3A_1363 = tpu.assume_multiple %mul3A_1362, 128 : i32
      %slice3A_1364 = vector.extract_strided_slice %get3A_1276 {offsets = [3], sizes = [1], strides = [1]} : vector<16xi32> to vector<1xi32>
      %squeeze3A_1365 = vector.extract %slice3A_1364[0] : i32 from vector<1xi32>
      %jit3A_1366 = arith.constant 128 : i32
      %div3A_1367 = arith.divsi %squeeze3A_1365, %jit3A_1366 : i32
      %sign3A_1368 = arith.constant 0 : i32
      %sign3A_1369 = arith.cmpi sgt, %squeeze3A_1365, %sign3A_1368 : i32
      %sign3A_1370 = arith.extui %sign3A_1369 : i1 to i32
      %sign3A_1371 = arith.constant 0 : i32
      %sign3A_1372 = arith.cmpi slt, %squeeze3A_1365, %sign3A_1371 : i32
      %sign3A_1373 = arith.extui %sign3A_1372 : i1 to i32
      %sign3A_1374 = arith.subi %sign3A_1370, %sign3A_1373 : i32
      %sign3A_1375 = arith.constant 0 : i32
      %sign3A_1376 = arith.cmpi sgt, %jit3A_1366, %sign3A_1375 : i32
      %sign3A_1377 = arith.extui %sign3A_1376 : i1 to i32
      %sign3A_1378 = arith.constant 0 : i32
      %sign3A_1379 = arith.cmpi slt, %jit3A_1366, %sign3A_1378 : i32
      %sign3A_1380 = arith.extui %sign3A_1379 : i1 to i32
      %sign3A_1381 = arith.subi %sign3A_1377, %sign3A_1380 : i32
      %ne3A_1382 = arith.cmpi ne, %sign3A_1374, %sign3A_1381 : i32
      %rem3A_1383 = arith.remsi %squeeze3A_1365, %jit3A_1366 : i32
      %ne3A_1384 = arith.constant 0 : i32
      %ne3A_1385 = arith.cmpi ne, %rem3A_1383, %ne3A_1384 : i32
      %and3A_1386 = arith.andi %ne3A_1382, %ne3A_1385 : i1
      %sub3A_1387 = arith.constant 1 : i32
      %sub3A_1388 = arith.subi %div3A_1367, %sub3A_1387 : i32
      %select_n3A_1389 = arith.select %and3A_1386, %sub3A_1388, %div3A_1367 : i32
      %mul3A_1390 = arith.constant 128 : i32
      %mul3A_1391 = arith.muli %select_n3A_1389, %mul3A_1390 : i32
      %multiple_of3A_1392 = tpu.assume_multiple %mul3A_1391, 128 : i32
      %slice3A_1393 = vector.extract_strided_slice %get3A_1276 {offsets = [4], sizes = [1], strides = [1]} : vector<16xi32> to vector<1xi32>
      %squeeze3A_1394 = vector.extract %slice3A_1393[0] : i32 from vector<1xi32>
      %jit3A_1395 = arith.constant 128 : i32
      %div3A_1396 = arith.divsi %squeeze3A_1394, %jit3A_1395 : i32
      %sign3A_1397 = arith.constant 0 : i32
      %sign3A_1398 = arith.cmpi sgt, %squeeze3A_1394, %sign3A_1397 : i32
      %sign3A_1399 = arith.extui %sign3A_1398 : i1 to i32
      %sign3A_1400 = arith.constant 0 : i32
      %sign3A_1401 = arith.cmpi slt, %squeeze3A_1394, %sign3A_1400 : i32
      %sign3A_1402 = arith.extui %sign3A_1401 : i1 to i32
      %sign3A_1403 = arith.subi %sign3A_1399, %sign3A_1402 : i32
      %sign3A_1404 = arith.constant 0 : i32
      %sign3A_1405 = arith.cmpi sgt, %jit3A_1395, %sign3A_1404 : i32
      %sign3A_1406 = arith.extui %sign3A_1405 : i1 to i32
      %sign3A_1407 = arith.constant 0 : i32
      %sign3A_1408 = arith.cmpi slt, %jit3A_1395, %sign3A_1407 : i32
      %sign3A_1409 = arith.extui %sign3A_1408 : i1 to i32
      %sign3A_1410 = arith.subi %sign3A_1406, %sign3A_1409 : i32
      %ne3A_1411 = arith.cmpi ne, %sign3A_1403, %sign3A_1410 : i32
      %rem3A_1412 = arith.remsi %squeeze3A_1394, %jit3A_1395 : i32
      %ne3A_1413 = arith.constant 0 : i32
      %ne3A_1414 = arith.cmpi ne, %rem3A_1412, %ne3A_1413 : i32
      %and3A_1415 = arith.andi %ne3A_1411, %ne3A_1414 : i1
      %sub3A_1416 = arith.constant 1 : i32
      %sub3A_1417 = arith.subi %div3A_1396, %sub3A_1416 : i32
      %select_n3A_1418 = arith.select %and3A_1415, %sub3A_1417, %div3A_1396 : i32
      %mul3A_1419 = arith.constant 128 : i32
      %mul3A_1420 = arith.muli %select_n3A_1418, %mul3A_1419 : i32
      %multiple_of3A_1421 = tpu.assume_multiple %mul3A_1420, 128 : i32
      %slice3A_1422 = vector.extract_strided_slice %get3A_1276 {offsets = [5], sizes = [1], strides = [1]} : vector<16xi32> to vector<1xi32>
      %squeeze3A_1423 = vector.extract %slice3A_1422[0] : i32 from vector<1xi32>
      %jit3A_1424 = arith.constant 128 : i32
      %div3A_1425 = arith.divsi %squeeze3A_1423, %jit3A_1424 : i32
      %sign3A_1426 = arith.constant 0 : i32
      %sign3A_1427 = arith.cmpi sgt, %squeeze3A_1423, %sign3A_1426 : i32
      %sign3A_1428 = arith.extui %sign3A_1427 : i1 to i32
      %sign3A_1429 = arith.constant 0 : i32
      %sign3A_1430 = arith.cmpi slt, %squeeze3A_1423, %sign3A_1429 : i32
      %sign3A_1431 = arith.extui %sign3A_1430 : i1 to i32
      %sign3A_1432 = arith.subi %sign3A_1428, %sign3A_1431 : i32
      %sign3A_1433 = arith.constant 0 : i32
      %sign3A_1434 = arith.cmpi sgt, %jit3A_1424, %sign3A_1433 : i32
      %sign3A_1435 = arith.extui %sign3A_1434 : i1 to i32
      %sign3A_1436 = arith.constant 0 : i32
      %sign3A_1437 = arith.cmpi slt, %jit3A_1424, %sign3A_1436 : i32
      %sign3A_1438 = arith.extui %sign3A_1437 : i1 to i32
      %sign3A_1439 = arith.subi %sign3A_1435, %sign3A_1438 : i32
      %ne3A_1440 = arith.cmpi ne, %sign3A_1432, %sign3A_1439 : i32
      %rem3A_1441 = arith.remsi %squeeze3A_1423, %jit3A_1424 : i32
      %ne3A_1442 = arith.constant 0 : i32
      %ne3A_1443 = arith.cmpi ne, %rem3A_1441, %ne3A_1442 : i32
      %and3A_1444 = arith.andi %ne3A_1440, %ne3A_1443 : i1
      %sub3A_1445 = arith.constant 1 : i32
      %sub3A_1446 = arith.subi %div3A_1425, %sub3A_1445 : i32
      %select_n3A_1447 = arith.select %and3A_1444, %sub3A_1446, %div3A_1425 : i32
      %mul3A_1448 = arith.constant 128 : i32
      %mul3A_1449 = arith.muli %select_n3A_1447, %mul3A_1448 : i32
      %multiple_of3A_1450 = tpu.assume_multiple %mul3A_1449, 128 : i32
      %slice3A_1451 = vector.extract_strided_slice %get3A_1276 {offsets = [6], sizes = [1], strides = [1]} : vector<16xi32> to vector<1xi32>
      %squeeze3A_1452 = vector.extract %slice3A_1451[0] : i32 from vector<1xi32>
      %jit3A_1453 = arith.constant 128 : i32
      %div3A_1454 = arith.divsi %squeeze3A_1452, %jit3A_1453 : i32
      %sign3A_1455 = arith.constant 0 : i32
      %sign3A_1456 = arith.cmpi sgt, %squeeze3A_1452, %sign3A_1455 : i32
      %sign3A_1457 = arith.extui %sign3A_1456 : i1 to i32
      %sign3A_1458 = arith.constant 0 : i32
      %sign3A_1459 = arith.cmpi slt, %squeeze3A_1452, %sign3A_1458 : i32
      %sign3A_1460 = arith.extui %sign3A_1459 : i1 to i32
      %sign3A_1461 = arith.subi %sign3A_1457, %sign3A_1460 : i32
      %sign3A_1462 = arith.constant 0 : i32
      %sign3A_1463 = arith.cmpi sgt, %jit3A_1453, %sign3A_1462 : i32
      %sign3A_1464 = arith.extui %sign3A_1463 : i1 to i32
      %sign3A_1465 = arith.constant 0 : i32
      %sign3A_1466 = arith.cmpi slt, %jit3A_1453, %sign3A_1465 : i32
      %sign3A_1467 = arith.extui %sign3A_1466 : i1 to i32
      %sign3A_1468 = arith.subi %sign3A_1464, %sign3A_1467 : i32
      %ne3A_1469 = arith.cmpi ne, %sign3A_1461, %sign3A_1468 : i32
      %rem3A_1470 = arith.remsi %squeeze3A_1452, %jit3A_1453 : i32
      %ne3A_1471 = arith.constant 0 : i32
      %ne3A_1472 = arith.cmpi ne, %rem3A_1470, %ne3A_1471 : i32
      %and3A_1473 = arith.andi %ne3A_1469, %ne3A_1472 : i1
      %sub3A_1474 = arith.constant 1 : i32
      %sub3A_1475 = arith.subi %div3A_1454, %sub3A_1474 : i32
      %select_n3A_1476 = arith.select %and3A_1473, %sub3A_1475, %div3A_1454 : i32
      %mul3A_1477 = arith.constant 128 : i32
      %mul3A_1478 = arith.muli %select_n3A_1476, %mul3A_1477 : i32
      %multiple_of3A_1479 = tpu.assume_multiple %mul3A_1478, 128 : i32
      %slice3A_1480 = vector.extract_strided_slice %get3A_1276 {offsets = [7], sizes = [1], strides = [1]} : vector<16xi32> to vector<1xi32>
      %squeeze3A_1481 = vector.extract %slice3A_1480[0] : i32 from vector<1xi32>
      %jit3A_1482 = arith.constant 128 : i32
      %div3A_1483 = arith.divsi %squeeze3A_1481, %jit3A_1482 : i32
      %sign3A_1484 = arith.constant 0 : i32
      %sign3A_1485 = arith.cmpi sgt, %squeeze3A_1481, %sign3A_1484 : i32
      %sign3A_1486 = arith.extui %sign3A_1485 : i1 to i32
      %sign3A_1487 = arith.constant 0 : i32
      %sign3A_1488 = arith.cmpi slt, %squeeze3A_1481, %sign3A_1487 : i32
      %sign3A_1489 = arith.extui %sign3A_1488 : i1 to i32
      %sign3A_1490 = arith.subi %sign3A_1486, %sign3A_1489 : i32
      %sign3A_1491 = arith.constant 0 : i32
      %sign3A_1492 = arith.cmpi sgt, %jit3A_1482, %sign3A_1491 : i32
      %sign3A_1493 = arith.extui %sign3A_1492 : i1 to i32
      %sign3A_1494 = arith.constant 0 : i32
      %sign3A_1495 = arith.cmpi slt, %jit3A_1482, %sign3A_1494 : i32
      %sign3A_1496 = arith.extui %sign3A_1495 : i1 to i32
      %sign3A_1497 = arith.subi %sign3A_1493, %sign3A_1496 : i32
      %ne3A_1498 = arith.cmpi ne, %sign3A_1490, %sign3A_1497 : i32
      %rem3A_1499 = arith.remsi %squeeze3A_1481, %jit3A_1482 : i32
      %ne3A_1500 = arith.constant 0 : i32
      %ne3A_1501 = arith.cmpi ne, %rem3A_1499, %ne3A_1500 : i32
      %and3A_1502 = arith.andi %ne3A_1498, %ne3A_1501 : i1
      %sub3A_1503 = arith.constant 1 : i32
      %sub3A_1504 = arith.subi %div3A_1483, %sub3A_1503 : i32
      %select_n3A_1505 = arith.select %and3A_1502, %sub3A_1504, %div3A_1483 : i32
      %mul3A_1506 = arith.constant 128 : i32
      %mul3A_1507 = arith.muli %select_n3A_1505, %mul3A_1506 : i32
      %multiple_of3A_1508 = tpu.assume_multiple %mul3A_1507, 128 : i32
      %ne3A_1509 = arith.cmpi ne, %multiple_of3A_1334, %multiple_of3A_1305 : i32
      %jit3A_1510 = arith.constant 1 : i32
      %jit3A_1511 = arith.constant 0 : i32
      %select_n3A_1512 = arith.select %ne3A_1509, %jit3A_1510, %jit3A_1511 : i32
      %ne3A_1513 = arith.cmpi ne, %multiple_of3A_1363, %multiple_of3A_1334 : i32
      %jit3A_1514 = arith.constant 2 : i32
      %select_n3A_1515 = arith.select %ne3A_1513, %jit3A_1514, %select_n3A_1512 : i32
      %ne3A_1516 = arith.cmpi ne, %multiple_of3A_1392, %multiple_of3A_1363 : i32
      %jit3A_1517 = arith.constant 3 : i32
      %select_n3A_1518 = arith.select %ne3A_1516, %jit3A_1517, %select_n3A_1515 : i32
      %ne3A_1519 = arith.cmpi ne, %multiple_of3A_1421, %multiple_of3A_1392 : i32
      %jit3A_1520 = arith.constant 4 : i32
      %select_n3A_1521 = arith.select %ne3A_1519, %jit3A_1520, %select_n3A_1518 : i32
      %ne3A_1522 = arith.cmpi ne, %multiple_of3A_1450, %multiple_of3A_1421 : i32
      %jit3A_1523 = arith.constant 5 : i32
      %select_n3A_1524 = arith.select %ne3A_1522, %jit3A_1523, %select_n3A_1521 : i32
      %ne3A_1525 = arith.cmpi ne, %multiple_of3A_1479, %multiple_of3A_1450 : i32
      %jit3A_1526 = arith.constant 6 : i32
      %select_n3A_1527 = arith.select %ne3A_1525, %jit3A_1526, %select_n3A_1524 : i32
      %ne3A_1528 = arith.cmpi ne, %multiple_of3A_1508, %multiple_of3A_1479 : i32
      %jit3A_1529 = arith.constant 7 : i32
      %select_n3A_1530 = arith.select %ne3A_1528, %jit3A_1529, %select_n3A_1527 : i32
      %mul3A_1531 = arith.constant 8 : i32
      %mul3A_1532 = arith.muli %rem3A_1234, %mul3A_1531 : i32
      %add3A_1533 = arith.constant 0 : i32
      %add3A_1534 = arith.addi %mul3A_1532, %add3A_1533 : i32
      %mul3A_1535 = arith.constant 8 : i32
      %mul3A_1536 = arith.muli %rem3A_1234, %mul3A_1535 : i32
      %add3A_1537 = arith.constant 0 : i32
      %add3A_1538 = arith.addi %mul3A_1536, %add3A_1537 : i32
      %dma_wait3A_1539 = arith.constant 0 : i32
      %dma_wait3A_1540 = arith.constant 0 : i32
      %dma_wait3A_1541 = tpu.memref_slice %arg12[%add3A_1534, %dma_wait3A_1539, %dma_wait3A_1540] : memref<24x32x128xf32, #tpu.memory_space<vmem>> -> memref<1x32x128xf32, #tpu.memory_space<vmem>>
      %dma_wait3A_1542 = tpu.memref_squeeze %dma_wait3A_1541 : memref<1x32x128xf32, #tpu.memory_space<vmem>> -> memref<32x128xf32, #tpu.memory_space<vmem>>
      %dma_wait3A_1543 = arith.constant 0 : i32
      %dma_wait3A_1544 = arith.constant 0 : i32
      %dma_wait3A_1545 = tpu.memref_slice %arg7[%dma_wait3A_1543, %dma_wait3A_1544] : memref<32x1000000xf32, #tpu.memory_space<hbm>> -> memref<32x128xf32, #tpu.memory_space<hbm>>
      %dma_wait3A_1546 = tpu.memref_slice %arg14[%add3A_1538] : memref<24x!tpu.dma_semaphore, #tpu.memory_space<semaphore_mem>> -> memref<1x!tpu.dma_semaphore, #tpu.memory_space<semaphore_mem>>
      %dma_wait3A_1547 = tpu.memref_squeeze %dma_wait3A_1546 : memref<1x!tpu.dma_semaphore, #tpu.memory_space<semaphore_mem>> -> memref<!tpu.dma_semaphore, #tpu.memory_space<semaphore_mem>>
      %dma_wait3A_1548 = arith.constant 0 : i32
      %dma_wait3A_1549 = arith.constant 0 : i32
      %dma_wait3A_1550 = tpu.memref_slice %arg12[%add3A_1534, %dma_wait3A_1548, %dma_wait3A_1549] : memref<24x32x128xf32, #tpu.memory_space<vmem>> -> memref<1x32x128xf32, #tpu.memory_space<vmem>>
      %dma_wait3A_1551 = tpu.memref_squeeze %dma_wait3A_1550 : memref<1x32x128xf32, #tpu.memory_space<vmem>> -> memref<32x128xf32, #tpu.memory_space<vmem>>
      %dma_wait3A_1552 = arith.constant 0 : i32
      %dma_wait3A_1553 = arith.constant 0 : i32
      %dma_wait3A_1554 = tpu.memref_slice %arg7[%dma_wait3A_1552, %dma_wait3A_1553] : memref<32x1000000xf32, #tpu.memory_space<hbm>> -> memref<32x128xf32, #tpu.memory_space<hbm>>
      tpu.wait_dma2 semaphore(%dma_wait3A_1547 : memref<!tpu.dma_semaphore, #tpu.memory_space<semaphore_mem>>) src(%dma_wait3A_1554 : memref<32x128xf32, #tpu.memory_space<hbm>>) dst(%dma_wait3A_1551 : memref<32x128xf32, #tpu.memory_space<vmem>>)
      %convert_element_type3A_1555 = arith.extui %ne3A_1509 : i1 to i32
      %cond3A_1556 = arith.constant 0 : i32
      %cond3A_1557 = arith.cmpi ne, %convert_element_type3A_1555, %cond3A_1556 : i32
      scf.if %cond3A_1557 {
        %mul3A_1865 = arith.constant 8 : i32
        %mul3A_1866 = arith.muli %rem3A_1234, %mul3A_1865 : i32
        %add3A_1867 = arith.constant 1 : i32
        %add3A_1868 = arith.addi %mul3A_1866, %add3A_1867 : i32
        %mul3A_1869 = arith.constant 8 : i32
        %mul3A_1870 = arith.muli %rem3A_1234, %mul3A_1869 : i32
        %add3A_1871 = arith.constant 1 : i32
        %add3A_1872 = arith.addi %mul3A_1870, %add3A_1871 : i32
        %dma_wait3A_1873 = arith.constant 0 : i32
        %dma_wait3A_1874 = arith.constant 0 : i32
        %dma_wait3A_1875 = tpu.memref_slice %arg12[%add3A_1868, %dma_wait3A_1873, %dma_wait3A_1874] : memref<24x32x128xf32, #tpu.memory_space<vmem>> -> memref<1x32x128xf32, #tpu.memory_space<vmem>>
        %dma_wait3A_1876 = tpu.memref_squeeze %dma_wait3A_1875 : memref<1x32x128xf32, #tpu.memory_space<vmem>> -> memref<32x128xf32, #tpu.memory_space<vmem>>
        %dma_wait3A_1877 = arith.constant 0 : i32
        %dma_wait3A_1878 = arith.constant 0 : i32
        %dma_wait3A_1879 = tpu.memref_slice %arg7[%dma_wait3A_1877, %dma_wait3A_1878] : memref<32x1000000xf32, #tpu.memory_space<hbm>> -> memref<32x128xf32, #tpu.memory_space<hbm>>
        %dma_wait3A_1880 = tpu.memref_slice %arg14[%add3A_1872] : memref<24x!tpu.dma_semaphore, #tpu.memory_space<semaphore_mem>> -> memref<1x!tpu.dma_semaphore, #tpu.memory_space<semaphore_mem>>
        %dma_wait3A_1881 = tpu.memref_squeeze %dma_wait3A_1880 : memref<1x!tpu.dma_semaphore, #tpu.memory_space<semaphore_mem>> -> memref<!tpu.dma_semaphore, #tpu.memory_space<semaphore_mem>>
        %dma_wait3A_1882 = arith.constant 0 : i32
        %dma_wait3A_1883 = arith.constant 0 : i32
        %dma_wait3A_1884 = tpu.memref_slice %arg12[%add3A_1868, %dma_wait3A_1882, %dma_wait3A_1883] : memref<24x32x128xf32, #tpu.memory_space<vmem>> -> memref<1x32x128xf32, #tpu.memory_space<vmem>>
        %dma_wait3A_1885 = tpu.memref_squeeze %dma_wait3A_1884 : memref<1x32x128xf32, #tpu.memory_space<vmem>> -> memref<32x128xf32, #tpu.memory_space<vmem>>
        %dma_wait3A_1886 = arith.constant 0 : i32
        %dma_wait3A_1887 = arith.constant 0 : i32
        %dma_wait3A_1888 = tpu.memref_slice %arg7[%dma_wait3A_1886, %dma_wait3A_1887] : memref<32x1000000xf32, #tpu.memory_space<hbm>> -> memref<32x128xf32, #tpu.memory_space<hbm>>
        tpu.wait_dma2 semaphore(%dma_wait3A_1881 : memref<!tpu.dma_semaphore, #tpu.memory_space<semaphore_mem>>) src(%dma_wait3A_1888 : memref<32x128xf32, #tpu.memory_space<hbm>>) dst(%dma_wait3A_1885 : memref<32x128xf32, #tpu.memory_space<vmem>>)
      } else {
      }
      %convert_element_type3A_1558 = arith.extui %ne3A_1513 : i1 to i32
      %cond3A_1559 = arith.constant 0 : i32
      %cond3A_1560 = arith.cmpi ne, %convert_element_type3A_1558, %cond3A_1559 : i32
      scf.if %cond3A_1560 {
        %mul3A_1865 = arith.constant 8 : i32
        %mul3A_1866 = arith.muli %rem3A_1234, %mul3A_1865 : i32
        %add3A_1867 = arith.constant 2 : i32
        %add3A_1868 = arith.addi %mul3A_1866, %add3A_1867 : i32
        %mul3A_1869 = arith.constant 8 : i32
        %mul3A_1870 = arith.muli %rem3A_1234, %mul3A_1869 : i32
        %add3A_1871 = arith.constant 2 : i32
        %add3A_1872 = arith.addi %mul3A_1870, %add3A_1871 : i32
        %dma_wait3A_1873 = arith.constant 0 : i32
        %dma_wait3A_1874 = arith.constant 0 : i32
        %dma_wait3A_1875 = tpu.memref_slice %arg12[%add3A_1868, %dma_wait3A_1873, %dma_wait3A_1874] : memref<24x32x128xf32, #tpu.memory_space<vmem>> -> memref<1x32x128xf32, #tpu.memory_space<vmem>>
        %dma_wait3A_1876 = tpu.memref_squeeze %dma_wait3A_1875 : memref<1x32x128xf32, #tpu.memory_space<vmem>> -> memref<32x128xf32, #tpu.memory_space<vmem>>
        %dma_wait3A_1877 = arith.constant 0 : i32
        %dma_wait3A_1878 = arith.constant 0 : i32
        %dma_wait3A_1879 = tpu.memref_slice %arg7[%dma_wait3A_1877, %dma_wait3A_1878] : memref<32x1000000xf32, #tpu.memory_space<hbm>> -> memref<32x128xf32, #tpu.memory_space<hbm>>
        %dma_wait3A_1880 = tpu.memref_slice %arg14[%add3A_1872] : memref<24x!tpu.dma_semaphore, #tpu.memory_space<semaphore_mem>> -> memref<1x!tpu.dma_semaphore, #tpu.memory_space<semaphore_mem>>
        %dma_wait3A_1881 = tpu.memref_squeeze %dma_wait3A_1880 : memref<1x!tpu.dma_semaphore, #tpu.memory_space<semaphore_mem>> -> memref<!tpu.dma_semaphore, #tpu.memory_space<semaphore_mem>>
        %dma_wait3A_1882 = arith.constant 0 : i32
        %dma_wait3A_1883 = arith.constant 0 : i32
        %dma_wait3A_1884 = tpu.memref_slice %arg12[%add3A_1868, %dma_wait3A_1882, %dma_wait3A_1883] : memref<24x32x128xf32, #tpu.memory_space<vmem>> -> memref<1x32x128xf32, #tpu.memory_space<vmem>>
        %dma_wait3A_1885 = tpu.memref_squeeze %dma_wait3A_1884 : memref<1x32x128xf32, #tpu.memory_space<vmem>> -> memref<32x128xf32, #tpu.memory_space<vmem>>
        %dma_wait3A_1886 = arith.constant 0 : i32
        %dma_wait3A_1887 = arith.constant 0 : i32
        %dma_wait3A_1888 = tpu.memref_slice %arg7[%dma_wait3A_1886, %dma_wait3A_1887] : memref<32x1000000xf32, #tpu.memory_space<hbm>> -> memref<32x128xf32, #tpu.memory_space<hbm>>
        tpu.wait_dma2 semaphore(%dma_wait3A_1881 : memref<!tpu.dma_semaphore, #tpu.memory_space<semaphore_mem>>) src(%dma_wait3A_1888 : memref<32x128xf32, #tpu.memory_space<hbm>>) dst(%dma_wait3A_1885 : memref<32x128xf32, #tpu.memory_space<vmem>>)
      } else {
      }
      %convert_element_type3A_1561 = arith.extui %ne3A_1516 : i1 to i32
      %cond3A_1562 = arith.constant 0 : i32
      %cond3A_1563 = arith.cmpi ne, %convert_element_type3A_1561, %cond3A_1562 : i32
      scf.if %cond3A_1563 {
        %mul3A_1865 = arith.constant 8 : i32
        %mul3A_1866 = arith.muli %rem3A_1234, %mul3A_1865 : i32
        %add3A_1867 = arith.constant 3 : i32
        %add3A_1868 = arith.addi %mul3A_1866, %add3A_1867 : i32
        %mul3A_1869 = arith.constant 8 : i32
        %mul3A_1870 = arith.muli %rem3A_1234, %mul3A_1869 : i32
        %add3A_1871 = arith.constant 3 : i32
        %add3A_1872 = arith.addi %mul3A_1870, %add3A_1871 : i32
        %dma_wait3A_1873 = arith.constant 0 : i32
        %dma_wait3A_1874 = arith.constant 0 : i32
        %dma_wait3A_1875 = tpu.memref_slice %arg12[%add3A_1868, %dma_wait3A_1873, %dma_wait3A_1874] : memref<24x32x128xf32, #tpu.memory_space<vmem>> -> memref<1x32x128xf32, #tpu.memory_space<vmem>>
        %dma_wait3A_1876 = tpu.memref_squeeze %dma_wait3A_1875 : memref<1x32x128xf32, #tpu.memory_space<vmem>> -> memref<32x128xf32, #tpu.memory_space<vmem>>
        %dma_wait3A_1877 = arith.constant 0 : i32
        %dma_wait3A_1878 = arith.constant 0 : i32
        %dma_wait3A_1879 = tpu.memref_slice %arg7[%dma_wait3A_1877, %dma_wait3A_1878] : memref<32x1000000xf32, #tpu.memory_space<hbm>> -> memref<32x128xf32, #tpu.memory_space<hbm>>
        %dma_wait3A_1880 = tpu.memref_slice %arg14[%add3A_1872] : memref<24x!tpu.dma_semaphore, #tpu.memory_space<semaphore_mem>> -> memref<1x!tpu.dma_semaphore, #tpu.memory_space<semaphore_mem>>
        %dma_wait3A_1881 = tpu.memref_squeeze %dma_wait3A_1880 : memref<1x!tpu.dma_semaphore, #tpu.memory_space<semaphore_mem>> -> memref<!tpu.dma_semaphore, #tpu.memory_space<semaphore_mem>>
        %dma_wait3A_1882 = arith.constant 0 : i32
        %dma_wait3A_1883 = arith.constant 0 : i32
        %dma_wait3A_1884 = tpu.memref_slice %arg12[%add3A_1868, %dma_wait3A_1882, %dma_wait3A_1883] : memref<24x32x128xf32, #tpu.memory_space<vmem>> -> memref<1x32x128xf32, #tpu.memory_space<vmem>>
        %dma_wait3A_1885 = tpu.memref_squeeze %dma_wait3A_1884 : memref<1x32x128xf32, #tpu.memory_space<vmem>> -> memref<32x128xf32, #tpu.memory_space<vmem>>
        %dma_wait3A_1886 = arith.constant 0 : i32
        %dma_wait3A_1887 = arith.constant 0 : i32
        %dma_wait3A_1888 = tpu.memref_slice %arg7[%dma_wait3A_1886, %dma_wait3A_1887] : memref<32x1000000xf32, #tpu.memory_space<hbm>> -> memref<32x128xf32, #tpu.memory_space<hbm>>
        tpu.wait_dma2 semaphore(%dma_wait3A_1881 : memref<!tpu.dma_semaphore, #tpu.memory_space<semaphore_mem>>) src(%dma_wait3A_1888 : memref<32x128xf32, #tpu.memory_space<hbm>>) dst(%dma_wait3A_1885 : memref<32x128xf32, #tpu.memory_space<vmem>>)
      } else {
      }
      %convert_element_type3A_1564 = arith.extui %ne3A_1519 : i1 to i32
      %cond3A_1565 = arith.constant 0 : i32
      %cond3A_1566 = arith.cmpi ne, %convert_element_type3A_1564, %cond3A_1565 : i32
      scf.if %cond3A_1566 {
        %mul3A_1865 = arith.constant 8 : i32
        %mul3A_1866 = arith.muli %rem3A_1234, %mul3A_1865 : i32
        %add3A_1867 = arith.constant 4 : i32
        %add3A_1868 = arith.addi %mul3A_1866, %add3A_1867 : i32
        %mul3A_1869 = arith.constant 8 : i32
        %mul3A_1870 = arith.muli %rem3A_1234, %mul3A_1869 : i32
        %add3A_1871 = arith.constant 4 : i32
        %add3A_1872 = arith.addi %mul3A_1870, %add3A_1871 : i32
        %dma_wait3A_1873 = arith.constant 0 : i32
        %dma_wait3A_1874 = arith.constant 0 : i32
        %dma_wait3A_1875 = tpu.memref_slice %arg12[%add3A_1868, %dma_wait3A_1873, %dma_wait3A_1874] : memref<24x32x128xf32, #tpu.memory_space<vmem>> -> memref<1x32x128xf32, #tpu.memory_space<vmem>>
        %dma_wait3A_1876 = tpu.memref_squeeze %dma_wait3A_1875 : memref<1x32x128xf32, #tpu.memory_space<vmem>> -> memref<32x128xf32, #tpu.memory_space<vmem>>
        %dma_wait3A_1877 = arith.constant 0 : i32
        %dma_wait3A_1878 = arith.constant 0 : i32
        %dma_wait3A_1879 = tpu.memref_slice %arg7[%dma_wait3A_1877, %dma_wait3A_1878] : memref<32x1000000xf32, #tpu.memory_space<hbm>> -> memref<32x128xf32, #tpu.memory_space<hbm>>
        %dma_wait3A_1880 = tpu.memref_slice %arg14[%add3A_1872] : memref<24x!tpu.dma_semaphore, #tpu.memory_space<semaphore_mem>> -> memref<1x!tpu.dma_semaphore, #tpu.memory_space<semaphore_mem>>
        %dma_wait3A_1881 = tpu.memref_squeeze %dma_wait3A_1880 : memref<1x!tpu.dma_semaphore, #tpu.memory_space<semaphore_mem>> -> memref<!tpu.dma_semaphore, #tpu.memory_space<semaphore_mem>>
        %dma_wait3A_1882 = arith.constant 0 : i32
        %dma_wait3A_1883 = arith.constant 0 : i32
        %dma_wait3A_1884 = tpu.memref_slice %arg12[%add3A_1868, %dma_wait3A_1882, %dma_wait3A_1883] : memref<24x32x128xf32, #tpu.memory_space<vmem>> -> memref<1x32x128xf32, #tpu.memory_space<vmem>>
        %dma_wait3A_1885 = tpu.memref_squeeze %dma_wait3A_1884 : memref<1x32x128xf32, #tpu.memory_space<vmem>> -> memref<32x128xf32, #tpu.memory_space<vmem>>
        %dma_wait3A_1886 = arith.constant 0 : i32
        %dma_wait3A_1887 = arith.constant 0 : i32
        %dma_wait3A_1888 = tpu.memref_slice %arg7[%dma_wait3A_1886, %dma_wait3A_1887] : memref<32x1000000xf32, #tpu.memory_space<hbm>> -> memref<32x128xf32, #tpu.memory_space<hbm>>
        tpu.wait_dma2 semaphore(%dma_wait3A_1881 : memref<!tpu.dma_semaphore, #tpu.memory_space<semaphore_mem>>) src(%dma_wait3A_1888 : memref<32x128xf32, #tpu.memory_space<hbm>>) dst(%dma_wait3A_1885 : memref<32x128xf32, #tpu.memory_space<vmem>>)
      } else {
      }
      %convert_element_type3A_1567 = arith.extui %ne3A_1522 : i1 to i32
      %cond3A_1568 = arith.constant 0 : i32
      %cond3A_1569 = arith.cmpi ne, %convert_element_type3A_1567, %cond3A_1568 : i32
      scf.if %cond3A_1569 {
        %mul3A_1865 = arith.constant 8 : i32
        %mul3A_1866 = arith.muli %rem3A_1234, %mul3A_1865 : i32
        %add3A_1867 = arith.constant 5 : i32
        %add3A_1868 = arith.addi %mul3A_1866, %add3A_1867 : i32
        %mul3A_1869 = arith.constant 8 : i32
        %mul3A_1870 = arith.muli %rem3A_1234, %mul3A_1869 : i32
        %add3A_1871 = arith.constant 5 : i32
        %add3A_1872 = arith.addi %mul3A_1870, %add3A_1871 : i32
        %dma_wait3A_1873 = arith.constant 0 : i32
        %dma_wait3A_1874 = arith.constant 0 : i32
        %dma_wait3A_1875 = tpu.memref_slice %arg12[%add3A_1868, %dma_wait3A_1873, %dma_wait3A_1874] : memref<24x32x128xf32, #tpu.memory_space<vmem>> -> memref<1x32x128xf32, #tpu.memory_space<vmem>>
        %dma_wait3A_1876 = tpu.memref_squeeze %dma_wait3A_1875 : memref<1x32x128xf32, #tpu.memory_space<vmem>> -> memref<32x128xf32, #tpu.memory_space<vmem>>
        %dma_wait3A_1877 = arith.constant 0 : i32
        %dma_wait3A_1878 = arith.constant 0 : i32
        %dma_wait3A_1879 = tpu.memref_slice %arg7[%dma_wait3A_1877, %dma_wait3A_1878] : memref<32x1000000xf32, #tpu.memory_space<hbm>> -> memref<32x128xf32, #tpu.memory_space<hbm>>
        %dma_wait3A_1880 = tpu.memref_slice %arg14[%add3A_1872] : memref<24x!tpu.dma_semaphore, #tpu.memory_space<semaphore_mem>> -> memref<1x!tpu.dma_semaphore, #tpu.memory_space<semaphore_mem>>
        %dma_wait3A_1881 = tpu.memref_squeeze %dma_wait3A_1880 : memref<1x!tpu.dma_semaphore, #tpu.memory_space<semaphore_mem>> -> memref<!tpu.dma_semaphore, #tpu.memory_space<semaphore_mem>>
        %dma_wait3A_1882 = arith.constant 0 : i32
        %dma_wait3A_1883 = arith.constant 0 : i32
        %dma_wait3A_1884 = tpu.memref_slice %arg12[%add3A_1868, %dma_wait3A_1882, %dma_wait3A_1883] : memref<24x32x128xf32, #tpu.memory_space<vmem>> -> memref<1x32x128xf32, #tpu.memory_space<vmem>>
        %dma_wait3A_1885 = tpu.memref_squeeze %dma_wait3A_1884 : memref<1x32x128xf32, #tpu.memory_space<vmem>> -> memref<32x128xf32, #tpu.memory_space<vmem>>
        %dma_wait3A_1886 = arith.constant 0 : i32
        %dma_wait3A_1887 = arith.constant 0 : i32
        %dma_wait3A_1888 = tpu.memref_slice %arg7[%dma_wait3A_1886, %dma_wait3A_1887] : memref<32x1000000xf32, #tpu.memory_space<hbm>> -> memref<32x128xf32, #tpu.memory_space<hbm>>
        tpu.wait_dma2 semaphore(%dma_wait3A_1881 : memref<!tpu.dma_semaphore, #tpu.memory_space<semaphore_mem>>) src(%dma_wait3A_1888 : memref<32x128xf32, #tpu.memory_space<hbm>>) dst(%dma_wait3A_1885 : memref<32x128xf32, #tpu.memory_space<vmem>>)
      } else {
      }
      %convert_element_type3A_1570 = arith.extui %ne3A_1525 : i1 to i32
      %cond3A_1571 = arith.constant 0 : i32
      %cond3A_1572 = arith.cmpi ne, %convert_element_type3A_1570, %cond3A_1571 : i32
      scf.if %cond3A_1572 {
        %mul3A_1865 = arith.constant 8 : i32
        %mul3A_1866 = arith.muli %rem3A_1234, %mul3A_1865 : i32
        %add3A_1867 = arith.constant 6 : i32
        %add3A_1868 = arith.addi %mul3A_1866, %add3A_1867 : i32
        %mul3A_1869 = arith.constant 8 : i32
        %mul3A_1870 = arith.muli %rem3A_1234, %mul3A_1869 : i32
        %add3A_1871 = arith.constant 6 : i32
        %add3A_1872 = arith.addi %mul3A_1870, %add3A_1871 : i32
        %dma_wait3A_1873 = arith.constant 0 : i32
        %dma_wait3A_1874 = arith.constant 0 : i32
        %dma_wait3A_1875 = tpu.memref_slice %arg12[%add3A_1868, %dma_wait3A_1873, %dma_wait3A_1874] : memref<24x32x128xf32, #tpu.memory_space<vmem>> -> memref<1x32x128xf32, #tpu.memory_space<vmem>>
        %dma_wait3A_1876 = tpu.memref_squeeze %dma_wait3A_1875 : memref<1x32x128xf32, #tpu.memory_space<vmem>> -> memref<32x128xf32, #tpu.memory_space<vmem>>
        %dma_wait3A_1877 = arith.constant 0 : i32
        %dma_wait3A_1878 = arith.constant 0 : i32
        %dma_wait3A_1879 = tpu.memref_slice %arg7[%dma_wait3A_1877, %dma_wait3A_1878] : memref<32x1000000xf32, #tpu.memory_space<hbm>> -> memref<32x128xf32, #tpu.memory_space<hbm>>
        %dma_wait3A_1880 = tpu.memref_slice %arg14[%add3A_1872] : memref<24x!tpu.dma_semaphore, #tpu.memory_space<semaphore_mem>> -> memref<1x!tpu.dma_semaphore, #tpu.memory_space<semaphore_mem>>
        %dma_wait3A_1881 = tpu.memref_squeeze %dma_wait3A_1880 : memref<1x!tpu.dma_semaphore, #tpu.memory_space<semaphore_mem>> -> memref<!tpu.dma_semaphore, #tpu.memory_space<semaphore_mem>>
        %dma_wait3A_1882 = arith.constant 0 : i32
        %dma_wait3A_1883 = arith.constant 0 : i32
        %dma_wait3A_1884 = tpu.memref_slice %arg12[%add3A_1868, %dma_wait3A_1882, %dma_wait3A_1883] : memref<24x32x128xf32, #tpu.memory_space<vmem>> -> memref<1x32x128xf32, #tpu.memory_space<vmem>>
        %dma_wait3A_1885 = tpu.memref_squeeze %dma_wait3A_1884 : memref<1x32x128xf32, #tpu.memory_space<vmem>> -> memref<32x128xf32, #tpu.memory_space<vmem>>
        %dma_wait3A_1886 = arith.constant 0 : i32
        %dma_wait3A_1887 = arith.constant 0 : i32
        %dma_wait3A_1888 = tpu.memref_slice %arg7[%dma_wait3A_1886, %dma_wait3A_1887] : memref<32x1000000xf32, #tpu.memory_space<hbm>> -> memref<32x128xf32, #tpu.memory_space<hbm>>
        tpu.wait_dma2 semaphore(%dma_wait3A_1881 : memref<!tpu.dma_semaphore, #tpu.memory_space<semaphore_mem>>) src(%dma_wait3A_1888 : memref<32x128xf32, #tpu.memory_space<hbm>>) dst(%dma_wait3A_1885 : memref<32x128xf32, #tpu.memory_space<vmem>>)
      } else {
      }
      %convert_element_type3A_1573 = arith.extui %ne3A_1528 : i1 to i32
      %cond3A_1574 = arith.constant 0 : i32
      %cond3A_1575 = arith.cmpi ne, %convert_element_type3A_1573, %cond3A_1574 : i32
      scf.if %cond3A_1575 {
        %mul3A_1865 = arith.constant 8 : i32
        %mul3A_1866 = arith.muli %rem3A_1234, %mul3A_1865 : i32
        %add3A_1867 = arith.constant 7 : i32
        %add3A_1868 = arith.addi %mul3A_1866, %add3A_1867 : i32
        %mul3A_1869 = arith.constant 8 : i32
        %mul3A_1870 = arith.muli %rem3A_1234, %mul3A_1869 : i32
        %add3A_1871 = arith.constant 7 : i32
        %add3A_1872 = arith.addi %mul3A_1870, %add3A_1871 : i32
        %dma_wait3A_1873 = arith.constant 0 : i32
        %dma_wait3A_1874 = arith.constant 0 : i32
        %dma_wait3A_1875 = tpu.memref_slice %arg12[%add3A_1868, %dma_wait3A_1873, %dma_wait3A_1874] : memref<24x32x128xf32, #tpu.memory_space<vmem>> -> memref<1x32x128xf32, #tpu.memory_space<vmem>>
        %dma_wait3A_1876 = tpu.memref_squeeze %dma_wait3A_1875 : memref<1x32x128xf32, #tpu.memory_space<vmem>> -> memref<32x128xf32, #tpu.memory_space<vmem>>
        %dma_wait3A_1877 = arith.constant 0 : i32
        %dma_wait3A_1878 = arith.constant 0 : i32
        %dma_wait3A_1879 = tpu.memref_slice %arg7[%dma_wait3A_1877, %dma_wait3A_1878] : memref<32x1000000xf32, #tpu.memory_space<hbm>> -> memref<32x128xf32, #tpu.memory_space<hbm>>
        %dma_wait3A_1880 = tpu.memref_slice %arg14[%add3A_1872] : memref<24x!tpu.dma_semaphore, #tpu.memory_space<semaphore_mem>> -> memref<1x!tpu.dma_semaphore, #tpu.memory_space<semaphore_mem>>
        %dma_wait3A_1881 = tpu.memref_squeeze %dma_wait3A_1880 : memref<1x!tpu.dma_semaphore, #tpu.memory_space<semaphore_mem>> -> memref<!tpu.dma_semaphore, #tpu.memory_space<semaphore_mem>>
        %dma_wait3A_1882 = arith.constant 0 : i32
        %dma_wait3A_1883 = arith.constant 0 : i32
        %dma_wait3A_1884 = tpu.memref_slice %arg12[%add3A_1868, %dma_wait3A_1882, %dma_wait3A_1883] : memref<24x32x128xf32, #tpu.memory_space<vmem>> -> memref<1x32x128xf32, #tpu.memory_space<vmem>>
        %dma_wait3A_1885 = tpu.memref_squeeze %dma_wait3A_1884 : memref<1x32x128xf32, #tpu.memory_space<vmem>> -> memref<32x128xf32, #tpu.memory_space<vmem>>
        %dma_wait3A_1886 = arith.constant 0 : i32
        %dma_wait3A_1887 = arith.constant 0 : i32
        %dma_wait3A_1888 = tpu.memref_slice %arg7[%dma_wait3A_1886, %dma_wait3A_1887] : memref<32x1000000xf32, #tpu.memory_space<hbm>> -> memref<32x128xf32, #tpu.memory_space<hbm>>
        tpu.wait_dma2 semaphore(%dma_wait3A_1881 : memref<!tpu.dma_semaphore, #tpu.memory_space<semaphore_mem>>) src(%dma_wait3A_1888 : memref<32x128xf32, #tpu.memory_space<hbm>>) dst(%dma_wait3A_1885 : memref<32x128xf32, #tpu.memory_space<vmem>>)
      } else {
      }
      %rem3A_1576 = arith.constant 8 : i32
      %rem3A_1577 = arith.remsi %add3A_1232, %rem3A_1576 : i32
      %mul3A_1578 = arith.constant 8 : i32
      %mul3A_1579 = arith.muli %rem3A_1577, %mul3A_1578 : i32
      %slice3A_1580 = vector.extract_strided_slice %get3A_1276 {offsets = [0], sizes = [1], strides = [1]} : vector<16xi32> to vector<1xi32>
      %squeeze3A_1581 = vector.extract %slice3A_1580[0] : i32 from vector<1xi32>
      %rem3A_1582 = arith.constant 128 : i32
      %rem3A_1583 = arith.remsi %squeeze3A_1581, %rem3A_1582 : i32
      %broadcast_in_dim3A = vector.broadcast %rem3A_1583 : i32 to vector<16xi32>
      %add3A_1584 = arith.constant 0 : i32
      %add3A_1585 = arith.addi %mul3A_1579, %add3A_1584 : i32
      %broadcast_in_dim3A_1586 = vector.broadcast %add3A_1585 : i32 to vector<16xi32>
      %mul3A_1587 = arith.constant 8 : i32
      %mul3A_1588 = arith.muli %rem3A_1234, %mul3A_1587 : i32
      %add3A_1589 = arith.constant 0 : i32
      %add3A_1590 = arith.addi %mul3A_1588, %add3A_1589 : i32
      %gather3A = arith.constant 0 : i32
      %gather3A_1591 = arith.constant 0 : i32
      %gather3A_1592 = tpu.memref_slice %arg12[%add3A_1590, %gather3A, %gather3A_1591] : memref<24x32x128xf32, #tpu.memory_space<vmem>> -> memref<1x32x128xf32, #tpu.memory_space<vmem>>
      %gather3A_1593 = tpu.memref_squeeze %gather3A_1592 : memref<1x32x128xf32, #tpu.memory_space<vmem>> -> memref<32x128xf32, #tpu.memory_space<vmem>>
      %gather3A_1594 = tpu.vector_load_idx %gather3A_1593[%iota3A, %broadcast_in_dim3A] : memref<32x128xf32, #tpu.memory_space<vmem>>[vector<16xi32>, vector<16xi32>], vector<16xf32>,
      %add3A_1595 = arith.constant 16 : i32
      %add3A_1596 = vector.broadcast %add3A_1595 : i32 to vector<16xi32>
      %add3A_1597 = arith.addi %iota3A, %add3A_1596 : vector<16xi32>
      %gather3A_1598 = arith.constant 0 : i32
      %gather3A_1599 = arith.constant 0 : i32
      %gather3A_1600 = tpu.memref_slice %arg12[%add3A_1590, %gather3A_1598, %gather3A_1599] : memref<24x32x128xf32, #tpu.memory_space<vmem>> -> memref<1x32x128xf32, #tpu.memory_space<vmem>>
      %gather3A_1601 = tpu.memref_squeeze %gather3A_1600 : memref<1x32x128xf32, #tpu.memory_space<vmem>> -> memref<32x128xf32, #tpu.memory_space<vmem>>
      %gather3A_1602 = tpu.vector_load_idx %gather3A_1601[%add3A_1597, %broadcast_in_dim3A] : memref<32x128xf32, #tpu.memory_space<vmem>>[vector<16xi32>, vector<16xi32>], vector<16xf32>,
      %scatter3A = arith.constant 0 : i32
      %scatter3A_1603 = arith.constant 0 : i32
      %scatter3A_1604 = tpu.memref_slice %arg13[%rem3A_1264, %scatter3A, %scatter3A_1603] : memref<2x64x128xf32, #tpu.memory_space<vmem>> -> memref<1x64x128xf32, #tpu.memory_space<vmem>>
      %scatter3A_1605 = tpu.memref_squeeze %scatter3A_1604 : memref<1x64x128xf32, #tpu.memory_space<vmem>> -> memref<64x128xf32, #tpu.memory_space<vmem>>
      tpu.vector_store_idx %scatter3A_1605[%broadcast_in_dim3A_1586, %iota3A], %gather3A_1594 : memref<64x128xf32, #tpu.memory_space<vmem>>[vector<16xi32>, vector<16xi32>], vector<16xf32>,
      %add3A_1606 = arith.constant 16 : i32
      %add3A_1607 = vector.broadcast %add3A_1606 : i32 to vector<16xi32>
      %add3A_1608 = arith.addi %iota3A, %add3A_1607 : vector<16xi32>
      %scatter3A_1609 = arith.constant 0 : i32
      %scatter3A_1610 = arith.constant 0 : i32
      %scatter3A_1611 = tpu.memref_slice %arg13[%rem3A_1264, %scatter3A_1609, %scatter3A_1610] : memref<2x64x128xf32, #tpu.memory_space<vmem>> -> memref<1x64x128xf32, #tpu.memory_space<vmem>>
      %scatter3A_1612 = tpu.memref_squeeze %scatter3A_1611 : memref<1x64x128xf32, #tpu.memory_space<vmem>> -> memref<64x128xf32, #tpu.memory_space<vmem>>
      tpu.vector_store_idx %scatter3A_1612[%broadcast_in_dim3A_1586, %add3A_1608], %gather3A_1602 : memref<64x128xf32, #tpu.memory_space<vmem>>[vector<16xi32>, vector<16xi32>], vector<16xf32>,
      %slice3A_1613 = vector.extract_strided_slice %get3A_1276 {offsets = [1], sizes = [1], strides = [1]} : vector<16xi32> to vector<1xi32>
      %squeeze3A_1614 = vector.extract %slice3A_1613[0] : i32 from vector<1xi32>
      %rem3A_1615 = arith.constant 128 : i32
      %rem3A_1616 = arith.remsi %squeeze3A_1614, %rem3A_1615 : i32
      %broadcast_in_dim3A_1617 = vector.broadcast %rem3A_1616 : i32 to vector<16xi32>
      %add3A_1618 = arith.constant 1 : i32
      %add3A_1619 = arith.addi %mul3A_1579, %add3A_1618 : i32
      %broadcast_in_dim3A_1620 = vector.broadcast %add3A_1619 : i32 to vector<16xi32>
      %mul3A_1621 = arith.constant 8 : i32
      %mul3A_1622 = arith.muli %rem3A_1234, %mul3A_1621 : i32
      %add3A_1623 = arith.addi %mul3A_1622, %select_n3A_1512 : i32
      %gather3A_1624 = arith.constant 0 : i32
      %gather3A_1625 = arith.constant 0 : i32
      %gather3A_1626 = tpu.memref_slice %arg12[%add3A_1623, %gather3A_1624, %gather3A_1625] : memref<24x32x128xf32, #tpu.memory_space<vmem>> -> memref<1x32x128xf32, #tpu.memory_space<vmem>>
      %gather3A_1627 = tpu.memref_squeeze %gather3A_1626 : memref<1x32x128xf32, #tpu.memory_space<vmem>> -> memref<32x128xf32, #tpu.memory_space<vmem>>
      %gather3A_1628 = tpu.vector_load_idx %gather3A_1627[%iota3A, %broadcast_in_dim3A_1617] : memref<32x128xf32, #tpu.memory_space<vmem>>[vector<16xi32>, vector<16xi32>], vector<16xf32>,
      %add3A_1629 = arith.constant 16 : i32
      %add3A_1630 = vector.broadcast %add3A_1629 : i32 to vector<16xi32>
      %add3A_1631 = arith.addi %iota3A, %add3A_1630 : vector<16xi32>
      %gather3A_1632 = arith.constant 0 : i32
      %gather3A_1633 = arith.constant 0 : i32
      %gather3A_1634 = tpu.memref_slice %arg12[%add3A_1623, %gather3A_1632, %gather3A_1633] : memref<24x32x128xf32, #tpu.memory_space<vmem>> -> memref<1x32x128xf32, #tpu.memory_space<vmem>>
      %gather3A_1635 = tpu.memref_squeeze %gather3A_1634 : memref<1x32x128xf32, #tpu.memory_space<vmem>> -> memref<32x128xf32, #tpu.memory_space<vmem>>
      %gather3A_1636 = tpu.vector_load_idx %gather3A_1635[%add3A_1631, %broadcast_in_dim3A_1617] : memref<32x128xf32, #tpu.memory_space<vmem>>[vector<16xi32>, vector<16xi32>], vector<16xf32>,
      %scatter3A_1637 = arith.constant 0 : i32
      %scatter3A_1638 = arith.constant 0 : i32
      %scatter3A_1639 = tpu.memref_slice %arg13[%rem3A_1264, %scatter3A_1637, %scatter3A_1638] : memref<2x64x128xf32, #tpu.memory_space<vmem>> -> memref<1x64x128xf32, #tpu.memory_space<vmem>>
      %scatter3A_1640 = tpu.memref_squeeze %scatter3A_1639 : memref<1x64x128xf32, #tpu.memory_space<vmem>> -> memref<64x128xf32, #tpu.memory_space<vmem>>
      tpu.vector_store_idx %scatter3A_1640[%broadcast_in_dim3A_1620, %iota3A], %gather3A_1628 : memref<64x128xf32, #tpu.memory_space<vmem>>[vector<16xi32>, vector<16xi32>], vector<16xf32>,
      %add3A_1641 = arith.constant 16 : i32
      %add3A_1642 = vector.broadcast %add3A_1641 : i32 to vector<16xi32>
      %add3A_1643 = arith.addi %iota3A, %add3A_1642 : vector<16xi32>
      %scatter3A_1644 = arith.constant 0 : i32
      %scatter3A_1645 = arith.constant 0 : i32
      %scatter3A_1646 = tpu.memref_slice %arg13[%rem3A_1264, %scatter3A_1644, %scatter3A_1645] : memref<2x64x128xf32, #tpu.memory_space<vmem>> -> memref<1x64x128xf32, #tpu.memory_space<vmem>>
      %scatter3A_1647 = tpu.memref_squeeze %scatter3A_1646 : memref<1x64x128xf32, #tpu.memory_space<vmem>> -> memref<64x128xf32, #tpu.memory_space<vmem>>
      tpu.vector_store_idx %scatter3A_1647[%broadcast_in_dim3A_1620, %add3A_1643], %gather3A_1636 : memref<64x128xf32, #tpu.memory_space<vmem>>[vector<16xi32>, vector<16xi32>], vector<16xf32>,
      %slice3A_1648 = vector.extract_strided_slice %get3A_1276 {offsets = [2], sizes = [1], strides = [1]} : vector<16xi32> to vector<1xi32>
      %squeeze3A_1649 = vector.extract %slice3A_1648[0] : i32 from vector<1xi32>
      %rem3A_1650 = arith.constant 128 : i32
      %rem3A_1651 = arith.remsi %squeeze3A_1649, %rem3A_1650 : i32
      %broadcast_in_dim3A_1652 = vector.broadcast %rem3A_1651 : i32 to vector<16xi32>
      %add3A_1653 = arith.constant 2 : i32
      %add3A_1654 = arith.addi %mul3A_1579, %add3A_1653 : i32
      %broadcast_in_dim3A_1655 = vector.broadcast %add3A_1654 : i32 to vector<16xi32>
      %mul3A_1656 = arith.constant 8 : i32
      %mul3A_1657 = arith.muli %rem3A_1234, %mul3A_1656 : i32
      %add3A_1658 = arith.addi %mul3A_1657, %select_n3A_1515 : i32
      %gather3A_1659 = arith.constant 0 : i32
      %gather3A_1660 = arith.constant 0 : i32
      %gather3A_1661 = tpu.memref_slice %arg12[%add3A_1658, %gather3A_1659, %gather3A_1660] : memref<24x32x128xf32, #tpu.memory_space<vmem>> -> memref<1x32x128xf32, #tpu.memory_space<vmem>>
      %gather3A_1662 = tpu.memref_squeeze %gather3A_1661 : memref<1x32x128xf32, #tpu.memory_space<vmem>> -> memref<32x128xf32, #tpu.memory_space<vmem>>
      %gather3A_1663 = tpu.vector_load_idx %gather3A_1662[%iota3A, %broadcast_in_dim3A_1652] : memref<32x128xf32, #tpu.memory_space<vmem>>[vector<16xi32>, vector<16xi32>], vector<16xf32>,
      %add3A_1664 = arith.constant 16 : i32
      %add3A_1665 = vector.broadcast %add3A_1664 : i32 to vector<16xi32>
      %add3A_1666 = arith.addi %iota3A, %add3A_1665 : vector<16xi32>
      %gather3A_1667 = arith.constant 0 : i32
      %gather3A_1668 = arith.constant 0 : i32
      %gather3A_1669 = tpu.memref_slice %arg12[%add3A_1658, %gather3A_1667, %gather3A_1668] : memref<24x32x128xf32, #tpu.memory_space<vmem>> -> memref<1x32x128xf32, #tpu.memory_space<vmem>>
      %gather3A_1670 = tpu.memref_squeeze %gather3A_1669 : memref<1x32x128xf32, #tpu.memory_space<vmem>> -> memref<32x128xf32, #tpu.memory_space<vmem>>
      %gather3A_1671 = tpu.vector_load_idx %gather3A_1670[%add3A_1666, %broadcast_in_dim3A_1652] : memref<32x128xf32, #tpu.memory_space<vmem>>[vector<16xi32>, vector<16xi32>], vector<16xf32>,
      %scatter3A_1672 = arith.constant 0 : i32
      %scatter3A_1673 = arith.constant 0 : i32
      %scatter3A_1674 = tpu.memref_slice %arg13[%rem3A_1264, %scatter3A_1672, %scatter3A_1673] : memref<2x64x128xf32, #tpu.memory_space<vmem>> -> memref<1x64x128xf32, #tpu.memory_space<vmem>>
      %scatter3A_1675 = tpu.memref_squeeze %scatter3A_1674 : memref<1x64x128xf32, #tpu.memory_space<vmem>> -> memref<64x128xf32, #tpu.memory_space<vmem>>
      tpu.vector_store_idx %scatter3A_1675[%broadcast_in_dim3A_1655, %iota3A], %gather3A_1663 : memref<64x128xf32, #tpu.memory_space<vmem>>[vector<16xi32>, vector<16xi32>], vector<16xf32>,
      %add3A_1676 = arith.constant 16 : i32
      %add3A_1677 = vector.broadcast %add3A_1676 : i32 to vector<16xi32>
      %add3A_1678 = arith.addi %iota3A, %add3A_1677 : vector<16xi32>
      %scatter3A_1679 = arith.constant 0 : i32
      %scatter3A_1680 = arith.constant 0 : i32
      %scatter3A_1681 = tpu.memref_slice %arg13[%rem3A_1264, %scatter3A_1679, %scatter3A_1680] : memref<2x64x128xf32, #tpu.memory_space<vmem>> -> memref<1x64x128xf32, #tpu.memory_space<vmem>>
      %scatter3A_1682 = tpu.memref_squeeze %scatter3A_1681 : memref<1x64x128xf32, #tpu.memory_space<vmem>> -> memref<64x128xf32, #tpu.memory_space<vmem>>
      tpu.vector_store_idx %scatter3A_1682[%broadcast_in_dim3A_1655, %add3A_1678], %gather3A_1671 : memref<64x128xf32, #tpu.memory_space<vmem>>[vector<16xi32>, vector<16xi32>], vector<16xf32>,
      %slice3A_1683 = vector.extract_strided_slice %get3A_1276 {offsets = [3], sizes = [1], strides = [1]} : vector<16xi32> to vector<1xi32>
      %squeeze3A_1684 = vector.extract %slice3A_1683[0] : i32 from vector<1xi32>
      %rem3A_1685 = arith.constant 128 : i32
      %rem3A_1686 = arith.remsi %squeeze3A_1684, %rem3A_1685 : i32
      %broadcast_in_dim3A_1687 = vector.broadcast %rem3A_1686 : i32 to vector<16xi32>
      %add3A_1688 = arith.constant 3 : i32
      %add3A_1689 = arith.addi %mul3A_1579, %add3A_1688 : i32
      %broadcast_in_dim3A_1690 = vector.broadcast %add3A_1689 : i32 to vector<16xi32>
      %mul3A_1691 = arith.constant 8 : i32
      %mul3A_1692 = arith.muli %rem3A_1234, %mul3A_1691 : i32
      %add3A_1693 = arith.addi %mul3A_1692, %select_n3A_1518 : i32
      %gather3A_1694 = arith.constant 0 : i32
      %gather3A_1695 = arith.constant 0 : i32
      %gather3A_1696 = tpu.memref_slice %arg12[%add3A_1693, %gather3A_1694, %gather3A_1695] : memref<24x32x128xf32, #tpu.memory_space<vmem>> -> memref<1x32x128xf32, #tpu.memory_space<vmem>>
      %gather3A_1697 = tpu.memref_squeeze %gather3A_1696 : memref<1x32x128xf32, #tpu.memory_space<vmem>> -> memref<32x128xf32, #tpu.memory_space<vmem>>
      %gather3A_1698 = tpu.vector_load_idx %gather3A_1697[%iota3A, %broadcast_in_dim3A_1687] : memref<32x128xf32, #tpu.memory_space<vmem>>[vector<16xi32>, vector<16xi32>], vector<16xf32>,
      %add3A_1699 = arith.constant 16 : i32
      %add3A_1700 = vector.broadcast %add3A_1699 : i32 to vector<16xi32>
      %add3A_1701 = arith.addi %iota3A, %add3A_1700 : vector<16xi32>
      %gather3A_1702 = arith.constant 0 : i32
      %gather3A_1703 = arith.constant 0 : i32
      %gather3A_1704 = tpu.memref_slice %arg12[%add3A_1693, %gather3A_1702, %gather3A_1703] : memref<24x32x128xf32, #tpu.memory_space<vmem>> -> memref<1x32x128xf32, #tpu.memory_space<vmem>>
      %gather3A_1705 = tpu.memref_squeeze %gather3A_1704 : memref<1x32x128xf32, #tpu.memory_space<vmem>> -> memref<32x128xf32, #tpu.memory_space<vmem>>
      %gather3A_1706 = tpu.vector_load_idx %gather3A_1705[%add3A_1701, %broadcast_in_dim3A_1687] : memref<32x128xf32, #tpu.memory_space<vmem>>[vector<16xi32>, vector<16xi32>], vector<16xf32>,
      %scatter3A_1707 = arith.constant 0 : i32
      %scatter3A_1708 = arith.constant 0 : i32
      %scatter3A_1709 = tpu.memref_slice %arg13[%rem3A_1264, %scatter3A_1707, %scatter3A_1708] : memref<2x64x128xf32, #tpu.memory_space<vmem>> -> memref<1x64x128xf32, #tpu.memory_space<vmem>>
      %scatter3A_1710 = tpu.memref_squeeze %scatter3A_1709 : memref<1x64x128xf32, #tpu.memory_space<vmem>> -> memref<64x128xf32, #tpu.memory_space<vmem>>
      tpu.vector_store_idx %scatter3A_1710[%broadcast_in_dim3A_1690, %iota3A], %gather3A_1698 : memref<64x128xf32, #tpu.memory_space<vmem>>[vector<16xi32>, vector<16xi32>], vector<16xf32>,
      %add3A_1711 = arith.constant 16 : i32
      %add3A_1712 = vector.broadcast %add3A_1711 : i32 to vector<16xi32>
      %add3A_1713 = arith.addi %iota3A, %add3A_1712 : vector<16xi32>
      %scatter3A_1714 = arith.constant 0 : i32
      %scatter3A_1715 = arith.constant 0 : i32
      %scatter3A_1716 = tpu.memref_slice %arg13[%rem3A_1264, %scatter3A_1714, %scatter3A_1715] : memref<2x64x128xf32, #tpu.memory_space<vmem>> -> memref<1x64x128xf32, #tpu.memory_space<vmem>>
      %scatter3A_1717 = tpu.memref_squeeze %scatter3A_1716 : memref<1x64x128xf32, #tpu.memory_space<vmem>> -> memref<64x128xf32, #tpu.memory_space<vmem>>
      tpu.vector_store_idx %scatter3A_1717[%broadcast_in_dim3A_1690, %add3A_1713], %gather3A_1706 : memref<64x128xf32, #tpu.memory_space<vmem>>[vector<16xi32>, vector<16xi32>], vector<16xf32>,
      %slice3A_1718 = vector.extract_strided_slice %get3A_1276 {offsets = [4], sizes = [1], strides = [1]} : vector<16xi32> to vector<1xi32>
      %squeeze3A_1719 = vector.extract %slice3A_1718[0] : i32 from vector<1xi32>
      %rem3A_1720 = arith.constant 128 : i32
      %rem3A_1721 = arith.remsi %squeeze3A_1719, %rem3A_1720 : i32
      %broadcast_in_dim3A_1722 = vector.broadcast %rem3A_1721 : i32 to vector<16xi32>
      %add3A_1723 = arith.constant 4 : i32
      %add3A_1724 = arith.addi %mul3A_1579, %add3A_1723 : i32
      %broadcast_in_dim3A_1725 = vector.broadcast %add3A_1724 : i32 to vector<16xi32>
      %mul3A_1726 = arith.constant 8 : i32
      %mul3A_1727 = arith.muli %rem3A_1234, %mul3A_1726 : i32
      %add3A_1728 = arith.addi %mul3A_1727, %select_n3A_1521 : i32
      %gather3A_1729 = arith.constant 0 : i32
      %gather3A_1730 = arith.constant 0 : i32
      %gather3A_1731 = tpu.memref_slice %arg12[%add3A_1728, %gather3A_1729, %gather3A_1730] : memref<24x32x128xf32, #tpu.memory_space<vmem>> -> memref<1x32x128xf32, #tpu.memory_space<vmem>>
      %gather3A_1732 = tpu.memref_squeeze %gather3A_1731 : memref<1x32x128xf32, #tpu.memory_space<vmem>> -> memref<32x128xf32, #tpu.memory_space<vmem>>
      %gather3A_1733 = tpu.vector_load_idx %gather3A_1732[%iota3A, %broadcast_in_dim3A_1722] : memref<32x128xf32, #tpu.memory_space<vmem>>[vector<16xi32>, vector<16xi32>], vector<16xf32>,
      %add3A_1734 = arith.constant 16 : i32
      %add3A_1735 = vector.broadcast %add3A_1734 : i32 to vector<16xi32>
      %add3A_1736 = arith.addi %iota3A, %add3A_1735 : vector<16xi32>
      %gather3A_1737 = arith.constant 0 : i32
      %gather3A_1738 = arith.constant 0 : i32
      %gather3A_1739 = tpu.memref_slice %arg12[%add3A_1728, %gather3A_1737, %gather3A_1738] : memref<24x32x128xf32, #tpu.memory_space<vmem>> -> memref<1x32x128xf32, #tpu.memory_space<vmem>>
      %gather3A_1740 = tpu.memref_squeeze %gather3A_1739 : memref<1x32x128xf32, #tpu.memory_space<vmem>> -> memref<32x128xf32, #tpu.memory_space<vmem>>
      %gather3A_1741 = tpu.vector_load_idx %gather3A_1740[%add3A_1736, %broadcast_in_dim3A_1722] : memref<32x128xf32, #tpu.memory_space<vmem>>[vector<16xi32>, vector<16xi32>], vector<16xf32>,
      %scatter3A_1742 = arith.constant 0 : i32
      %scatter3A_1743 = arith.constant 0 : i32
      %scatter3A_1744 = tpu.memref_slice %arg13[%rem3A_1264, %scatter3A_1742, %scatter3A_1743] : memref<2x64x128xf32, #tpu.memory_space<vmem>> -> memref<1x64x128xf32, #tpu.memory_space<vmem>>
      %scatter3A_1745 = tpu.memref_squeeze %scatter3A_1744 : memref<1x64x128xf32, #tpu.memory_space<vmem>> -> memref<64x128xf32, #tpu.memory_space<vmem>>
      tpu.vector_store_idx %scatter3A_1745[%broadcast_in_dim3A_1725, %iota3A], %gather3A_1733 : memref<64x128xf32, #tpu.memory_space<vmem>>[vector<16xi32>, vector<16xi32>], vector<16xf32>,
      %add3A_1746 = arith.constant 16 : i32
      %add3A_1747 = vector.broadcast %add3A_1746 : i32 to vector<16xi32>
      %add3A_1748 = arith.addi %iota3A, %add3A_1747 : vector<16xi32>
      %scatter3A_1749 = arith.constant 0 : i32
      %scatter3A_1750 = arith.constant 0 : i32
      %scatter3A_1751 = tpu.memref_slice %arg13[%rem3A_1264, %scatter3A_1749, %scatter3A_1750] : memref<2x64x128xf32, #tpu.memory_space<vmem>> -> memref<1x64x128xf32, #tpu.memory_space<vmem>>
      %scatter3A_1752 = tpu.memref_squeeze %scatter3A_1751 : memref<1x64x128xf32, #tpu.memory_space<vmem>> -> memref<64x128xf32, #tpu.memory_space<vmem>>
      tpu.vector_store_idx %scatter3A_1752[%broadcast_in_dim3A_1725, %add3A_1748], %gather3A_1741 : memref<64x128xf32, #tpu.memory_space<vmem>>[vector<16xi32>, vector<16xi32>], vector<16xf32>,
      %slice3A_1753 = vector.extract_strided_slice %get3A_1276 {offsets = [5], sizes = [1], strides = [1]} : vector<16xi32> to vector<1xi32>
      %squeeze3A_1754 = vector.extract %slice3A_1753[0] : i32 from vector<1xi32>
      %rem3A_1755 = arith.constant 128 : i32
      %rem3A_1756 = arith.remsi %squeeze3A_1754, %rem3A_1755 : i32
      %broadcast_in_dim3A_1757 = vector.broadcast %rem3A_1756 : i32 to vector<16xi32>
      %add3A_1758 = arith.constant 5 : i32
      %add3A_1759 = arith.addi %mul3A_1579, %add3A_1758 : i32
      %broadcast_in_dim3A_1760 = vector.broadcast %add3A_1759 : i32 to vector<16xi32>
      %mul3A_1761 = arith.constant 8 : i32
      %mul3A_1762 = arith.muli %rem3A_1234, %mul3A_1761 : i32
      %add3A_1763 = arith.addi %mul3A_1762, %select_n3A_1524 : i32
      %gather3A_1764 = arith.constant 0 : i32
      %gather3A_1765 = arith.constant 0 : i32
      %gather3A_1766 = tpu.memref_slice %arg12[%add3A_1763, %gather3A_1764, %gather3A_1765] : memref<24x32x128xf32, #tpu.memory_space<vmem>> -> memref<1x32x128xf32, #tpu.memory_space<vmem>>
      %gather3A_1767 = tpu.memref_squeeze %gather3A_1766 : memref<1x32x128xf32, #tpu.memory_space<vmem>> -> memref<32x128xf32, #tpu.memory_space<vmem>>
      %gather3A_1768 = tpu.vector_load_idx %gather3A_1767[%iota3A, %broadcast_in_dim3A_1757] : memref<32x128xf32, #tpu.memory_space<vmem>>[vector<16xi32>, vector<16xi32>], vector<16xf32>,
      %add3A_1769 = arith.constant 16 : i32
      %add3A_1770 = vector.broadcast %add3A_1769 : i32 to vector<16xi32>
      %add3A_1771 = arith.addi %iota3A, %add3A_1770 : vector<16xi32>
      %gather3A_1772 = arith.constant 0 : i32
      %gather3A_1773 = arith.constant 0 : i32
      %gather3A_1774 = tpu.memref_slice %arg12[%add3A_1763, %gather3A_1772, %gather3A_1773] : memref<24x32x128xf32, #tpu.memory_space<vmem>> -> memref<1x32x128xf32, #tpu.memory_space<vmem>>
      %gather3A_1775 = tpu.memref_squeeze %gather3A_1774 : memref<1x32x128xf32, #tpu.memory_space<vmem>> -> memref<32x128xf32, #tpu.memory_space<vmem>>
      %gather3A_1776 = tpu.vector_load_idx %gather3A_1775[%add3A_1771, %broadcast_in_dim3A_1757] : memref<32x128xf32, #tpu.memory_space<vmem>>[vector<16xi32>, vector<16xi32>], vector<16xf32>,
      %scatter3A_1777 = arith.constant 0 : i32
      %scatter3A_1778 = arith.constant 0 : i32
      %scatter3A_1779 = tpu.memref_slice %arg13[%rem3A_1264, %scatter3A_1777, %scatter3A_1778] : memref<2x64x128xf32, #tpu.memory_space<vmem>> -> memref<1x64x128xf32, #tpu.memory_space<vmem>>
      %scatter3A_1780 = tpu.memref_squeeze %scatter3A_1779 : memref<1x64x128xf32, #tpu.memory_space<vmem>> -> memref<64x128xf32, #tpu.memory_space<vmem>>
      tpu.vector_store_idx %scatter3A_1780[%broadcast_in_dim3A_1760, %iota3A], %gather3A_1768 : memref<64x128xf32, #tpu.memory_space<vmem>>[vector<16xi32>, vector<16xi32>], vector<16xf32>,
      %add3A_1781 = arith.constant 16 : i32
      %add3A_1782 = vector.broadcast %add3A_1781 : i32 to vector<16xi32>
      %add3A_1783 = arith.addi %iota3A, %add3A_1782 : vector<16xi32>
      %scatter3A_1784 = arith.constant 0 : i32
      %scatter3A_1785 = arith.constant 0 : i32
      %scatter3A_1786 = tpu.memref_slice %arg13[%rem3A_1264, %scatter3A_1784, %scatter3A_1785] : memref<2x64x128xf32, #tpu.memory_space<vmem>> -> memref<1x64x128xf32, #tpu.memory_space<vmem>>
      %scatter3A_1787 = tpu.memref_squeeze %scatter3A_1786 : memref<1x64x128xf32, #tpu.memory_space<vmem>> -> memref<64x128xf32, #tpu.memory_space<vmem>>
      tpu.vector_store_idx %scatter3A_1787[%broadcast_in_dim3A_1760, %add3A_1783], %gather3A_1776 : memref<64x128xf32, #tpu.memory_space<vmem>>[vector<16xi32>, vector<16xi32>], vector<16xf32>,
      %slice3A_1788 = vector.extract_strided_slice %get3A_1276 {offsets = [6], sizes = [1], strides = [1]} : vector<16xi32> to vector<1xi32>
      %squeeze3A_1789 = vector.extract %slice3A_1788[0] : i32 from vector<1xi32>
      %rem3A_1790 = arith.constant 128 : i32
      %rem3A_1791 = arith.remsi %squeeze3A_1789, %rem3A_1790 : i32
      %broadcast_in_dim3A_1792 = vector.broadcast %rem3A_1791 : i32 to vector<16xi32>
      %add3A_1793 = arith.constant 6 : i32
      %add3A_1794 = arith.addi %mul3A_1579, %add3A_1793 : i32
      %broadcast_in_dim3A_1795 = vector.broadcast %add3A_1794 : i32 to vector<16xi32>
      %mul3A_1796 = arith.constant 8 : i32
      %mul3A_1797 = arith.muli %rem3A_1234, %mul3A_1796 : i32
      %add3A_1798 = arith.addi %mul3A_1797, %select_n3A_1527 : i32
      %gather3A_1799 = arith.constant 0 : i32
      %gather3A_1800 = arith.constant 0 : i32
      %gather3A_1801 = tpu.memref_slice %arg12[%add3A_1798, %gather3A_1799, %gather3A_1800] : memref<24x32x128xf32, #tpu.memory_space<vmem>> -> memref<1x32x128xf32, #tpu.memory_space<vmem>>
      %gather3A_1802 = tpu.memref_squeeze %gather3A_1801 : memref<1x32x128xf32, #tpu.memory_space<vmem>> -> memref<32x128xf32, #tpu.memory_space<vmem>>
      %gather3A_1803 = tpu.vector_load_idx %gather3A_1802[%iota3A, %broadcast_in_dim3A_1792] : memref<32x128xf32, #tpu.memory_space<vmem>>[vector<16xi32>, vector<16xi32>], vector<16xf32>,
      %add3A_1804 = arith.constant 16 : i32
      %add3A_1805 = vector.broadcast %add3A_1804 : i32 to vector<16xi32>
      %add3A_1806 = arith.addi %iota3A, %add3A_1805 : vector<16xi32>
      %gather3A_1807 = arith.constant 0 : i32
      %gather3A_1808 = arith.constant 0 : i32
      %gather3A_1809 = tpu.memref_slice %arg12[%add3A_1798, %gather3A_1807, %gather3A_1808] : memref<24x32x128xf32, #tpu.memory_space<vmem>> -> memref<1x32x128xf32, #tpu.memory_space<vmem>>
      %gather3A_1810 = tpu.memref_squeeze %gather3A_1809 : memref<1x32x128xf32, #tpu.memory_space<vmem>> -> memref<32x128xf32, #tpu.memory_space<vmem>>
      %gather3A_1811 = tpu.vector_load_idx %gather3A_1810[%add3A_1806, %broadcast_in_dim3A_1792] : memref<32x128xf32, #tpu.memory_space<vmem>>[vector<16xi32>, vector<16xi32>], vector<16xf32>,
      %scatter3A_1812 = arith.constant 0 : i32
      %scatter3A_1813 = arith.constant 0 : i32
      %scatter3A_1814 = tpu.memref_slice %arg13[%rem3A_1264, %scatter3A_1812, %scatter3A_1813] : memref<2x64x128xf32, #tpu.memory_space<vmem>> -> memref<1x64x128xf32, #tpu.memory_space<vmem>>
      %scatter3A_1815 = tpu.memref_squeeze %scatter3A_1814 : memref<1x64x128xf32, #tpu.memory_space<vmem>> -> memref<64x128xf32, #tpu.memory_space<vmem>>
      tpu.vector_store_idx %scatter3A_1815[%broadcast_in_dim3A_1795, %iota3A], %gather3A_1803 : memref<64x128xf32, #tpu.memory_space<vmem>>[vector<16xi32>, vector<16xi32>], vector<16xf32>,
      %add3A_1816 = arith.constant 16 : i32
      %add3A_1817 = vector.broadcast %add3A_1816 : i32 to vector<16xi32>
      %add3A_1818 = arith.addi %iota3A, %add3A_1817 : vector<16xi32>
      %scatter3A_1819 = arith.constant 0 : i32
      %scatter3A_1820 = arith.constant 0 : i32
      %scatter3A_1821 = tpu.memref_slice %arg13[%rem3A_1264, %scatter3A_1819, %scatter3A_1820] : memref<2x64x128xf32, #tpu.memory_space<vmem>> -> memref<1x64x128xf32, #tpu.memory_space<vmem>>
      %scatter3A_1822 = tpu.memref_squeeze %scatter3A_1821 : memref<1x64x128xf32, #tpu.memory_space<vmem>> -> memref<64x128xf32, #tpu.memory_space<vmem>>
      tpu.vector_store_idx %scatter3A_1822[%broadcast_in_dim3A_1795, %add3A_1818], %gather3A_1811 : memref<64x128xf32, #tpu.memory_space<vmem>>[vector<16xi32>, vector<16xi32>], vector<16xf32>,
      %slice3A_1823 = vector.extract_strided_slice %get3A_1276 {offsets = [7], sizes = [1], strides = [1]} : vector<16xi32> to vector<1xi32>
      %squeeze3A_1824 = vector.extract %slice3A_1823[0] : i32 from vector<1xi32>
      %rem3A_1825 = arith.constant 128 : i32
      %rem3A_1826 = arith.remsi %squeeze3A_1824, %rem3A_1825 : i32
      %broadcast_in_dim3A_1827 = vector.broadcast %rem3A_1826 : i32 to vector<16xi32>
      %add3A_1828 = arith.constant 7 : i32
      %add3A_1829 = arith.addi %mul3A_1579, %add3A_1828 : i32
      %broadcast_in_dim3A_1830 = vector.broadcast %add3A_1829 : i32 to vector<16xi32>
      %mul3A_1831 = arith.constant 8 : i32
      %mul3A_1832 = arith.muli %rem3A_1234, %mul3A_1831 : i32
      %add3A_1833 = arith.addi %mul3A_1832, %select_n3A_1530 : i32
      %gather3A_1834 = arith.constant 0 : i32
      %gather3A_1835 = arith.constant 0 : i32
      %gather3A_1836 = tpu.memref_slice %arg12[%add3A_1833, %gather3A_1834, %gather3A_1835] : memref<24x32x128xf32, #tpu.memory_space<vmem>> -> memref<1x32x128xf32, #tpu.memory_space<vmem>>
      %gather3A_1837 = tpu.memref_squeeze %gather3A_1836 : memref<1x32x128xf32, #tpu.memory_space<vmem>> -> memref<32x128xf32, #tpu.memory_space<vmem>>
      %gather3A_1838 = tpu.vector_load_idx %gather3A_1837[%iota3A, %broadcast_in_dim3A_1827] : memref<32x128xf32, #tpu.memory_space<vmem>>[vector<16xi32>, vector<16xi32>], vector<16xf32>,
      %add3A_1839 = arith.constant 16 : i32
      %add3A_1840 = vector.broadcast %add3A_1839 : i32 to vector<16xi32>
      %add3A_1841 = arith.addi %iota3A, %add3A_1840 : vector<16xi32>
      %gather3A_1842 = arith.constant 0 : i32
      %gather3A_1843 = arith.constant 0 : i32
      %gather3A_1844 = tpu.memref_slice %arg12[%add3A_1833, %gather3A_1842, %gather3A_1843] : memref<24x32x128xf32, #tpu.memory_space<vmem>> -> memref<1x32x128xf32, #tpu.memory_space<vmem>>
      %gather3A_1845 = tpu.memref_squeeze %gather3A_1844 : memref<1x32x128xf32, #tpu.memory_space<vmem>> -> memref<32x128xf32, #tpu.memory_space<vmem>>
      %gather3A_1846 = tpu.vector_load_idx %gather3A_1845[%add3A_1841, %broadcast_in_dim3A_1827] : memref<32x128xf32, #tpu.memory_space<vmem>>[vector<16xi32>, vector<16xi32>], vector<16xf32>,
      %scatter3A_1847 = arith.constant 0 : i32
      %scatter3A_1848 = arith.constant 0 : i32
      %scatter3A_1849 = tpu.memref_slice %arg13[%rem3A_1264, %scatter3A_1847, %scatter3A_1848] : memref<2x64x128xf32, #tpu.memory_space<vmem>> -> memref<1x64x128xf32, #tpu.memory_space<vmem>>
      %scatter3A_1850 = tpu.memref_squeeze %scatter3A_1849 : memref<1x64x128xf32, #tpu.memory_space<vmem>> -> memref<64x128xf32, #tpu.memory_space<vmem>>
      tpu.vector_store_idx %scatter3A_1850[%broadcast_in_dim3A_1830, %iota3A], %gather3A_1838 : memref<64x128xf32, #tpu.memory_space<vmem>>[vector<16xi32>, vector<16xi32>], vector<16xf32>,
      %add3A_1851 = arith.constant 16 : i32
      %add3A_1852 = vector.broadcast %add3A_1851 : i32 to vector<16xi32>
      %add3A_1853 = arith.addi %iota3A, %add3A_1852 : vector<16xi32>
      %scatter3A_1854 = arith.constant 0 : i32
      %scatter3A_1855 = arith.constant 0 : i32
      %scatter3A_1856 = tpu.memref_slice %arg13[%rem3A_1264, %scatter3A_1854, %scatter3A_1855] : memref<2x64x128xf32, #tpu.memory_space<vmem>> -> memref<1x64x128xf32, #tpu.memory_space<vmem>>
      %scatter3A_1857 = tpu.memref_squeeze %scatter3A_1856 : memref<1x64x128xf32, #tpu.memory_space<vmem>> -> memref<64x128xf32, #tpu.memory_space<vmem>>
      tpu.vector_store_idx %scatter3A_1857[%broadcast_in_dim3A_1830, %add3A_1853], %gather3A_1846 : memref<64x128xf32, #tpu.memory_space<vmem>>[vector<16xi32>, vector<16xi32>], vector<16xf32>,
      %rem3A_1858 = arith.constant 8 : i32
      %rem3A_1859 = arith.remsi %add3A_1232, %rem3A_1858 : i32
      %eq3A_1860 = arith.constant 7 : i32
      %eq3A_1861 = arith.cmpi eq, %rem3A_1859, %eq3A_1860 : i32
      %convert_element_type3A_1862 = arith.extui %eq3A_1861 : i1 to i32
      %cond3A_1863 = arith.constant 0 : i32
      %cond3A_1864 = arith.cmpi ne, %convert_element_type3A_1862, %cond3A_1863 : i32
      scf.if %cond3A_1864 {
        %dma_start3A_1865 = arith.constant 0 : i32
        %dma_start3A_1866 = arith.constant 0 : i32
        %dma_start3A_1867 = tpu.memref_slice %arg13[%rem3A_1264, %dma_start3A_1865, %dma_start3A_1866] : memref<2x64x128xf32, #tpu.memory_space<vmem>> -> memref<1x64x128xf32, #tpu.memory_space<vmem>>
        %dma_start3A_1868 = tpu.memref_squeeze %dma_start3A_1867 : memref<1x64x128xf32, #tpu.memory_space<vmem>> -> memref<64x128xf32, #tpu.memory_space<vmem>>
        %dma_start3A_1869 = arith.constant 0 : i32
        %dma_start3A_1870 = tpu.memref_slice %arg11[%select_n3A_1262, %dma_start3A_1869] : memref<8x64xi32, #tpu.memory_space<vmem>> -> memref<1x64xi32, #tpu.memory_space<vmem>>
        %dma_start3A_1871 = tpu.memref_squeeze %dma_start3A_1870 : memref<1x64xi32, #tpu.memory_space<vmem>> -> memref<64xi32, #tpu.memory_space<vmem>>
        %dma_start3A_1872 = arith.constant 0 : i32
        %dma_start3A_1873 = arith.constant 0 : i32
        %dma_start3A_1874 = tpu.memref_slice %arg9[%dma_start3A_1872, %dma_start3A_1873] : memref<16384x128xf32, #tpu.memory_space<hbm>> -> memref<16384x128xf32, #tpu.memory_space<hbm>>
        tpu.enqueue_indirect_dma source(%dma_start3A_1868 : memref<64x128xf32, #tpu.memory_space<vmem>>) target(%dma_start3A_1874 : memref<16384x128xf32, #tpu.memory_space<hbm>>) offsets(%dma_start3A_1871 : memref<64xi32, #tpu.memory_space<vmem>>) semaphore(%arg15 : memref<!tpu.dma_semaphore, #tpu.memory_space<semaphore_mem>>)
      } else {
      }
    }
    %scan3A_1197 = arith.constant 64 : i32
    %dma_wait3A_1198 = arith.constant 0 : i32
    %dma_wait3A_1199 = arith.constant 0 : i32
    %dma_wait3A_1200 = arith.constant 0 : i32
    %dma_wait3A_1201 = tpu.memref_slice %arg13[%dma_wait3A_1198, %dma_wait3A_1199, %dma_wait3A_1200] : memref<2x64x128xf32, #tpu.memory_space<vmem>> -> memref<1x64x128xf32, #tpu.memory_space<vmem>>
    %dma_wait3A_1202 = tpu.memref_squeeze %dma_wait3A_1201 : memref<1x64x128xf32, #tpu.memory_space<vmem>> -> memref<64x128xf32, #tpu.memory_space<vmem>>
    %dma_wait3A_1203 = arith.constant 0 : i32
    %dma_wait3A_1204 = arith.constant 0 : i32
    %dma_wait3A_1205 = tpu.memref_slice %arg9[%dma_wait3A_1203, %dma_wait3A_1204] : memref<16384x128xf32, #tpu.memory_space<hbm>> -> memref<64x128xf32, #tpu.memory_space<hbm>>
    %dma_wait3A_1206 = arith.constant 0 : i32
    %dma_wait3A_1207 = arith.constant 0 : i32
    %dma_wait3A_1208 = tpu.memref_slice %arg9[%dma_wait3A_1206, %dma_wait3A_1207] : memref<16384x128xf32, #tpu.memory_space<hbm>> -> memref<64x128xf32, #tpu.memory_space<hbm>>
    %dma_wait3A_1209 = arith.constant 0 : i32
    %dma_wait3A_1210 = arith.constant 0 : i32
    %dma_wait3A_1211 = tpu.memref_slice %arg13[%dma_wait3A_1198, %dma_wait3A_1209, %dma_wait3A_1210] : memref<2x64x128xf32, #tpu.memory_space<vmem>> -> memref<1x64x128xf32, #tpu.memory_space<vmem>>
    %dma_wait3A_1212 = tpu.memref_squeeze %dma_wait3A_1211 : memref<1x64x128xf32, #tpu.memory_space<vmem>> -> memref<64x128xf32, #tpu.memory_space<vmem>>
    tpu.wait_dma2 semaphore(%arg15 : memref<!tpu.dma_semaphore, #tpu.memory_space<semaphore_mem>>) src(%dma_wait3A_1212 : memref<64x128xf32, #tpu.memory_space<vmem>>) dst(%dma_wait3A_1208 : memref<64x128xf32, #tpu.memory_space<hbm>>)
    %dma_wait3A_1213 = arith.constant 0 : i32
    %dma_wait3A_1214 = arith.constant 0 : i32
    %dma_wait3A_1215 = arith.constant 0 : i32
    %dma_wait3A_1216 = tpu.memref_slice %arg13[%dma_wait3A_1213, %dma_wait3A_1214, %dma_wait3A_1215] : memref<2x64x128xf32, #tpu.memory_space<vmem>> -> memref<1x64x128xf32, #tpu.memory_space<vmem>>
    %dma_wait3A_1217 = tpu.memref_squeeze %dma_wait3A_1216 : memref<1x64x128xf32, #tpu.memory_space<vmem>> -> memref<64x128xf32, #tpu.memory_space<vmem>>
    %dma_wait3A_1218 = arith.constant 0 : i32
    %dma_wait3A_1219 = arith.constant 0 : i32
    %dma_wait3A_1220 = tpu.memref_slice %arg9[%dma_wait3A_1218, %dma_wait3A_1219] : memref<16384x128xf32, #tpu.memory_space<hbm>> -> memref<64x128xf32, #tpu.memory_space<hbm>>
    %dma_wait3A_1221 = arith.constant 0 : i32
    %dma_wait3A_1222 = arith.constant 0 : i32
    %dma_wait3A_1223 = tpu.memref_slice %arg9[%dma_wait3A_1221, %dma_wait3A_1222] : memref<16384x128xf32, #tpu.memory_space<hbm>> -> memref<64x128xf32, #tpu.memory_space<hbm>>
    %dma_wait3A_1224 = arith.constant 0 : i32
    %dma_wait3A_1225 = arith.constant 0 : i32
    %dma_wait3A_1226 = tpu.memref_slice %arg13[%dma_wait3A_1213, %dma_wait3A_1224, %dma_wait3A_1225] : memref<2x64x128xf32, #tpu.memory_space<vmem>> -> memref<1x64x128xf32, #tpu.memory_space<vmem>>
    %dma_wait3A_1227 = tpu.memref_squeeze %dma_wait3A_1226 : memref<1x64x128xf32, #tpu.memory_space<vmem>> -> memref<64x128xf32, #tpu.memory_space<vmem>>
    tpu.wait_dma2 semaphore(%arg15 : memref<!tpu.dma_semaphore, #tpu.memory_space<semaphore_mem>>) src(%dma_wait3A_1227 : memref<64x128xf32, #tpu.memory_space<vmem>>) dst(%dma_wait3A_1223 : memref<64x128xf32, #tpu.memory_space<hbm>>)
    return
  }
}

module attributes {stable_mosaic.version = 14 : i64} {
  func.func @_mlp_body(%arg0: i32, %arg1: memref<2048x128xf32, #tpu.memory_space<vmem>>, %arg2: memref<2048x128xf32, #tpu.memory_space<vmem>>, %arg3: memref<128x64xf32, #tpu.memory_space<vmem>>, %arg4: memref<1x128xf32, #tpu.memory_space<vmem>>, %arg5: memref<64x128xf32, #tpu.memory_space<vmem>>, %arg6: memref<1x64xf32, #tpu.memory_space<vmem>>, %arg7: memref<32x64xf32, #tpu.memory_space<vmem>>, %arg8: memref<1x32xf32, #tpu.memory_space<vmem>>, %arg9: memref<1x32xf32, #tpu.memory_space<vmem>>, %arg10: memref<1x1xf32, #tpu.memory_space<vmem>>, %arg11: memref<2048x1xf32, #tpu.memory_space<vmem>>) attributes {dimension_semantics = [#tpu.dimension_semantics<arbitrary>], iteration_bounds = array<i64: 8>, scalar_prefetch = 0 : i64, scratch_operands = 0 : i64, tpu.core_type = #tpu.core_type<tc>, window_params = [{transform_indices = @transform_0, window_bounds = array<i64: 2048, 128>}, {transform_indices = @transform_1, window_bounds = array<i64: 2048, 128>}, {pipeline_mode = #tpu.pipeline_mode<synchronous>, transform_indices = @transform_2, window_bounds = array<i64: 128, 64>}, {pipeline_mode = #tpu.pipeline_mode<synchronous>, transform_indices = @transform_3, window_bounds = array<i64: 1, 128>}, {pipeline_mode = #tpu.pipeline_mode<synchronous>, transform_indices = @transform_4, window_bounds = array<i64: 64, 128>}, {pipeline_mode = #tpu.pipeline_mode<synchronous>, transform_indices = @transform_5, window_bounds = array<i64: 1, 64>}, {pipeline_mode = #tpu.pipeline_mode<synchronous>, transform_indices = @transform_6, window_bounds = array<i64: 32, 64>}, {pipeline_mode = #tpu.pipeline_mode<synchronous>, transform_indices = @transform_7, window_bounds = array<i64: 1, 32>}, {pipeline_mode = #tpu.pipeline_mode<synchronous>, transform_indices = @transform_8, window_bounds = array<i64: 1, 32>}, {pipeline_mode = #tpu.pipeline_mode<synchronous>, transform_indices = @transform_9, window_bounds = array<i64: 1, 1>}, {transform_indices = @transform_10, window_bounds = array<i64: 2048, 1>}]} {
    %get3A = arith.constant 0 : index
    %get3A_0 = arith.constant 0 : index
    %get3A_1 = vector.load %arg1[%get3A, %get3A_0] : memref<2048x128xf32, #tpu.memory_space<vmem>>, vector<2048x128xf32>
    %slice3A = vector.extract_strided_slice %get3A_1 {offsets = [0, 0], sizes = [2048, 32], strides = [1, 1]} : vector<2048x128xf32> to vector<2048x32xf32>
    %get3A_2 = arith.constant 0 : index
    %get3A_3 = arith.constant 0 : index
    %get3A_4 = vector.load %arg2[%get3A_2, %get3A_3] : memref<2048x128xf32, #tpu.memory_space<vmem>>, vector<2048x128xf32>
    %slice3A_5 = vector.extract_strided_slice %get3A_4 {offsets = [0, 0], sizes = [2048, 32], strides = [1, 1]} : vector<2048x128xf32> to vector<2048x32xf32>
    %get3A_6 = arith.constant 0 : index
    %get3A_7 = arith.constant 0 : index
    %get3A_8 = vector.load %arg3[%get3A_6, %get3A_7] : memref<128x64xf32, #tpu.memory_space<vmem>>, vector<128x64xf32>
    %slice3A_9 = vector.extract_strided_slice %get3A_8 {offsets = [0, 0], sizes = [128, 32], strides = [1, 1]} : vector<128x64xf32> to vector<128x32xf32>
    %dot_general3A = arith.constant dense<0.000000e+00> : vector<2048x128xf32>
    %dot_general3A_10 = tpu.matmul %slice3A, %slice3A_9, %dot_general3A {dimension_numbers = #tpu.dot_dimension_numbers<[1], [1], [0], [0], [0, 0, 1, 0], [], []>, transpose_lhs_hint = false} : vector<2048x32xf32>, vector<128x32xf32>, vector<2048x128xf32> -> vector<2048x128xf32>
    %slice3A_11 = vector.extract_strided_slice %get3A_8 {offsets = [0, 32], sizes = [128, 32], strides = [1, 1]} : vector<128x64xf32> to vector<128x32xf32>
    %dot_general3A_12 = arith.constant dense<0.000000e+00> : vector<2048x128xf32>
    %dot_general3A_13 = tpu.matmul %slice3A_5, %slice3A_11, %dot_general3A_12 {dimension_numbers = #tpu.dot_dimension_numbers<[1], [1], [0], [0], [0, 0, 1, 0], [], []>, transpose_lhs_hint = false} : vector<2048x32xf32>, vector<128x32xf32>, vector<2048x128xf32> -> vector<2048x128xf32>
    %add3A = arith.addf %dot_general3A_10, %dot_general3A_13 : vector<2048x128xf32>
    %get3A_14 = arith.constant 0 : index
    %get3A_15 = arith.constant 0 : index
    %get3A_16 = vector.load %arg4[%get3A_14, %get3A_15] : memref<1x128xf32, #tpu.memory_space<vmem>>, vector<1x128xf32>
    %add3A_17 = vector.broadcast %get3A_16 : vector<1x128xf32> to vector<2048x128xf32>
    %add3A_18 = arith.addf %add3A, %add3A_17 : vector<2048x128xf32>
    %max3A = arith.constant 0.000000e+00 : f32
    %max3A_19 = vector.broadcast %max3A : f32 to vector<2048x128xf32>
    %max3A_20 = arith.maximumf %add3A_18, %max3A_19 : vector<2048x128xf32>
    %get3A_21 = arith.constant 0 : index
    %get3A_22 = arith.constant 0 : index
    %get3A_23 = vector.load %arg5[%get3A_21, %get3A_22] : memref<64x128xf32, #tpu.memory_space<vmem>>, vector<64x128xf32>
    %dot_general3A_24 = arith.constant dense<0.000000e+00> : vector<2048x64xf32>
    %dot_general3A_25 = tpu.matmul %max3A_20, %get3A_23, %dot_general3A_24 {dimension_numbers = #tpu.dot_dimension_numbers<[1], [1], [0], [0], [0, 0, 1, 0], [], []>, transpose_lhs_hint = false} : vector<2048x128xf32>, vector<64x128xf32>, vector<2048x64xf32> -> vector<2048x64xf32>
    %get3A_26 = arith.constant 0 : index
    %get3A_27 = arith.constant 0 : index
    %get3A_28 = vector.load %arg6[%get3A_26, %get3A_27] : memref<1x64xf32, #tpu.memory_space<vmem>>, vector<1x64xf32>
    %add3A_29 = vector.broadcast %get3A_28 : vector<1x64xf32> to vector<2048x64xf32>
    %add3A_30 = arith.addf %dot_general3A_25, %add3A_29 : vector<2048x64xf32>
    %max3A_31 = arith.constant 0.000000e+00 : f32
    %max3A_32 = vector.broadcast %max3A_31 : f32 to vector<2048x64xf32>
    %max3A_33 = arith.maximumf %add3A_30, %max3A_32 : vector<2048x64xf32>
    %get3A_34 = arith.constant 0 : index
    %get3A_35 = arith.constant 0 : index
    %get3A_36 = vector.load %arg7[%get3A_34, %get3A_35] : memref<32x64xf32, #tpu.memory_space<vmem>>, vector<32x64xf32>
    %dot_general3A_37 = arith.constant dense<0.000000e+00> : vector<2048x32xf32>
    %dot_general3A_38 = tpu.matmul %max3A_33, %get3A_36, %dot_general3A_37 {dimension_numbers = #tpu.dot_dimension_numbers<[1], [1], [0], [0], [0, 0, 1, 0], [], []>, transpose_lhs_hint = false} : vector<2048x64xf32>, vector<32x64xf32>, vector<2048x32xf32> -> vector<2048x32xf32>
    %get3A_39 = arith.constant 0 : index
    %get3A_40 = arith.constant 0 : index
    %get3A_41 = vector.load %arg8[%get3A_39, %get3A_40] : memref<1x32xf32, #tpu.memory_space<vmem>>, vector<1x32xf32>
    %add3A_42 = vector.broadcast %get3A_41 : vector<1x32xf32> to vector<2048x32xf32>
    %add3A_43 = arith.addf %dot_general3A_38, %add3A_42 : vector<2048x32xf32>
    %max3A_44 = arith.constant 0.000000e+00 : f32
    %max3A_45 = vector.broadcast %max3A_44 : f32 to vector<2048x32xf32>
    %max3A_46 = arith.maximumf %add3A_43, %max3A_45 : vector<2048x32xf32>
    %get3A_47 = arith.constant 0 : index
    %get3A_48 = arith.constant 0 : index
    %get3A_49 = vector.load %arg9[%get3A_47, %get3A_48] : memref<1x32xf32, #tpu.memory_space<vmem>>, vector<1x32xf32>
    %mul3A = vector.broadcast %get3A_49 : vector<1x32xf32> to vector<2048x32xf32>
    %mul3A_50 = arith.mulf %max3A_46, %mul3A : vector<2048x32xf32>
    %reduce_sum3A = arith.constant dense<0.000000e+00> : vector<2048xf32>
    %reduce_sum3A_51 = vector.multi_reduction <add>, %mul3A_50, %reduce_sum3A [1] : vector<2048x32xf32> to vector<2048xf32>
    %broadcast_in_dim3A = vector.shape_cast %reduce_sum3A_51 : vector<2048xf32> to vector<2048x1xf32>
    %get3A_52 = arith.constant 0 : index
    %get3A_53 = arith.constant 0 : index
    %get3A_54 = vector.load %arg10[%get3A_52, %get3A_53] : memref<1x1xf32, #tpu.memory_space<vmem>>, vector<1x1xf32>
    %add3A_55 = vector.broadcast %get3A_54 : vector<1x1xf32> to vector<2048x1xf32>
    %add3A_56 = arith.addf %broadcast_in_dim3A, %add3A_55 : vector<2048x1xf32>
    %logistic3A = arith.negf %add3A_56 : vector<2048x1xf32>
    %logistic3A_57 = math.exp %logistic3A : vector<2048x1xf32>
    %logistic3A_58 = arith.constant 1.000000e+00 : f32
    %logistic3A_59 = vector.broadcast %logistic3A_58 : f32 to vector<2048x1xf32>
    %logistic3A_60 = arith.addf %logistic3A_59, %logistic3A_57 : vector<2048x1xf32>
    %logistic3A_61 = arith.divf %logistic3A_59, %logistic3A_60 : vector<2048x1xf32>
    %swap3A = arith.constant 0 : index
    %swap3A_62 = arith.constant 0 : index
    %swap3A_63 = vector.load %arg11[%swap3A, %swap3A_62] : memref<2048x1xf32, #tpu.memory_space<vmem>>, vector<2048x1xf32>
    tpu.vector_store %arg11[%swap3A, %swap3A_62], %logistic3A_61 {strides = array<i32>} : memref<2048x1xf32, #tpu.memory_space<vmem>>, vector<2048x1xf32>,
    return
  }
  func.func @transform_0(%arg0: i32) -> (i32, i32) {
    %c0_i32 = arith.constant 0 : i32
    %c0_i32_0 = arith.constant 0 : i32
    return %arg0, %c0_i32 : i32, i32
  }
  func.func @transform_1(%arg0: i32) -> (i32, i32) {
    %c0_i32 = arith.constant 0 : i32
    %c0_i32_0 = arith.constant 0 : i32
    return %arg0, %c0_i32 : i32, i32
  }
  func.func @transform_2(%arg0: i32) -> (i32, i32) {
    %c0_i32 = arith.constant 0 : i32
    %c0_i32_0 = arith.constant 0 : i32
    %c0_i32_1 = arith.constant 0 : i32
    return %c0_i32, %c0_i32_0 : i32, i32
  }
  func.func @transform_3(%arg0: i32) -> (i32, i32) {
    %c0_i32 = arith.constant 0 : i32
    %c0_i32_0 = arith.constant 0 : i32
    %c0_i32_1 = arith.constant 0 : i32
    return %c0_i32, %c0_i32_0 : i32, i32
  }
  func.func @transform_4(%arg0: i32) -> (i32, i32) {
    %c0_i32 = arith.constant 0 : i32
    %c0_i32_0 = arith.constant 0 : i32
    %c0_i32_1 = arith.constant 0 : i32
    return %c0_i32, %c0_i32_0 : i32, i32
  }
  func.func @transform_5(%arg0: i32) -> (i32, i32) {
    %c0_i32 = arith.constant 0 : i32
    %c0_i32_0 = arith.constant 0 : i32
    %c0_i32_1 = arith.constant 0 : i32
    return %c0_i32, %c0_i32_0 : i32, i32
  }
  func.func @transform_6(%arg0: i32) -> (i32, i32) {
    %c0_i32 = arith.constant 0 : i32
    %c0_i32_0 = arith.constant 0 : i32
    %c0_i32_1 = arith.constant 0 : i32
    return %c0_i32, %c0_i32_0 : i32, i32
  }
  func.func @transform_7(%arg0: i32) -> (i32, i32) {
    %c0_i32 = arith.constant 0 : i32
    %c0_i32_0 = arith.constant 0 : i32
    %c0_i32_1 = arith.constant 0 : i32
    return %c0_i32, %c0_i32_0 : i32, i32
  }
  func.func @transform_8(%arg0: i32) -> (i32, i32) {
    %c0_i32 = arith.constant 0 : i32
    %c0_i32_0 = arith.constant 0 : i32
    %c0_i32_1 = arith.constant 0 : i32
    return %c0_i32, %c0_i32_0 : i32, i32
  }
  func.func @transform_9(%arg0: i32) -> (i32, i32) {
    %c0_i32 = arith.constant 0 : i32
    %c0_i32_0 = arith.constant 0 : i32
    %c0_i32_1 = arith.constant 0 : i32
    return %c0_i32, %c0_i32_0 : i32, i32
  }
  func.func @transform_10(%arg0: i32) -> (i32, i32) {
    %c0_i32 = arith.constant 0 : i32
    %c0_i32_0 = arith.constant 0 : i32
    return %arg0, %c0_i32 : i32, i32
  }
}

</mosaic_0001>

<sc_bundles>
// kernel: gather_offload_async_start.1
scs
__scs_entry_jumppad:
0x0: {  	(pc) =	sbr.rel $0x88, $3  }
0x1: {  	(tag) =	ssettag $0x0;
	lr =	simm.s32 $0x1  }
0x2: {  	[smem:$0x3F95] =	sst lr;
	_ =	strace $0xD0000000  }
0x3: {  	_ = 	snop  }
0x4: {  	_ = 	snop  }
0x5: {  	_ = 	snop  }
0x6: {  	_ = 	snop  }
0x7: {  	_ = 	snop  }
__scs_overlays_trampoline_lowered:
0x8: {  	[smem:$0x3FA4] =	sst s0  }
0x9: {  	[smem:$0x3FA5] =	sst s1  }
0xa: {  	[smem:$0x3FA6] =	sst s2  }
0xb: {  	[smem:$0x3FA7] =	sst s3  }
0xc: {  	[smem:$0x3FA8] =	sst s4  }
0xd: {  	[smem:$0x3FA9] =	sst s5  }
0xe: {  	[smem:$0x3FAA] =	sst s6  }
0xf: {  	[smem:$0x3FAB] =	sst s7  }
0x10: {  	[smem:$0x3FAC] =	sst s8  }
0x11: {  	[smem:$0x3FAD] =	sst s9;
	s0 =	simm.s32 @!p0 $0x0  }
0x12: {  	s1 =	sld [smem:$0x3F93];
	s0 =	simm.s32 @p0 $0x1  }
0x13: {  	[smem:$0x3FAE] =	sst s0;
	s0 =	simm.s32 @!p1 $0x0  }
0x14: {  	s2 =	sld [smem:$0x3F92];
	s0 =	simm.s32 @p1 $0x1  }
0x15: {  	[smem:$0x3FAF] =	sst s0;
	s0 =	simm.s32 @!p2 $0x0  }
0x16: {  	s3 =	sld [smem:$0x3FDB];
	s0 =	simm.s32 @p2 $0x1  }
0x17: {  	s4 =	simm.s32 $0x1BF5;
	[smem:$0x3FB1] =	sst s0  }
0x18: {  	s0 =	sld [smem:$0x3F94];
	_ =	swait.ge [sflag:s4], $0x0  }
0x19: {  	s7 =	sld [smem:$0x3F95]  }
0x1a: {  	s8 =	sadd.s32 $0xFFFFE003, lr  }
0x1b: {  	s9 =	sadd.s32 $0xFFFFFEF7, lr;
	s5 =	simm.s32 $0xFFFFFFFF;
	p2 =	slt.u32 s8, $0xFFFFF086  }
0x1c: {  	p1 =	slt.u32 s9, $0xF7A;
	s5 =	simm.s32 @!p2 $0x0  }
0x1d: {  	s5 =	simm.s32 @p1 $0x1;
	p0 =	seq.s32 s7, s2  }
0x1e: {  	s7 =	smul.u32 @!p0 $0xF7A, s2;
	p2 =	seq.s32 @!p0 s5, $0x0  }
0x1f: {  	s9 =	smul.u32 $0xF7A, s1;
	s8 =	simm.s32 @!p0 $0x1BF5;
	p2 =	por !p2, p0  }
0x20: {  	[sflag:s8] =	ssyncset.s32 @!p0 $0xFFFFF086;
	s6 =	sadd.s32 @!p0 s3, s7;
	s7 =	simm.s32 @!p0 $0x108  }
0x21: {  	s3 =	sadd.s32 s3, s9;
	s6 =	sadd.s32 @!p0 $0x88, s6;
	s7 =	simm.s32 @p2 $0x1082  }
0x22: {  	[simem:s7], [sflag:s8] =	dma.local @!p0 [hbm:s6], $0xF7A  }
0x23: {  	s9 =	sor.u32 $0xD0000000, s2;
	s6 =	simm.s32 $0x108;
	_ =	swait.ge @!p0 [sflag:s8], $0x0  }
0x24: {  	s3 =	sadd.s32 $0x88, s3;
	s6 =	simm.s32 @!p1 $0x1082;
	[sflag:s4] =	ssyncset.s32 $0xFFFFF086  }
0x25: {  	[simem:s6], [sflag:s4] =	dma.local [hbm:s3], $0xF7A  }
0x26: {  	[smem:$0x3F95] =	sst s1;
	(tag) =	ssettag s2;
	_ =	strace s9  }
0x27: {  	s1 =	sld [smem:$0x3FA5]  }
0x28: {  	s2 =	sld [smem:$0x3FA6]  }
0x29: {  	s4 =	sld [smem:$0x3FA8]  }
0x2a: {  	p0 =	seq.s32 s5, $0x0;
	s5 =	sld [smem:$0x3FA9]  }
0x2b: {  	s6 =	sld [smem:$0x3FAA]  }
0x2c: {  	s7 =	sld [smem:$0x3FAB]  }
0x2d: {  	s3 =	simm.s32 $0x108;
	s8 =	sld [smem:$0x3FAC]  }
0x2e: {  	s3 =	simm.s32 @!p0 $0x1082;
	s9 =	sld [smem:$0x3FAD]  }
0x2f: {  	lr =	sadd.s32 s0, s3;
	s0 =	sld [smem:$0x3FA4]  }
0x30: {  	s3 =	sld [smem:$0x3FA7]  }
0x31: {  	[smem:$0x3FB0] =	sst s10  }
0x32: {  	s10 =	sld [smem:$0x3FAE];
	_ =	sdelay $0x3  }
0x33: {  	p0 =	seq.s32 s10, $0x1;
	s10 =	sld [smem:$0x3FB0];
	_ =	sdelay $0x3  }
0x34: {  	[smem:$0x3FB0] =	sst s10  }
0x35: {  	s10 =	sld [smem:$0x3FAF];
	_ =	sdelay $0x3  }
0x36: {  	p1 =	seq.s32 s10, $0x1;
	s10 =	sld [smem:$0x3FB0];
	_ =	sdelay $0x3  }
0x37: {  	[smem:$0x3FB0] =	sst s10  }
0x38: {  	s10 =	sld [smem:$0x3FB1]  }
0x39: {  	_ = 	snop;
	(pc) =	sbr.ind lr, $3  }
0x3a: {  	_ = 	snop  }
0x3b: {  	_ = 	snop  }
0x3c: {  	p2 =	seq.s32 s10, $0x1;
	s10 =	sld [smem:$0x3FB0]  }
0x3d: {  	_ =	shalt  }
0x3e: {  	_ =	shalt  }
0x3f: {  	_ =	shalt  }
0x40: {  	_ =	shalt  }
0x41: {  	_ =	shalt  }
0x42: {  	_ =	shalt  }
0x43: {  	_ =	shalt  }
0x44: {  	_ =	shalt  }
0x45: {  	_ =	shalt  }
0x46: {  	_ =	shalt  }
0x47: {  	_ =	shalt  }
0x48: {  	_ =	shalt  }
0x49: {  	_ =	shalt  }
0x4a: {  	_ =	shalt  }
0x4b: {  	_ =	shalt  }
0x4c: {  	_ =	shalt  }
0x4d: {  	_ =	shalt  }
0x4e: {  	_ =	shalt  }
0x4f: {  	_ =	shalt  }
0x50: {  	_ =	shalt  }
0x51: {  	_ =	shalt  }
0x52: {  	_ =	shalt  }
0x53: {  	_ =	shalt  }
0x54: {  	_ =	shalt  }
0x55: {  	_ =	shalt  }
0x56: {  	_ =	shalt  }
0x57: {  	_ =	shalt  }
0x58: {  	_ =	shalt  }
0x59: {  	_ =	shalt  }
0x5a: {  	_ =	shalt  }
0x5b: {  	_ =	shalt  }
0x5c: {  	_ =	shalt  }
0x5d: {  	_ =	shalt  }
0x5e: {  	_ =	shalt  }
0x5f: {  	_ =	shalt  }
0x60: {  	_ =	shalt  }
0x61: {  	_ =	shalt  }
0x62: {  	_ =	shalt  }
0x63: {  	_ =	shalt  }
0x64: {  	_ =	shalt  }
0x65: {  	_ =	shalt  }
0x66: {  	_ =	shalt  }
0x67: {  	_ =	shalt  }
0x68: {  	_ =	shalt  }
0x69: {  	_ =	shalt  }
0x6a: {  	_ =	shalt  }
0x6b: {  	_ =	shalt  }
0x6c: {  	_ =	shalt  }
0x6d: {  	_ =	shalt  }
0x6e: {  	_ =	shalt  }
0x6f: {  	_ =	shalt  }
0x70: {  	_ =	shalt  }
0x71: {  	_ =	shalt  }
0x72: {  	_ =	shalt  }
0x73: {  	_ =	shalt  }
0x74: {  	_ =	shalt  }
0x75: {  	_ =	shalt  }
0x76: {  	_ =	shalt  }
0x77: {  	_ =	shalt  }
0x78: {  	_ =	shalt  }
0x79: {  	_ =	shalt  }
0x7a: {  	_ =	shalt  }
0x7b: {  	_ =	shalt  }
0x7c: {  	_ =	shalt  }
0x7d: {  	_ =	shalt  }
0x7e: {  	_ =	shalt  }
0x7f: {  	_ =	shalt  }
0x80: {  	_ =	shalt  }
0x81: {  	_ =	shalt  }
0x82: {  	_ =	shalt  }
0x83: {  	_ =	shalt  }
0x84: {  	_ =	shalt  }
0x85: {  	_ =	shalt  }
0x86: {  	_ =	shalt  }
0x87: {  	_ =	shalt  }
.Lfunc_end0:
.L_simem_size_0:
called_computation.1_lowered:
.L_overlay_start_0:
0x88: {  	s2 =	sld [smem:$0x3FD9]  }
0x89: {  	s3 =	sld [smem:$0x3FFE];
	_ =	sdelay $0x1  }
0x8a: {  	s1 =	srdreg.scid  }
0x8b: {  	s0 =	sand.u32 $0x1, s1  }
0x8c: {  	s17 =	sshll.u32 s0, $0xA;
	s2 =	sadd.s32 s3, s2  }
0x8d: {  	s2 =	sadd.s32 s2, s17  }
0x8e: {  	[smem:$0x3FBC] =	sst s2  }
0x8f: {  	_ = 	snop  }
0x90: {  	s2 =	sld [smem:$0x3FC8];
	(tm) =	ssettm $0x1  }
0x91: {  	s18 =	sld [smem:$0x3FFB];
	_ =	sdelay $0x3  }
0x92: {  	_ =	strace s18  }
0x93: {  	s3 =	sld [smem:$0x3FFC];
	_ =	sdelay $0x3  }
0x94: {  	_ =	strace s3  }
0x95: {  	s3 =	sld [smem:$0x3FFD];
	_ =	sdelay $0x3  }
0x96: {  	_ =	strace s3  }
0x97: {  	_ =	strace $0x8FFFFFFF  }
0x98: {  	s19 =	sld [smem:$0x3FDB];
	_ =	sdelay $0x1  }
0x99: {  	s4 =	simm.s32 $_scs_section_size  }
0x9a: {  	s5 =	simm.s32 $_size__tile_overlayer_lowered;
	s6 =	simm.s32 $_tile_overlayer_lowered  }
0x9b: {  	s22 =	simm.s32 $0x1BFF;
	s21 =	sshll.u32 s6, $0x1;
	s3 =	sadd.s32 s4, s19  }
0x9c: {  	s7 =	simm.s32 $0x0;
	s20 =	sshll.u32 s5, $0x1;
	s5 =	sadd.s32 s21, s3  }
0x9d: {  	[timem:s7], [sflag:s22] =	dma.local [hbm:s5], s20  }
0x9e: {  	_ =	swait.ge [sflag:s22], s20  }
0x9f: {  	s4 =	ssub.s32 $0x0, s20;
	[sflag:s22] =	ssyncset.done $0x0  }
0xa0: {  	[sflag:s22] =	ssyncadd.s32 s4;
	_ =	sdelay $0x1  }
0xa1: {  	s23 =	simm.s32 $0x1B8B  }
0xa2: {  	_ =	swait.ge [sflag:s23], $0x1  }
0xa3: {  	[sflag:s23] =	ssyncset.done $0x0  }
0xa4: {  	s25 =	simm.s32 $0x1B8E;
	s24 =	sld [smem:$0x3FFE];
	[sflag:s23] =	ssyncadd.s32 $0xFFFFFFFF  }
0xa5: {  	s26 =	simm.s32 $execute0_lowered;
	[smem:$0x3FD2] =	sst s25  }
0xa6: {  	s5 =	sshll.u32 s26, $0x1;
	_ =	strace $0x80000046;
	[dreg:$0x1] =	wrdreg $0xFFFFFFFF  }
0xa7: {  	s28 =	simm.s32 $_size_execute0_lowered;
	s3 =	sadd.s32 s3, s5;
	[dreg:$0x0] =	wrdreg $0x0  }
0xa8: {  	s5 =	sshll.u32 s28, $0x1;
	[dreg:$0x2] =	wrdreg s3  }
0xa9: {  	[dreg:$0x3] =	wrdreg s5  }
0xaa: {  	[dreg:$0x4] =	wrdreg $0xC0  }
0xab: {  	_ =	task [dreg:s7], $0x5FFFF  }
0xac: {  	[dreg:$0x1] =	wrdreg $0xFFFFFFFF  }
0xad: {  	[dreg:$0x0] =	wrdreg $0x60  }
0xae: {  	[dreg:$0x2] =	wrdreg s2  }
0xaf: {  	[dreg:$0x3] =	wrdreg s24  }
0xb0: {  	[dreg:$0x4] =	wrdreg $0xA  }
0xb1: {  	_ =	task.clear_ibuf [dreg:s7], $0x5FFFF;
	_ =	strace $0x90000046  }
0xb2: {  	s29 =	simm.s32 $0xA;
	_ =	strace $0x80000048  }
0xb3: {  	_ =	swait.ge [sflag:s29], $0x1  }
0xb4: {  	[sflag:s29] =	ssyncadd.s32 $0xFFFFFFFF  }
0xb5: {  	_ =	strace $0x90000048  }
0xb6: {  	_ =	sfence  }
0xb7: {  	s30 =	sld [smem:$0x0];
	_ =	sdelay $0x2  }
0xb8: {  	s31 =	sshll.u32 s1, $0xD;
	s1 =	sshrl.u32 s1, $0x2  }
0xb9: {  	s3 =	sand.u32 $0x4000, s31;
	s1 =	sadd.s32 s1, s30  }
0xba: {  	s0 =	sor.u32 s3, s0;
	s1 =	sshll.u32 s1, $0x11  }
0xbb: {  	s0 =	sor.u32 s1, s0  }
0xbc: {  	s0 =	sadd.s32 $0x8F2B, s0  }
0xbd: {  	[sflag:s0] =	ssyncadd.remote.s32 $0x1  }
0xbe: {  	_ =	sfence.sel $0xFFFF  }
0xbf: {  	[dreg:$0x0] =	wrdreg $0xFFFFFFFF;
	(pc) =	sbr.abs _section_cstart, $3  }
0xc0: {  	[dreg:$0x1] =	wrdreg $0xFFFFFFFF  }
0xc1: {  	_ =	task.clear_ibuf [dreg:s7], $0x2FFFF;
	_ =	strace $0x9FFFFFFF  }
0xc2: {  	(tm) =	ssettm $0x7FFFFFFF  }
0xc3: {  	_ =	shalt  }
tec
execute0_lowered:
.L_overlay_start_1:
0x0: {  	(tag) =	ssettag $0x1  }
0x1: {  	s1 =	srdreg.scid;
	s2 =	rddreg [dreg:$0x0]  }
0x2: {  	s0 =	stileid.u32;
	s5 =	rddreg [dreg:$0x1];
	s6 =	simm.s32 $0x1  }
0x3: {  	s9 =	simm.s32 $0x1;
	s10 =	simm.s32 $0x3;
	s1 =	sshll.u32 s1, $0x8  }
0x4: {  	s13 =	simm.s32 $0x0;
	s3 =	sshll.u32 s0, $0x9;
	s4 =	sand.u32 $0x100, s1  }
0x5: {  	s12 =	simm.s32 $0x0;
	s1 =	rddreg [dreg:$0x2];
	s3 =	sor.u32 s3, s4  }
0x6: {  	_ =	strace $0x80000047;
	s4 =	sadd.s32 $0x1200, s5;
	s8 =	ssub.s32 $0x4000, s3  }
.Ltmp0:
0x7: {  	s5 =	sadd.s32 $0x1A00, s5;
	s7 =	sand.u32 $0x1F00, s8;
	(pc) =	sbr.rel .LBB2_1-.Ltmp0, $4  }
0x8: {  	[sflag:s6] =	ssyncpa.u1 $0x0;
	s11 =	smov.u32 s3;
	p0 =	sne.s32 s7, $0x0  }
0x9: {  	s8 =	sshrl.u32 s8, $0xD;
	s7 =	simm.s32 $0x2;
	s9 =	simm.s32 @!p0 $0x0  }
0xa: {  	[sflag:s7] =	ssyncpa.u1 $0x0;
	p0 =	por $0x0, $0x0;
	s8 =	sadd.s32 s9, s8  }
0xb: {  	vm0 =	vmmov $0xffff;
	[sflag:s10] =	ssyncpa.u1 $0x0;
	s10 =	simm.s32 $0x0;
	s9 =	sadd.s32 $0x1, s8  }
.LBB2_4:
0xc: {  	v2 =	vnsel vm1, $0x0, v2  }
0xd: {  	vm1 =	vgt.s32 v0, $0x0;
	v2 =	vmin.u32 v2, $0x3FFF  }
0xe: {  	v0 =	vnsel vm1, $0x0, v0  }
0xf: {  	v0 =	vmin.u32 v0, $0x3FFF  }
0x10: {  	[tilespmem:s15], [sflag:$0x1] =	stream.indirect_vreg.gather [hbm4b:s2+s10], $0x1, v1, vm0, $0x4038;
	[tilespmem:$0x400] =	vst v63  }
0x11: {  	(ifvalue) =	ssetifvalue $0x7FFFFFFF  }
0x12: {  	[tilespmem:s16], [sflag:$0x1] =	stream.indirect_vreg.gather [hbm4b:s2+s10], $0x1, v2, vm0, $0x4038;
	[tilespmem:$0x400] =	vst v63  }
0x13: {  	s29 =	sadd.s32 $0x10, s16;
	(ifvalue) =	ssetifvalue $0x7FFFFFFF  }
0x14: {  	[tilespmem:s29], [sflag:$0x1] =	stream.indirect_vreg.gather [hbm4b:s2+s10], $0x1, v0, vm0, $0x4038;
	[tilespmem:$0x400] =	vst v63  }
0x15: {  	_ =	swait.ge [sflag:s6], $0x100  }
0x16: {  	s30 =	sshrl.u32 s13, $0x3;
	[sflag:s6] =	ssyncset.done $0x0  }
0x17: {  	s31 =	sand.u32 $0x7, s13;
	s15 =	sadd.s32 s5, s30;
	[sflag:s6] =	ssyncadd.s32 $0xFFFFFF00  }
0x18: {  	[hbm4b:s15+s31] =	stream.linear.scatter [tilespmem:s14], [sflag:$0x3], $0x100, $0x38;
	[tilespmem:$0x400] =	vst v63  }
.LBB2_5:
0x19: {  	s15 =	sadd.s32 $0x2000, s11  }
0x1a: {  	p2 =	sgt.s32 s15, $0x3FFF  }
0x1b: {  	s15 =	smov.u32 @p2 s3;
	p2 =	sne.s32 s12, s9  }
.Ltmp1:
0x1c: {  	p1 =	slt.u32 s12, $0x2;
	(pc) =	sbr.rel @!p2 .LBB2_6-.Ltmp1, $4  }
0x1d: {  	s14 =	simm.s32 @!p1 $0x3  }
0x1e: {  	s16 =	sadd.s32 $0x1, s12;
	_ =	swait.ge @!p1 [sflag:s14], $0x100  }
0x1f: {  	s13 =	smov.u32 s11;
	p0 =	por !p0, !p0;
	[sflag:s14] =	ssyncset.done @!p1 $0x0  }
0x20: {  	s12 =	smov.u32 s16;
	s11 =	smov.u32 s15;
	[sflag:s14] =	ssyncadd.s32 @!p1 $0xFFFFFF00  }
.LBB2_1:
0x21: {  	p1 =	sge.u32 s12, s8  }
0x22: {  	s14 =	sxor.u32 @!p1 $0xFFFFFFFF, s12  }
0x23: {  	s31 =	sadd.s32 $0xFFFFFFFF, s12;
	s15 =	sshrl.u32 @!p1 s11, $0x3;
	s14 =	sshll.u32 @!p1 s14, $0x8  }
0x24: {  	s16 =	sand.u32 @!p1 $0x7, s11;
	s15 =	sadd.s32 @!p1 s4, s15;
	s14 =	sand.u32 @!p1 $0x100, s14  }
0x25: {  	[tilespmem:s14], [sflag:$0x2] =	stream.linear.gather @!p1 [hbm4b:s15+s16], $0x100, $0x38;
	[tilespmem:$0x400] =	vst v63  }
0x26: {  	p1 =	sge.u32 s31, s8  }
.Ltmp2:
0x27: {  	_ = 	snop;
	(pc) =	sbr.rel @p1 .LBB2_5-.Ltmp2, $1  }
0x28: {  	_ =	sdelay $0x3  }
0x29: {  	s14 =	simm.s32 $0x1  }
0x2a: {  	_ =	swait.ge [sflag:s7], $0x100;
	s14 =	simm.s32 @!p0 $0x0  }
0x2b: {  	[sflag:s7] =	ssyncset.done $0x0;
	s14 =	sshll.u32 s14, $0x8  }
0x2c: {  	[sflag:s7] =	ssyncadd.s32 $0xFFFFFF00;
	(ifvalue) =	ssetifvalue $0x7FFFFFFF;
	v0 =	vld.msk [tilespmem:s14+$0x0 ss:$0x1], $0xffff;
	_ =	sdelay $0x4  }
0x2d: {  	s15 =	sadd.s32 $0x10, s14;
	vm1 =	vgt.s32 v0, $0x0  }
0x2e: {  	v2 =	vld.msk [tilespmem:s15+$0x0 ss:$0x1], $0xffff;
	v1 =	vnsel vm1, $0x0, v0  }
0x2f: {  	v1 =	vmin.u32 v1, $0x3FFF;
	_ =	sdelay $0x1  }
0x30: {  	s16 =	sshll.u32 s12, $0x8;
	s18 =	simm.s32 $0x20  }
0x31: {  	s16 =	sand.u32 $0x100, s16;
	s17 =	sadd.s32 $0x10, s15;
	s15 =	sor.u32 $0x200, s14  }
0x32: {  	s14 =	sor.u32 $0x200, s16;
	s16 =	sadd.s32 $0x10, s15;
	v0 =	vld.msk [tilespmem:s17+$0x0 ss:$0x1], $0xffff;
	vm1 =	vgt.s32 v2, $0x0;
	(ifvalue) =	ssetifvalue $0x7FFFFFFF  }
.LBB2_3:
0x33: {  	[tilespmem:s15], [sflag:$0x1] =	stream.indirect_vreg.gather [hbm4b:s2+s10], $0x1, v1, vm0, $0x4038;
	[tilespmem:$0x400] =	vst v63  }
0x34: {  	s18 =	sadd.s32 $0x10, s18  }
0x35: {  	v2 =	vnsel vm1, $0x0, v2;
	p1 =	slt.u32 s18, $0xF0  }
.Ltmp3:
0x36: {  	s15 =	smov.u32 s16;
	v1 =	vmin.u32 v2, $0x3FFF;
	(pc) =	sbr.rel @p1 .LBB2_3-.Ltmp3, $3  }
0x37: {  	_ =	sdelay $0x1  }
0x38: {  	s17 =	sadd.s32 $0x10, s17  }
0x39: {  	vm1 =	vgt.s32 v0, $0x0;
	s16 =	sadd.s32 $0x10, s16;
	v2 =	vmov v0;
	(ifvalue) =	ssetifvalue $0x7FFFFFFF;
	v0 =	vld.msk [tilespmem:s17+$0x0 ss:$0x1], $0xffff  }
.Ltmp4:
0x3a: {  	_ = 	snop;
	(pc) =	sbr.rel .LBB2_4-.Ltmp4, $1  }
0x3b: {  	_ =	sdelay $0x3  }
.LBB2_6:
0x3c: {  	_ =	sfence.sel $0x180000  }
0x3d: {  	s2 =	simm.s32 $0x2;
	[bflag:$0x0] =	sbarrier.arrive $0xFFFF  }
0x3e: {  	s30 =	simm.s32 $0x3;
	[sflag:s2] =	ssyncpa.u1 $0x1  }
0x3f: {  	s31 =	simm.s32 $0x1;
	[sflag:s30] =	ssyncpa.u1 $0x1  }
0x40: {  	[sflag:s31] =	ssyncpa.u1 $0x1  }
0x41: {  	p0 =	sne.s32 s0, $0x0;
	_ =	strace $0x90000047  }
0x42: {  	s0 =	sadd.s32 @!p0 $0x100000, s1;
	[bflag:$0x2] =	sbarrier.arrive $0xFFFF  }
0x43: {  	[sflag:s0] =	ssyncadd.tile.s32 @!p0 $0x1;
	_ =	shalt  }
.Lfunc_end2:
_tile_overlayer_lowered:
.L_overlay_start_2:
0x44: {  	(tag) =	ssettag $0x2  }
0x45: {  	s0 =	rddreg [dreg:$0x0];
	s2 =	stileid.u32  }
0x46: {  	s1 =	rddreg [dreg:$0x1];
	p0 =	sne.s32 s2, $0x0  }
0x47: {  	s3 =	rddreg [dreg:$0x2];
	[bflag:$0x3] =	sbarrier.arrive $0xFFFF;
	s2 =	simm.s32 @!p0 $0x1C01  }
0x48: {  	[timem:s3], [sflag:s2] =	dma.local @!p0 [hbm:s0], s1  }
0x49: {  	s0 =	simm.s32 @!p0 $0x1  }
0x4a: {  	_ =	swait.ge @!p0 [sflag:s0], s1  }
0x4b: {  	s1 =	ssub.s32 @!p0 $0x0, s1;
	[sflag:s0] =	ssyncset.done @!p0 $0x0  }
0x4c: {  	[sflag:s0] =	ssyncadd.s32 @!p0 s1  }
0x4d: {  	[bflag:$0x3] =	sbarrier.arrive $0xFFFF  }
0x4e: {  	_ =	shalt  }

// kernel: gather_offload_async_start
scs
__scs_entry_jumppad:
0x0: {  	(pc) =	sbr.rel $0x88, $3  }
0x1: {  	(tag) =	ssettag $0x0;
	lr =	simm.s32 $0x1  }
0x2: {  	[smem:$0x3F95] =	sst lr;
	_ =	strace $0xD0000000  }
0x3: {  	_ = 	snop  }
0x4: {  	_ = 	snop  }
0x5: {  	_ = 	snop  }
0x6: {  	_ = 	snop  }
0x7: {  	_ = 	snop  }
__scs_overlays_trampoline_lowered:
0x8: {  	[smem:$0x3FA4] =	sst s0  }
0x9: {  	[smem:$0x3FA5] =	sst s1  }
0xa: {  	[smem:$0x3FA6] =	sst s2  }
0xb: {  	[smem:$0x3FA7] =	sst s3  }
0xc: {  	[smem:$0x3FA8] =	sst s4  }
0xd: {  	[smem:$0x3FA9] =	sst s5  }
0xe: {  	[smem:$0x3FAA] =	sst s6  }
0xf: {  	[smem:$0x3FAB] =	sst s7  }
0x10: {  	[smem:$0x3FAC] =	sst s8  }
0x11: {  	[smem:$0x3FAD] =	sst s9;
	s0 =	simm.s32 @!p0 $0x0  }
0x12: {  	s1 =	sld [smem:$0x3F93];
	s0 =	simm.s32 @p0 $0x1  }
0x13: {  	[smem:$0x3FAE] =	sst s0;
	s0 =	simm.s32 @!p1 $0x0  }
0x14: {  	s2 =	sld [smem:$0x3F92];
	s0 =	simm.s32 @p1 $0x1  }
0x15: {  	[smem:$0x3FAF] =	sst s0;
	s0 =	simm.s32 @!p2 $0x0  }
0x16: {  	s3 =	sld [smem:$0x3FDB];
	s0 =	simm.s32 @p2 $0x1  }
0x17: {  	s4 =	simm.s32 $0x1BF5;
	[smem:$0x3FB1] =	sst s0  }
0x18: {  	s0 =	sld [smem:$0x3F94];
	_ =	swait.ge [sflag:s4], $0x0  }
0x19: {  	s7 =	sld [smem:$0x3F95]  }
0x1a: {  	s8 =	sadd.s32 $0xFFFFE003, lr  }
0x1b: {  	s9 =	sadd.s32 $0xFFFFFEF7, lr;
	s5 =	simm.s32 $0xFFFFFFFF;
	p2 =	slt.u32 s8, $0xFFFFF086  }
0x1c: {  	p1 =	slt.u32 s9, $0xF7A;
	s5 =	simm.s32 @!p2 $0x0  }
0x1d: {  	s5 =	simm.s32 @p1 $0x1;
	p0 =	seq.s32 s7, s2  }
0x1e: {  	s7 =	smul.u32 @!p0 $0xF7A, s2;
	p2 =	seq.s32 @!p0 s5, $0x0  }
0x1f: {  	s9 =	smul.u32 $0xF7A, s1;
	s8 =	simm.s32 @!p0 $0x1BF5;
	p2 =	por !p2, p0  }
0x20: {  	[sflag:s8] =	ssyncset.s32 @!p0 $0xFFFFF086;
	s6 =	sadd.s32 @!p0 s3, s7;
	s7 =	simm.s32 @!p0 $0x108  }
0x21: {  	s3 =	sadd.s32 s3, s9;
	s6 =	sadd.s32 @!p0 $0x88, s6;
	s7 =	simm.s32 @p2 $0x1082  }
0x22: {  	[simem:s7], [sflag:s8] =	dma.local @!p0 [hbm:s6], $0xF7A  }
0x23: {  	s9 =	sor.u32 $0xD0000000, s2;
	s6 =	simm.s32 $0x108;
	_ =	swait.ge @!p0 [sflag:s8], $0x0  }
0x24: {  	s3 =	sadd.s32 $0x88, s3;
	s6 =	simm.s32 @!p1 $0x1082;
	[sflag:s4] =	ssyncset.s32 $0xFFFFF086  }
0x25: {  	[simem:s6], [sflag:s4] =	dma.local [hbm:s3], $0xF7A  }
0x26: {  	[smem:$0x3F95] =	sst s1;
	(tag) =	ssettag s2;
	_ =	strace s9  }
0x27: {  	s1 =	sld [smem:$0x3FA5]  }
0x28: {  	s2 =	sld [smem:$0x3FA6]  }
0x29: {  	s4 =	sld [smem:$0x3FA8]  }
0x2a: {  	p0 =	seq.s32 s5, $0x0;
	s5 =	sld [smem:$0x3FA9]  }
0x2b: {  	s6 =	sld [smem:$0x3FAA]  }
0x2c: {  	s7 =	sld [smem:$0x3FAB]  }
0x2d: {  	s3 =	simm.s32 $0x108;
	s8 =	sld [smem:$0x3FAC]  }
0x2e: {  	s3 =	simm.s32 @!p0 $0x1082;
	s9 =	sld [smem:$0x3FAD]  }
0x2f: {  	lr =	sadd.s32 s0, s3;
	s0 =	sld [smem:$0x3FA4]  }
0x30: {  	s3 =	sld [smem:$0x3FA7]  }
0x31: {  	[smem:$0x3FB0] =	sst s10  }
0x32: {  	s10 =	sld [smem:$0x3FAE];
	_ =	sdelay $0x3  }
0x33: {  	p0 =	seq.s32 s10, $0x1;
	s10 =	sld [smem:$0x3FB0];
	_ =	sdelay $0x3  }
0x34: {  	[smem:$0x3FB0] =	sst s10  }
0x35: {  	s10 =	sld [smem:$0x3FAF];
	_ =	sdelay $0x3  }
0x36: {  	p1 =	seq.s32 s10, $0x1;
	s10 =	sld [smem:$0x3FB0];
	_ =	sdelay $0x3  }
0x37: {  	[smem:$0x3FB0] =	sst s10  }
0x38: {  	s10 =	sld [smem:$0x3FB1]  }
0x39: {  	_ = 	snop;
	(pc) =	sbr.ind lr, $3  }
0x3a: {  	_ = 	snop  }
0x3b: {  	_ = 	snop  }
0x3c: {  	p2 =	seq.s32 s10, $0x1;
	s10 =	sld [smem:$0x3FB0]  }
0x3d: {  	_ =	shalt  }
0x3e: {  	_ =	shalt  }
0x3f: {  	_ =	shalt  }
0x40: {  	_ =	shalt  }
0x41: {  	_ =	shalt  }
0x42: {  	_ =	shalt  }
0x43: {  	_ =	shalt  }
0x44: {  	_ =	shalt  }
0x45: {  	_ =	shalt  }
0x46: {  	_ =	shalt  }
0x47: {  	_ =	shalt  }
0x48: {  	_ =	shalt  }
0x49: {  	_ =	shalt  }
0x4a: {  	_ =	shalt  }
0x4b: {  	_ =	shalt  }
0x4c: {  	_ =	shalt  }
0x4d: {  	_ =	shalt  }
0x4e: {  	_ =	shalt  }
0x4f: {  	_ =	shalt  }
0x50: {  	_ =	shalt  }
0x51: {  	_ =	shalt  }
0x52: {  	_ =	shalt  }
0x53: {  	_ =	shalt  }
0x54: {  	_ =	shalt  }
0x55: {  	_ =	shalt  }
0x56: {  	_ =	shalt  }
0x57: {  	_ =	shalt  }
0x58: {  	_ =	shalt  }
0x59: {  	_ =	shalt  }
0x5a: {  	_ =	shalt  }
0x5b: {  	_ =	shalt  }
0x5c: {  	_ =	shalt  }
0x5d: {  	_ =	shalt  }
0x5e: {  	_ =	shalt  }
0x5f: {  	_ =	shalt  }
0x60: {  	_ =	shalt  }
0x61: {  	_ =	shalt  }
0x62: {  	_ =	shalt  }
0x63: {  	_ =	shalt  }
0x64: {  	_ =	shalt  }
0x65: {  	_ =	shalt  }
0x66: {  	_ =	shalt  }
0x67: {  	_ =	shalt  }
0x68: {  	_ =	shalt  }
0x69: {  	_ =	shalt  }
0x6a: {  	_ =	shalt  }
0x6b: {  	_ =	shalt  }
0x6c: {  	_ =	shalt  }
0x6d: {  	_ =	shalt  }
0x6e: {  	_ =	shalt  }
0x6f: {  	_ =	shalt  }
0x70: {  	_ =	shalt  }
0x71: {  	_ =	shalt  }
0x72: {  	_ =	shalt  }
0x73: {  	_ =	shalt  }
0x74: {  	_ =	shalt  }
0x75: {  	_ =	shalt  }
0x76: {  	_ =	shalt  }
0x77: {  	_ =	shalt  }
0x78: {  	_ =	shalt  }
0x79: {  	_ =	shalt  }
0x7a: {  	_ =	shalt  }
0x7b: {  	_ =	shalt  }
0x7c: {  	_ =	shalt  }
0x7d: {  	_ =	shalt  }
0x7e: {  	_ =	shalt  }
0x7f: {  	_ =	shalt  }
0x80: {  	_ =	shalt  }
0x81: {  	_ =	shalt  }
0x82: {  	_ =	shalt  }
0x83: {  	_ =	shalt  }
0x84: {  	_ =	shalt  }
0x85: {  	_ =	shalt  }
0x86: {  	_ =	shalt  }
0x87: {  	_ =	shalt  }
.Lfunc_end0:
.L_simem_size_0:
called_computation_lowered:
.L_overlay_start_0:
0x88: {  	s2 =	sld [smem:$0x3FD9]  }
0x89: {  	s3 =	sld [smem:$0x3FFE];
	_ =	sdelay $0x1  }
0x8a: {  	s1 =	srdreg.scid  }
0x8b: {  	s0 =	sand.u32 $0x1, s1  }
0x8c: {  	s17 =	sshll.u32 s0, $0xA;
	s2 =	sadd.s32 s3, s2  }
0x8d: {  	s2 =	sadd.s32 s2, s17  }
0x8e: {  	[smem:$0x3FBC] =	sst s2  }
0x8f: {  	_ = 	snop  }
0x90: {  	s18 =	sld [smem:$0x3FC9]  }
0x91: {  	s4 =	sld [smem:$0x3FD0];
	(tm) =	ssettm $0x1  }
0x92: {  	s19 =	sld [smem:$0x3FFB];
	_ =	sdelay $0x3  }
0x93: {  	_ =	strace s19  }
0x94: {  	s2 =	sld [smem:$0x3FFC];
	_ =	sdelay $0x3  }
0x95: {  	_ =	strace s2  }
0x96: {  	s2 =	sld [smem:$0x3FFD];
	_ =	sdelay $0x3  }
0x97: {  	_ =	strace s2  }
0x98: {  	_ =	strace $0x8FFFFFFF  }
0x99: {  	s20 =	sld [smem:$0x3FDB];
	_ =	sdelay $0x1  }
0x9a: {  	s5 =	simm.s32 $_scs_section_size  }
0x9b: {  	s6 =	simm.s32 $_size__tile_overlayer_lowered;
	s7 =	simm.s32 $_tile_overlayer_lowered  }
0x9c: {  	s8 =	simm.s32 $0x1BFF;
	s21 =	sshll.u32 s7, $0x1;
	s5 =	sadd.s32 s5, s20  }
0x9d: {  	s22 =	simm.s32 $0x0;
	s6 =	sshll.u32 s6, $0x1;
	s7 =	sadd.s32 s21, s5  }
0x9e: {  	[timem:s22], [sflag:s8] =	dma.local [hbm:s7], s6  }
0x9f: {  	_ =	swait.ge [sflag:s8], s6  }
0xa0: {  	s6 =	ssub.s32 $0x0, s6;
	[sflag:s8] =	ssyncset.done $0x0  }
0xa1: {  	[sflag:s8] =	ssyncadd.s32 s6;
	_ =	sdelay $0x1  }
0xa2: {  	s23 =	simm.s32 $0x1B8B  }
0xa3: {  	_ =	swait.ge [sflag:s23], $0x1  }
0xa4: {  	[sflag:s23] =	ssyncset.done $0x0  }
0xa5: {  	[sflag:s23] =	ssyncadd.s32 $0xFFFFFFFF  }
0xa6: {  	s6 =	sld [smem:$0x0]  }
0xa7: {  	s7 =	sand.u32 $0xFFFFFFFE, s1  }
0xa8: {  	p0 =	sne.s32 s1, s7  }
0xa9: {  	s7 =	sshll.u32 @p0 s7, $0xE  }
0xaa: {  	s7 =	sadd.s32 @p0 $0x11B8D, s7;
	s8 =	sshll.u32 @p0 s6, $0x11  }
0xab: {  	s7 =	sor.u32 @p0 s8, s7  }
0xac: {  	[sflag:s7] =	ssyncadd.remote.s32 @p0 $0x1;
	_ =	sdelay $0x1  }
0xad: {  	s7 =	simm.s32 @p0 $0x1B8D  }
0xae: {  	_ =	swait.eq @p0 [sflag:s7], $0x1  }
0xaf: {  	[sflag:s7] =	ssyncadd.s32 @p0 $0xFFFFFFFF  }
0xb0: {  	s8 =	sshll.u32 @!p0 s1, $0xE  }
0xb1: {  	s8 =	sor.u32 @!p0 $0x4000, s8;
	s7 =	simm.s32 @!p0 $0x1B8D  }
0xb2: {  	s6 =	sshll.u32 @!p0 s6, $0x11;
	s8 =	sadd.s32 @!p0 $0x11B8D, s8;
	_ =	swait.eq @!p0 [sflag:s7], $0x1  }
0xb3: {  	s6 =	sor.u32 @!p0 s6, s8;
	[sflag:s7] =	ssyncadd.s32 @!p0 $0xFFFFFFFF  }
0xb4: {  	s25 =	simm.s32 $0x1B8E;
	s24 =	sld [smem:$0x3FFE];
	[sflag:s6] =	ssyncadd.remote.s32 @!p0 $0x1  }
0xb5: {  	s26 =	simm.s32 $execute0_lowered;
	[smem:$0x3FD2] =	sst s25  }
0xb6: {  	s7 =	sshll.u32 s26, $0x1;
	_ =	strace $0x80000049;
	[dreg:$0x1] =	wrdreg $0xFFFFFFFF  }
0xb7: {  	s28 =	simm.s32 $_size_execute0_lowered;
	s5 =	sadd.s32 s5, s7;
	[dreg:$0x0] =	wrdreg $0x0  }
0xb8: {  	s7 =	sshll.u32 s28, $0x1;
	[dreg:$0x2] =	wrdreg s5  }
0xb9: {  	[dreg:$0x3] =	wrdreg s7  }
0xba: {  	[dreg:$0x4] =	wrdreg $0xC0  }
0xbb: {  	_ =	task [dreg:s22], $0x5FFFF  }
0xbc: {  	[dreg:$0x1] =	wrdreg $0xFFFFFFFF  }
0xbd: {  	[dreg:$0x0] =	wrdreg $0x60  }
0xbe: {  	[dreg:$0x2] =	wrdreg s18  }
0xbf: {  	[dreg:$0x3] =	wrdreg s4  }
0xc0: {  	[dreg:$0x4] =	wrdreg s24  }
0xc1: {  	[dreg:$0x5] =	wrdreg $0x9  }
0xc2: {  	_ =	task.clear_ibuf [dreg:s22], $0x6FFFF;
	_ =	strace $0x90000049  }
0xc3: {  	s29 =	simm.s32 $0x9;
	_ =	strace $0x8000004B  }
0xc4: {  	_ =	swait.ge [sflag:s29], $0x1  }
0xc5: {  	[sflag:s29] =	ssyncadd.s32 $0xFFFFFFFF  }
0xc6: {  	_ =	strace $0x9000004B  }
0xc7: {  	_ =	sfence  }
0xc8: {  	s30 =	sld [smem:$0x0];
	_ =	sdelay $0x2  }
0xc9: {  	s31 =	sshll.u32 s1, $0xD;
	s1 =	sshrl.u32 s1, $0x2  }
0xca: {  	s4 =	sand.u32 $0x4000, s31;
	s1 =	sadd.s32 s1, s30  }
0xcb: {  	s0 =	sor.u32 s4, s0;
	s1 =	sshll.u32 s1, $0x11  }
0xcc: {  	s0 =	sor.u32 s1, s0  }
0xcd: {  	s0 =	sadd.s32 $0x8F2B, s0  }
0xce: {  	[sflag:s0] =	ssyncadd.remote.s32 $0x1  }
0xcf: {  	_ =	sfence.sel $0xFFFF  }
0xd0: {  	[dreg:$0x0] =	wrdreg $0xFFFFFFFF;
	(pc) =	sbr.abs _section_cstart, $3  }
0xd1: {  	[dreg:$0x1] =	wrdreg $0xFFFFFFFF  }
0xd2: {  	_ =	task.clear_ibuf [dreg:s22], $0x2FFFF;
	_ =	strace $0x9FFFFFFF  }
0xd3: {  	(tm) =	ssettm $0x7FFFFFFF  }
tec
execute0_lowered:
.L_overlay_start_1:
0x0: {  	(tag) =	ssettag $0x1  }
0x1: {  	s2 =	rddreg [dreg:$0x0]  }
0x2: {  	s1 =	srdreg.scid;
	s3 =	rddreg [dreg:$0x1]  }
0x3: {  	s0 =	stileid.u32;
	s5 =	rddreg [dreg:$0x2]  }
0x4: {  	s9 =	simm.s32 $0x1;
	s10 =	simm.s32 $0x3;
	s1 =	sshll.u32 s1, $0x8  }
0x5: {  	s13 =	simm.s32 $0x0;
	s4 =	sshll.u32 s0, $0x9;
	s6 =	sand.u32 $0x100, s1  }
0x6: {  	s12 =	simm.s32 $0x0;
	s5 =	sadd.s32 $0x3200, s5;
	s4 =	sor.u32 s4, s6  }
0x7: {  	s1 =	rddreg [dreg:$0x3];
	_ =	strace $0x8000004A;
	s8 =	ssub.s32 $0x4000, s4  }
.Ltmp0:
0x8: {  	s6 =	simm.s32 $0x1;
	s7 =	sand.u32 $0x1F00, s8;
	(pc) =	sbr.rel .LBB2_1-.Ltmp0, $4  }
0x9: {  	[sflag:s6] =	ssyncpa.u1 $0x0;
	s11 =	smov.u32 s4;
	p0 =	sne.s32 s7, $0x0  }
0xa: {  	s8 =	sshrl.u32 s8, $0xD;
	s7 =	simm.s32 $0x2;
	s9 =	simm.s32 @!p0 $0x0  }
0xb: {  	[sflag:s7] =	ssyncpa.u1 $0x0;
	p0 =	por $0x0, $0x0;
	s8 =	sadd.s32 s9, s8  }
0xc: {  	vm0 =	vmmov $0xffff;
	[sflag:s10] =	ssyncpa.u1 $0x0;
	s10 =	simm.s32 $0x0;
	s9 =	sadd.s32 $0x1, s8  }
.LBB2_4:
0xd: {  	v2 =	vnsel vm1, $0x0, v2  }
0xe: {  	vm1 =	vgt.s32 v0, $0x0;
	v2 =	vmin.u32 v2, $0x3FFF  }
0xf: {  	v0 =	vnsel vm1, $0x0, v0  }
0x10: {  	v0 =	vmin.u32 v0, $0x3FFF  }
0x11: {  	[tilespmem:s15], [sflag:$0x1] =	stream.indirect_vreg.gather [hbm4b:s2+s10], $0x1, v1, vm0, $0x4038;
	[tilespmem:$0x400] =	vst v63  }
0x12: {  	(ifvalue) =	ssetifvalue $0x7FFFFFFF  }
0x13: {  	[tilespmem:s16], [sflag:$0x1] =	stream.indirect_vreg.gather [hbm4b:s2+s10], $0x1, v2, vm0, $0x4038;
	[tilespmem:$0x400] =	vst v63  }
0x14: {  	s29 =	sadd.s32 $0x10, s16;
	(ifvalue) =	ssetifvalue $0x7FFFFFFF  }
0x15: {  	[tilespmem:s29], [sflag:$0x1] =	stream.indirect_vreg.gather [hbm4b:s2+s10], $0x1, v0, vm0, $0x4038;
	[tilespmem:$0x400] =	vst v63  }
0x16: {  	_ =	swait.ge [sflag:s6], $0x100  }
0x17: {  	s30 =	sshrl.u32 s13, $0x3;
	[sflag:s6] =	ssyncset.done $0x0  }
0x18: {  	s31 =	sand.u32 $0x7, s13;
	s15 =	sadd.s32 s5, s30;
	[sflag:s6] =	ssyncadd.s32 $0xFFFFFF00  }
0x19: {  	[hbm4b:s15+s31] =	stream.linear.scatter [tilespmem:s14], [sflag:$0x3], $0x100, $0x38;
	[tilespmem:$0x400] =	vst v63  }
.LBB2_5:
0x1a: {  	s15 =	sadd.s32 $0x2000, s11  }
0x1b: {  	p2 =	sgt.s32 s15, $0x3FFF  }
0x1c: {  	s15 =	smov.u32 @p2 s4;
	p2 =	sne.s32 s12, s9  }
.Ltmp1:
0x1d: {  	p1 =	slt.u32 s12, $0x2;
	(pc) =	sbr.rel @!p2 .LBB2_6-.Ltmp1, $4  }
0x1e: {  	s14 =	simm.s32 @!p1 $0x3  }
0x1f: {  	s16 =	sadd.s32 $0x1, s12;
	_ =	swait.ge @!p1 [sflag:s14], $0x100  }
0x20: {  	s13 =	smov.u32 s11;
	p0 =	por !p0, !p0;
	[sflag:s14] =	ssyncset.done @!p1 $0x0  }
0x21: {  	s12 =	smov.u32 s16;
	s11 =	smov.u32 s15;
	[sflag:s14] =	ssyncadd.s32 @!p1 $0xFFFFFF00  }
.LBB2_1:
0x22: {  	p1 =	sge.u32 s12, s8  }
0x23: {  	s14 =	sxor.u32 @!p1 $0xFFFFFFFF, s12  }
0x24: {  	s31 =	sadd.s32 $0xFFFFFFFF, s12;
	s15 =	sshrl.u32 @!p1 s11, $0x3;
	s14 =	sshll.u32 @!p1 s14, $0x8  }
0x25: {  	s16 =	sand.u32 @!p1 $0x7, s11;
	s15 =	sadd.s32 @!p1 s3, s15;
	s14 =	sand.u32 @!p1 $0x100, s14  }
0x26: {  	[tilespmem:s14], [sflag:$0x2] =	stream.linear.gather @!p1 [hbm4b:s15+s16], $0x100, $0x38;
	[tilespmem:$0x400] =	vst v63  }
0x27: {  	p1 =	sge.u32 s31, s8  }
.Ltmp2:
0x28: {  	_ = 	snop;
	(pc) =	sbr.rel @p1 .LBB2_5-.Ltmp2, $1  }
0x29: {  	_ =	sdelay $0x3  }
0x2a: {  	s14 =	simm.s32 $0x1  }
0x2b: {  	_ =	swait.ge [sflag:s7], $0x100;
	s14 =	simm.s32 @!p0 $0x0  }
0x2c: {  	[sflag:s7] =	ssyncset.done $0x0;
	s14 =	sshll.u32 s14, $0x8  }
0x2d: {  	[sflag:s7] =	ssyncadd.s32 $0xFFFFFF00;
	(ifvalue) =	ssetifvalue $0x7FFFFFFF;
	v0 =	vld.msk [tilespmem:s14+$0x0 ss:$0x1], $0xffff;
	_ =	sdelay $0x4  }
0x2e: {  	s15 =	sadd.s32 $0x10, s14;
	vm1 =	vgt.s32 v0, $0x0  }
0x2f: {  	v2 =	vld.msk [tilespmem:s15+$0x0 ss:$0x1], $0xffff;
	v1 =	vnsel vm1, $0x0, v0  }
0x30: {  	v1 =	vmin.u32 v1, $0x3FFF;
	_ =	sdelay $0x1  }
0x31: {  	s16 =	sshll.u32 s12, $0x8;
	s18 =	simm.s32 $0x20  }
0x32: {  	s16 =	sand.u32 $0x100, s16;
	s17 =	sadd.s32 $0x10, s15;
	s15 =	sor.u32 $0x200, s14  }
0x33: {  	s14 =	sor.u32 $0x200, s16;
	s16 =	sadd.s32 $0x10, s15;
	v0 =	vld.msk [tilespmem:s17+$0x0 ss:$0x1], $0xffff;
	vm1 =	vgt.s32 v2, $0x0;
	(ifvalue) =	ssetifvalue $0x7FFFFFFF  }
.LBB2_3:
0x34: {  	[tilespmem:s15], [sflag:$0x1] =	stream.indirect_vreg.gather [hbm4b:s2+s10], $0x1, v1, vm0, $0x4038;
	[tilespmem:$0x400] =	vst v63  }
0x35: {  	s18 =	sadd.s32 $0x10, s18  }
0x36: {  	v2 =	vnsel vm1, $0x0, v2;
	p1 =	slt.u32 s18, $0xF0  }
.Ltmp3:
0x37: {  	s15 =	smov.u32 s16;
	v1 =	vmin.u32 v2, $0x3FFF;
	(pc) =	sbr.rel @p1 .LBB2_3-.Ltmp3, $3  }
0x38: {  	_ =	sdelay $0x1  }
0x39: {  	s17 =	sadd.s32 $0x10, s17  }
0x3a: {  	vm1 =	vgt.s32 v0, $0x0;
	s16 =	sadd.s32 $0x10, s16;
	v2 =	vmov v0;
	(ifvalue) =	ssetifvalue $0x7FFFFFFF;
	v0 =	vld.msk [tilespmem:s17+$0x0 ss:$0x1], $0xffff  }
.Ltmp4:
0x3b: {  	_ = 	snop;
	(pc) =	sbr.rel .LBB2_4-.Ltmp4, $1  }
0x3c: {  	_ =	sdelay $0x3  }
.LBB2_6:
0x3d: {  	_ =	sfence.sel $0x180000  }
0x3e: {  	s2 =	simm.s32 $0x2;
	[bflag:$0x0] =	sbarrier.arrive $0xFFFF  }
0x3f: {  	s30 =	simm.s32 $0x3;
	[sflag:s2] =	ssyncpa.u1 $0x1  }
0x40: {  	s31 =	simm.s32 $0x1;
	[sflag:s30] =	ssyncpa.u1 $0x1  }
0x41: {  	[sflag:s31] =	ssyncpa.u1 $0x1  }
0x42: {  	p0 =	sne.s32 s0, $0x0;
	_ =	strace $0x9000004A  }
0x43: {  	s0 =	sadd.s32 @!p0 $0x100000, s1;
	[bflag:$0x2] =	sbarrier.arrive $0xFFFF  }
0x44: {  	[sflag:s0] =	ssyncadd.tile.s32 @!p0 $0x1;
	_ =	shalt  }
.Lfunc_end2:
_tile_overlayer_lowered:
.L_overlay_start_2:
0x45: {  	(tag) =	ssettag $0x2  }
0x46: {  	s0 =	rddreg [dreg:$0x0];
	s2 =	stileid.u32  }
0x47: {  	s1 =	rddreg [dreg:$0x1];
	p0 =	sne.s32 s2, $0x0  }
0x48: {  	s3 =	rddreg [dreg:$0x2];
	[bflag:$0x3] =	sbarrier.arrive $0xFFFF;
	s2 =	simm.s32 @!p0 $0x1C01  }
0x49: {  	[timem:s3], [sflag:s2] =	dma.local @!p0 [hbm:s0], s1  }
0x4a: {  	s0 =	simm.s32 @!p0 $0x1  }
0x4b: {  	_ =	swait.ge @!p0 [sflag:s0], s1  }
0x4c: {  	s1 =	ssub.s32 @!p0 $0x0, s1;
	[sflag:s0] =	ssyncset.done @!p0 $0x0  }
0x4d: {  	[sflag:s0] =	ssyncadd.s32 @!p0 s1  }
0x4e: {  	[bflag:$0x3] =	sbarrier.arrive $0xFFFF  }
0x4f: {  	_ =	shalt  }

// kernel: kernel.4.cloned.1.call-start
scs
__scs_entry_jumppad:
0x0: {  	(pc) =	sbr.rel $0x88, $3  }
0x1: {  	(tag) =	ssettag $0x0;
	lr =	simm.s32 $0x1  }
0x2: {  	[smem:$0x3F95] =	sst lr;
	_ =	strace $0xD0000000  }
0x3: {  	_ = 	snop  }
0x4: {  	_ = 	snop  }
0x5: {  	_ = 	snop  }
0x6: {  	_ = 	snop  }
0x7: {  	_ = 	snop  }
__scs_overlays_trampoline_lowered:
0x8: {  	[smem:$0x3FA4] =	sst s0  }
0x9: {  	[smem:$0x3FA5] =	sst s1  }
0xa: {  	[smem:$0x3FA6] =	sst s2  }
0xb: {  	[smem:$0x3FA7] =	sst s3  }
0xc: {  	[smem:$0x3FA8] =	sst s4  }
0xd: {  	[smem:$0x3FA9] =	sst s5  }
0xe: {  	[smem:$0x3FAA] =	sst s6  }
0xf: {  	[smem:$0x3FAB] =	sst s7  }
0x10: {  	[smem:$0x3FAC] =	sst s8  }
0x11: {  	[smem:$0x3FAD] =	sst s9;
	s0 =	simm.s32 @!p0 $0x0  }
0x12: {  	s1 =	sld [smem:$0x3F93];
	s0 =	simm.s32 @p0 $0x1  }
0x13: {  	[smem:$0x3FAE] =	sst s0;
	s0 =	simm.s32 @!p1 $0x0  }
0x14: {  	s2 =	sld [smem:$0x3F92];
	s0 =	simm.s32 @p1 $0x1  }
0x15: {  	[smem:$0x3FAF] =	sst s0;
	s0 =	simm.s32 @!p2 $0x0  }
0x16: {  	s3 =	sld [smem:$0x3FDB];
	s0 =	simm.s32 @p2 $0x1  }
0x17: {  	s4 =	simm.s32 $0x1BF5;
	[smem:$0x3FB1] =	sst s0  }
0x18: {  	s0 =	sld [smem:$0x3F94];
	_ =	swait.ge [sflag:s4], $0x0  }
0x19: {  	s7 =	sld [smem:$0x3F95]  }
0x1a: {  	s8 =	sadd.s32 $0xFFFFE003, lr  }
0x1b: {  	s9 =	sadd.s32 $0xFFFFFEF7, lr;
	s5 =	simm.s32 $0xFFFFFFFF;
	p2 =	slt.u32 s8, $0xFFFFF086  }
0x1c: {  	p1 =	slt.u32 s9, $0xF7A;
	s5 =	simm.s32 @!p2 $0x0  }
0x1d: {  	s5 =	simm.s32 @p1 $0x1;
	p0 =	seq.s32 s7, s2  }
0x1e: {  	s7 =	smul.u32 @!p0 $0xF7A, s2;
	p2 =	seq.s32 @!p0 s5, $0x0  }
0x1f: {  	s9 =	smul.u32 $0xF7A, s1;
	s8 =	simm.s32 @!p0 $0x1BF5;
	p2 =	por !p2, p0  }
0x20: {  	[sflag:s8] =	ssyncset.s32 @!p0 $0xFFFFF086;
	s6 =	sadd.s32 @!p0 s3, s7;
	s7 =	simm.s32 @!p0 $0x108  }
0x21: {  	s3 =	sadd.s32 s3, s9;
	s6 =	sadd.s32 @!p0 $0x88, s6;
	s7 =	simm.s32 @p2 $0x1082  }
0x22: {  	[simem:s7], [sflag:s8] =	dma.local @!p0 [hbm:s6], $0xF7A  }
0x23: {  	s9 =	sor.u32 $0xD0000000, s2;
	s6 =	simm.s32 $0x108;
	_ =	swait.ge @!p0 [sflag:s8], $0x0  }
0x24: {  	s3 =	sadd.s32 $0x88, s3;
	s6 =	simm.s32 @!p1 $0x1082;
	[sflag:s4] =	ssyncset.s32 $0xFFFFF086  }
0x25: {  	[simem:s6], [sflag:s4] =	dma.local [hbm:s3], $0xF7A  }
0x26: {  	[smem:$0x3F95] =	sst s1;
	(tag) =	ssettag s2;
	_ =	strace s9  }
0x27: {  	s1 =	sld [smem:$0x3FA5]  }
0x28: {  	s2 =	sld [smem:$0x3FA6]  }
0x29: {  	s4 =	sld [smem:$0x3FA8]  }
0x2a: {  	p0 =	seq.s32 s5, $0x0;
	s5 =	sld [smem:$0x3FA9]  }
0x2b: {  	s6 =	sld [smem:$0x3FAA]  }
0x2c: {  	s7 =	sld [smem:$0x3FAB]  }
0x2d: {  	s3 =	simm.s32 $0x108;
	s8 =	sld [smem:$0x3FAC]  }
0x2e: {  	s3 =	simm.s32 @!p0 $0x1082;
	s9 =	sld [smem:$0x3FAD]  }
0x2f: {  	lr =	sadd.s32 s0, s3;
	s0 =	sld [smem:$0x3FA4]  }
0x30: {  	s3 =	sld [smem:$0x3FA7]  }
0x31: {  	[smem:$0x3FB0] =	sst s10  }
0x32: {  	s10 =	sld [smem:$0x3FAE];
	_ =	sdelay $0x3  }
0x33: {  	p0 =	seq.s32 s10, $0x1;
	s10 =	sld [smem:$0x3FB0];
	_ =	sdelay $0x3  }
0x34: {  	[smem:$0x3FB0] =	sst s10  }
0x35: {  	s10 =	sld [smem:$0x3FAF];
	_ =	sdelay $0x3  }
0x36: {  	p1 =	seq.s32 s10, $0x1;
	s10 =	sld [smem:$0x3FB0];
	_ =	sdelay $0x3  }
0x37: {  	[smem:$0x3FB0] =	sst s10  }
0x38: {  	s10 =	sld [smem:$0x3FB1]  }
0x39: {  	_ = 	snop;
	(pc) =	sbr.ind lr, $3  }
0x3a: {  	_ = 	snop  }
0x3b: {  	_ = 	snop  }
0x3c: {  	p2 =	seq.s32 s10, $0x1;
	s10 =	sld [smem:$0x3FB0]  }
0x3d: {  	_ =	shalt  }
0x3e: {  	_ =	shalt  }
0x3f: {  	_ =	shalt  }
0x40: {  	_ =	shalt  }
0x41: {  	_ =	shalt  }
0x42: {  	_ =	shalt  }
0x43: {  	_ =	shalt  }
0x44: {  	_ =	shalt  }
0x45: {  	_ =	shalt  }
0x46: {  	_ =	shalt  }
0x47: {  	_ =	shalt  }
0x48: {  	_ =	shalt  }
0x49: {  	_ =	shalt  }
0x4a: {  	_ =	shalt  }
0x4b: {  	_ =	shalt  }
0x4c: {  	_ =	shalt  }
0x4d: {  	_ =	shalt  }
0x4e: {  	_ =	shalt  }
0x4f: {  	_ =	shalt  }
0x50: {  	_ =	shalt  }
0x51: {  	_ =	shalt  }
0x52: {  	_ =	shalt  }
0x53: {  	_ =	shalt  }
0x54: {  	_ =	shalt  }
0x55: {  	_ =	shalt  }
0x56: {  	_ =	shalt  }
0x57: {  	_ =	shalt  }
0x58: {  	_ =	shalt  }
0x59: {  	_ =	shalt  }
0x5a: {  	_ =	shalt  }
0x5b: {  	_ =	shalt  }
0x5c: {  	_ =	shalt  }
0x5d: {  	_ =	shalt  }
0x5e: {  	_ =	shalt  }
0x5f: {  	_ =	shalt  }
0x60: {  	_ =	shalt  }
0x61: {  	_ =	shalt  }
0x62: {  	_ =	shalt  }
0x63: {  	_ =	shalt  }
0x64: {  	_ =	shalt  }
0x65: {  	_ =	shalt  }
0x66: {  	_ =	shalt  }
0x67: {  	_ =	shalt  }
0x68: {  	_ =	shalt  }
0x69: {  	_ =	shalt  }
0x6a: {  	_ =	shalt  }
0x6b: {  	_ =	shalt  }
0x6c: {  	_ =	shalt  }
0x6d: {  	_ =	shalt  }
0x6e: {  	_ =	shalt  }
0x6f: {  	_ =	shalt  }
0x70: {  	_ =	shalt  }
0x71: {  	_ =	shalt  }
0x72: {  	_ =	shalt  }
0x73: {  	_ =	shalt  }
0x74: {  	_ =	shalt  }
0x75: {  	_ =	shalt  }
0x76: {  	_ =	shalt  }
0x77: {  	_ =	shalt  }
0x78: {  	_ =	shalt  }
0x79: {  	_ =	shalt  }
0x7a: {  	_ =	shalt  }
0x7b: {  	_ =	shalt  }
0x7c: {  	_ =	shalt  }
0x7d: {  	_ =	shalt  }
0x7e: {  	_ =	shalt  }
0x7f: {  	_ =	shalt  }
0x80: {  	_ =	shalt  }
0x81: {  	_ =	shalt  }
0x82: {  	_ =	shalt  }
0x83: {  	_ =	shalt  }
0x84: {  	_ =	shalt  }
0x85: {  	_ =	shalt  }
0x86: {  	_ =	shalt  }
0x87: {  	_ =	shalt  }
.Lfunc_end0:
.L_simem_size_0:
called_computation.2_lowered:
.L_overlay_start_0:
0x88: {  	s2 =	sld [smem:$0x3FD9]  }
0x89: {  	s3 =	sld [smem:$0x3FFE];
	_ =	sdelay $0x1  }
0x8a: {  	s1 =	srdreg.scid  }
0x8b: {  	s0 =	sand.u32 $0x1, s1  }
0x8c: {  	s17 =	sshll.u32 s0, $0xA;
	s2 =	sadd.s32 s3, s2  }
0x8d: {  	s2 =	sadd.s32 s2, s17  }
0x8e: {  	[smem:$0x3FBC] =	sst s2  }
0x8f: {  	_ = 	snop  }
0x90: {  	s2 =	sld [smem:$0x3FC7]  }
0x91: {  	s18 =	sld [smem:$0x3FC6];
	(tm) =	ssettm $0x1  }
0x92: {  	s4 =	sld [smem:$0x3FFB];
	_ =	sdelay $0x3  }
0x93: {  	_ =	strace s4  }
0x94: {  	s4 =	sld [smem:$0x3FFC];
	_ =	sdelay $0x3  }
0x95: {  	_ =	strace s4  }
0x96: {  	s4 =	sld [smem:$0x3FFD];
	_ =	sdelay $0x3  }
0x97: {  	_ =	strace s4  }
0x98: {  	_ =	strace $0x8FFFFFFF  }
0x99: {  	s19 =	sld [smem:$0x3FDB];
	_ =	sdelay $0x1  }
0x9a: {  	s5 =	simm.s32 $_scs_section_size  }
0x9b: {  	s6 =	simm.s32 $_size__tile_overlayer_lowered;
	s7 =	simm.s32 $_tile_overlayer_lowered  }
0x9c: {  	s22 =	simm.s32 $0x1BFF;
	s21 =	sshll.u32 s7, $0x1;
	s4 =	sadd.s32 s5, s19  }
0x9d: {  	s8 =	simm.s32 $0x0;
	s20 =	sshll.u32 s6, $0x1;
	s6 =	sadd.s32 s21, s4  }
0x9e: {  	[timem:s8], [sflag:s22] =	dma.local [hbm:s6], s20  }
0x9f: {  	_ =	swait.ge [sflag:s22], s20  }
0xa0: {  	s5 =	ssub.s32 $0x0, s20;
	[sflag:s22] =	ssyncset.done $0x0  }
0xa1: {  	[sflag:s22] =	ssyncadd.s32 s5;
	_ =	sdelay $0x1  }
0xa2: {  	s23 =	simm.s32 $0x1B8B  }
0xa3: {  	_ =	swait.ge [sflag:s23], $0x1  }
0xa4: {  	[sflag:s23] =	ssyncset.done $0x0  }
0xa5: {  	s25 =	simm.s32 $0x1B8E;
	s24 =	sld [smem:$0x3FFE];
	[sflag:s23] =	ssyncadd.s32 $0xFFFFFFFF  }
0xa6: {  	s26 =	simm.s32 $execute0_lowered;
	[smem:$0x3FD2] =	sst s25  }
0xa7: {  	s6 =	sshll.u32 s26, $0x1;
	_ =	strace $0x8000004C;
	[dreg:$0x1] =	wrdreg $0xFFFFFFFF  }
0xa8: {  	s28 =	simm.s32 $_size_execute0_lowered;
	s4 =	sadd.s32 s4, s6;
	[dreg:$0x0] =	wrdreg $0x0  }
0xa9: {  	s6 =	sshll.u32 s28, $0x1;
	[dreg:$0x2] =	wrdreg s4  }
0xaa: {  	[dreg:$0x3] =	wrdreg s6  }
0xab: {  	[dreg:$0x4] =	wrdreg $0xC0  }
0xac: {  	_ =	task [dreg:s8], $0x5FFFF  }
0xad: {  	[dreg:$0x1] =	wrdreg $0xFFFFFFFF  }
0xae: {  	[dreg:$0x0] =	wrdreg $0x60  }
0xaf: {  	[dreg:$0x2] =	wrdreg s24  }
0xb0: {  	[dreg:$0x3] =	wrdreg s2  }
0xb1: {  	[dreg:$0x4] =	wrdreg s18  }
0xb2: {  	[dreg:$0x5] =	wrdreg $0x9  }
0xb3: {  	_ =	task.clear_ibuf [dreg:s8], $0x6FFFF;
	_ =	strace $0x9000004C  }
0xb4: {  	s29 =	simm.s32 $0x9;
	_ =	strace $0x8000004E  }
0xb5: {  	_ =	swait.ge [sflag:s29], $0x1  }
0xb6: {  	[sflag:s29] =	ssyncadd.s32 $0xFFFFFFFF  }
0xb7: {  	_ =	strace $0x9000004E  }
0xb8: {  	_ =	sfence  }
0xb9: {  	s30 =	sld [smem:$0x0];
	_ =	sdelay $0x2  }
0xba: {  	s31 =	sshll.u32 s1, $0xD;
	s1 =	sshrl.u32 s1, $0x2  }
0xbb: {  	s3 =	sand.u32 $0x4000, s31;
	s1 =	sadd.s32 s1, s30  }
0xbc: {  	s0 =	sor.u32 s3, s0;
	s1 =	sshll.u32 s1, $0x11  }
0xbd: {  	s0 =	sor.u32 s1, s0  }
0xbe: {  	s0 =	sadd.s32 $0x8F2B, s0  }
0xbf: {  	[sflag:s0] =	ssyncadd.remote.s32 $0x1  }
0xc0: {  	_ =	sfence.sel $0xFFFF  }
0xc1: {  	[dreg:$0x0] =	wrdreg $0xFFFFFFFF;
	(pc) =	sbr.abs _section_cstart, $3  }
0xc2: {  	[dreg:$0x1] =	wrdreg $0xFFFFFFFF  }
0xc3: {  	_ =	task.clear_ibuf [dreg:s8], $0x2FFFF;
	_ =	strace $0x9FFFFFFF  }
0xc4: {  	(tm) =	ssettm $0x7FFFFFFF  }
0xc5: {  	_ =	shalt  }
tec
execute0_lowered:
.L_overlay_start_1:
0x0: {  	(tag) =	ssettag $0x1  }
0x1: {  	s0 =	rddreg [dreg:$0x0]  }
0x2: {  	s2 =	rddreg [dreg:$0x1]  }
0x3: {  	s3 =	rddreg [dreg:$0x2]  }
0x4: {  	s1 =	srdreg.scid;
	s4 =	stileid.u32;
	s5 =	simm.s32 $0x0  }
0x5: {  	s1 =	sand.u32 $0x1, s1;
	s4 =	sshll.u32 s4, $0x1;
	[smem:$0x7FF] =	sst s5  }
0x6: {  	s25 =	sadd.s32 $0x3A00, s0;
	s4 =	sor.u32 s1, s4;
	_ =	strace $0x8000004D  }
0x7: {  	[dreg:$0x4] =	wrdreg s25;
	s24 =	sshll.u32 s4, $0x6;
	s4 =	sshll.u32 s4, $0x7  }
0x8: {  	s7 =	sadd.s32 s24, s0;
	s4 =	sadd.s32 s4, s0;
	s0 =	sadd.s32 $0x43A00, s0  }
0x9: {  	s1 =	ssub.s32 $0x2, s1;
	[dreg:$0x5] =	wrdreg s0;
	s28 =	sadd.s32 $0x3200, s7  }
.Ltmp0:
0xa: {  	s29 =	sadd.s32 $0x200, s4;
	[dreg:$0x6] =	wrdreg s28;
	(pc) =	sbr.rel .LBB2_1-.Ltmp0, $4  }
0xb: {  	v0 =	vlaneseq.u32;
	s8 =	sshrl.u32 s1, $0x1;
	s30 =	sadd.s32 $0x1A00, s7;
	[dreg:$0x7] =	wrdreg s29  }
0xc: {  	v1 =	vmul.u32 $0x80, v0;
	s26 =	ssub.s32 s1, s8;
	s31 =	sadd.s32 $0x2200, s4;
	[dreg:$0x8] =	wrdreg s30  }
0xd: {  	s0 =	smax.u32 s26, $0x1;
	[dreg:$0x9] =	wrdreg s31  }
0xe: {  	v3 =	vor.u32 $0x10, v0;
	v2 =	vor.u32 $0x800, v1;
	s4 =	simm.s32 $0x0;
	[dreg:$0xa] =	wrdreg s0  }
.LBB2_9:
0xf: {  	s1 =	simm.s32 $0x19  }
0x10: {  	_ =	swait.ge [sflag:s1], $0x2000  }
0x11: {  	[sflag:s1] =	ssyncset.done $0x0  }
0x12: {  	[sflag:s1] =	ssyncadd.s32 $0xFFFFE000  }
0x13: {  	_ =	swait.ge [sflag:s1], $0x2000  }
0x14: {  	s4 =	rddreg [dreg:$0xb]  }
0x15: {  	s0 =	rddreg [dreg:$0xa];
	s4 =	sadd.s32 $0x1, s4  }
0x16: {  	p0 =	sne.s32 s4, s0  }
.Ltmp1:
0x17: {  	_ = 	snop;
	(pc) =	sbr.rel @!p0 .LBB2_10-.Ltmp1, $3  }
0x18: {  	_ =	sdelay $0x1  }
0x19: {  	[sflag:s1] =	ssyncset.done $0x0  }
0x1a: {  	[sflag:s1] =	ssyncadd.s32 $0xFFFFE000  }
.LBB2_1:
0x1b: {  	[dreg:$0xb] =	wrdreg s4  }
0x1c: {  	s0 =	simm.s32 $0x0;
	s1 =	rddreg [dreg:$0x6];
	s13 =	simm.s32 $0x1A  }
0x1d: {  	[tilespmem:s0], [sflag:$0x1A] =	stream.linear.gather [hbm4b:s1+s0], $0x200, $0x38;
	[tilespmem:$0x1C680] =	vst v63  }
0x1e: {  	_ =	swait.ge [sflag:s13], $0x200  }
0x1f: {  	[sflag:s13] =	ssyncset.done $0x0  }
0x20: {  	s5 =	simm.s32 $0x280;
	s14 =	rddreg [dreg:$0x7];
	[sflag:s13] =	ssyncadd.s32 $0xFFFFFE00  }
0x21: {  	[tilespmem:s5], [sflag:$0x1A] =	stream.linear.gather [hbm4b:s14+s0], $0x400, $0x38;
	[tilespmem:$0x1C680] =	vst v63  }
0x22: {  	_ =	swait.ge [sflag:s13], $0x400  }
0x23: {  	[sflag:s13] =	ssyncset.done $0x0  }
0x24: {  	[sflag:s13] =	ssyncadd.s32 $0xFFFFFC00  }
0x25: {  	v4 =	vld [tilespmem:$0x0];
	_ =	sdelay $0x4  }
0x26: {  	(v2sf) =	vpush v4, $0x1  }
0x27: {  	(v2sf) =	vpush v4, $0x2;
	_ =	sdelay $0x1  }
0x28: {  	(v2sf) =	vpush v4, $0x3;
	_ =	sdelay $0x1  }
0x29: {  	(v2sf) =	vpush v4, $0x4;
	_ =	sdelay $0x1  }
0x2a: {  	(v2sf) =	vpush v4, $0x5;
	_ =	sdelay $0x1  }
0x2b: {  	(v2sf) =	vpush v4, $0x6  }
0x2c: {  	(v2sf) =	vpush v4, $0x7  }
0x2d: {  	(v2sf) =	vpush v4, $0x0;
	_ =	sdelay $0x3  }
0x2e: {  	s6 =	simm.s32 $0x7A1400;
	s8 =	spop (v2sf)  }
0x2f: {  	s23 =	simm.s32 $0x680;
	s5 =	simm.s32 $0x400;
	s9 =	spop (v2sf)  }
0x30: {  	s15 =	sshra.s32 s8, $0x1F;
	s12 =	sand.u32 $0x7F, s8;
	p0 =	slt.s32 s8, $0x1  }
0x31: {  	s10 =	spop (v2sf);
	s0 =	sshrl.u32 s15, $0x19;
	p1 =	sne.s32 s12, $0x0  }
0x32: {  	s12 =	simm.s32 $0x1;
	s21 =	sand.u32 $0x7F, s9;
	p3 =	slt.s32 s9, $0x1  }
0x33: {  	s7 =	spop (v2sf);
	s11 =	sadd.s32 s0, s8;
	p0 =	por !p0, !p1  }
0x34: {  	p4 =	sne.s32 s21, $0x0;
	s25 =	sand.u32 $0x7F, s10;
	s26 =	sshra.s32 s10, $0x1F  }
0x35: {  	p5 =	slt.s32 s10, $0x1;
	s4 =	spop (v2sf);
	s11 =	sshrl.u32 s11, $0x7  }
0x36: {  	p0 =	por !p0, !p0;
	s28 =	sshrl.u32 s26, $0x19;
	s30 =	sand.u32 $0x7F, s7  }
0x37: {  	s31 =	sshra.s32 s7, $0x1F;
	s1 =	spop (v2sf);
	s10 =	sadd.s32 s28, s10  }
0x38: {  	s14 =	sshra.s32 s4, $0x1F;
	s0 =	spop (v2sf);
	s29 =	sshrl.u32 s10, $0x7  }
0x39: {  	s10 =	simm.s32 $0x1;
	s15 =	sshrl.u32 s14, $0x19;
	s16 =	spop (v2sf)  }
0x3a: {  	s17 =	sand.u32 $0x7F, s16;
	s13 =	sshra.s32 s16, $0x1F;
	p6 =	slt.s32 s16, $0x1  }
0x3b: {  	p2 =	sne.s32 s17, $0x0;
	s18 =	sshrl.u32 s13, $0x19;
	s13 =	simm.s32 $0x1  }
0x3c: {  	s17 =	sand.u32 $0x7F, s1;
	p1 =	por !p6, !p2;
	s8 =	sadd.s32 s18, s16  }
0x3d: {  	s13 =	simm.s32 @!p0 $0x0;
	s16 =	sshra.s32 s9, $0x1F;
	p6 =	sne.s32 s25, $0x0  }
0x3e: {  	s18 =	sshra.s32 s0, $0x1F;
	p1 =	por !p1, !p1;
	s8 =	sshrl.u32 s8, $0x7  }
0x3f: {  	s11 =	ssub.s32 s11, s13;
	s19 =	sshrl.u32 s16, $0x19;
	p2 =	por !p5, !p6  }
0x40: {  	p5 =	slt.s32 s4, $0x1;
	s12 =	simm.s32 @!p1 $0x0;
	s11 =	sshll.u32 s11, $0x7  }
0x41: {  	p1 =	por !p3, !p4;
	p3 =	slt.s32 s7, $0x1;
	s8 =	ssub.s32 s8, s12  }
0x42: {  	p4 =	sne.s32 s30, $0x0;
	s12 =	sadd.s32 s19, s9;
	s8 =	sshll.u32 s8, $0x7  }
0x43: {  	s24 =	sshrl.u32 s12, $0x7;
	s20 =	sand.u32 $0x1FFFFF80, s8;
	p0 =	seq.s32 s11, s8  }
0x44: {  	s22 =	sadd.s32 s2, s20;
	s8 =	sand.u32 @!p0 $0x1FFFFF80, s11;
	s12 =	simm.s32 @!p0 $0x400  }
0x45: {  	[tilespmem:s23], [sflag:$0x1] =	stream.strided.gather [hbm4b:s22+s5], $0x1000, s6, s5, $0x38;
	[tilespmem:$0x1C680] =	vst v63  }
0x46: {  	s13 =	simm.s32 @!p0 $0x7A1400;
	s16 =	simm.s32 @!p0 $0x1680;
	s8 =	sadd.s32 @!p0 s2, s8  }
0x47: {  	[tilespmem:s16], [sflag:$0x2] =	stream.strided.gather @!p0 [hbm4b:s8+s12], $0x1000, s13, s12, $0x38;
	[tilespmem:$0x1C680] =	vst v63  }
0x48: {  	s19 =	sand.u32 $0x7F, s0;
	p0 =	por !p1, !p1;
	s8 =	simm.s32 $0x1  }
0x49: {  	s12 =	simm.s32 $0x1;
	s13 =	sand.u32 $0x7F, s4;
	s4 =	sadd.s32 s15, s4  }
0x4a: {  	s16 =	sshra.s32 s1, $0x1F;
	s8 =	simm.s32 @!p0 $0x0;
	p0 =	por !p2, !p2  }
0x4b: {  	p6 =	sne.s32 s13, $0x0;
	s4 =	sshrl.u32 s4, $0x7;
	p2 =	slt.s32 s1, $0x1  }
0x4c: {  	s8 =	ssub.s32 s24, s8;
	s12 =	simm.s32 @!p0 $0x0;
	p0 =	por !p3, !p4  }
0x4d: {  	p3 =	sne.s32 s17, $0x0;
	s8 =	sshll.u32 s8, $0x7;
	s9 =	ssub.s32 s29, s12  }
0x4e: {  	s12 =	sshrl.u32 s31, $0x19;
	p0 =	por !p0, !p0;
	p4 =	por !p2, !p3  }
0x4f: {  	s9 =	sshll.u32 s9, $0x7;
	s7 =	sadd.s32 s12, s7;
	s10 =	simm.s32 @!p0 $0x0  }
0x50: {  	p0 =	por !p5, !p6;
	p5 =	slt.s32 s0, $0x1;
	s7 =	sshrl.u32 s7, $0x7  }
0x51: {  	p0 =	por !p0, !p0;
	s7 =	ssub.s32 s7, s10;
	s10 =	simm.s32 $0x1  }
0x52: {  	p6 =	sne.s32 s19, $0x0;
	p1 =	seq.s32 s9, s8;
	s10 =	simm.s32 @!p0 $0x0  }
0x53: {  	p0 =	seq.s32 s8, s11;
	s4 =	ssub.s32 s4, s10;
	s10 =	sshrl.u32 s16, $0x19  }
0x54: {  	s7 =	sshll.u32 s7, $0x7;
	s12 =	sand.u32 @!p0 $0x1FFFFF80, s8;
	s13 =	simm.s32 @!p0 $0x7A1400  }
0x55: {  	s16 =	simm.s32 @!p0 $0x2680;
	s8 =	simm.s32 $0x1;
	s11 =	sadd.s32 @!p0 s2, s12  }
0x56: {  	s12 =	simm.s32 @!p0 $0x400;
	s1 =	sadd.s32 s10, s1;
	s10 =	sand.u32 @!p1 $0x1FFFFF80, s9  }
0x57: {  	[tilespmem:s16], [sflag:$0x3] =	stream.strided.gather @!p0 [hbm4b:s11+s12], $0x1000, s13, s12, $0x38;
	[tilespmem:$0x1C680] =	vst v63  }
0x58: {  	s4 =	sshll.u32 s4, $0x7;
	p0 =	por !p4, !p4;
	s1 =	sshrl.u32 s1, $0x7  }
0x59: {  	s10 =	sadd.s32 @!p1 s2, s10;
	s11 =	simm.s32 @!p1 $0x400;
	s12 =	simm.s32 @!p1 $0x7A1400  }
0x5a: {  	s13 =	simm.s32 @!p1 $0x3680;
	s8 =	simm.s32 @!p0 $0x0;
	p0 =	seq.s32 s7, s9  }
0x5b: {  	[tilespmem:s13], [sflag:$0x4] =	stream.strided.gather @!p1 [hbm4b:s10+s11], $0x1000, s12, s11, $0x38;
	[tilespmem:$0x1C680] =	vst v63  }
0x5c: {  	p2 =	seq.s32 s4, s7;
	s1 =	ssub.s32 s1, s8;
	s9 =	sand.u32 @!p0 $0x1FFFFF80, s7  }
0x5d: {  	s8 =	sshrl.u32 s18, $0x19;
	s11 =	simm.s32 @!p0 $0x400;
	s13 =	simm.s32 @!p0 $0x4680  }
0x5e: {  	s12 =	simm.s32 @!p0 $0x7A1400;
	s7 =	sand.u32 @!p2 $0x1FFFFF80, s4;
	s10 =	simm.s32 @!p2 $0x7A1400  }
0x5f: {  	s1 =	sshll.u32 s1, $0x7;
	s9 =	sadd.s32 @!p0 s2, s9;
	s0 =	sadd.s32 s8, s0  }
0x60: {  	[tilespmem:s13], [sflag:$0x5] =	stream.strided.gather @!p0 [hbm4b:s9+s11], $0x1000, s12, s11, $0x38;
	[tilespmem:$0x1C680] =	vst v63  }
0x61: {  	s8 =	simm.s32 $0x1;
	s7 =	sadd.s32 @!p2 s2, s7;
	p0 =	por !p5, !p6  }
0x62: {  	s9 =	simm.s32 @!p2 $0x400;
	s11 =	simm.s32 @!p2 $0x5680;
	p0 =	por !p0, !p0  }
0x63: {  	[tilespmem:s11], [sflag:$0x6] =	stream.strided.gather @!p2 [hbm4b:s7+s9], $0x1000, s10, s9, $0x38;
	[tilespmem:$0x1C680] =	vst v63  }
0x64: {  	s8 =	simm.s32 @!p0 $0x0;
	p0 =	seq.s32 s1, s4  }
0x65: {  	s0 =	sshrl.u32 s0, $0x7;
	s4 =	sand.u32 @!p0 $0x1FFFFF80, s1  }
0x66: {  	s0 =	ssub.s32 s0, s8;
	s7 =	simm.s32 @!p0 $0x400;
	s8 =	simm.s32 @!p0 $0x7A1400  }
0x67: {  	s9 =	simm.s32 @!p0 $0x6680;
	s0 =	sshll.u32 s0, $0x7;
	s4 =	sadd.s32 @!p0 s2, s4  }
0x68: {  	[tilespmem:s9], [sflag:$0x7] =	stream.strided.gather @!p0 [hbm4b:s4+s7], $0x1000, s8, s7, $0x38;
	[tilespmem:$0x1C680] =	vst v63  }
0x69: {  	p0 =	seq.s32 s0, s1  }
0x6a: {  	s0 =	sand.u32 @!p0 $0x1FFFFF80, s0;
	s1 =	simm.s32 @!p0 $0x400  }
0x6b: {  	s4 =	simm.s32 @!p0 $0x7A1400;
	s7 =	simm.s32 @!p0 $0x7680;
	s0 =	sadd.s32 @!p0 s2, s0  }
0x6c: {  	[tilespmem:s7], [sflag:$0x8] =	stream.strided.gather @!p0 [hbm4b:s0+s1], $0x1000, s4, s1, $0x38;
	[tilespmem:$0x1C680] =	vst v63  }
0x6d: {  	v4 =	vld [tilespmem:$0x8];
	_ =	sdelay $0x4  }
0x6e: {  	(v2sf) =	vpush v4, $0x1  }
0x6f: {  	(v2sf) =	vpush v4, $0x2  }
0x70: {  	(v2sf) =	vpush v4, $0x3;
	_ =	sdelay $0x1  }
0x71: {  	(v2sf) =	vpush v4, $0x4;
	_ =	sdelay $0x1  }
0x72: {  	(v2sf) =	vpush v4, $0x5  }
0x73: {  	(v2sf) =	vpush v4, $0x6  }
0x74: {  	(v2sf) =	vpush v4, $0x7  }
0x75: {  	(v2sf) =	vpush v4, $0x0;
	_ =	sdelay $0x5  }
0x76: {  	s12 =	simm.s32 $0x1;
	s13 =	simm.s32 $0x1;
	s20 =	spop (v2sf)  }
0x77: {  	s21 =	spop (v2sf);
	s24 =	sshra.s32 s20, $0x1F;
	s25 =	sand.u32 $0x7F, s20  }
0x78: {  	p3 =	slt.s32 s20, $0x1;
	s22 =	spop (v2sf);
	p4 =	sne.s32 s25, $0x0  }
0x79: {  	s11 =	sshrl.u32 s24, $0x19;
	s14 =	sand.u32 $0x7F, s21;
	s15 =	sshra.s32 s21, $0x1F  }
0x7a: {  	s23 =	spop (v2sf);
	p0 =	por !p3, !p4;
	s8 =	sadd.s32 s11, s20  }
0x7b: {  	p2 =	sne.s32 s14, $0x0;
	s17 =	sshra.s32 s22, $0x1F;
	p3 =	slt.s32 s22, $0x1  }
0x7c: {  	s4 =	spop (v2sf);
	p0 =	por !p0, !p0;
	s8 =	sshrl.u32 s8, $0x7  }
0x7d: {  	s18 =	sshrl.u32 s17, $0x19;
	s19 =	sand.u32 $0x7F, s23;
	s1 =	spop (v2sf)  }
0x7e: {  	s20 =	sshra.s32 s23, $0x1F;
	s13 =	simm.s32 @!p0 $0x0;
	s0 =	spop (v2sf)  }
0x7f: {  	s10 =	sadd.s32 s18, s22;
	s8 =	ssub.s32 s8, s13;
	s26 =	spop (v2sf)  }
0x80: {  	s13 =	simm.s32 $0x8680;
	s10 =	sshrl.u32 s10, $0x7;
	s28 =	sand.u32 $0x7F, s26  }
0x81: {  	p5 =	slt.s32 s26, $0x1;
	s29 =	sshra.s32 s26, $0x1F;
	p6 =	sne.s32 s28, $0x0  }
0x82: {  	s25 =	sand.u32 $0x7F, s1;
	s30 =	sshrl.u32 s29, $0x19;
	p1 =	por !p5, !p6  }
0x83: {  	s8 =	sshll.u32 s8, $0x7;
	s11 =	sadd.s32 s30, s26;
	p1 =	por !p1, !p1  }
0x84: {  	s29 =	sand.u32 $0x7F, s0;
	s11 =	sshrl.u32 s11, $0x7;
	s12 =	simm.s32 @!p1 $0x0  }
0x85: {  	p5 =	slt.s32 s23, $0x1;
	p6 =	sne.s32 s19, $0x0;
	s11 =	ssub.s32 s11, s12  }
0x86: {  	s26 =	sshra.s32 s1, $0x1F;
	s30 =	sshra.s32 s0, $0x1F;
	s11 =	sshll.u32 s11, $0x7  }
0x87: {  	p1 =	slt.s32 s21, $0x1;
	s31 =	sand.u32 $0x1FFFFF80, s11;
	p0 =	seq.s32 s8, s11  }
0x88: {  	s12 =	sadd.s32 s2, s31;
	s11 =	sand.u32 @!p0 $0x1FFFFF80, s8;
	s16 =	simm.s32 @!p0 $0x9680  }
0x89: {  	[tilespmem:s13], [sflag:$0x9] =	stream.strided.gather [hbm4b:s12+s5], $0x1000, s6, s5, $0x38;
	[tilespmem:$0x1C680] =	vst v63  }
0x8a: {  	s11 =	sadd.s32 @!p0 s2, s11;
	s12 =	simm.s32 @!p0 $0x400;
	s13 =	simm.s32 @!p0 $0x7A1400  }
0x8b: {  	[tilespmem:s16], [sflag:$0xA] =	stream.strided.gather @!p0 [hbm4b:s11+s12], $0x1000, s13, s12, $0x38;
	[tilespmem:$0x1C680] =	vst v63  }
0x8c: {  	s28 =	sshrl.u32 s26, $0x19;
	s31 =	sshrl.u32 s30, $0x19;
	p0 =	por !p1, !p2  }
0x8d: {  	s11 =	sshrl.u32 s15, $0x19;
	s12 =	simm.s32 $0x1;
	s16 =	sand.u32 $0x7F, s22  }
0x8e: {  	s22 =	sand.u32 $0x7F, s4;
	p1 =	slt.s32 s4, $0x1;
	p0 =	por !p0, !p0  }
0x8f: {  	s9 =	sadd.s32 s11, s21;
	p4 =	sne.s32 s16, $0x0;
	s11 =	simm.s32 $0x1  }
0x90: {  	s21 =	sshrl.u32 s20, $0x19;
	p2 =	sne.s32 s22, $0x0;
	s12 =	simm.s32 @!p0 $0x0  }
0x91: {  	s9 =	sshrl.u32 s9, $0x7;
	p0 =	por !p3, !p4;
	s7 =	sadd.s32 s21, s23  }
0x92: {  	s23 =	sshra.s32 s4, $0x1F;
	p3 =	slt.s32 s1, $0x1;
	p4 =	sne.s32 s25, $0x0  }
0x93: {  	s1 =	sadd.s32 s28, s1;
	p0 =	por !p0, !p0;
	s9 =	ssub.s32 s9, s12  }
0x94: {  	s7 =	sshrl.u32 s7, $0x7;
	s24 =	sshrl.u32 s23, $0x19;
	s1 =	sshrl.u32 s1, $0x7  }
0x95: {  	s11 =	simm.s32 @!p0 $0x0;
	s9 =	sshll.u32 s9, $0x7;
	p0 =	por !p5, !p6  }
0x96: {  	s4 =	sadd.s32 s24, s4;
	p5 =	slt.s32 s0, $0x1;
	p6 =	sne.s32 s29, $0x0  }
0x97: {  	s0 =	sadd.s32 s31, s0;
	s10 =	ssub.s32 s10, s11;
	p0 =	por !p0, !p0  }
0x98: {  	s11 =	simm.s32 $0x1;
	s4 =	sshrl.u32 s4, $0x7;
	s10 =	sshll.u32 s10, $0x7  }
0x99: {  	s11 =	simm.s32 @!p0 $0x0;
	p0 =	por !p1, !p2;
	p1 =	seq.s32 s9, s8  }
0x9a: {  	s7 =	ssub.s32 s7, s11;
	s8 =	sand.u32 @!p1 $0x1FFFFF80, s9;
	s11 =	simm.s32 @!p1 $0x400  }
0x9b: {  	s12 =	simm.s32 @!p1 $0x7A1400;
	s13 =	simm.s32 @!p1 $0xA680;
	s8 =	sadd.s32 @!p1 s2, s8  }
0x9c: {  	[tilespmem:s13], [sflag:$0xB] =	stream.strided.gather @!p1 [hbm4b:s8+s11], $0x1000, s12, s11, $0x38;
	[tilespmem:$0x1C680] =	vst v63  }
0x9d: {  	p0 =	por !p0, !p0;
	s8 =	simm.s32 $0x1;
	p1 =	seq.s32 s10, s9  }
0x9e: {  	s7 =	sshll.u32 s7, $0x7;
	s8 =	simm.s32 @!p0 $0x0;
	s9 =	sand.u32 @!p1 $0x1FFFFF80, s10  }
0x9f: {  	p0 =	por !p3, !p4;
	s11 =	simm.s32 @!p1 $0x7A1400;
	s12 =	simm.s32 @!p1 $0xB680  }
0xa0: {  	s4 =	ssub.s32 s4, s8;
	s8 =	sadd.s32 @!p1 s2, s9;
	s9 =	simm.s32 @!p1 $0x400  }
0xa1: {  	[tilespmem:s12], [sflag:$0xC] =	stream.strided.gather @!p1 [hbm4b:s8+s9], $0x1000, s11, s9, $0x38;
	[tilespmem:$0x1C680] =	vst v63  }
0xa2: {  	s0 =	sshrl.u32 s0, $0x7;
	p0 =	por !p0, !p0;
	p1 =	seq.s32 s7, s10  }
0xa3: {  	s4 =	sshll.u32 s4, $0x7;
	s8 =	simm.s32 $0x1;
	s9 =	sand.u32 @!p1 $0x1FFFFF80, s7  }
0xa4: {  	s8 =	simm.s32 @!p0 $0x0;
	s10 =	simm.s32 @!p1 $0x400;
	s11 =	simm.s32 @!p1 $0x7A1400  }
0xa5: {  	s12 =	simm.s32 @!p1 $0xC680;
	p0 =	por !p5, !p6;
	s9 =	sadd.s32 @!p1 s2, s9  }
0xa6: {  	[tilespmem:s12], [sflag:$0xD] =	stream.strided.gather @!p1 [hbm4b:s9+s10], $0x1000, s11, s10, $0x38;
	[tilespmem:$0x1C680] =	vst v63  }
0xa7: {  	s1 =	ssub.s32 s1, s8;
	p0 =	por !p0, !p0;
	p1 =	seq.s32 s4, s7  }
0xa8: {  	s8 =	simm.s32 $0x1;
	s1 =	sshll.u32 s1, $0x7;
	s7 =	sand.u32 @!p1 $0x1FFFFF80, s4  }
0xa9: {  	s8 =	simm.s32 @!p0 $0x0;
	s9 =	simm.s32 @!p1 $0x400;
	s10 =	simm.s32 @!p1 $0x7A1400  }
0xaa: {  	s11 =	simm.s32 @!p1 $0xD680;
	p0 =	seq.s32 s1, s4;
	s0 =	ssub.s32 s0, s8  }
0xab: {  	s7 =	sadd.s32 @!p1 s2, s7;
	s4 =	sand.u32 @!p0 $0x1FFFFF80, s1;
	s8 =	simm.s32 @!p0 $0x7A1400  }
0xac: {  	[tilespmem:s11], [sflag:$0xE] =	stream.strided.gather @!p1 [hbm4b:s7+s9], $0x1000, s10, s9, $0x38;
	[tilespmem:$0x1C680] =	vst v63  }
0xad: {  	s4 =	sadd.s32 @!p0 s2, s4;
	s7 =	simm.s32 @!p0 $0x400;
	s9 =	simm.s32 @!p0 $0xE680  }
0xae: {  	[tilespmem:s9], [sflag:$0xF] =	stream.strided.gather @!p0 [hbm4b:s4+s7], $0x1000, s8, s7, $0x38;
	[tilespmem:$0x1C680] =	vst v63  }
.Ltmp2:
0xaf: {  	s0 =	sshll.u32 s0, $0x7;
	(pc) =	sbr.rel .LBB2_2-.Ltmp2, $4  }
0xb0: {  	s20 =	simm.s32 $0x10;
	p0 =	seq.s32 s0, s1  }
0xb1: {  	s21 =	simm.s32 $0x0;
	s0 =	sand.u32 @!p0 $0x1FFFFF80, s0;
	s1 =	simm.s32 @!p0 $0x400  }
0xb2: {  	s4 =	simm.s32 @!p0 $0x7A1400;
	s7 =	simm.s32 @!p0 $0xF680;
	s0 =	sadd.s32 @!p0 s2, s0  }
0xb3: {  	[tilespmem:s7], [sflag:$0x10] =	stream.strided.gather @!p0 [hbm4b:s0+s1], $0x1000, s4, s1, $0x38;
	[tilespmem:$0x1C680] =	vst v63  }
.LBB2_4:
0xb4: {  	s23 =	sand.u32 $0x7, s21;
	p0 =	slt.u32 s21, $0x10  }
0xb5: {  	p1 =	sne.s32 @!p0 s23, $0x0  }
0xb6: {  	p0 =	por p1, p0  }
0xb7: {  	s0 =	simm.s32 @!p0 $0x19  }
0xb8: {  	_ =	swait.ge @!p0 [sflag:s0], $0x2000  }
0xb9: {  	[sflag:s0] =	ssyncset.done @!p0 $0x0  }
0xba: {  	[sflag:s0] =	ssyncadd.s32 @!p0 $0xFFFFE000  }
0xbb: {  	v4 =	vld [tilespmem:s20+$0xFFFFFFF0];
	_ =	sdelay $0x4  }
0xbc: {  	(v2sf) =	vpush v4, $0x0;
	_ =	sdelay $0x2  }
0xbd: {  	(v2sf) =	vpush v4, $0x1  }
0xbe: {  	(v2sf) =	vpush v4, $0x2  }
0xbf: {  	(v2sf) =	vpush v4, $0x3;
	_ =	sdelay $0x1  }
0xc0: {  	(v2sf) =	vpush v4, $0x4  }
0xc1: {  	(v2sf) =	vpush v4, $0x5;
	_ =	sdelay $0x6  }
0xc2: {  	s8 =	spop (v2sf);
	(v2sf) =	vpush v4, $0x6  }
0xc3: {  	s7 =	simm.s32 $0x1  }
0xc4: {  	s30 =	simm.s32 $0x1;
	s19 =	simm.s32 $0x1;
	s1 =	sshra.s32 s8, $0x1F  }
0xc5: {  	s0 =	spop (v2sf);
	p5 =	slt.s32 s8, $0x1;
	s1 =	sshrl.u32 s1, $0x19  }
0xc6: {  	s29 =	spop (v2sf);
	s4 =	sshra.s32 s0, $0x1F;
	p1 =	slt.s32 s0, $0x1  }
0xc7: {  	s1 =	sadd.s32 s1, s8;
	s28 =	spop (v2sf);
	s4 =	sshrl.u32 s4, $0x19  }
0xc8: {  	s10 =	sshra.s32 s29, $0x1F;
	p3 =	slt.s32 s29, $0x1;
	s11 =	sand.u32 $0xFFFFFF80, s1  }
0xc9: {  	s25 =	spop (v2sf);
	s1 =	sshrl.u32 s1, $0x7;
	s4 =	sadd.s32 s4, s0  }
0xca: {  	s16 =	sshra.s32 s28, $0x1F;
	p6 =	sne.s32 s8, s11;
	s24 =	spop (v2sf)  }
0xcb: {  	s9 =	sand.u32 $0xFFFFFF80, s4;
	s4 =	sshrl.u32 s4, $0x7;
	s16 =	sshrl.u32 s16, $0x19  }
0xcc: {  	s14 =	sshra.s32 s25, $0x1F;
	p0 =	por !p5, !p6;
	p2 =	sne.s32 s0, s9  }
0xcd: {  	s16 =	sadd.s32 s16, s28;
	p5 =	slt.s32 s28, $0x1;
	p0 =	por !p0, !p0  }
0xce: {  	s31 =	sshra.s32 s24, $0x1F;
	s17 =	sshrl.u32 s16, $0x7;
	s7 =	simm.s32 @!p0 $0x0  }
0xcf: {  	s31 =	sshrl.u32 s31, $0x19;
	s1 =	ssub.s32 s1, s7;
	s7 =	sshrl.u32 s10, $0x19  }
0xd0: {  	p0 =	por !p1, !p2;
	p1 =	slt.s32 s25, $0x1;
	s12 =	sadd.s32 s7, s29  }
0xd1: {  	s31 =	sadd.s32 s31, s24;
	s13 =	sand.u32 $0xFFFFFF80, s12;
	s26 =	spop (v2sf);
	(v2sf) =	vpush v4, $0x7  }
0xd2: {  	p0 =	por !p0, !p0;
	s7 =	simm.s32 $0x1;
	p2 =	sne.s32 s29, s13  }
0xd3: {  	s10 =	sshll.u32 s1, $0x7;
	s7 =	simm.s32 @!p0 $0x0;
	p4 =	por !p3, !p2  }
0xd4: {  	s1 =	sshrl.u32 s12, $0x7;
	s12 =	simm.s32 $0x1;
	p0 =	por !p4, !p4  }
0xd5: {  	s4 =	ssub.s32 s4, s7;
	s7 =	sand.u32 $0xFFFFFF80, s16;
	s12 =	simm.s32 @!p0 $0x0  }
0xd6: {  	s5 =	sshrl.u32 s31, $0x7;
	p6 =	sne.s32 s28, s7;
	s1 =	ssub.s32 s1, s12  }
0xd7: {  	s12 =	sshll.u32 s4, $0x7;
	s4 =	sshll.u32 s1, $0x7;
	s1 =	sshrl.u32 s14, $0x19  }
0xd8: {  	p3 =	slt.s32 s24, $0x1;
	p0 =	por !p5, !p6;
	s1 =	sadd.s32 s1, s25  }
0xd9: {  	p0 =	por !p0, !p0;
	s15 =	sshra.s32 s26, $0x1F;
	s16 =	sand.u32 $0xFFFFFF80, s1  }
0xda: {  	p5 =	slt.s32 s26, $0x1;
	s30 =	simm.s32 @!p0 $0x0;
	p2 =	sne.s32 s25, s16  }
0xdb: {  	s18 =	sshrl.u32 s1, $0x7;
	s1 =	sand.u32 $0xFFFFFF80, s31;
	p0 =	por !p1, !p2  }
0xdc: {  	s14 =	ssub.s32 s17, s30;
	p4 =	sne.s32 s24, s1;
	p0 =	por !p0, !p0  }
0xdd: {  	s17 =	simm.s32 $0x1;
	s19 =	simm.s32 @!p0 $0x0;
	p0 =	por !p3, !p4  }
0xde: {  	s30 =	sshll.u32 s22, $0x3;
	s14 =	sshll.u32 s14, $0x7;
	p0 =	por !p0, !p0  }
0xdf: {  	s18 =	ssub.s32 s18, s19;
	s19 =	sshrl.u32 s15, $0x19;
	s17 =	simm.s32 @!p0 $0x0  }
0xe0: {  	s15 =	ssub.s32 s5, s17;
	s5 =	sor.u32 $0x1, s30;
	s31 =	spop (v2sf)  }
0xe1: {  	p2 =	seq.s32 s12, s10;
	p4 =	seq.s32 s14, s4;
	_ =	swait.ge [sflag:s5], $0x1000  }
0xe2: {  	s6 =	sadd.s32 s19, s26;
	s18 =	sshll.u32 s18, $0x7;
	[sflag:s5] =	ssyncset.done $0x0  }
0xe3: {  	s17 =	sand.u32 $0xFFFFFF80, s6;
	[sflag:s5] =	ssyncadd.s32 $0xFFFFF000;
	s5 =	sadd.s32 @!p2 $0x2, s30  }
0xe4: {  	s19 =	sshrl.u32 s6, $0x7;
	p6 =	sne.s32 s26, s17;
	_ =	swait.ge @!p2 [sflag:s5], $0x1000  }
0xe5: {  	p0 =	por !p5, !p6;
	p5 =	seq.s32 s4, s12;
	[sflag:s5] =	ssyncset.done @!p2 $0x0  }
0xe6: {  	s6 =	simm.s32 $0x1;
	[sflag:s5] =	ssyncadd.s32 @!p2 $0xFFFFF000;
	s5 =	sadd.s32 @!p5 $0x3, s30  }
0xe7: {  	p3 =	seq.s32 s18, s14;
	p0 =	por !p0, !p0;
	_ =	swait.ge @!p5 [sflag:s5], $0x1000  }
0xe8: {  	s15 =	sshll.u32 s15, $0x7;
	s6 =	simm.s32 @!p0 $0x0;
	[sflag:s5] =	ssyncset.done @!p5 $0x0  }
0xe9: {  	s6 =	ssub.s32 s19, s6;
	[sflag:s5] =	ssyncadd.s32 @!p5 $0xFFFFF000;
	s5 =	sadd.s32 @!p4 $0x4, s30  }
0xea: {  	s14 =	sshra.s32 s31, $0x1F;
	p1 =	slt.s32 s31, $0x1;
	_ =	swait.ge @!p4 [sflag:s5], $0x1000  }
0xeb: {  	s4 =	sshrl.u32 s14, $0x19;
	s6 =	sshll.u32 s6, $0x7;
	[sflag:s5] =	ssyncset.done @!p4 $0x0  }
0xec: {  	s19 =	sadd.s32 s4, s31;
	[sflag:s5] =	ssyncadd.s32 @!p4 $0xFFFFF000;
	s5 =	sadd.s32 @!p3 $0x5, s30  }
0xed: {  	s14 =	simm.s32 $0x1;
	s4 =	sand.u32 $0xFFFFFF80, s19;
	_ =	swait.ge @!p3 [sflag:s5], $0x1000  }
0xee: {  	p6 =	sne.s32 s31, s4;
	p2 =	seq.s32 s15, s18;
	[sflag:s5] =	ssyncset.done @!p3 $0x0  }
0xef: {  	p0 =	por !p1, !p6;
	[sflag:s5] =	ssyncadd.s32 @!p3 $0xFFFFF000;
	s5 =	sadd.s32 @!p2 $0x6, s30  }
0xf0: {  	p1 =	seq.s32 s6, s15;
	p0 =	por !p0, !p0;
	_ =	swait.ge @!p2 [sflag:s5], $0x1000  }
0xf1: {  	s15 =	sshrl.u32 s19, $0x7;
	s14 =	simm.s32 @!p0 $0x0;
	[sflag:s5] =	ssyncset.done @!p2 $0x0  }
0xf2: {  	s14 =	ssub.s32 s15, s14;
	[sflag:s5] =	ssyncadd.s32 @!p2 $0xFFFFF000;
	s5 =	sadd.s32 @!p1 $0x7, s30  }
0xf3: {  	s8 =	ssub.s32 s8, s11;
	s14 =	sshll.u32 s14, $0x7;
	_ =	swait.ge @!p1 [sflag:s5], $0x1000  }
0xf4: {  	v4 =	vadd.s32 s8, v1;
	p0 =	seq.s32 s14, s6;
	[sflag:s5] =	ssyncset.done @!p1 $0x0  }
0xf5: {  	v5 =	vadd.s32 s8, v2;
	[sflag:s5] =	ssyncadd.s32 @!p1 $0xFFFFF000;
	s5 =	sadd.s32 @!p0 $0x8, s30  }
0xf6: {  	_ =	swait.ge @!p0 [sflag:s5], $0x1000  }
0xf7: {  	s15 =	sshll.u32 s22, $0xF;
	[sflag:s5] =	ssyncset.done @!p0 $0x0  }
0xf8: {  	s11 =	sshll.u32 s23, $0xA;
	s6 =	sor.u32 $0x680, s15;
	[sflag:s5] =	ssyncadd.s32 @!p0 $0xFFFFF000  }
0xf9: {  	v6 =	vor.u32 s11, v0;
	v4 =	vld.idx.msk [tilespmem:v4+s6+$0x0], $0xffff  }
0xfa: {  	s0 =	ssub.s32 s0, s9;
	v7 =	vor.u32 s11, v3;
	s8 =	sshrl.u32 s21, $0x3;
	v5 =	vld.idx.msk [tilespmem:v5+s6+$0x0], $0xffff  }
0xfb: {  	v8 =	vadd.s32 s0, v1;
	p6 =	sne.s32 s12, s10;
	s18 =	sshll.u32 s8, $0xD;
	s5 =	simm.s32 $0x1  }
0xfc: {  	v9 =	vadd.s32 s0, v2;
	s5 =	simm.s32 @!p6 $0x0;
	s6 =	sand.u32 $0x2000, s18  }
0xfd: {  	s0 =	sor.u32 $0x18680, s6;
	s19 =	sor.u32 s5, s30  }
0xfe: {  	s6 =	sshll.u32 s19, $0xC;
	[tilespmem:v6+s0+$0x0] =	vst.idx.msk $0xffff, v4  }
0xff: {  	s22 =	sor.u32 $0x80, s11;
	s6 =	sor.u32 $0x680, s6;
	[tilespmem:v7+s0+$0x0] =	vst.idx.msk $0xffff, v5  }
0x100: {  	v5 =	vor.u32 s22, v0;
	v4 =	vld.idx.msk [tilespmem:v8+s6+$0x0], $0xffff  }
0x101: {  	s29 =	ssub.s32 s29, s13;
	v45 =	vor.u32 s22, v3;
	v6 =	vld.idx.msk [tilespmem:v9+s6+$0x0], $0xffff  }
0x102: {  	v46 =	vadd.s32 s29, v1  }
0x103: {  	v47 =	vadd.s32 s29, v2;
	s5 =	simm.s32 @!p5 $0x2  }
0x104: {  	s12 =	sor.u32 s30, s5  }
0x105: {  	s6 =	sshll.u32 s12, $0xC;
	[tilespmem:v5+s0+$0x0] =	vst.idx.msk $0xffff, v4  }
0x106: {  	s13 =	sor.u32 $0x100, s11;
	s6 =	sor.u32 $0x680, s6;
	[tilespmem:v45+s0+$0x0] =	vst.idx.msk $0xffff, v6  }
0x107: {  	v5 =	vor.u32 s13, v0;
	v4 =	vld.idx.msk [tilespmem:v46+s6+$0x0], $0xffff  }
0x108: {  	s7 =	ssub.s32 s28, s7;
	v48 =	vor.u32 s13, v3;
	v6 =	vld.idx.msk [tilespmem:v47+s6+$0x0], $0xffff  }
0x109: {  	v49 =	vadd.s32 s7, v1  }
0x10a: {  	v50 =	vadd.s32 s7, v2;
	s5 =	simm.s32 @!p4 $0x3  }
0x10b: {  	s14 =	sor.u32 s30, s5  }
0x10c: {  	s6 =	sshll.u32 s14, $0xC;
	[tilespmem:v5+s0+$0x0] =	vst.idx.msk $0xffff, v4  }
0x10d: {  	s15 =	sor.u32 $0x180, s11;
	s6 =	sor.u32 $0x680, s6;
	[tilespmem:v48+s0+$0x0] =	vst.idx.msk $0xffff, v6  }
0x10e: {  	v5 =	vor.u32 s15, v0;
	v4 =	vld.idx.msk [tilespmem:v49+s6+$0x0], $0xffff  }
0x10f: {  	v51 =	vor.u32 s15, v3;
	s18 =	ssub.s32 s25, s16;
	v6 =	vld.idx.msk [tilespmem:v50+s6+$0x0], $0xffff  }
0x110: {  	v52 =	vadd.s32 s18, v1  }
0x111: {  	v53 =	vadd.s32 s18, v2;
	s5 =	simm.s32 @!p3 $0x4  }
0x112: {  	s19 =	sor.u32 s30, s5  }
0x113: {  	s6 =	sshll.u32 s19, $0xC;
	[tilespmem:v5+s0+$0x0] =	vst.idx.msk $0xffff, v4  }
0x114: {  	s22 =	sor.u32 $0x200, s11;
	s6 =	sor.u32 $0x680, s6;
	[tilespmem:v51+s0+$0x0] =	vst.idx.msk $0xffff, v6  }
0x115: {  	v5 =	vor.u32 s22, v0;
	v4 =	vld.idx.msk [tilespmem:v52+s6+$0x0], $0xffff  }
0x116: {  	s1 =	ssub.s32 s24, s1;
	v54 =	vor.u32 s22, v3;
	v6 =	vld.idx.msk [tilespmem:v53+s6+$0x0], $0xffff  }
0x117: {  	v55 =	vadd.s32 s1, v1  }
0x118: {  	v56 =	vadd.s32 s1, v2;
	s5 =	simm.s32 @!p2 $0x5  }
0x119: {  	s24 =	sor.u32 s30, s5  }
0x11a: {  	s1 =	sshll.u32 s24, $0xC;
	[tilespmem:v5+s0+$0x0] =	vst.idx.msk $0xffff, v4  }
0x11b: {  	s25 =	sor.u32 $0x280, s11;
	s1 =	sor.u32 $0x680, s1;
	[tilespmem:v54+s0+$0x0] =	vst.idx.msk $0xffff, v6  }
0x11c: {  	v5 =	vor.u32 s25, v0;
	v4 =	vld.idx.msk [tilespmem:v55+s1+$0x0], $0xffff  }
0x11d: {  	s26 =	ssub.s32 s26, s17;
	v57 =	vor.u32 s25, v3;
	v6 =	vld.idx.msk [tilespmem:v56+s1+$0x0], $0xffff  }
0x11e: {  	v58 =	vadd.s32 s26, v1  }
0x11f: {  	v59 =	vadd.s32 s26, v2;
	s5 =	simm.s32 @!p1 $0x6  }
0x120: {  	s28 =	sor.u32 s30, s5  }
0x121: {  	s1 =	sshll.u32 s28, $0xC;
	[tilespmem:v5+s0+$0x0] =	vst.idx.msk $0xffff, v4  }
0x122: {  	s29 =	sor.u32 $0x300, s11;
	s1 =	sor.u32 $0x680, s1;
	[tilespmem:v57+s0+$0x0] =	vst.idx.msk $0xffff, v6  }
0x123: {  	v5 =	vor.u32 s29, v0;
	v4 =	vld.idx.msk [tilespmem:v58+s1+$0x0], $0xffff  }
0x124: {  	v60 =	vor.u32 s29, v3;
	s4 =	ssub.s32 s31, s4;
	v6 =	vld.idx.msk [tilespmem:v59+s1+$0x0], $0xffff  }
0x125: {  	v61 =	vadd.s32 s4, v1;
	s5 =	simm.s32 @!p0 $0x7  }
0x126: {  	v62 =	vadd.s32 s4, v2;
	s30 =	sadd.s32 s30, s5  }
0x127: {  	s1 =	sshll.u32 s30, $0xC  }
0x128: {  	s1 =	sand.u32 $0x3FFFF000, s1;
	[tilespmem:v5+s0+$0x0] =	vst.idx.msk $0xffff, v4  }
0x129: {  	s31 =	sor.u32 $0x380, s11;
	s1 =	sor.u32 $0x680, s1;
	[tilespmem:v60+s0+$0x0] =	vst.idx.msk $0xffff, v6  }
0x12a: {  	v5 =	vor.u32 s31, v0;
	v4 =	vld.idx.msk [tilespmem:v61+s1+$0x0], $0xffff  }
0x12b: {  	v63 =	vor.u32 s31, v3;
	v6 =	vld.idx.msk [tilespmem:v62+s1+$0x0], $0xffff;
	_ =	sdelay $0x1  }
0x12c: {  	p0 =	sne.s32 s23, $0x7  }
0x12d: {  	s1 =	sshll.u32 @!p0 s8, $0x7  }
0x12e: {  	s21 =	sadd.s32 $0x1, s21;
	s1 =	sand.u32 @!p0 $0x3FFFFF80, s1;
	[tilespmem:v5+s0+$0x0] =	vst.idx.msk $0xffff, v4  }
0x12f: {  	s4 =	simm.s32 @!p0 $0x40;
	s5 =	rddreg [dreg:$0x4];
	s1 =	sadd.s32 @!p0 $0x280, s1;
	[tilespmem:v63+s0+$0x0] =	vst.idx.msk $0xffff, v6  }
0x130: {  	[hbm4b:s5+s4] =	stream.indirect.scatter @!p0 [tilespmem:s0], [sflag:$0x19], $0x80, s1, s4, $0xb8;
	[tilespmem:$0x1C680] =	vst v63  }
0x131: {  	p0 =	sne.s32 s21, $0x40  }
.Ltmp3:
0x132: {  	_ = 	snop;
	(pc) =	sbr.rel @!p0 .LBB2_5-.Ltmp3, $2  }
0x133: {  	_ =	sdelay $0x2  }
0x134: {  	s20 =	sadd.s32 $0x8, s20  }
.LBB2_2:
0x135: {  	s0 =	smul.u32 $0xAB, s21;
	_ =	sdelay $0x1  }
0x136: {  	p0 =	sgt.u32 s21, $0x3D;
	s0 =	sshrl.u32 s0, $0x9  }
.Ltmp4:
0x137: {  	s0 =	sand.u32 $0x7F, s0;
	(pc) =	sbr.rel @p0 .LBB2_4-.Ltmp4, $3  }
0x138: {  	s0 =	smul.u32 $0x3, s0;
	_ =	sdelay $0x1  }
0x139: {  	s0 =	ssub.s32 s21, s0  }
0x13a: {  	s22 =	sand.u32 $0xFF, s0  }
0x13b: {  	v4 =	vld [tilespmem:s20+$0x0];
	_ =	sdelay $0x4  }
0x13c: {  	(v2sf) =	vpush v4, $0x1  }
0x13d: {  	(v2sf) =	vpush v4, $0x2  }
0x13e: {  	(v2sf) =	vpush v4, $0x3;
	_ =	sdelay $0x1  }
0x13f: {  	(v2sf) =	vpush v4, $0x4;
	_ =	sdelay $0x2  }
0x140: {  	s10 =	sadd.s32 $0x2, s21;
	(v2sf) =	vpush v4, $0x5  }
0x141: {  	s0 =	smul.u32 $0xAB, s10  }
0x142: {  	(v2sf) =	vpush v4, $0x6  }
0x143: {  	s0 =	sshrl.u32 s0, $0x9  }
0x144: {  	s12 =	sand.u32 $0x7F, s0  }
0x145: {  	s12 =	smul.u32 $0x3, s12;
	(v2sf) =	vpush v4, $0x7;
	_ =	sdelay $0x1  }
0x146: {  	s17 =	simm.s32 $0x1;
	s10 =	ssub.s32 s10, s12  }
0x147: {  	s12 =	simm.s32 $0x1;
	s10 =	sand.u32 $0xFF, s10;
	s7 =	spop (v2sf)  }
0x148: {  	s9 =	spop (v2sf);
	s13 =	sand.u32 $0x7F, s7;
	s16 =	sshra.s32 s7, $0x1F  }
0x149: {  	p0 =	slt.s32 s7, $0x1;
	s11 =	spop (v2sf);
	p1 =	sne.s32 s13, $0x0  }
0x14a: {  	s13 =	sshrl.u32 s16, $0x19;
	s14 =	sshra.s32 s9, $0x1F;
	s18 =	sand.u32 $0x7F, s9  }
0x14b: {  	p2 =	slt.s32 s9, $0x1;
	s8 =	spop (v2sf);
	p0 =	por !p0, !p1  }
0x14c: {  	s7 =	sadd.s32 s13, s7;
	s15 =	sshrl.u32 s14, $0x19;
	p3 =	sne.s32 s18, $0x0  }
0x14d: {  	s19 =	sand.u32 $0x7F, s11;
	p4 =	slt.s32 s11, $0x1;
	s13 =	simm.s32 $0x1  }
0x14e: {  	s28 =	sshra.s32 s11, $0x1F;
	s4 =	spop (v2sf);
	p0 =	por !p0, !p0  }
0x14f: {  	s7 =	sshrl.u32 s7, $0x7;
	s23 =	sand.u32 $0x7F, s8;
	p5 =	slt.s32 s8, $0x1  }
0x150: {  	s9 =	sadd.s32 s15, s9;
	s31 =	sshra.s32 s8, $0x1F;
	s1 =	spop (v2sf)  }
0x151: {  	(v2sf) =	vpush v4, $0x0;
	s12 =	simm.s32 @!p0 $0x0;
	p0 =	por !p2, !p3;
	p2 =	sne.s32 s19, $0x0  }
0x152: {  	p6 =	sne.s32 s23, $0x0;
	s24 =	sand.u32 $0x7F, s4;
	s23 =	simm.s32 $0x1  }
0x153: {  	s29 =	sshrl.u32 s9, $0x7;
	s6 =	sshrl.u32 s31, $0x19;
	s0 =	spop (v2sf)  }
0x154: {  	s7 =	ssub.s32 s7, s12;
	p0 =	por !p0, !p0;
	p1 =	por !p4, !p2  }
0x155: {  	p2 =	por !p5, !p6;
	p3 =	sne.s32 s24, $0x0;
	p4 =	slt.s32 s4, $0x1  }
0x156: {  	s12 =	sshrl.u32 s28, $0x19;
	s8 =	sadd.s32 s6, s8;
	s6 =	simm.s32 $0x7A1400  }
0x157: {  	s28 =	sand.u32 $0x7F, s1;
	s13 =	simm.s32 @!p0 $0x0;
	p0 =	por !p1, !p1  }
0x158: {  	s24 =	sshll.u32 s7, $0x7;
	s30 =	sadd.s32 s12, s11;
	s11 =	sshra.s32 s4, $0x1F  }
0x159: {  	s8 =	sshrl.u32 s8, $0x7;
	s17 =	simm.s32 @!p0 $0x0;
	p0 =	por !p2, !p2  }
0x15a: {  	s7 =	ssub.s32 s29, s13;
	s9 =	sshrl.u32 s30, $0x7;
	s29 =	sand.u32 $0x7F, s0  }
0x15b: {  	s30 =	sshra.s32 s0, $0x1F;
	s23 =	simm.s32 @!p0 $0x0;
	p0 =	por !p4, !p3  }
0x15c: {  	s12 =	sshll.u32 s7, $0x7;
	s5 =	ssub.s32 s9, s17;
	s9 =	sshrl.u32 s11, $0x19  }
0x15d: {  	s11 =	simm.s32 $0x1;
	s17 =	sshll.u32 s10, $0xF;
	p3 =	slt.s32 s1, $0x1  }
0x15e: {  	p4 =	sne.s32 s28, $0x0;
	s31 =	sshrl.u32 s30, $0x19;
	s7 =	sshll.u32 s5, $0x7  }
0x15f: {  	s8 =	ssub.s32 s8, s23;
	s4 =	sadd.s32 s9, s4;
	p0 =	por !p0, !p0  }
0x160: {  	s19 =	sor.u32 $0x680, s17;
	s5 =	simm.s32 $0x400;
	s25 =	spop (v2sf)  }
0x161: {  	s15 =	sshrl.u32 s4, $0x7;
	s8 =	sshll.u32 s8, $0x7;
	s26 =	sand.u32 $0x7F, s25  }
0x162: {  	p6 =	slt.s32 s25, $0x1;
	s13 =	sshra.s32 s25, $0x1F;
	p5 =	sne.s32 s26, $0x0  }
0x163: {  	s14 =	sshrl.u32 s13, $0x19;
	s26 =	sshra.s32 s1, $0x1F;
	p1 =	por !p6, !p5  }
0x164: {  	s9 =	sadd.s32 s14, s25;
	p5 =	slt.s32 s0, $0x1;
	p6 =	sne.s32 s29, $0x0  }
0x165: {  	s0 =	sadd.s32 s31, s0;
	p1 =	por !p1, !p1;
	s16 =	sshrl.u32 s9, $0x7  }
0x166: {  	s9 =	simm.s32 $0x1;
	s0 =	sshrl.u32 s0, $0x7;
	s11 =	simm.s32 @!p1 $0x0  }
0x167: {  	s9 =	simm.s32 @!p0 $0x0;
	p1 =	seq.s32 s12, s24;
	s4 =	ssub.s32 s16, s11  }
0x168: {  	s9 =	ssub.s32 s15, s9;
	s18 =	sshll.u32 s4, $0x7;
	s4 =	sshll.u32 s10, $0x3  }
0x169: {  	s9 =	sshll.u32 s9, $0x7;
	s23 =	sand.u32 $0x1FFFFF80, s18;
	p0 =	seq.s32 s24, s18  }
0x16a: {  	s25 =	sor.u32 $0x1, s4;
	s11 =	sadd.s32 s2, s23;
	s13 =	sand.u32 @!p0 $0x1FFFFF80, s24  }
0x16b: {  	s10 =	sshll.u32 @!p0 s4, $0xC;
	s16 =	simm.s32 @!p0 $0x400;
	s17 =	simm.s32 @!p0 $0x7A1400  }
0x16c: {  	[tilespmem:s19], [sflag:s25] =	stream.strided.gather [hbm4b:s11+s5], $0x1000, s6, s5, $0x38;
	[tilespmem:$0x1C680] =	vst v63  }
0x16d: {  	s10 =	sadd.s32 @!p0 $0x1680, s10;
	s11 =	sadd.s32 @!p0 $0x2, s4;
	s13 =	sadd.s32 @!p0 s2, s13  }
0x16e: {  	[tilespmem:s10], [sflag:s11] =	stream.strided.gather @!p0 [hbm4b:s13+s16], $0x1000, s17, s16, $0x38;
	[tilespmem:$0x1C680] =	vst v63  }
0x16f: {  	s23 =	simm.s32 @!p1 $0x7A1400;
	s10 =	sshrl.u32 s26, $0x19;
	p0 =	por !p3, !p4  }
0x170: {  	s11 =	sshll.u32 @!p1 s4, $0xC;
	s13 =	sadd.s32 @!p1 $0x3, s4;
	s16 =	sand.u32 @!p1 $0x1FFFFF80, s12  }
0x171: {  	s17 =	simm.s32 @!p1 $0x400;
	s1 =	sadd.s32 s10, s1;
	p0 =	por !p0, !p0  }
0x172: {  	s10 =	simm.s32 $0x1;
	s11 =	sadd.s32 @!p1 $0x2680, s11;
	s16 =	sadd.s32 @!p1 s2, s16  }
0x173: {  	[tilespmem:s11], [sflag:s13] =	stream.strided.gather @!p1 [hbm4b:s16+s17], $0x1000, s23, s17, $0x38;
	[tilespmem:$0x1C680] =	vst v63  }
0x174: {  	s1 =	sshrl.u32 s1, $0x7;
	s10 =	simm.s32 @!p0 $0x0;
	p0 =	seq.s32 s7, s12  }
0x175: {  	p1 =	seq.s32 s8, s7;
	s1 =	ssub.s32 s1, s10;
	s11 =	sshll.u32 @!p0 s4, $0xC  }
0x176: {  	s12 =	sadd.s32 @!p0 $0x4, s4;
	s13 =	sand.u32 @!p0 $0x1FFFFF80, s7;
	s16 =	simm.s32 @!p0 $0x400  }
0x177: {  	s17 =	simm.s32 @!p0 $0x7A1400;
	s7 =	sshll.u32 @!p1 s4, $0xC;
	s10 =	sadd.s32 @!p1 $0x5, s4  }
0x178: {  	s11 =	sadd.s32 @!p0 $0x3680, s11;
	s13 =	sadd.s32 @!p0 s2, s13;
	s1 =	sshll.u32 s1, $0x7  }
0x179: {  	[tilespmem:s11], [sflag:s12] =	stream.strided.gather @!p0 [hbm4b:s13+s16], $0x1000, s17, s16, $0x38;
	[tilespmem:$0x1C680] =	vst v63  }
0x17a: {  	s7 =	sadd.s32 @!p1 $0x4680, s7;
	p0 =	por !p5, !p6;
	s11 =	sand.u32 @!p1 $0x1FFFFF80, s8  }
0x17b: {  	s12 =	simm.s32 @!p1 $0x400;
	s13 =	simm.s32 @!p1 $0x7A1400;
	s11 =	sadd.s32 @!p1 s2, s11  }
0x17c: {  	[tilespmem:s7], [sflag:s10] =	stream.strided.gather @!p1 [hbm4b:s11+s12], $0x1000, s13, s12, $0x38;
	[tilespmem:$0x1C680] =	vst v63  }
0x17d: {  	p0 =	por !p0, !p0;
	s7 =	simm.s32 $0x1;
	p1 =	seq.s32 s9, s8  }
0x17e: {  	s7 =	simm.s32 @!p0 $0x0;
	s8 =	sshll.u32 @!p1 s4, $0xC;
	s11 =	sand.u32 @!p1 $0x1FFFFF80, s9  }
0x17f: {  	s10 =	sadd.s32 @!p1 $0x6, s4;
	s12 =	simm.s32 @!p1 $0x400;
	s13 =	simm.s32 @!p1 $0x7A1400  }
0x180: {  	p0 =	seq.s32 s1, s9;
	s8 =	sadd.s32 @!p1 $0x5680, s8;
	s11 =	sadd.s32 @!p1 s2, s11  }
0x181: {  	s0 =	ssub.s32 s0, s7;
	s7 =	sshll.u32 @!p0 s4, $0xC;
	s9 =	sand.u32 @!p0 $0x1FFFFF80, s1  }
0x182: {  	[tilespmem:s8], [sflag:s10] =	stream.strided.gather @!p1 [hbm4b:s11+s12], $0x1000, s13, s12, $0x38;
	[tilespmem:$0x1C680] =	vst v63  }
0x183: {  	s0 =	sshll.u32 s0, $0x7;
	s7 =	sadd.s32 @!p0 $0x6680, s7;
	s8 =	sadd.s32 @!p0 $0x7, s4  }
0x184: {  	s9 =	sadd.s32 @!p0 s2, s9;
	s10 =	simm.s32 @!p0 $0x400;
	s11 =	simm.s32 @!p0 $0x7A1400  }
0x185: {  	[tilespmem:s7], [sflag:s8] =	stream.strided.gather @!p0 [hbm4b:s9+s10], $0x1000, s11, s10, $0x38;
	[tilespmem:$0x1C680] =	vst v63  }
.Ltmp5:
0x186: {  	p0 =	seq.s32 s0, s1;
	(pc) =	sbr.rel .LBB2_4-.Ltmp5, $4  }
0x187: {  	s1 =	sshll.u32 @!p0 s4, $0xC  }
0x188: {  	s4 =	sadd.s32 @!p0 $0x8, s4;
	s0 =	sand.u32 @!p0 $0x1FFFFF80, s0;
	s7 =	simm.s32 @!p0 $0x400  }
0x189: {  	s8 =	simm.s32 @!p0 $0x7A1400;
	s1 =	sadd.s32 @!p0 $0x7680, s1;
	s0 =	sadd.s32 @!p0 s2, s0  }
0x18a: {  	[tilespmem:s1], [sflag:s4] =	stream.strided.gather @!p0 [hbm4b:s0+s7], $0x1000, s8, s7, $0x38;
	[tilespmem:$0x1C680] =	vst v63  }
.LBB2_5:
0x18b: {  	s0 =	simm.s32 $0x19  }
0x18c: {  	_ =	swait.ge [sflag:s0], $0x2000  }
0x18d: {  	[sflag:s0] =	ssyncset.done $0x0  }
0x18e: {  	[sflag:s0] =	ssyncadd.s32 $0xFFFFE000  }
0x18f: {  	_ =	swait.ge [sflag:s0], $0x2000  }
0x190: {  	s12 =	simm.s32 $0x0;
	[sflag:s0] =	ssyncset.done $0x0  }
0x191: {  	s4 =	simm.s32 $0x1A;
	s1 =	rddreg [dreg:$0x8];
	[sflag:s0] =	ssyncadd.s32 $0xFFFFE000  }
0x192: {  	[tilespmem:s12], [sflag:$0x1A] =	stream.linear.gather [hbm4b:s1+s12], $0x200, $0x38;
	[tilespmem:$0x1C680] =	vst v63  }
0x193: {  	_ =	swait.ge [sflag:s4], $0x200  }
0x194: {  	[sflag:s4] =	ssyncset.done $0x0  }
0x195: {  	s5 =	simm.s32 $0x280;
	s13 =	rddreg [dreg:$0x9];
	[sflag:s4] =	ssyncadd.s32 $0xFFFFFE00  }
0x196: {  	[tilespmem:s5], [sflag:$0x1A] =	stream.linear.gather [hbm4b:s13+s12], $0x400, $0x38;
	[tilespmem:$0x1C680] =	vst v63  }
0x197: {  	_ =	swait.ge [sflag:s4], $0x400  }
0x198: {  	[sflag:s4] =	ssyncset.done $0x0  }
0x199: {  	[sflag:s4] =	ssyncadd.s32 $0xFFFFFC00  }
0x19a: {  	v4 =	vld [tilespmem:$0x0];
	_ =	sdelay $0x4  }
0x19b: {  	(v2sf) =	vpush v4, $0x1  }
0x19c: {  	(v2sf) =	vpush v4, $0x2  }
0x19d: {  	(v2sf) =	vpush v4, $0x3;
	_ =	sdelay $0x2  }
0x19e: {  	(v2sf) =	vpush v4, $0x4;
	_ =	sdelay $0x2  }
0x19f: {  	(v2sf) =	vpush v4, $0x5  }
0x1a0: {  	(v2sf) =	vpush v4, $0x6  }
0x1a1: {  	(v2sf) =	vpush v4, $0x7  }
0x1a2: {  	(v2sf) =	vpush v4, $0x0;
	_ =	sdelay $0x3  }
0x1a3: {  	s23 =	simm.s32 $0x680;
	s14 =	spop (v2sf)  }
0x1a4: {  	s13 =	simm.s32 $0x400;
	s6 =	spop (v2sf);
	s15 =	sshra.s32 s14, $0x1F  }
0x1a5: {  	s10 =	sand.u32 $0x7F, s14;
	p0 =	slt.s32 s14, $0x1;
	s8 =	spop (v2sf)  }
0x1a6: {  	s0 =	sshrl.u32 s15, $0x19;
	p1 =	sne.s32 s10, $0x0;
	s10 =	simm.s32 $0x1  }
0x1a7: {  	s12 =	sshra.s32 s6, $0x1F;
	s21 =	sand.u32 $0x7F, s6;
	p3 =	slt.s32 s6, $0x1  }
0x1a8: {  	s7 =	spop (v2sf);
	s9 =	sadd.s32 s0, s14;
	p0 =	por !p0, !p1  }
0x1a9: {  	s19 =	sshrl.u32 s12, $0x19;
	s14 =	simm.s32 $0x7A1400;
	p4 =	sne.s32 s21, $0x0  }
0x1aa: {  	s25 =	sand.u32 $0x7F, s8;
	s26 =	sshra.s32 s8, $0x1F;
	p5 =	slt.s32 s8, $0x1  }
0x1ab: {  	s4 =	spop (v2sf);
	s9 =	sshrl.u32 s9, $0x7;
	p0 =	por !p0, !p0  }
0x1ac: {  	s28 =	sshrl.u32 s26, $0x19;
	s30 =	sand.u32 $0x7F, s7;
	s1 =	spop (v2sf)  }
0x1ad: {  	s31 =	sshra.s32 s7, $0x1F;
	s8 =	sadd.s32 s28, s8;
	s0 =	spop (v2sf)  }
0x1ae: {  	s29 =	sshrl.u32 s8, $0x7;
	s8 =	simm.s32 $0x1;
	s16 =	spop (v2sf)  }
0x1af: {  	s17 =	sand.u32 $0x7F, s16;
	s11 =	sshra.s32 s16, $0x1F;
	p6 =	slt.s32 s16, $0x1  }
0x1b0: {  	p2 =	sne.s32 s17, $0x0;
	s18 =	sshrl.u32 s11, $0x19;
	s11 =	simm.s32 $0x1  }
0x1b1: {  	s17 =	sand.u32 $0x7F, s1;
	p1 =	por !p6, !p2;
	s5 =	sadd.s32 s18, s16  }
0x1b2: {  	s11 =	simm.s32 @!p0 $0x0;
	p6 =	sne.s32 s25, $0x0;
	s16 =	sshra.s32 s1, $0x1F  }
0x1b3: {  	s18 =	sshra.s32 s0, $0x1F;
	p1 =	por !p1, !p1;
	s5 =	sshrl.u32 s5, $0x7  }
0x1b4: {  	s9 =	ssub.s32 s9, s11;
	p2 =	por !p5, !p6;
	p5 =	slt.s32 s4, $0x1  }
0x1b5: {  	s10 =	simm.s32 @!p1 $0x0;
	s9 =	sshll.u32 s9, $0x7;
	p1 =	por !p3, !p4  }
0x1b6: {  	p3 =	slt.s32 s7, $0x1;
	p4 =	sne.s32 s30, $0x0;
	s5 =	ssub.s32 s5, s10  }
0x1b7: {  	s10 =	sadd.s32 s19, s6;
	s19 =	sand.u32 $0x7F, s0;
	s5 =	sshll.u32 s5, $0x7  }
0x1b8: {  	s24 =	sshrl.u32 s10, $0x7;
	s20 =	sand.u32 $0x1FFFFF80, s5;
	p0 =	seq.s32 s9, s5  }
0x1b9: {  	s22 =	sadd.s32 s3, s20;
	s5 =	sand.u32 @!p0 $0x1FFFFF80, s9;
	s10 =	simm.s32 @!p0 $0x400  }
0x1ba: {  	[tilespmem:s23], [sflag:$0x1] =	stream.strided.gather [hbm4b:s22+s13], $0x1000, s14, s13, $0x38;
	[tilespmem:$0x1C680] =	vst v63  }
0x1bb: {  	s11 =	simm.s32 @!p0 $0x7A1400;
	s12 =	simm.s32 @!p0 $0x1680;
	s5 =	sadd.s32 @!p0 s3, s5  }
0x1bc: {  	[tilespmem:s12], [sflag:$0x2] =	stream.strided.gather @!p0 [hbm4b:s5+s10], $0x1000, s11, s10, $0x38;
	[tilespmem:$0x1C680] =	vst v63  }
0x1bd: {  	p0 =	por !p1, !p1;
	s5 =	simm.s32 $0x1;
	s10 =	simm.s32 $0x1  }
0x1be: {  	s11 =	sand.u32 $0x7F, s4;
	s12 =	sshra.s32 s4, $0x1F;
	s5 =	simm.s32 @!p0 $0x0  }
0x1bf: {  	p0 =	por !p2, !p2;
	p6 =	sne.s32 s11, $0x0;
	s15 =	sshrl.u32 s12, $0x19  }
0x1c0: {  	p2 =	slt.s32 s1, $0x1;
	s5 =	ssub.s32 s24, s5;
	s10 =	simm.s32 @!p0 $0x0  }
0x1c1: {  	p0 =	por !p3, !p4;
	s4 =	sadd.s32 s15, s4;
	p3 =	sne.s32 s17, $0x0  }
0x1c2: {  	s5 =	sshll.u32 s5, $0x7;
	s6 =	ssub.s32 s29, s10;
	s10 =	sshrl.u32 s31, $0x19  }
0x1c3: {  	p0 =	por !p0, !p0;
	s4 =	sshrl.u32 s4, $0x7;
	p4 =	por !p2, !p3  }
0x1c4: {  	s6 =	sshll.u32 s6, $0x7;
	s7 =	sadd.s32 s10, s7;
	s8 =	simm.s32 @!p0 $0x0  }
0x1c5: {  	p0 =	por !p5, !p6;
	p5 =	slt.s32 s0, $0x1;
	s7 =	sshrl.u32 s7, $0x7  }
0x1c6: {  	p0 =	por !p0, !p0;
	s7 =	ssub.s32 s7, s8;
	s8 =	simm.s32 $0x1  }
0x1c7: {  	p6 =	sne.s32 s19, $0x0;
	p1 =	seq.s32 s6, s5;
	s8 =	simm.s32 @!p0 $0x0  }
0x1c8: {  	p0 =	seq.s32 s5, s9;
	s4 =	ssub.s32 s4, s8;
	s8 =	sshrl.u32 s16, $0x19  }
0x1c9: {  	s7 =	sshll.u32 s7, $0x7;
	s10 =	sand.u32 @!p0 $0x1FFFFF80, s5;
	s11 =	simm.s32 @!p0 $0x7A1400  }
0x1ca: {  	s12 =	simm.s32 @!p0 $0x2680;
	s5 =	simm.s32 $0x1;
	s9 =	sadd.s32 @!p0 s3, s10  }
0x1cb: {  	s10 =	simm.s32 @!p0 $0x400;
	s1 =	sadd.s32 s8, s1;
	s8 =	sand.u32 @!p1 $0x1FFFFF80, s6  }
0x1cc: {  	[tilespmem:s12], [sflag:$0x3] =	stream.strided.gather @!p0 [hbm4b:s9+s10], $0x1000, s11, s10, $0x38;
	[tilespmem:$0x1C680] =	vst v63  }
0x1cd: {  	s4 =	sshll.u32 s4, $0x7;
	p0 =	por !p4, !p4;
	s1 =	sshrl.u32 s1, $0x7  }
0x1ce: {  	s8 =	sadd.s32 @!p1 s3, s8;
	s9 =	simm.s32 @!p1 $0x400;
	s10 =	simm.s32 @!p1 $0x7A1400  }
0x1cf: {  	s11 =	simm.s32 @!p1 $0x3680;
	s5 =	simm.s32 @!p0 $0x0;
	p0 =	seq.s32 s7, s6  }
0x1d0: {  	[tilespmem:s11], [sflag:$0x4] =	stream.strided.gather @!p1 [hbm4b:s8+s9], $0x1000, s10, s9, $0x38;
	[tilespmem:$0x1C680] =	vst v63  }
0x1d1: {  	p2 =	seq.s32 s4, s7;
	s1 =	ssub.s32 s1, s5;
	s6 =	sand.u32 @!p0 $0x1FFFFF80, s7  }
0x1d2: {  	s5 =	sshrl.u32 s18, $0x19;
	s9 =	simm.s32 @!p0 $0x400;
	s10 =	simm.s32 @!p0 $0x7A1400  }
0x1d3: {  	s11 =	simm.s32 @!p0 $0x4680;
	s7 =	simm.s32 @!p2 $0x400;
	s8 =	simm.s32 @!p2 $0x7A1400  }
0x1d4: {  	s1 =	sshll.u32 s1, $0x7;
	s6 =	sadd.s32 @!p0 s3, s6;
	s0 =	sadd.s32 s5, s0  }
0x1d5: {  	[tilespmem:s11], [sflag:$0x5] =	stream.strided.gather @!p0 [hbm4b:s6+s9], $0x1000, s10, s9, $0x38;
	[tilespmem:$0x1C680] =	vst v63  }
0x1d6: {  	s5 =	sand.u32 @!p2 $0x1FFFFF80, s4;
	p0 =	por !p5, !p6;
	s6 =	simm.s32 $0x1  }
0x1d7: {  	s5 =	sadd.s32 @!p2 s3, s5;
	s9 =	simm.s32 @!p2 $0x5680;
	p0 =	por !p0, !p0  }
0x1d8: {  	[tilespmem:s9], [sflag:$0x6] =	stream.strided.gather @!p2 [hbm4b:s5+s7], $0x1000, s8, s7, $0x38;
	[tilespmem:$0x1C680] =	vst v63  }
0x1d9: {  	s6 =	simm.s32 @!p0 $0x0;
	p0 =	seq.s32 s1, s4  }
0x1da: {  	s0 =	sshrl.u32 s0, $0x7;
	s4 =	sand.u32 @!p0 $0x1FFFFF80, s1  }
0x1db: {  	s0 =	ssub.s32 s0, s6;
	s5 =	simm.s32 @!p0 $0x400;
	s6 =	simm.s32 @!p0 $0x7A1400  }
0x1dc: {  	s7 =	simm.s32 @!p0 $0x6680;
	s0 =	sshll.u32 s0, $0x7;
	s4 =	sadd.s32 @!p0 s3, s4  }
0x1dd: {  	[tilespmem:s7], [sflag:$0x7] =	stream.strided.gather @!p0 [hbm4b:s4+s5], $0x1000, s6, s5, $0x38;
	[tilespmem:$0x1C680] =	vst v63  }
0x1de: {  	p0 =	seq.s32 s0, s1  }
0x1df: {  	s0 =	sand.u32 @!p0 $0x1FFFFF80, s0;
	s1 =	simm.s32 @!p0 $0x400  }
0x1e0: {  	s4 =	simm.s32 @!p0 $0x7A1400;
	s5 =	simm.s32 @!p0 $0x7680;
	s0 =	sadd.s32 @!p0 s3, s0  }
0x1e1: {  	[tilespmem:s5], [sflag:$0x8] =	stream.strided.gather @!p0 [hbm4b:s0+s1], $0x1000, s4, s1, $0x38;
	[tilespmem:$0x1C680] =	vst v63  }
0x1e2: {  	v4 =	vld [tilespmem:$0x8];
	_ =	sdelay $0x4  }
0x1e3: {  	(v2sf) =	vpush v4, $0x1  }
0x1e4: {  	(v2sf) =	vpush v4, $0x2  }
0x1e5: {  	(v2sf) =	vpush v4, $0x3  }
0x1e6: {  	(v2sf) =	vpush v4, $0x4;
	_ =	sdelay $0x1  }
0x1e7: {  	(v2sf) =	vpush v4, $0x5;
	_ =	sdelay $0x2  }
0x1e8: {  	(v2sf) =	vpush v4, $0x6  }
0x1e9: {  	(v2sf) =	vpush v4, $0x7  }
0x1ea: {  	(v2sf) =	vpush v4, $0x0;
	_ =	sdelay $0x4  }
0x1eb: {  	s12 =	simm.s32 $0x8680;
	s10 =	simm.s32 $0x1;
	s20 =	spop (v2sf)  }
0x1ec: {  	s11 =	simm.s32 $0x1;
	s21 =	spop (v2sf);
	s24 =	sshra.s32 s20, $0x1F  }
0x1ed: {  	s25 =	sand.u32 $0x7F, s20;
	p3 =	slt.s32 s20, $0x1;
	s22 =	spop (v2sf)  }
0x1ee: {  	p4 =	sne.s32 s25, $0x0;
	s9 =	sshrl.u32 s24, $0x19;
	s23 =	spop (v2sf)  }
0x1ef: {  	p0 =	por !p3, !p4;
	s5 =	sadd.s32 s9, s20;
	s15 =	sand.u32 $0x7F, s22  }
0x1f0: {  	s16 =	sshra.s32 s22, $0x1F;
	p3 =	slt.s32 s22, $0x1;
	s4 =	spop (v2sf)  }
0x1f1: {  	p0 =	por !p0, !p0;
	s5 =	sshrl.u32 s5, $0x7;
	p4 =	sne.s32 s15, $0x0  }
0x1f2: {  	s17 =	sshrl.u32 s16, $0x19;
	s18 =	sand.u32 $0x7F, s23;
	s19 =	sshra.s32 s23, $0x1F  }
0x1f3: {  	s1 =	spop (v2sf);
	s11 =	simm.s32 @!p0 $0x0;
	s8 =	sadd.s32 s17, s22  }
0x1f4: {  	s20 =	sshrl.u32 s19, $0x19;
	s22 =	sshra.s32 s4, $0x1F;
	s0 =	spop (v2sf)  }
0x1f5: {  	s5 =	ssub.s32 s5, s11;
	s8 =	sshrl.u32 s8, $0x7;
	s26 =	spop (v2sf)  }
0x1f6: {  	s7 =	sadd.s32 s20, s23;
	s25 =	sand.u32 $0x7F, s1;
	s28 =	sand.u32 $0x7F, s26  }
0x1f7: {  	p5 =	slt.s32 s26, $0x1;
	s29 =	sshra.s32 s26, $0x1F;
	p6 =	sne.s32 s28, $0x0  }
0x1f8: {  	s5 =	sshll.u32 s5, $0x7;
	s30 =	sshrl.u32 s29, $0x19;
	p1 =	por !p5, !p6  }
0x1f9: {  	s7 =	sshrl.u32 s7, $0x7;
	s9 =	sadd.s32 s30, s26;
	p1 =	por !p1, !p1  }
0x1fa: {  	s29 =	sand.u32 $0x7F, s0;
	s9 =	sshrl.u32 s9, $0x7;
	s10 =	simm.s32 @!p1 $0x0  }
0x1fb: {  	p5 =	slt.s32 s23, $0x1;
	p6 =	sne.s32 s18, $0x0;
	s9 =	ssub.s32 s9, s10  }
0x1fc: {  	s23 =	sshrl.u32 s22, $0x19;
	s26 =	sshra.s32 s1, $0x1F;
	s9 =	sshll.u32 s9, $0x7  }
0x1fd: {  	s30 =	sshra.s32 s0, $0x1F;
	s28 =	sshrl.u32 s26, $0x19;
	s31 =	sand.u32 $0x1FFFFF80, s9  }
0x1fe: {  	p1 =	slt.s32 s21, $0x1;
	p0 =	seq.s32 s5, s9;
	s11 =	sadd.s32 s3, s31  }
0x1ff: {  	s9 =	sand.u32 @!p0 $0x1FFFFF80, s5;
	s10 =	simm.s32 @!p0 $0x400;
	s31 =	sshrl.u32 s30, $0x19  }
0x200: {  	[tilespmem:s12], [sflag:$0x9] =	stream.strided.gather [hbm4b:s11+s13], $0x1000, s14, s13, $0x38;
	[tilespmem:$0x1C680] =	vst v63  }
0x201: {  	s9 =	sadd.s32 @!p0 s3, s9;
	s11 =	simm.s32 @!p0 $0x7A1400;
	s13 =	sand.u32 $0x7F, s21  }
0x202: {  	s12 =	simm.s32 @!p0 $0x9680;
	s14 =	sshra.s32 s21, $0x1F;
	p2 =	sne.s32 s13, $0x0  }
0x203: {  	[tilespmem:s12], [sflag:$0xA] =	stream.strided.gather @!p0 [hbm4b:s9+s10], $0x1000, s11, s10, $0x38;
	[tilespmem:$0x1C680] =	vst v63  }
0x204: {  	p0 =	por !p1, !p2;
	s9 =	sshrl.u32 s14, $0x19;
	s10 =	simm.s32 $0x1  }
0x205: {  	p1 =	slt.s32 s4, $0x1;
	p0 =	por !p0, !p0;
	s6 =	sadd.s32 s9, s21  }
0x206: {  	s9 =	simm.s32 $0x1;
	s21 =	sand.u32 $0x7F, s4;
	s4 =	sadd.s32 s23, s4  }
0x207: {  	s10 =	simm.s32 @!p0 $0x0;
	s6 =	sshrl.u32 s6, $0x7;
	p0 =	por !p3, !p4  }
0x208: {  	p2 =	sne.s32 s21, $0x0;
	s4 =	sshrl.u32 s4, $0x7;
	p3 =	slt.s32 s1, $0x1  }
0x209: {  	p4 =	sne.s32 s25, $0x0;
	s1 =	sadd.s32 s28, s1;
	p0 =	por !p0, !p0  }
0x20a: {  	s6 =	ssub.s32 s6, s10;
	s1 =	sshrl.u32 s1, $0x7;
	s9 =	simm.s32 @!p0 $0x0  }
0x20b: {  	s6 =	sshll.u32 s6, $0x7;
	p0 =	por !p5, !p6;
	p5 =	slt.s32 s0, $0x1  }
0x20c: {  	p6 =	sne.s32 s29, $0x0;
	s0 =	sadd.s32 s31, s0;
	s8 =	ssub.s32 s8, s9  }
0x20d: {  	p0 =	por !p0, !p0;
	s9 =	simm.s32 $0x1;
	s8 =	sshll.u32 s8, $0x7  }
0x20e: {  	s9 =	simm.s32 @!p0 $0x0;
	p0 =	por !p1, !p2;
	p1 =	seq.s32 s6, s5  }
0x20f: {  	s24 =	ssub.s32 s7, s9;
	s7 =	sand.u32 @!p1 $0x1FFFFF80, s6;
	s9 =	simm.s32 @!p1 $0x400  }
0x210: {  	s10 =	simm.s32 @!p1 $0x7A1400;
	s11 =	simm.s32 @!p1 $0xA680;
	s7 =	sadd.s32 @!p1 s3, s7  }
0x211: {  	[tilespmem:s11], [sflag:$0xB] =	stream.strided.gather @!p1 [hbm4b:s7+s9], $0x1000, s10, s9, $0x38;
	[tilespmem:$0x1C680] =	vst v63  }
0x212: {  	p0 =	por !p0, !p0;
	s5 =	sshll.u32 s24, $0x7;
	s7 =	simm.s32 $0x1  }
0x213: {  	p1 =	seq.s32 s8, s6;
	s7 =	simm.s32 @!p0 $0x0;
	p0 =	por !p3, !p4  }
0x214: {  	s9 =	simm.s32 @!p1 $0x7A1400;
	s4 =	ssub.s32 s4, s7;
	s7 =	sand.u32 @!p1 $0x1FFFFF80, s8  }
0x215: {  	s10 =	simm.s32 @!p1 $0xB680;
	s6 =	sadd.s32 @!p1 s3, s7;
	s7 =	simm.s32 @!p1 $0x400  }
0x216: {  	[tilespmem:s10], [sflag:$0xC] =	stream.strided.gather @!p1 [hbm4b:s6+s7], $0x1000, s9, s7, $0x38;
	[tilespmem:$0x1C680] =	vst v63  }
0x217: {  	s0 =	sshrl.u32 s0, $0x7;
	p0 =	por !p0, !p0;
	p1 =	seq.s32 s5, s8  }
0x218: {  	s4 =	sshll.u32 s4, $0x7;
	s6 =	simm.s32 $0x1;
	s7 =	sand.u32 @!p1 $0x1FFFFF80, s5  }
0x219: {  	s6 =	simm.s32 @!p0 $0x0;
	s8 =	simm.s32 @!p1 $0x400;
	s9 =	simm.s32 @!p1 $0x7A1400  }
0x21a: {  	s10 =	simm.s32 @!p1 $0xC680;
	p0 =	por !p5, !p6;
	s7 =	sadd.s32 @!p1 s3, s7  }
0x21b: {  	[tilespmem:s10], [sflag:$0xD] =	stream.strided.gather @!p1 [hbm4b:s7+s8], $0x1000, s9, s8, $0x38;
	[tilespmem:$0x1C680] =	vst v63  }
0x21c: {  	s1 =	ssub.s32 s1, s6;
	p0 =	por !p0, !p0;
	p1 =	seq.s32 s4, s5  }
0x21d: {  	s6 =	simm.s32 $0x1;
	s1 =	sshll.u32 s1, $0x7;
	s5 =	sand.u32 @!p1 $0x1FFFFF80, s4  }
0x21e: {  	s6 =	simm.s32 @!p0 $0x0;
	s7 =	simm.s32 @!p1 $0x400;
	s8 =	simm.s32 @!p1 $0x7A1400  }
0x21f: {  	s9 =	simm.s32 @!p1 $0xD680;
	p0 =	seq.s32 s1, s4;
	s0 =	ssub.s32 s0, s6  }
0x220: {  	s5 =	sadd.s32 @!p1 s3, s5;
	s4 =	sand.u32 @!p0 $0x1FFFFF80, s1;
	s6 =	simm.s32 @!p0 $0x7A1400  }
0x221: {  	[tilespmem:s9], [sflag:$0xE] =	stream.strided.gather @!p1 [hbm4b:s5+s7], $0x1000, s8, s7, $0x38;
	[tilespmem:$0x1C680] =	vst v63  }
0x222: {  	s4 =	sadd.s32 @!p0 s3, s4;
	s5 =	simm.s32 @!p0 $0x400;
	s7 =	simm.s32 @!p0 $0xE680  }
0x223: {  	[tilespmem:s7], [sflag:$0xF] =	stream.strided.gather @!p0 [hbm4b:s4+s5], $0x1000, s6, s5, $0x38;
	[tilespmem:$0x1C680] =	vst v63  }
.Ltmp6:
0x224: {  	s0 =	sshll.u32 s0, $0x7;
	(pc) =	sbr.rel .LBB2_6-.Ltmp6, $4  }
0x225: {  	s20 =	simm.s32 $0x0;
	p0 =	seq.s32 s0, s1  }
0x226: {  	s21 =	simm.s32 $0x10;
	s0 =	sand.u32 @!p0 $0x1FFFFF80, s0;
	s1 =	simm.s32 @!p0 $0x400  }
0x227: {  	s4 =	simm.s32 @!p0 $0x7A1400;
	s5 =	simm.s32 @!p0 $0xF680;
	s0 =	sadd.s32 @!p0 s3, s0  }
0x228: {  	[tilespmem:s5], [sflag:$0x10] =	stream.strided.gather @!p0 [hbm4b:s0+s1], $0x1000, s4, s1, $0x38;
	[tilespmem:$0x1C680] =	vst v63  }
.LBB2_8:
0x229: {  	s23 =	sand.u32 $0x7, s20;
	p0 =	slt.u32 s20, $0x10  }
0x22a: {  	p1 =	sne.s32 @!p0 s23, $0x0  }
0x22b: {  	p0 =	por p1, p0  }
0x22c: {  	s0 =	simm.s32 @!p0 $0x19  }
0x22d: {  	_ =	swait.ge @!p0 [sflag:s0], $0x2000  }
0x22e: {  	[sflag:s0] =	ssyncset.done @!p0 $0x0  }
0x22f: {  	[sflag:s0] =	ssyncadd.s32 @!p0 $0xFFFFE000  }
0x230: {  	v4 =	vld [tilespmem:s21+$0xFFFFFFF0];
	_ =	sdelay $0x4  }
0x231: {  	(v2sf) =	vpush v4, $0x0;
	_ =	sdelay $0x1  }
0x232: {  	(v2sf) =	vpush v4, $0x1  }
0x233: {  	(v2sf) =	vpush v4, $0x2;
	_ =	sdelay $0x1  }
0x234: {  	(v2sf) =	vpush v4, $0x3  }
0x235: {  	(v2sf) =	vpush v4, $0x4;
	_ =	sdelay $0x1  }
0x236: {  	(v2sf) =	vpush v4, $0x5;
	_ =	sdelay $0x6  }
0x237: {  	s8 =	spop (v2sf);
	(v2sf) =	vpush v4, $0x6  }
0x238: {  	s5 =	simm.s32 $0x1  }
0x239: {  	s6 =	simm.s32 $0x1;
	s1 =	sshra.s32 s8, $0x1F;
	s0 =	spop (v2sf)  }
0x23a: {  	p5 =	slt.s32 s8, $0x1;
	s1 =	sshrl.u32 s1, $0x19;
	s29 =	spop (v2sf)  }
0x23b: {  	s4 =	sshra.s32 s0, $0x1F;
	p1 =	slt.s32 s0, $0x1;
	s1 =	sadd.s32 s1, s8  }
0x23c: {  	s28 =	spop (v2sf);
	s4 =	sshrl.u32 s4, $0x19;
	s17 =	sshra.s32 s29, $0x1F  }
0x23d: {  	p3 =	slt.s32 s29, $0x1;
	s11 =	sand.u32 $0xFFFFFF80, s1;
	s25 =	spop (v2sf)  }
0x23e: {  	s1 =	sshrl.u32 s1, $0x7;
	s4 =	sadd.s32 s4, s0;
	s7 =	sshra.s32 s28, $0x1F  }
0x23f: {  	p6 =	sne.s32 s8, s11;
	s24 =	spop (v2sf);
	s9 =	sand.u32 $0xFFFFFF80, s4  }
0x240: {  	s4 =	sshrl.u32 s4, $0x7;
	s7 =	sshrl.u32 s7, $0x19;
	s30 =	sshra.s32 s25, $0x1F  }
0x241: {  	p0 =	por !p5, !p6;
	p2 =	sne.s32 s0, s9;
	s19 =	sadd.s32 s7, s28  }
0x242: {  	p5 =	slt.s32 s28, $0x1;
	s14 =	sshra.s32 s24, $0x1F;
	p0 =	por !p0, !p0  }
0x243: {  	s7 =	sand.u32 $0xFFFFFF80, s19;
	s14 =	sshrl.u32 s14, $0x19;
	s5 =	simm.s32 @!p0 $0x0  }
0x244: {  	p0 =	por !p1, !p2;
	p6 =	sne.s32 s28, s7;
	p1 =	slt.s32 s25, $0x1  }
0x245: {  	s14 =	sadd.s32 s14, s24;
	s1 =	ssub.s32 s1, s5;
	s5 =	sshrl.u32 s17, $0x19  }
0x246: {  	p0 =	por !p0, !p0;
	s18 =	sadd.s32 s5, s29;
	s26 =	spop (v2sf);
	(v2sf) =	vpush v4, $0x7  }
0x247: {  	s17 =	simm.s32 $0x1;
	s5 =	simm.s32 $0x1;
	s13 =	sand.u32 $0xFFFFFF80, s18  }
0x248: {  	s10 =	sshll.u32 s1, $0x7;
	s5 =	simm.s32 @!p0 $0x0;
	p2 =	sne.s32 s29, s13  }
0x249: {  	s1 =	sshrl.u32 s18, $0x7;
	s4 =	ssub.s32 s4, s5;
	p4 =	por !p3, !p2  }
0x24a: {  	s5 =	sshrl.u32 s19, $0x7;
	s12 =	sshll.u32 s4, $0x7;
	p0 =	por !p4, !p4  }
0x24b: {  	p3 =	slt.s32 s24, $0x1;
	s6 =	simm.s32 @!p0 $0x0;
	p0 =	por !p5, !p6  }
0x24c: {  	s1 =	ssub.s32 s1, s6;
	p0 =	por !p0, !p0;
	s6 =	simm.s32 $0x1  }
0x24d: {  	s31 =	sshra.s32 s26, $0x1F;
	s4 =	sshll.u32 s1, $0x7;
	s1 =	sshrl.u32 s30, $0x19  }
0x24e: {  	p5 =	slt.s32 s26, $0x1;
	s6 =	simm.s32 @!p0 $0x0;
	s1 =	sadd.s32 s1, s25  }
0x24f: {  	s30 =	sshll.u32 s22, $0x3;
	s5 =	ssub.s32 s5, s6;
	s16 =	sand.u32 $0xFFFFFF80, s1  }
0x250: {  	s19 =	sor.u32 $0x1, s30;
	s15 =	sshrl.u32 s1, $0x7;
	p2 =	sne.s32 s25, s16  }
0x251: {  	s1 =	sand.u32 $0xFFFFFF80, s14;
	s14 =	sshrl.u32 s14, $0x7;
	p0 =	por !p1, !p2  }
0x252: {  	s5 =	sshll.u32 s5, $0x7;
	p4 =	sne.s32 s24, s1;
	p0 =	por !p0, !p0  }
0x253: {  	p2 =	seq.s32 s12, s10;
	s17 =	simm.s32 @!p0 $0x0;
	p0 =	por !p3, !p4  }
0x254: {  	p4 =	seq.s32 s5, s4;
	s6 =	ssub.s32 s15, s17;
	p0 =	por !p0, !p0  }
0x255: {  	s15 =	simm.s32 $0x1;
	s17 =	sshrl.u32 s31, $0x19;
	s31 =	spop (v2sf)  }
0x256: {  	s15 =	simm.s32 @!p0 $0x0;
	s17 =	sadd.s32 s17, s26;
	_ =	swait.ge [sflag:s19], $0x1000  }
0x257: {  	s14 =	ssub.s32 s14, s15;
	s18 =	sshrl.u32 s17, $0x7;
	[sflag:s19] =	ssyncset.done $0x0  }
0x258: {  	s17 =	sand.u32 $0xFFFFFF80, s17;
	s15 =	sadd.s32 @!p2 $0x2, s30;
	[sflag:s19] =	ssyncadd.s32 $0xFFFFF000  }
0x259: {  	s6 =	sshll.u32 s6, $0x7;
	p6 =	sne.s32 s26, s17;
	_ =	swait.ge @!p2 [sflag:s15], $0x1000  }
0x25a: {  	p0 =	por !p5, !p6;
	p5 =	seq.s32 s4, s12;
	[sflag:s15] =	ssyncset.done @!p2 $0x0  }
0x25b: {  	p3 =	seq.s32 s6, s5;
	[sflag:s15] =	ssyncadd.s32 @!p2 $0xFFFFF000;
	s15 =	sadd.s32 @!p5 $0x3, s30  }
0x25c: {  	p0 =	por !p0, !p0;
	s19 =	simm.s32 $0x1;
	_ =	swait.ge @!p5 [sflag:s15], $0x1000  }
0x25d: {  	s5 =	sadd.s32 @!p4 $0x4, s30;
	s19 =	simm.s32 @!p0 $0x0;
	[sflag:s15] =	ssyncset.done @!p5 $0x0  }
0x25e: {  	s18 =	ssub.s32 s18, s19;
	s19 =	sshra.s32 s31, $0x1F;
	[sflag:s15] =	ssyncadd.s32 @!p5 $0xFFFFF000  }
0x25f: {  	s14 =	sshll.u32 s14, $0x7;
	s4 =	sshrl.u32 s19, $0x19;
	_ =	swait.ge @!p4 [sflag:s5], $0x1000  }
0x260: {  	p1 =	slt.s32 s31, $0x1;
	s15 =	sadd.s32 s4, s31;
	[sflag:s5] =	ssyncset.done @!p4 $0x0  }
0x261: {  	s4 =	sand.u32 $0xFFFFFF80, s15;
	[sflag:s5] =	ssyncadd.s32 @!p4 $0xFFFFF000;
	s5 =	sadd.s32 @!p3 $0x5, s30  }
0x262: {  	p2 =	seq.s32 s14, s6;
	p6 =	sne.s32 s31, s4;
	_ =	swait.ge @!p3 [sflag:s5], $0x1000  }
0x263: {  	s19 =	sshll.u32 s18, $0x7;
	p0 =	por !p1, !p6;
	[sflag:s5] =	ssyncset.done @!p3 $0x0  }
0x264: {  	p1 =	seq.s32 s19, s14;
	[sflag:s5] =	ssyncadd.s32 @!p3 $0xFFFFF000;
	s5 =	sadd.s32 @!p2 $0x6, s30  }
0x265: {  	s14 =	simm.s32 $0x1;
	p0 =	por !p0, !p0;
	_ =	swait.ge @!p2 [sflag:s5], $0x1000  }
0x266: {  	s15 =	sshrl.u32 s15, $0x7;
	s14 =	simm.s32 @!p0 $0x0;
	[sflag:s5] =	ssyncset.done @!p2 $0x0  }
0x267: {  	s14 =	ssub.s32 s15, s14;
	[sflag:s5] =	ssyncadd.s32 @!p2 $0xFFFFF000;
	s5 =	sadd.s32 @!p1 $0x7, s30  }
0x268: {  	s8 =	ssub.s32 s8, s11;
	s14 =	sshll.u32 s14, $0x7;
	_ =	swait.ge @!p1 [sflag:s5], $0x1000  }
0x269: {  	v4 =	vadd.s32 s8, v1;
	p0 =	seq.s32 s14, s19;
	[sflag:s5] =	ssyncset.done @!p1 $0x0  }
0x26a: {  	v5 =	vadd.s32 s8, v2;
	[sflag:s5] =	ssyncadd.s32 @!p1 $0xFFFFF000;
	s5 =	sadd.s32 @!p0 $0x8, s30  }
0x26b: {  	_ =	swait.ge @!p0 [sflag:s5], $0x1000  }
0x26c: {  	s15 =	sshll.u32 s22, $0xF;
	[sflag:s5] =	ssyncset.done @!p0 $0x0  }
0x26d: {  	s11 =	sshll.u32 s23, $0xA;
	s6 =	sor.u32 $0x680, s15;
	[sflag:s5] =	ssyncadd.s32 @!p0 $0xFFFFF000  }
0x26e: {  	v6 =	vor.u32 s11, v0;
	v4 =	vld.idx.msk [tilespmem:v4+s6+$0x0], $0xffff  }
0x26f: {  	s0 =	ssub.s32 s0, s9;
	v7 =	vor.u32 s11, v3;
	s8 =	sshrl.u32 s20, $0x3;
	v5 =	vld.idx.msk [tilespmem:v5+s6+$0x0], $0xffff  }
0x270: {  	v8 =	vadd.s32 s0, v1;
	s18 =	sshll.u32 s8, $0xD;
	p6 =	sne.s32 s12, s10;
	s5 =	simm.s32 $0x1  }
0x271: {  	v9 =	vadd.s32 s0, v2;
	s5 =	simm.s32 @!p6 $0x0;
	s6 =	sand.u32 $0x2000, s18  }
0x272: {  	s0 =	sor.u32 $0x18680, s6;
	s19 =	sor.u32 s5, s30  }
0x273: {  	s6 =	sshll.u32 s19, $0xC;
	[tilespmem:v6+s0+$0x0] =	vst.idx.msk $0xffff, v4  }
0x274: {  	s22 =	sor.u32 $0x80, s11;
	s6 =	sor.u32 $0x680, s6;
	[tilespmem:v7+s0+$0x0] =	vst.idx.msk $0xffff, v5  }
0x275: {  	v5 =	vor.u32 s22, v0;
	v4 =	vld.idx.msk [tilespmem:v8+s6+$0x0], $0xffff  }
0x276: {  	s29 =	ssub.s32 s29, s13;
	v45 =	vor.u32 s22, v3;
	v6 =	vld.idx.msk [tilespmem:v9+s6+$0x0], $0xffff  }
0x277: {  	v46 =	vadd.s32 s29, v1  }
0x278: {  	v47 =	vadd.s32 s29, v2;
	s5 =	simm.s32 @!p5 $0x2  }
0x279: {  	s12 =	sor.u32 s30, s5  }
0x27a: {  	s6 =	sshll.u32 s12, $0xC;
	[tilespmem:v5+s0+$0x0] =	vst.idx.msk $0xffff, v4  }
0x27b: {  	s13 =	sor.u32 $0x100, s11;
	s6 =	sor.u32 $0x680, s6;
	[tilespmem:v45+s0+$0x0] =	vst.idx.msk $0xffff, v6  }
0x27c: {  	v5 =	vor.u32 s13, v0;
	v4 =	vld.idx.msk [tilespmem:v46+s6+$0x0], $0xffff  }
0x27d: {  	s7 =	ssub.s32 s28, s7;
	v48 =	vor.u32 s13, v3;
	v6 =	vld.idx.msk [tilespmem:v47+s6+$0x0], $0xffff  }
0x27e: {  	v49 =	vadd.s32 s7, v1  }
0x27f: {  	v50 =	vadd.s32 s7, v2;
	s5 =	simm.s32 @!p4 $0x3  }
0x280: {  	s14 =	sor.u32 s30, s5  }
0x281: {  	s6 =	sshll.u32 s14, $0xC;
	[tilespmem:v5+s0+$0x0] =	vst.idx.msk $0xffff, v4  }
0x282: {  	s15 =	sor.u32 $0x180, s11;
	s6 =	sor.u32 $0x680, s6;
	[tilespmem:v48+s0+$0x0] =	vst.idx.msk $0xffff, v6  }
0x283: {  	v5 =	vor.u32 s15, v0;
	v4 =	vld.idx.msk [tilespmem:v49+s6+$0x0], $0xffff  }
0x284: {  	v51 =	vor.u32 s15, v3;
	s18 =	ssub.s32 s25, s16;
	v6 =	vld.idx.msk [tilespmem:v50+s6+$0x0], $0xffff  }
0x285: {  	v52 =	vadd.s32 s18, v1  }
0x286: {  	v53 =	vadd.s32 s18, v2;
	s5 =	simm.s32 @!p3 $0x4  }
0x287: {  	s19 =	sor.u32 s30, s5  }
0x288: {  	s6 =	sshll.u32 s19, $0xC;
	[tilespmem:v5+s0+$0x0] =	vst.idx.msk $0xffff, v4  }
0x289: {  	s22 =	sor.u32 $0x200, s11;
	s6 =	sor.u32 $0x680, s6;
	[tilespmem:v51+s0+$0x0] =	vst.idx.msk $0xffff, v6  }
0x28a: {  	v5 =	vor.u32 s22, v0;
	v4 =	vld.idx.msk [tilespmem:v52+s6+$0x0], $0xffff  }
0x28b: {  	s1 =	ssub.s32 s24, s1;
	v54 =	vor.u32 s22, v3;
	v6 =	vld.idx.msk [tilespmem:v53+s6+$0x0], $0xffff  }
0x28c: {  	v55 =	vadd.s32 s1, v1  }
0x28d: {  	v56 =	vadd.s32 s1, v2;
	s5 =	simm.s32 @!p2 $0x5  }
0x28e: {  	s24 =	sor.u32 s30, s5  }
0x28f: {  	s1 =	sshll.u32 s24, $0xC;
	[tilespmem:v5+s0+$0x0] =	vst.idx.msk $0xffff, v4  }
0x290: {  	s25 =	sor.u32 $0x280, s11;
	s1 =	sor.u32 $0x680, s1;
	[tilespmem:v54+s0+$0x0] =	vst.idx.msk $0xffff, v6  }
0x291: {  	v5 =	vor.u32 s25, v0;
	v4 =	vld.idx.msk [tilespmem:v55+s1+$0x0], $0xffff  }
0x292: {  	s26 =	ssub.s32 s26, s17;
	v57 =	vor.u32 s25, v3;
	v6 =	vld.idx.msk [tilespmem:v56+s1+$0x0], $0xffff  }
0x293: {  	v58 =	vadd.s32 s26, v1  }
0x294: {  	v59 =	vadd.s32 s26, v2;
	s5 =	simm.s32 @!p1 $0x6  }
0x295: {  	s28 =	sor.u32 s30, s5  }
0x296: {  	s1 =	sshll.u32 s28, $0xC;
	[tilespmem:v5+s0+$0x0] =	vst.idx.msk $0xffff, v4  }
0x297: {  	s29 =	sor.u32 $0x300, s11;
	s1 =	sor.u32 $0x680, s1;
	[tilespmem:v57+s0+$0x0] =	vst.idx.msk $0xffff, v6  }
0x298: {  	v5 =	vor.u32 s29, v0;
	v4 =	vld.idx.msk [tilespmem:v58+s1+$0x0], $0xffff  }
0x299: {  	v60 =	vor.u32 s29, v3;
	s4 =	ssub.s32 s31, s4;
	v6 =	vld.idx.msk [tilespmem:v59+s1+$0x0], $0xffff  }
0x29a: {  	v61 =	vadd.s32 s4, v1;
	s5 =	simm.s32 @!p0 $0x7  }
0x29b: {  	v62 =	vadd.s32 s4, v2;
	s30 =	sadd.s32 s30, s5  }
0x29c: {  	s1 =	sshll.u32 s30, $0xC  }
0x29d: {  	s1 =	sand.u32 $0x3FFFF000, s1;
	[tilespmem:v5+s0+$0x0] =	vst.idx.msk $0xffff, v4  }
0x29e: {  	s31 =	sor.u32 $0x380, s11;
	s1 =	sor.u32 $0x680, s1;
	[tilespmem:v60+s0+$0x0] =	vst.idx.msk $0xffff, v6  }
0x29f: {  	v5 =	vor.u32 s31, v0;
	v4 =	vld.idx.msk [tilespmem:v61+s1+$0x0], $0xffff  }
0x2a0: {  	v63 =	vor.u32 s31, v3;
	v6 =	vld.idx.msk [tilespmem:v62+s1+$0x0], $0xffff;
	_ =	sdelay $0x1  }
0x2a1: {  	p0 =	sne.s32 s23, $0x7  }
0x2a2: {  	s1 =	sshll.u32 @!p0 s8, $0x7  }
0x2a3: {  	s20 =	sadd.s32 $0x1, s20;
	s1 =	sand.u32 @!p0 $0x3FFFFF80, s1;
	[tilespmem:v5+s0+$0x0] =	vst.idx.msk $0xffff, v4  }
0x2a4: {  	s4 =	simm.s32 @!p0 $0x40;
	s5 =	rddreg [dreg:$0x5];
	s1 =	sadd.s32 @!p0 $0x280, s1;
	[tilespmem:v63+s0+$0x0] =	vst.idx.msk $0xffff, v6  }
0x2a5: {  	[hbm4b:s5+s4] =	stream.indirect.scatter @!p0 [tilespmem:s0], [sflag:$0x19], $0x80, s1, s4, $0xb8;
	[tilespmem:$0x1C680] =	vst v63  }
0x2a6: {  	p0 =	sne.s32 s20, $0x40  }
.Ltmp7:
0x2a7: {  	_ = 	snop;
	(pc) =	sbr.rel @!p0 .LBB2_9-.Ltmp7, $2  }
0x2a8: {  	_ =	sdelay $0x2  }
0x2a9: {  	s21 =	sadd.s32 $0x8, s21  }
.LBB2_6:
0x2aa: {  	s0 =	smul.u32 $0xAB, s20;
	_ =	sdelay $0x1  }
0x2ab: {  	p0 =	sgt.u32 s20, $0x3D;
	s0 =	sshrl.u32 s0, $0x9  }
.Ltmp8:
0x2ac: {  	s0 =	sand.u32 $0x7F, s0;
	(pc) =	sbr.rel @p0 .LBB2_8-.Ltmp8, $3  }
0x2ad: {  	s0 =	smul.u32 $0x3, s0;
	_ =	sdelay $0x1  }
0x2ae: {  	s0 =	ssub.s32 s20, s0  }
0x2af: {  	s22 =	sand.u32 $0xFF, s0  }
0x2b0: {  	v4 =	vld [tilespmem:s21+$0x0];
	_ =	sdelay $0x4  }
0x2b1: {  	(v2sf) =	vpush v4, $0x1  }
0x2b2: {  	(v2sf) =	vpush v4, $0x2  }
0x2b3: {  	(v2sf) =	vpush v4, $0x3;
	_ =	sdelay $0x2  }
0x2b4: {  	(v2sf) =	vpush v4, $0x4;
	_ =	sdelay $0x2  }
0x2b5: {  	s7 =	sadd.s32 $0x2, s20;
	(v2sf) =	vpush v4, $0x5  }
0x2b6: {  	s0 =	smul.u32 $0xAB, s7;
	_ =	sdelay $0x1  }
0x2b7: {  	s0 =	sshrl.u32 s0, $0x9;
	(v2sf) =	vpush v4, $0x6  }
0x2b8: {  	s10 =	sand.u32 $0x7F, s0  }
0x2b9: {  	s10 =	smul.u32 $0x3, s10;
	_ =	sdelay $0x1  }
0x2ba: {  	s7 =	ssub.s32 s7, s10;
	(v2sf) =	vpush v4, $0x7;
	s5 =	spop (v2sf)  }
0x2bb: {  	s10 =	simm.s32 $0x1;
	s6 =	spop (v2sf);
	s11 =	sand.u32 $0x7F, s5  }
0x2bc: {  	s12 =	sshra.s32 s5, $0x1F;
	p0 =	slt.s32 s5, $0x1;
	s9 =	spop (v2sf)  }
0x2bd: {  	p1 =	sne.s32 s11, $0x0;
	s12 =	sshrl.u32 s12, $0x19;
	s13 =	sshra.s32 s6, $0x1F  }
0x2be: {  	s15 =	sand.u32 $0x7F, s6;
	p2 =	slt.s32 s6, $0x1;
	s11 =	simm.s32 $0x1  }
0x2bf: {  	s8 =	spop (v2sf);
	p0 =	por !p0, !p1;
	s5 =	sadd.s32 s12, s5  }
0x2c0: {  	s14 =	sshrl.u32 s13, $0x19;
	p3 =	sne.s32 s15, $0x0;
	s16 =	sand.u32 $0x7F, s9  }
0x2c1: {  	p4 =	slt.s32 s9, $0x1;
	s13 =	simm.s32 $0x1;
	s24 =	sshra.s32 s9, $0x1F  }
0x2c2: {  	s15 =	sand.u32 $0xFF, s7;
	s4 =	spop (v2sf);
	p0 =	por !p0, !p0  }
0x2c3: {  	s5 =	sshrl.u32 s5, $0x7;
	s17 =	sand.u32 $0x7F, s8;
	p5 =	slt.s32 s8, $0x1  }
0x2c4: {  	(v2sf) =	vpush v4, $0x0;
	s6 =	sadd.s32 s14, s6;
	s14 =	simm.s32 $0x1;
	s25 =	sshrl.u32 s24, $0x19  }
0x2c5: {  	s26 =	sshra.s32 s8, $0x1F;
	s24 =	simm.s32 $0x400;
	s1 =	spop (v2sf)  }
0x2c6: {  	s10 =	simm.s32 @!p0 $0x0;
	p0 =	por !p2, !p3;
	p2 =	sne.s32 s16, $0x0  }
0x2c7: {  	p6 =	sne.s32 s17, $0x0;
	s18 =	sand.u32 $0x7F, s4;
	s6 =	sshrl.u32 s6, $0x7  }
0x2c8: {  	s7 =	sadd.s32 s25, s9;
	s9 =	sshrl.u32 s26, $0x19;
	s28 =	sshra.s32 s4, $0x1F  }
0x2c9: {  	s16 =	sshll.u32 s15, $0xF;
	s25 =	simm.s32 $0x7A1400;
	s0 =	spop (v2sf)  }
0x2ca: {  	s5 =	ssub.s32 s5, s10;
	p0 =	por !p0, !p0;
	p1 =	por !p4, !p2  }
0x2cb: {  	p2 =	por !p5, !p6;
	p3 =	sne.s32 s18, $0x0;
	p4 =	slt.s32 s4, $0x1  }
0x2cc: {  	s7 =	sshrl.u32 s7, $0x7;
	s8 =	sadd.s32 s9, s8;
	s9 =	sshrl.u32 s28, $0x19  }
0x2cd: {  	s10 =	simm.s32 $0x1;
	s26 =	sshra.s32 s1, $0x1F;
	s28 =	sand.u32 $0x7F, s1  }
0x2ce: {  	s11 =	simm.s32 @!p0 $0x0;
	p0 =	por !p1, !p1;
	s5 =	sshll.u32 s5, $0x7  }
0x2cf: {  	s8 =	sshrl.u32 s8, $0x7;
	s4 =	sadd.s32 s9, s4;
	s13 =	simm.s32 @!p0 $0x0  }
0x2d0: {  	p0 =	por !p2, !p2;
	s6 =	ssub.s32 s6, s11;
	s31 =	sshrl.u32 s4, $0x7  }
0x2d1: {  	s14 =	simm.s32 @!p0 $0x0;
	p0 =	por !p4, !p3;
	s6 =	sshll.u32 s6, $0x7  }
0x2d2: {  	s7 =	ssub.s32 s7, s13;
	p3 =	slt.s32 s1, $0x1;
	p4 =	sne.s32 s28, $0x0  }
0x2d3: {  	s7 =	sshll.u32 s7, $0x7;
	s8 =	ssub.s32 s8, s14;
	s19 =	spop (v2sf)  }
0x2d4: {  	p0 =	por !p0, !p0;
	s8 =	sshll.u32 s8, $0x7;
	s23 =	sand.u32 $0x7F, s19  }
0x2d5: {  	p6 =	slt.s32 s19, $0x1;
	s29 =	sshra.s32 s19, $0x1F;
	p5 =	sne.s32 s23, $0x0  }
0x2d6: {  	s30 =	sshrl.u32 s29, $0x19;
	s29 =	sand.u32 $0x7F, s0;
	p1 =	por !p6, !p5  }
0x2d7: {  	s9 =	sadd.s32 s30, s19;
	s30 =	sshra.s32 s0, $0x1F;
	p5 =	slt.s32 s0, $0x1  }
0x2d8: {  	p1 =	por !p1, !p1;
	s14 =	sshrl.u32 s9, $0x7;
	s9 =	simm.s32 $0x1  }
0x2d9: {  	p6 =	sne.s32 s29, $0x0;
	s10 =	simm.s32 @!p1 $0x0;
	s9 =	simm.s32 @!p0 $0x0  }
0x2da: {  	p1 =	seq.s32 s6, s5;
	s4 =	ssub.s32 s14, s10;
	s10 =	sor.u32 $0x680, s16  }
0x2db: {  	s9 =	ssub.s32 s31, s9;
	s31 =	sshrl.u32 s30, $0x19;
	s17 =	sshll.u32 s4, $0x7  }
0x2dc: {  	s4 =	sshll.u32 s15, $0x3;
	s9 =	sshll.u32 s9, $0x7;
	s0 =	sadd.s32 s31, s0  }
0x2dd: {  	s18 =	sand.u32 $0x1FFFFF80, s17;
	s19 =	sor.u32 $0x1, s4;
	p0 =	seq.s32 s5, s17  }
0x2de: {  	s0 =	sshrl.u32 s0, $0x7;
	s23 =	sadd.s32 s3, s18;
	s11 =	sadd.s32 @!p0 $0x2, s4  }
0x2df: {  	[tilespmem:s10], [sflag:s19] =	stream.strided.gather [hbm4b:s23+s24], $0x1000, s25, s24, $0x38;
	[tilespmem:$0x1C680] =	vst v63  }
0x2e0: {  	s12 =	sand.u32 @!p0 $0x1FFFFF80, s5;
	s13 =	simm.s32 @!p0 $0x400;
	s10 =	sshll.u32 @!p0 s4, $0xC  }
0x2e1: {  	s14 =	simm.s32 @!p0 $0x7A1400;
	s12 =	sadd.s32 @!p0 s3, s12;
	s10 =	sadd.s32 @!p0 $0x1680, s10  }
0x2e2: {  	[tilespmem:s10], [sflag:s11] =	stream.strided.gather @!p0 [hbm4b:s12+s13], $0x1000, s14, s13, $0x38;
	[tilespmem:$0x1C680] =	vst v63  }
0x2e3: {  	s5 =	simm.s32 $0x1;
	s10 =	sshrl.u32 s26, $0x19;
	p0 =	por !p3, !p4  }
0x2e4: {  	s11 =	sadd.s32 @!p1 $0x3, s4;
	s12 =	sand.u32 @!p1 $0x1FFFFF80, s6;
	s13 =	simm.s32 @!p1 $0x400  }
0x2e5: {  	s14 =	simm.s32 @!p1 $0x7A1400;
	s1 =	sadd.s32 s10, s1;
	s10 =	sshll.u32 @!p1 s4, $0xC  }
0x2e6: {  	p0 =	por !p0, !p0;
	s12 =	sadd.s32 @!p1 s3, s12;
	s10 =	sadd.s32 @!p1 $0x2680, s10  }
0x2e7: {  	s1 =	sshrl.u32 s1, $0x7;
	s5 =	simm.s32 @!p0 $0x0;
	p0 =	seq.s32 s7, s6  }
0x2e8: {  	[tilespmem:s10], [sflag:s11] =	stream.strided.gather @!p1 [hbm4b:s12+s13], $0x1000, s14, s13, $0x38;
	[tilespmem:$0x1C680] =	vst v63  }
0x2e9: {  	s1 =	ssub.s32 s1, s5;
	s6 =	sshll.u32 @!p0 s4, $0xC;
	s11 =	sand.u32 @!p0 $0x1FFFFF80, s7  }
0x2ea: {  	s10 =	sadd.s32 @!p0 $0x4, s4;
	s12 =	simm.s32 @!p0 $0x400;
	s13 =	simm.s32 @!p0 $0x7A1400  }
0x2eb: {  	p1 =	seq.s32 s8, s7;
	s6 =	sadd.s32 @!p0 $0x3680, s6;
	s11 =	sadd.s32 @!p0 s3, s11  }
0x2ec: {  	s1 =	sshll.u32 s1, $0x7;
	s5 =	sshll.u32 @!p1 s4, $0xC;
	s7 =	sand.u32 @!p1 $0x1FFFFF80, s8  }
0x2ed: {  	[tilespmem:s6], [sflag:s10] =	stream.strided.gather @!p0 [hbm4b:s11+s12], $0x1000, s13, s12, $0x38;
	[tilespmem:$0x1C680] =	vst v63  }
0x2ee: {  	p0 =	por !p5, !p6;
	s5 =	sadd.s32 @!p1 $0x4680, s5;
	s6 =	sadd.s32 @!p1 $0x5, s4  }
0x2ef: {  	s7 =	sadd.s32 @!p1 s3, s7;
	s10 =	simm.s32 @!p1 $0x400;
	s11 =	simm.s32 @!p1 $0x7A1400  }
0x2f0: {  	[tilespmem:s5], [sflag:s6] =	stream.strided.gather @!p1 [hbm4b:s7+s10], $0x1000, s11, s10, $0x38;
	[tilespmem:$0x1C680] =	vst v63  }
0x2f1: {  	p0 =	por !p0, !p0;
	s5 =	simm.s32 $0x1;
	p1 =	seq.s32 s9, s8  }
0x2f2: {  	s5 =	simm.s32 @!p0 $0x0;
	s6 =	sshll.u32 @!p1 s4, $0xC;
	s8 =	sand.u32 @!p1 $0x1FFFFF80, s9  }
0x2f3: {  	s7 =	sadd.s32 @!p1 $0x6, s4;
	s10 =	simm.s32 @!p1 $0x400;
	s11 =	simm.s32 @!p1 $0x7A1400  }
0x2f4: {  	p0 =	seq.s32 s1, s9;
	s6 =	sadd.s32 @!p1 $0x5680, s6;
	s8 =	sadd.s32 @!p1 s3, s8  }
0x2f5: {  	s0 =	ssub.s32 s0, s5;
	s5 =	sshll.u32 @!p0 s4, $0xC;
	s9 =	simm.s32 @!p0 $0x7A1400  }
0x2f6: {  	[tilespmem:s6], [sflag:s7] =	stream.strided.gather @!p1 [hbm4b:s8+s10], $0x1000, s11, s10, $0x38;
	[tilespmem:$0x1C680] =	vst v63  }
0x2f7: {  	s0 =	sshll.u32 s0, $0x7;
	s5 =	sadd.s32 @!p0 $0x6680, s5;
	s7 =	sand.u32 @!p0 $0x1FFFFF80, s1  }
0x2f8: {  	s6 =	sadd.s32 @!p0 $0x7, s4;
	s8 =	simm.s32 @!p0 $0x400;
	s7 =	sadd.s32 @!p0 s3, s7  }
0x2f9: {  	[tilespmem:s5], [sflag:s6] =	stream.strided.gather @!p0 [hbm4b:s7+s8], $0x1000, s9, s8, $0x38;
	[tilespmem:$0x1C680] =	vst v63  }
.Ltmp9:
0x2fa: {  	p0 =	seq.s32 s0, s1;
	(pc) =	sbr.rel .LBB2_8-.Ltmp9, $4  }
0x2fb: {  	s1 =	sshll.u32 @!p0 s4, $0xC  }
0x2fc: {  	s4 =	sadd.s32 @!p0 $0x8, s4;
	s0 =	sand.u32 @!p0 $0x1FFFFF80, s0;
	s5 =	simm.s32 @!p0 $0x400  }
0x2fd: {  	s6 =	simm.s32 @!p0 $0x7A1400;
	s1 =	sadd.s32 @!p0 $0x7680, s1;
	s0 =	sadd.s32 @!p0 s3, s0  }
0x2fe: {  	[tilespmem:s1], [sflag:s4] =	stream.strided.gather @!p0 [hbm4b:s0+s5], $0x1000, s6, s5, $0x38;
	[tilespmem:$0x1C680] =	vst v63  }
.LBB2_10:
0x2ff: {  	_ =	sfence.sel $0x180000  }
0x300: {  	[bflag:$0x0] =	sbarrier.arrive $0xFFFF  }
0x301: {  	_ =	strace $0x9000004D  }
0x302: {  	s0 =	stileid.u32;
	[bflag:$0x2] =	sbarrier.arrive $0xFFFF  }
0x303: {  	p0 =	sne.s32 s0, $0x0;
	s0 =	rddreg [dreg:$0x3]  }
0x304: {  	s0 =	sadd.s32 @!p0 $0x100000, s0  }
0x305: {  	[sflag:s0] =	ssyncadd.tile.s32 @!p0 $0x1;
	_ =	shalt  }
.Lfunc_end2:
_tile_overlayer_lowered:
.L_overlay_start_2:
0x306: {  	(tag) =	ssettag $0x2  }
0x307: {  	s0 =	rddreg [dreg:$0x0];
	s2 =	stileid.u32  }
0x308: {  	s1 =	rddreg [dreg:$0x1];
	p0 =	sne.s32 s2, $0x0  }
0x309: {  	s3 =	rddreg [dreg:$0x2];
	[bflag:$0x3] =	sbarrier.arrive $0xFFFF;
	s2 =	simm.s32 @!p0 $0x1C1A  }
0x30a: {  	[timem:s3], [sflag:s2] =	dma.local @!p0 [hbm:s0], s1  }
0x30b: {  	s0 =	simm.s32 @!p0 $0x1A  }
0x30c: {  	_ =	swait.ge @!p0 [sflag:s0], s1  }
0x30d: {  	s1 =	ssub.s32 @!p0 $0x0, s1;
	[sflag:s0] =	ssyncset.done @!p0 $0x0  }
0x30e: {  	[sflag:s0] =	ssyncadd.s32 @!p0 s1  }
0x30f: {  	[bflag:$0x3] =	sbarrier.arrive $0xFFFF  }
0x310: {  	_ =	shalt  }

</sc_bundles>
